<compile_context>
chip_gen: v7x
topology: tpu7x:2x2x1
jax: 0.10.2.dev20260603
libtpu: 0.0.44.dev20260713+nightly
codegen_flags: <defaults>
</compile_context>

<pallas_src>
import functools
import math

import jax
import jax.numpy as jnp
from jax import lax
from jax.experimental import pallas as pl
from jax.experimental.pallas import tpu as pltpu
from jax.experimental.pallas import tpu_sc as plsc

_TOP_K = 64
_BLK = 1024
_G = 32
_MPB = _BLK // _G


def _score_kernel(nb, n_seeds, x_ref, wqt_ref, seeds_ref, klog_ref,
                  out_ref, m_ref, q_ref):
    j = pl.program_id(0)

    @pl.when(j == 0)
    def _():
        q_ref[...] = jnp.dot(x_ref[...], wqt_ref[...])

    s = jax.lax.dot_general(
        q_ref[...], seeds_ref[...],
        (((1,), (1,)), ((), ())),
    ) * (1.0 / math.sqrt(x_ref.shape[1])) + klog_ref[0]

    rem = n_seeds - (nb - 1) * _BLK

    @pl.when(j == nb - 1)
    def _():
        col = jax.lax.broadcasted_iota(jnp.int32, s.shape, 1)
        sm = jnp.where(col < rem, s, -jnp.inf)
        out_ref[...] = sm
        m_ref[0] = jnp.max(sm.T.reshape(_MPB, _G, s.shape[0]), axis=1)

    @pl.when(j < nb - 1)
    def _():
        out_ref[...] = s
        m_ref[0] = jnp.max(s.T.reshape(_MPB, _G, s.shape[0]), axis=1)


def _scores(x, seeds, wqt, klog):
    b, d = x.shape
    n = seeds.shape[0]
    nb = (n + _BLK - 1) // _BLK
    klog3 = jnp.pad(klog, (0, nb * _BLK - n)).reshape(nb, 1, _BLK)
    return pl.pallas_call(
        functools.partial(_score_kernel, nb, n),
        grid=(nb,),
        in_specs=[
            pl.BlockSpec((b, d), lambda j: (0, 0)),
            pl.BlockSpec((d, d), lambda j: (0, 0)),
            pl.BlockSpec((_BLK, d), lambda j: (j, 0)),
            pl.BlockSpec((1, 1, _BLK), lambda j: (j, 0, 0)),
        ],
        out_specs=[
            pl.BlockSpec((b, _BLK), lambda j: (0, j)),
            pl.BlockSpec((1, _MPB, b), lambda j: (j, 0, 0)),
        ],
        out_shape=[
            jax.ShapeDtypeStruct((b, nb * _BLK), jnp.float32),
            jax.ShapeDtypeStruct((nb, _MPB, b), jnp.float32),
        ],
        scratch_shapes=[pltpu.VMEM((b, d), jnp.float32)],
    )(x, wqt, seeds, klog3)


def _sc_select_combine(s_flat, m_t, seeds, b, d):
    nblk = m_t.shape[1]
    l1n = nblk // 16
    l2n = (l1n + 15) // 16
    l1p = l2n * 16
    ngrp = b // 16
    gpw = ngrp // 32
    dc = d // 16
    mesh = plsc.VectorSubcoreMesh(core_axis_name="c", subcore_axis_name="s")

    @functools.partial(
        pl.kernel, mesh=mesh,
        compiler_params=pltpu.CompilerParams(use_tc_tiling_on_sc=False,
                                             needs_layout_passes=False),
        out_type=[jax.ShapeDtypeStruct((b, d), jnp.float32),
                  jax.ShapeDtypeStruct((b, _TOP_K), jnp.float32)],
        scratch_types=[
            pltpu.VMEM((nblk, 16), jnp.float32),
            pltpu.VMEM((l1p, 16), jnp.float32),
            pltpu.VMEM((l2n, 16), jnp.float32),
            pltpu.VMEM((_TOP_K, 16), jnp.int32),
            pltpu.VMEM((_TOP_K, 16), jnp.float32),
            pltpu.VMEM((_TOP_K * 16,), jnp.int32),
            pltpu.VMEM((_TOP_K * 16, _G), jnp.float32),
            pltpu.VMEM((_TOP_K, 16), jnp.float32),
            pltpu.VMEM((_TOP_K * 16,), jnp.int32),
            pltpu.VMEM((16, _TOP_K), jnp.float32),
            pltpu.VMEM((_TOP_K // 2, d), jnp.float32),
            pltpu.VMEM((16, d), jnp.float32),
            pltpu.SemaphoreType.DMA,
        ],
    )
    def body(s_ref, mt_ref, seeds_ref, field_ref, attn_ref,
             mt_buf, l1, l2, bw_id, bw_val, cidx, cand, tv, sidx, aout,
             srows, fbuf, sem):
        wid = lax.axis_index("s") * 2 + lax.axis_index("c")
        lanes = lax.iota(jnp.int32, 16)
        ninf = jnp.full((16,), -jnp.inf, jnp.float32)
        zeros_i = jnp.zeros((16,), jnp.int32)

        def do_group(g, _):
            q0 = g * 16
            pltpu.sync_copy(mt_ref.at[g], mt_buf)

            def pad_step(k, _):
                l1[k] = ninf
                return 0
            lax.fori_loop(l1n, l1p, pad_step, 0)

            def l1_step(k, _):
                acc = mt_buf[k * 16]
                for t in range(1, 16):
                    acc = jnp.maximum(acc, mt_buf[k * 16 + t])
                l1[k] = acc
                return 0
            lax.fori_loop(0, l1n, l1_step, 0)

            def l2_step(k, _):
                acc = l1[k * 16]
                for t in range(1, 16):
                    acc = jnp.maximum(acc, l1[k * 16 + t])
                l2[k] = acc
                return 0
            lax.fori_loop(0, l2n, l2_step, 0)

            def ext_step(e, _):
                def chain(k, c):
                    m, kb = c
                    v = l2[k]
                    upd = v > m
                    return (jnp.where(upd, v, m),
                            jnp.where(upd, jnp.full((16,), k, jnp.int32), kb))
                _, kb2 = lax.fori_loop(0, l2n, chain, (ninf, zeros_i))

                def within2(t, c):
                    m1, kb = c
                    idx = kb2 * 16 + t
                    v = plsc.load_gather(l1, [idx, lanes])
                    upd = v > m1
                    return (jnp.where(upd, v, m1), jnp.where(upd, idx, kb))
                _, kb = lax.fori_loop(0, 16, within2, (ninf, zeros_i))

                def within(t, c):
                    m2, jb = c
                    idx = kb * 16 + t
                    v = plsc.load_gather(mt_buf, [idx, lanes])
                    upd = v > m2
                    return (jnp.where(upd, v, m2), jnp.where(upd, idx, jb))
                m2, jb = lax.fori_loop(0, 16, within, (ninf, zeros_i))

                bw_id[e] = jb
                bw_val[e] = m2
                plsc.store_scatter(mt_buf, [jb, lanes], ninf)

                def remax(t, acc):
                    return jnp.maximum(
                        acc, plsc.load_gather(mt_buf, [kb * 16 + t, lanes]))
                plsc.store_scatter(
                    l1, [kb, lanes],
                    lax.fori_loop(1, 16, remax,
                                  plsc.load_gather(mt_buf, [kb * 16, lanes])))

                def rel2(t, acc):
                    return jnp.maximum(
                        acc, plsc.load_gather(l1, [kb2 * 16 + t, lanes]))
                plsc.store_scatter(
                    l2, [kb2, lanes],
                    lax.fori_loop(1, 16, rel2,
                                  plsc.load_gather(l1, [kb2 * 16, lanes])))
                return 0
            lax.fori_loop(0, _TOP_K, ext_step, 0)

            def cidx_step(e, _):
                rid = (q0 + lanes) * nblk + bw_id[e]
                plsc.store_scatter(cidx, [e * 16 + lanes], rid)
                return 0
            lax.fori_loop(0, _TOP_K, cidx_step, 0)
            copies = [
                pltpu.async_copy(s_ref.at[cidx.at[pl.ds(i * 128, 128)]],
                                 cand.at[pl.ds(i * 128, 128)], sem)
                for i in range(_TOP_K * 16 // 128)
            ]
            for cp in copies:
                cp.wait()

            def t_step(e, _):
                def chain(r, c):
                    m, rb = c
                    v = bw_val[r]
                    upd = v > m
                    return (jnp.where(upd, v, m),
                            jnp.where(upd, jnp.full((16,), r, jnp.int32), rb))
                _, rb = lax.fori_loop(0, _TOP_K, chain, (ninf, zeros_i))
                crow = rb * 16 + lanes

                def slots(t, c):
                    mm, m2, sb = c
                    v = plsc.load_gather(cand,
                                         [crow, jnp.full((16,), t, jnp.int32)])
                    upd = v > mm
                    m2n = jnp.where(upd, mm, jnp.maximum(m2, v))
                    mmn = jnp.where(upd, v, mm)
                    sbn = jnp.where(upd, jnp.full((16,), t, jnp.int32), sb)
                    return mmn, m2n, sbn
                mm, m2, sb = lax.fori_loop(0, _G, slots, (ninf, ninf, zeros_i))

                tv[e] = mm
                bid = plsc.load_gather(bw_id, [rb, lanes])
                plsc.store_scatter(sidx, [lanes * _TOP_K + e], bid * _G + sb)
                plsc.store_scatter(cand, [crow, sb], ninf)
                plsc.store_scatter(bw_val, [rb, lanes], m2)
                return 0
            lax.fori_loop(0, _TOP_K, t_step, 0)

            def mx_chain(e, m):
                return jnp.maximum(m, tv[e])
            mx = lax.fori_loop(0, _TOP_K, mx_chain, ninf)

            def exp_step(e, ssum):
                ex = jnp.exp(tv[e] - mx)
                tv[e] = ex
                return ssum + ex
            ssum = lax.fori_loop(0, _TOP_K, exp_step,
                                 jnp.zeros((16,), jnp.float32))

            def norm_step(e, _):
                a = tv[e] / ssum
                plsc.store_scatter(
                    aout, [lanes, jnp.full((16,), e, jnp.int32)], a)
                return 0
            lax.fori_loop(0, _TOP_K, norm_step, 0)
            pltpu.sync_copy(aout, attn_ref.at[pl.ds(q0, 16), :])

            def q_step(l, _):
                accs = tuple(jnp.zeros((16,), jnp.float32) for _ in range(dc))
                for half in range(2):
                    pltpu.async_copy(
                        seeds_ref.at[sidx.at[pl.ds(l * _TOP_K + half * 32, 32)]],
                        srows, sem).wait()

                    def e_step(e, accs, half=half):
                        w = plsc.load_gather(
                            aout, [jnp.full((16,), l, jnp.int32),
                                   jnp.full((16,), half * 32, jnp.int32) + e])
                        return tuple(accs[c] + w * srows[e, pl.ds(c * 16, 16)]
                                     for c in range(dc))
                    accs = lax.fori_loop(0, 32, e_step, accs)
                for c in range(dc):
                    plsc.store_scatter(
                        fbuf, [jnp.full((16,), l, jnp.int32),
                               c * 16 + lanes], accs[c])
                return 0
            lax.fori_loop(0, 16, q_step, 0)
            pltpu.sync_copy(fbuf, field_ref.at[pl.ds(q0, 16), :])
            return 0

        lax.fori_loop(wid * gpw, (wid + 1) * gpw, do_group, 0)

    return body(s_flat, m_t, seeds)


def kernel(x, seeds, karma, W_q):
    b, d = x.shape
    karma_log = jnp.maximum(jnp.log(jax.nn.softmax(karma, axis=-1)), -10.0)
    scores, blkmax3 = _scores(x, seeds, W_q.T, karma_log)
    nb = blkmax3.shape[0]
    m_t = (blkmax3.reshape(nb, _MPB, b // 16, 16)
           .transpose(2, 0, 1, 3).reshape(b // 16, nb * _MPB, 16))
    field, attn = _sc_select_combine(
        scores.reshape(-1, _G), m_t, seeds, b, d)
    return (field, attn)

# --- scband reference (transcript-rebuilt; emitter-appended) ---
"""Pipeline reference for scband-chitta-encoder-71098888618432 (READ-ONLY COPY).

The authoritative reference and input builder live on the scoring server;
editing this copy changes nothing except your own understanding.
"""

import math
import jax, jax.numpy as jnp
import numpy as np

N_SEEDS = 100000
D_MODEL = 512
TOP_K = 64
BATCH = 1024


def setup_inputs(seed: int = 0) -> dict:
    key = jax.random.key(seed)
    k1, k2, k3 = jax.random.split(key, 3)
    x = jax.random.normal(k1, (BATCH, D_MODEL), dtype=jnp.float32)
    # learned parameters per init_kwargs
    seeds = jax.random.normal(k2, (N_SEEDS, D_MODEL), dtype=jnp.float32) * 0.02
    karma = jnp.zeros((N_SEEDS,), dtype=jnp.float32)
    W_q = jax.random.normal(k3, (D_MODEL, D_MODEL), dtype=jnp.float32) * (1.0 / math.sqrt(D_MODEL))
    return {"x": x, "seeds": seeds, "karma": karma, "W_q": W_q}


def reference(x, seeds, karma, W_q):
    d_model = x.shape[-1]
    # q = self.query_proj(x)  (Linear without bias: x @ W.T)
    q = x @ W_q.T
    # scores = q @ seeds.T / sqrt(d_model)
    scores = (q @ seeds.T) / math.sqrt(d_model)
    # karma prior
    karma_weights = jax.nn.softmax(karma, axis=-1)
    karma_log = jnp.maximum(jnp.log(karma_weights), -10.0)
    scores = scores + karma_log[None, :]
    # top-k retrieval over seeds
    top_scores, top_idx = jax.lax.top_k(scores, TOP_K)
    attn = jax.nn.softmax(top_scores, axis=-1)
    # gather selected seed rows: [B, top_k, D]
    seeds_k = jnp.take(seeds, top_idx, axis=0)
    field = jnp.sum(attn[..., None] * seeds_k, axis=1)
    return (field, attn)

if __name__ == "__main__":
    import jax
    _d = setup_inputs()
    print(jax.jit(kernel)(*tuple(_d.values())))

</pallas_src>

<mosaic_0001>
#map = affine_map<(d0, d1) -> (0, 0)>
#map1 = affine_map<(d0, d1) -> (0, 0, 0)>
module attributes {stable_mosaic.version = 14 : i64} {
  func.func @body(%arg0: i32, %arg1: i32, %arg2: memref<3211264x32xf32, #tpu.memory_space<hbm>>, %arg3: memref<64x3136x16xf32, #tpu.memory_space<hbm>>, %arg4: memref<100000x512xf32, #tpu.memory_space<hbm>>, %arg5: memref<1024x512xf32, #tpu.memory_space<hbm>>, %arg6: memref<1024x64xf32, #tpu.memory_space<hbm>>, %arg7: memref<3136x16xf32, #tpu.memory_space<vmem>>, %arg8: memref<208x16xf32, #tpu.memory_space<vmem>>, %arg9: memref<13x16xf32, #tpu.memory_space<vmem>>, %arg10: memref<64x16xi32, #tpu.memory_space<vmem>>, %arg11: memref<64x16xf32, #tpu.memory_space<vmem>>, %arg12: memref<1024xi32, #tpu.memory_space<vmem>>, %arg13: memref<1024x32xf32, #tpu.memory_space<vmem>>, %arg14: memref<64x16xf32, #tpu.memory_space<vmem>>, %arg15: memref<1024xi32, #tpu.memory_space<vmem>>, %arg16: memref<16x64xf32, #tpu.memory_space<vmem>>, %arg17: memref<32x512xf32, #tpu.memory_space<vmem>>, %arg18: memref<16x512xf32, #tpu.memory_space<vmem>>, %arg19: memref<!tpu.dma_semaphore, #tpu.memory_space<semaphore_mem>>) attributes {dimension_semantics = [#tpu.dimension_semantics<core_parallel>, #tpu.dimension_semantics<subcore_parallel>], iteration_bounds = array<i64: 2, 16>, scalar_prefetch = 0 : i64, scratch_operands = 13 : i64, tpu.core_type = #tpu.core_type<sc_vector_subcore>, window_params = [{transform_indices = #map}, {transform_indices = #map1}, {transform_indices = #map}, {transform_indices = #map}, {transform_indices = #map}]} {
    %mul3A = arith.constant 2 : i32
    %mul3A_0 = arith.muli %arg1, %mul3A : i32
    %add3A = arith.addi %mul3A_0, %arg0 : i32
    %iota3A = tpu.iota {dimensions = array<i32: 0>} : vector<16xi32>
    %broadcast_in_dim3A = arith.constant 0xFF800000 : f32
    %broadcast_in_dim3A_1 = vector.broadcast %broadcast_in_dim3A : f32 to vector<16xf32>
    %broadcast_in_dim3A_2 = arith.constant 0 : i32
    %broadcast_in_dim3A_3 = vector.broadcast %broadcast_in_dim3A_2 : i32 to vector<16xi32>
    %mul3A_4 = arith.constant 2 : i32
    %mul3A_5 = arith.muli %add3A, %mul3A_4 : i32
    %add3A_6 = arith.constant 1 : i32
    %add3A_7 = arith.addi %add3A, %add3A_6 : i32
    %mul3A_8 = arith.constant 2 : i32
    %mul3A_9 = arith.muli %add3A_7, %mul3A_8 : i32
    %while3A = arith.constant 0 : i32
    %while3A_10 = arith.subi %mul3A_9, %mul3A_5 : i32
    %while3A_11 = arith.addi %mul3A_5, %while3A_10 : i32
    %while3A_12 = arith.constant 1 : i32
    %while3A_13 = arith.divsi %while3A_10, %while3A_12 : i32
    %while3A_14 = arith.muli %while3A_13, %while3A_12 : i32
    %while3A_15 = arith.addi %mul3A_5, %while3A_14 : i32
    %while3A_16 = arith.constant 1 : i32
    %while3A_17 = scf.for %while3A_20 = %mul3A_5 to %while3A_15 step %while3A_16 iter_args(%while3A_21 = %while3A) -> (i32)  : i32 {
      %mul3A_22 = arith.constant 16 : i32
      %mul3A_23 = arith.muli %while3A_20, %mul3A_22 : i32
      "tpu.region"() ({
        %run_scoped3A = tpu.sem_alloc : memref<!tpu.dma_semaphore, #tpu.memory_space<semaphore_mem>>
        %dma_start3A_220 = arith.constant 0 : i32
        %dma_start3A_221 = arith.constant 0 : i32
        %dma_start3A_222 = tpu.memref_slice %arg3[%while3A_20, %dma_start3A_220, %dma_start3A_221] : memref<64x3136x16xf32, #tpu.memory_space<hbm>> -> memref<1x3136x16xf32, #tpu.memory_space<hbm>>
        %dma_start3A_223 = tpu.memref_squeeze %dma_start3A_222 : memref<1x3136x16xf32, #tpu.memory_space<hbm>> -> memref<3136x16xf32, #tpu.memory_space<hbm>>
        %dma_start3A_224 = arith.constant 0 : i32
        %dma_start3A_225 = arith.constant 0 : i32
        %dma_start3A_226 = tpu.memref_slice %arg3[%while3A_20, %dma_start3A_224, %dma_start3A_225] : memref<64x3136x16xf32, #tpu.memory_space<hbm>> -> memref<1x3136x16xf32, #tpu.memory_space<hbm>>
        %dma_start3A_227 = tpu.memref_squeeze %dma_start3A_226 : memref<1x3136x16xf32, #tpu.memory_space<hbm>> -> memref<3136x16xf32, #tpu.memory_space<hbm>>
        tpu.enqueue_dma source(%dma_start3A_227 : memref<3136x16xf32, #tpu.memory_space<hbm>>) target(%arg7 : memref<3136x16xf32, #tpu.memory_space<vmem>>) target_semaphore(%run_scoped3A : memref<!tpu.dma_semaphore, #tpu.memory_space<semaphore_mem>>)
        %dma_wait3A_228 = arith.constant 0 : i32
        %dma_wait3A_229 = arith.constant 0 : i32
        %dma_wait3A_230 = tpu.memref_slice %arg3[%while3A_20, %dma_wait3A_228, %dma_wait3A_229] : memref<64x3136x16xf32, #tpu.memory_space<hbm>> -> memref<1x3136x16xf32, #tpu.memory_space<hbm>>
        %dma_wait3A_231 = tpu.memref_squeeze %dma_wait3A_230 : memref<1x3136x16xf32, #tpu.memory_space<hbm>> -> memref<3136x16xf32, #tpu.memory_space<hbm>>
        %dma_wait3A_232 = arith.constant 0 : i32
        %dma_wait3A_233 = arith.constant 0 : i32
        %dma_wait3A_234 = tpu.memref_slice %arg3[%while3A_20, %dma_wait3A_232, %dma_wait3A_233] : memref<64x3136x16xf32, #tpu.memory_space<hbm>> -> memref<1x3136x16xf32, #tpu.memory_space<hbm>>
        %dma_wait3A_235 = tpu.memref_squeeze %dma_wait3A_234 : memref<1x3136x16xf32, #tpu.memory_space<hbm>> -> memref<3136x16xf32, #tpu.memory_space<hbm>>
        tpu.wait_dma2 semaphore(%run_scoped3A : memref<!tpu.dma_semaphore, #tpu.memory_space<semaphore_mem>>) src(%dma_wait3A_235 : memref<3136x16xf32, #tpu.memory_space<hbm>>) dst(%arg7 : memref<3136x16xf32, #tpu.memory_space<vmem>>)
        tpu.yield
      }) : () -> ()
      %scan3A = arith.constant 0 : i32
      %scan3A_24 = arith.constant 196 : i32
      %scan3A_25 = arith.constant 12 : i32
      %scan3A_26 = arith.addi %scan3A_24, %scan3A_25 : i32
      %scan3A_27 = arith.constant 1 : i32
      %scan3A_28 = scf.for %scan3A_220 = %scan3A_24 to %scan3A_26 step %scan3A_27 iter_args(%scan3A_221 = %scan3A) -> (i32)  : i32 {
        %swap3A = arith.index_cast %scan3A_220 : i32 to index
        %swap3A_222 = arith.constant 0 : index
        %swap3A_223 = tpu.vector_load %arg8[%swap3A, %swap3A_222] {strides = array<i32>} : memref<208x16xf32, #tpu.memory_space<vmem>>, vector<16xf32>,
        tpu.vector_store %arg8[%swap3A, %swap3A_222], %broadcast_in_dim3A_1 {strides = array<i32>} : memref<208x16xf32, #tpu.memory_space<vmem>>, vector<16xf32>,
        %scan3A_224 = arith.constant 0 : i32
        scf.yield %scan3A_224 : i32
      }
      %scan3A_29 = arith.constant 12 : i32
      %scan3A_30 = arith.constant 0 : i32
      %scan3A_31 = arith.constant 0 : i32
      %scan3A_32 = arith.constant 196 : i32
      %scan3A_33 = arith.addi %scan3A_31, %scan3A_32 : i32
      %scan3A_34 = arith.constant 1 : i32
      %scan3A_35 = scf.for %scan3A_220 = %scan3A_31 to %scan3A_33 step %scan3A_34 iter_args(%scan3A_221 = %scan3A_30) -> (i32)  : i32 {
        %mul3A_222 = arith.constant 16 : i32
        %mul3A_223 = arith.muli %scan3A_220, %mul3A_222 : i32
        %get3A = arith.index_cast %mul3A_223 : i32 to index
        %get3A_224 = arith.constant 0 : index
        %get3A_225 = tpu.vector_load %arg7[%get3A, %get3A_224] {strides = array<i32>} : memref<3136x16xf32, #tpu.memory_space<vmem>>, vector<16xf32>,
        %mul3A_226 = arith.constant 16 : i32
        %mul3A_227 = arith.muli %scan3A_220, %mul3A_226 : i32
        %add3A_228 = arith.constant 1 : i32
        %add3A_229 = arith.addi %mul3A_227, %add3A_228 : i32
        %get3A_230 = arith.index_cast %add3A_229 : i32 to index
        %get3A_231 = arith.constant 0 : index
        %get3A_232 = tpu.vector_load %arg7[%get3A_230, %get3A_231] {strides = array<i32>} : memref<3136x16xf32, #tpu.memory_space<vmem>>, vector<16xf32>,
        %max3A = arith.maximumf %get3A_225, %get3A_232 : vector<16xf32>
        %mul3A_233 = arith.constant 16 : i32
        %mul3A_234 = arith.muli %scan3A_220, %mul3A_233 : i32
        %add3A_235 = arith.constant 2 : i32
        %add3A_236 = arith.addi %mul3A_234, %add3A_235 : i32
        %get3A_237 = arith.index_cast %add3A_236 : i32 to index
        %get3A_238 = arith.constant 0 : index
        %get3A_239 = tpu.vector_load %arg7[%get3A_237, %get3A_238] {strides = array<i32>} : memref<3136x16xf32, #tpu.memory_space<vmem>>, vector<16xf32>,
        %max3A_240 = arith.maximumf %max3A, %get3A_239 : vector<16xf32>
        %mul3A_241 = arith.constant 16 : i32
        %mul3A_242 = arith.muli %scan3A_220, %mul3A_241 : i32
        %add3A_243 = arith.constant 3 : i32
        %add3A_244 = arith.addi %mul3A_242, %add3A_243 : i32
        %get3A_245 = arith.index_cast %add3A_244 : i32 to index
        %get3A_246 = arith.constant 0 : index
        %get3A_247 = tpu.vector_load %arg7[%get3A_245, %get3A_246] {strides = array<i32>} : memref<3136x16xf32, #tpu.memory_space<vmem>>, vector<16xf32>,
        %max3A_248 = arith.maximumf %max3A_240, %get3A_247 : vector<16xf32>
        %mul3A_249 = arith.constant 16 : i32
        %mul3A_250 = arith.muli %scan3A_220, %mul3A_249 : i32
        %add3A_251 = arith.constant 4 : i32
        %add3A_252 = arith.addi %mul3A_250, %add3A_251 : i32
        %get3A_253 = arith.index_cast %add3A_252 : i32 to index
        %get3A_254 = arith.constant 0 : index
        %get3A_255 = tpu.vector_load %arg7[%get3A_253, %get3A_254] {strides = array<i32>} : memref<3136x16xf32, #tpu.memory_space<vmem>>, vector<16xf32>,
        %max3A_256 = arith.maximumf %max3A_248, %get3A_255 : vector<16xf32>
        %mul3A_257 = arith.constant 16 : i32
        %mul3A_258 = arith.muli %scan3A_220, %mul3A_257 : i32
        %add3A_259 = arith.constant 5 : i32
        %add3A_260 = arith.addi %mul3A_258, %add3A_259 : i32
        %get3A_261 = arith.index_cast %add3A_260 : i32 to index
        %get3A_262 = arith.constant 0 : index
        %get3A_263 = tpu.vector_load %arg7[%get3A_261, %get3A_262] {strides = array<i32>} : memref<3136x16xf32, #tpu.memory_space<vmem>>, vector<16xf32>,
        %max3A_264 = arith.maximumf %max3A_256, %get3A_263 : vector<16xf32>
        %mul3A_265 = arith.constant 16 : i32
        %mul3A_266 = arith.muli %scan3A_220, %mul3A_265 : i32
        %add3A_267 = arith.constant 6 : i32
        %add3A_268 = arith.addi %mul3A_266, %add3A_267 : i32
        %get3A_269 = arith.index_cast %add3A_268 : i32 to index
        %get3A_270 = arith.constant 0 : index
        %get3A_271 = tpu.vector_load %arg7[%get3A_269, %get3A_270] {strides = array<i32>} : memref<3136x16xf32, #tpu.memory_space<vmem>>, vector<16xf32>,
        %max3A_272 = arith.maximumf %max3A_264, %get3A_271 : vector<16xf32>
        %mul3A_273 = arith.constant 16 : i32
        %mul3A_274 = arith.muli %scan3A_220, %mul3A_273 : i32
        %add3A_275 = arith.constant 7 : i32
        %add3A_276 = arith.addi %mul3A_274, %add3A_275 : i32
        %get3A_277 = arith.index_cast %add3A_276 : i32 to index
        %get3A_278 = arith.constant 0 : index
        %get3A_279 = tpu.vector_load %arg7[%get3A_277, %get3A_278] {strides = array<i32>} : memref<3136x16xf32, #tpu.memory_space<vmem>>, vector<16xf32>,
        %max3A_280 = arith.maximumf %max3A_272, %get3A_279 : vector<16xf32>
        %mul3A_281 = arith.constant 16 : i32
        %mul3A_282 = arith.muli %scan3A_220, %mul3A_281 : i32
        %add3A_283 = arith.constant 8 : i32
        %add3A_284 = arith.addi %mul3A_282, %add3A_283 : i32
        %get3A_285 = arith.index_cast %add3A_284 : i32 to index
        %get3A_286 = arith.constant 0 : index
        %get3A_287 = tpu.vector_load %arg7[%get3A_285, %get3A_286] {strides = array<i32>} : memref<3136x16xf32, #tpu.memory_space<vmem>>, vector<16xf32>,
        %max3A_288 = arith.maximumf %max3A_280, %get3A_287 : vector<16xf32>
        %mul3A_289 = arith.constant 16 : i32
        %mul3A_290 = arith.muli %scan3A_220, %mul3A_289 : i32
        %add3A_291 = arith.constant 9 : i32
        %add3A_292 = arith.addi %mul3A_290, %add3A_291 : i32
        %get3A_293 = arith.index_cast %add3A_292 : i32 to index
        %get3A_294 = arith.constant 0 : index
        %get3A_295 = tpu.vector_load %arg7[%get3A_293, %get3A_294] {strides = array<i32>} : memref<3136x16xf32, #tpu.memory_space<vmem>>, vector<16xf32>,
        %max3A_296 = arith.maximumf %max3A_288, %get3A_295 : vector<16xf32>
        %mul3A_297 = arith.constant 16 : i32
        %mul3A_298 = arith.muli %scan3A_220, %mul3A_297 : i32
        %add3A_299 = arith.constant 10 : i32
        %add3A_300 = arith.addi %mul3A_298, %add3A_299 : i32
        %get3A_301 = arith.index_cast %add3A_300 : i32 to index
        %get3A_302 = arith.constant 0 : index
        %get3A_303 = tpu.vector_load %arg7[%get3A_301, %get3A_302] {strides = array<i32>} : memref<3136x16xf32, #tpu.memory_space<vmem>>, vector<16xf32>,
        %max3A_304 = arith.maximumf %max3A_296, %get3A_303 : vector<16xf32>
        %mul3A_305 = arith.constant 16 : i32
        %mul3A_306 = arith.muli %scan3A_220, %mul3A_305 : i32
        %add3A_307 = arith.constant 11 : i32
        %add3A_308 = arith.addi %mul3A_306, %add3A_307 : i32
        %get3A_309 = arith.index_cast %add3A_308 : i32 to index
        %get3A_310 = arith.constant 0 : index
        %get3A_311 = tpu.vector_load %arg7[%get3A_309, %get3A_310] {strides = array<i32>} : memref<3136x16xf32, #tpu.memory_space<vmem>>, vector<16xf32>,
        %max3A_312 = arith.maximumf %max3A_304, %get3A_311 : vector<16xf32>
        %mul3A_313 = arith.constant 16 : i32
        %mul3A_314 = arith.muli %scan3A_220, %mul3A_313 : i32
        %add3A_315 = arith.constant 12 : i32
        %add3A_316 = arith.addi %mul3A_314, %add3A_315 : i32
        %get3A_317 = arith.index_cast %add3A_316 : i32 to index
        %get3A_318 = arith.constant 0 : index
        %get3A_319 = tpu.vector_load %arg7[%get3A_317, %get3A_318] {strides = array<i32>} : memref<3136x16xf32, #tpu.memory_space<vmem>>, vector<16xf32>,
        %max3A_320 = arith.maximumf %max3A_312, %get3A_319 : vector<16xf32>
        %mul3A_321 = arith.constant 16 : i32
        %mul3A_322 = arith.muli %scan3A_220, %mul3A_321 : i32
        %add3A_323 = arith.constant 13 : i32
        %add3A_324 = arith.addi %mul3A_322, %add3A_323 : i32
        %get3A_325 = arith.index_cast %add3A_324 : i32 to index
        %get3A_326 = arith.constant 0 : index
        %get3A_327 = tpu.vector_load %arg7[%get3A_325, %get3A_326] {strides = array<i32>} : memref<3136x16xf32, #tpu.memory_space<vmem>>, vector<16xf32>,
        %max3A_328 = arith.maximumf %max3A_320, %get3A_327 : vector<16xf32>
        %mul3A_329 = arith.constant 16 : i32
        %mul3A_330 = arith.muli %scan3A_220, %mul3A_329 : i32
        %add3A_331 = arith.constant 14 : i32
        %add3A_332 = arith.addi %mul3A_330, %add3A_331 : i32
        %get3A_333 = arith.index_cast %add3A_332 : i32 to index
        %get3A_334 = arith.constant 0 : index
        %get3A_335 = tpu.vector_load %arg7[%get3A_333, %get3A_334] {strides = array<i32>} : memref<3136x16xf32, #tpu.memory_space<vmem>>, vector<16xf32>,
        %max3A_336 = arith.maximumf %max3A_328, %get3A_335 : vector<16xf32>
        %mul3A_337 = arith.constant 16 : i32
        %mul3A_338 = arith.muli %scan3A_220, %mul3A_337 : i32
        %add3A_339 = arith.constant 15 : i32
        %add3A_340 = arith.addi %mul3A_338, %add3A_339 : i32
        %get3A_341 = arith.index_cast %add3A_340 : i32 to index
        %get3A_342 = arith.constant 0 : index
        %get3A_343 = tpu.vector_load %arg7[%get3A_341, %get3A_342] {strides = array<i32>} : memref<3136x16xf32, #tpu.memory_space<vmem>>, vector<16xf32>,
        %max3A_344 = arith.maximumf %max3A_336, %get3A_343 : vector<16xf32>
        %swap3A = arith.index_cast %scan3A_220 : i32 to index
        %swap3A_345 = arith.constant 0 : index
        %swap3A_346 = tpu.vector_load %arg8[%swap3A, %swap3A_345] {strides = array<i32>} : memref<208x16xf32, #tpu.memory_space<vmem>>, vector<16xf32>,
        tpu.vector_store %arg8[%swap3A, %swap3A_345], %max3A_344 {strides = array<i32>} : memref<208x16xf32, #tpu.memory_space<vmem>>, vector<16xf32>,
        %scan3A_347 = arith.constant 0 : i32
        scf.yield %scan3A_347 : i32
      }
      %scan3A_36 = arith.constant 196 : i32
      %scan3A_37 = arith.constant 0 : i32
      %scan3A_38 = arith.constant 0 : i32
      %scan3A_39 = arith.constant 13 : i32
      %scan3A_40 = arith.addi %scan3A_38, %scan3A_39 : i32
      %scan3A_41 = arith.constant 1 : i32
      %scan3A_42 = scf.for %scan3A_220 = %scan3A_38 to %scan3A_40 step %scan3A_41 iter_args(%scan3A_221 = %scan3A_37) -> (i32)  : i32 {
        %mul3A_222 = arith.constant 16 : i32
        %mul3A_223 = arith.muli %scan3A_220, %mul3A_222 : i32
        %get3A = arith.index_cast %mul3A_223 : i32 to index
        %get3A_224 = arith.constant 0 : index
        %get3A_225 = tpu.vector_load %arg8[%get3A, %get3A_224] {strides = array<i32>} : memref<208x16xf32, #tpu.memory_space<vmem>>, vector<16xf32>,
        %mul3A_226 = arith.constant 16 : i32
        %mul3A_227 = arith.muli %scan3A_220, %mul3A_226 : i32
        %add3A_228 = arith.constant 1 : i32
        %add3A_229 = arith.addi %mul3A_227, %add3A_228 : i32
        %get3A_230 = arith.index_cast %add3A_229 : i32 to index
        %get3A_231 = arith.constant 0 : index
        %get3A_232 = tpu.vector_load %arg8[%get3A_230, %get3A_231] {strides = array<i32>} : memref<208x16xf32, #tpu.memory_space<vmem>>, vector<16xf32>,
        %max3A = arith.maximumf %get3A_225, %get3A_232 : vector<16xf32>
        %mul3A_233 = arith.constant 16 : i32
        %mul3A_234 = arith.muli %scan3A_220, %mul3A_233 : i32
        %add3A_235 = arith.constant 2 : i32
        %add3A_236 = arith.addi %mul3A_234, %add3A_235 : i32
        %get3A_237 = arith.index_cast %add3A_236 : i32 to index
        %get3A_238 = arith.constant 0 : index
        %get3A_239 = tpu.vector_load %arg8[%get3A_237, %get3A_238] {strides = array<i32>} : memref<208x16xf32, #tpu.memory_space<vmem>>, vector<16xf32>,
        %max3A_240 = arith.maximumf %max3A, %get3A_239 : vector<16xf32>
        %mul3A_241 = arith.constant 16 : i32
        %mul3A_242 = arith.muli %scan3A_220, %mul3A_241 : i32
        %add3A_243 = arith.constant 3 : i32
        %add3A_244 = arith.addi %mul3A_242, %add3A_243 : i32
        %get3A_245 = arith.index_cast %add3A_244 : i32 to index
        %get3A_246 = arith.constant 0 : index
        %get3A_247 = tpu.vector_load %arg8[%get3A_245, %get3A_246] {strides = array<i32>} : memref<208x16xf32, #tpu.memory_space<vmem>>, vector<16xf32>,
        %max3A_248 = arith.maximumf %max3A_240, %get3A_247 : vector<16xf32>
        %mul3A_249 = arith.constant 16 : i32
        %mul3A_250 = arith.muli %scan3A_220, %mul3A_249 : i32
        %add3A_251 = arith.constant 4 : i32
        %add3A_252 = arith.addi %mul3A_250, %add3A_251 : i32
        %get3A_253 = arith.index_cast %add3A_252 : i32 to index
        %get3A_254 = arith.constant 0 : index
        %get3A_255 = tpu.vector_load %arg8[%get3A_253, %get3A_254] {strides = array<i32>} : memref<208x16xf32, #tpu.memory_space<vmem>>, vector<16xf32>,
        %max3A_256 = arith.maximumf %max3A_248, %get3A_255 : vector<16xf32>
        %mul3A_257 = arith.constant 16 : i32
        %mul3A_258 = arith.muli %scan3A_220, %mul3A_257 : i32
        %add3A_259 = arith.constant 5 : i32
        %add3A_260 = arith.addi %mul3A_258, %add3A_259 : i32
        %get3A_261 = arith.index_cast %add3A_260 : i32 to index
        %get3A_262 = arith.constant 0 : index
        %get3A_263 = tpu.vector_load %arg8[%get3A_261, %get3A_262] {strides = array<i32>} : memref<208x16xf32, #tpu.memory_space<vmem>>, vector<16xf32>,
        %max3A_264 = arith.maximumf %max3A_256, %get3A_263 : vector<16xf32>
        %mul3A_265 = arith.constant 16 : i32
        %mul3A_266 = arith.muli %scan3A_220, %mul3A_265 : i32
        %add3A_267 = arith.constant 6 : i32
        %add3A_268 = arith.addi %mul3A_266, %add3A_267 : i32
        %get3A_269 = arith.index_cast %add3A_268 : i32 to index
        %get3A_270 = arith.constant 0 : index
        %get3A_271 = tpu.vector_load %arg8[%get3A_269, %get3A_270] {strides = array<i32>} : memref<208x16xf32, #tpu.memory_space<vmem>>, vector<16xf32>,
        %max3A_272 = arith.maximumf %max3A_264, %get3A_271 : vector<16xf32>
        %mul3A_273 = arith.constant 16 : i32
        %mul3A_274 = arith.muli %scan3A_220, %mul3A_273 : i32
        %add3A_275 = arith.constant 7 : i32
        %add3A_276 = arith.addi %mul3A_274, %add3A_275 : i32
        %get3A_277 = arith.index_cast %add3A_276 : i32 to index
        %get3A_278 = arith.constant 0 : index
        %get3A_279 = tpu.vector_load %arg8[%get3A_277, %get3A_278] {strides = array<i32>} : memref<208x16xf32, #tpu.memory_space<vmem>>, vector<16xf32>,
        %max3A_280 = arith.maximumf %max3A_272, %get3A_279 : vector<16xf32>
        %mul3A_281 = arith.constant 16 : i32
        %mul3A_282 = arith.muli %scan3A_220, %mul3A_281 : i32
        %add3A_283 = arith.constant 8 : i32
        %add3A_284 = arith.addi %mul3A_282, %add3A_283 : i32
        %get3A_285 = arith.index_cast %add3A_284 : i32 to index
        %get3A_286 = arith.constant 0 : index
        %get3A_287 = tpu.vector_load %arg8[%get3A_285, %get3A_286] {strides = array<i32>} : memref<208x16xf32, #tpu.memory_space<vmem>>, vector<16xf32>,
        %max3A_288 = arith.maximumf %max3A_280, %get3A_287 : vector<16xf32>
        %mul3A_289 = arith.constant 16 : i32
        %mul3A_290 = arith.muli %scan3A_220, %mul3A_289 : i32
        %add3A_291 = arith.constant 9 : i32
        %add3A_292 = arith.addi %mul3A_290, %add3A_291 : i32
        %get3A_293 = arith.index_cast %add3A_292 : i32 to index
        %get3A_294 = arith.constant 0 : index
        %get3A_295 = tpu.vector_load %arg8[%get3A_293, %get3A_294] {strides = array<i32>} : memref<208x16xf32, #tpu.memory_space<vmem>>, vector<16xf32>,
        %max3A_296 = arith.maximumf %max3A_288, %get3A_295 : vector<16xf32>
        %mul3A_297 = arith.constant 16 : i32
        %mul3A_298 = arith.muli %scan3A_220, %mul3A_297 : i32
        %add3A_299 = arith.constant 10 : i32
        %add3A_300 = arith.addi %mul3A_298, %add3A_299 : i32
        %get3A_301 = arith.index_cast %add3A_300 : i32 to index
        %get3A_302 = arith.constant 0 : index
        %get3A_303 = tpu.vector_load %arg8[%get3A_301, %get3A_302] {strides = array<i32>} : memref<208x16xf32, #tpu.memory_space<vmem>>, vector<16xf32>,
        %max3A_304 = arith.maximumf %max3A_296, %get3A_303 : vector<16xf32>
        %mul3A_305 = arith.constant 16 : i32
        %mul3A_306 = arith.muli %scan3A_220, %mul3A_305 : i32
        %add3A_307 = arith.constant 11 : i32
        %add3A_308 = arith.addi %mul3A_306, %add3A_307 : i32
        %get3A_309 = arith.index_cast %add3A_308 : i32 to index
        %get3A_310 = arith.constant 0 : index
        %get3A_311 = tpu.vector_load %arg8[%get3A_309, %get3A_310] {strides = array<i32>} : memref<208x16xf32, #tpu.memory_space<vmem>>, vector<16xf32>,
        %max3A_312 = arith.maximumf %max3A_304, %get3A_311 : vector<16xf32>
        %mul3A_313 = arith.constant 16 : i32
        %mul3A_314 = arith.muli %scan3A_220, %mul3A_313 : i32
        %add3A_315 = arith.constant 12 : i32
        %add3A_316 = arith.addi %mul3A_314, %add3A_315 : i32
        %get3A_317 = arith.index_cast %add3A_316 : i32 to index
        %get3A_318 = arith.constant 0 : index
        %get3A_319 = tpu.vector_load %arg8[%get3A_317, %get3A_318] {strides = array<i32>} : memref<208x16xf32, #tpu.memory_space<vmem>>, vector<16xf32>,
        %max3A_320 = arith.maximumf %max3A_312, %get3A_319 : vector<16xf32>
        %mul3A_321 = arith.constant 16 : i32
        %mul3A_322 = arith.muli %scan3A_220, %mul3A_321 : i32
        %add3A_323 = arith.constant 13 : i32
        %add3A_324 = arith.addi %mul3A_322, %add3A_323 : i32
        %get3A_325 = arith.index_cast %add3A_324 : i32 to index
        %get3A_326 = arith.constant 0 : index
        %get3A_327 = tpu.vector_load %arg8[%get3A_325, %get3A_326] {strides = array<i32>} : memref<208x16xf32, #tpu.memory_space<vmem>>, vector<16xf32>,
        %max3A_328 = arith.maximumf %max3A_320, %get3A_327 : vector<16xf32>
        %mul3A_329 = arith.constant 16 : i32
        %mul3A_330 = arith.muli %scan3A_220, %mul3A_329 : i32
        %add3A_331 = arith.constant 14 : i32
        %add3A_332 = arith.addi %mul3A_330, %add3A_331 : i32
        %get3A_333 = arith.index_cast %add3A_332 : i32 to index
        %get3A_334 = arith.constant 0 : index
        %get3A_335 = tpu.vector_load %arg8[%get3A_333, %get3A_334] {strides = array<i32>} : memref<208x16xf32, #tpu.memory_space<vmem>>, vector<16xf32>,
        %max3A_336 = arith.maximumf %max3A_328, %get3A_335 : vector<16xf32>
        %mul3A_337 = arith.constant 16 : i32
        %mul3A_338 = arith.muli %scan3A_220, %mul3A_337 : i32
        %add3A_339 = arith.constant 15 : i32
        %add3A_340 = arith.addi %mul3A_338, %add3A_339 : i32
        %get3A_341 = arith.index_cast %add3A_340 : i32 to index
        %get3A_342 = arith.constant 0 : index
        %get3A_343 = tpu.vector_load %arg8[%get3A_341, %get3A_342] {strides = array<i32>} : memref<208x16xf32, #tpu.memory_space<vmem>>, vector<16xf32>,
        %max3A_344 = arith.maximumf %max3A_336, %get3A_343 : vector<16xf32>
        %swap3A = arith.index_cast %scan3A_220 : i32 to index
        %swap3A_345 = arith.constant 0 : index
        %swap3A_346 = tpu.vector_load %arg9[%swap3A, %swap3A_345] {strides = array<i32>} : memref<13x16xf32, #tpu.memory_space<vmem>>, vector<16xf32>,
        tpu.vector_store %arg9[%swap3A, %swap3A_345], %max3A_344 {strides = array<i32>} : memref<13x16xf32, #tpu.memory_space<vmem>>, vector<16xf32>,
        %scan3A_347 = arith.constant 0 : i32
        scf.yield %scan3A_347 : i32
      }
      %scan3A_43 = arith.constant 13 : i32
      %scan3A_44 = arith.constant 0 : i32
      %scan3A_45 = arith.constant 0 : i32
      %scan3A_46 = arith.constant 64 : i32
      %scan3A_47 = arith.addi %scan3A_45, %scan3A_46 : i32
      %scan3A_48 = arith.constant 1 : i32
      %scan3A_49 = scf.for %scan3A_220 = %scan3A_45 to %scan3A_47 step %scan3A_48 iter_args(%scan3A_221 = %scan3A_44) -> (i32)  : i32 {
        %scan3A_222 = arith.constant 0 : i32
        %scan3A_223 = arith.constant 13 : i32
        %scan3A_224 = arith.addi %scan3A_222, %scan3A_223 : i32
        %scan3A_225 = arith.constant 1 : i32
        %scan3A_226:2 = scf.for %scan3A_265 = %scan3A_222 to %scan3A_224 step %scan3A_225 iter_args(%scan3A_266 = %broadcast_in_dim3A_1, %scan3A_267 = %broadcast_in_dim3A_3) -> (vector<16xf32>, vector<16xi32>)  : i32 {
          %get3A = arith.index_cast %scan3A_265 : i32 to index
          %get3A_268 = arith.constant 0 : index
          %get3A_269 = tpu.vector_load %arg9[%get3A, %get3A_268] {strides = array<i32>} : memref<13x16xf32, #tpu.memory_space<vmem>>, vector<16xf32>,
          %gt3A = arith.cmpf ogt, %get3A_269, %scan3A_266 : vector<16xf32>
          %select_n3A = arith.select %gt3A, %get3A_269, %scan3A_266 : vector<16xi1>, vector<16xf32>
          %broadcast_in_dim3A_270 = vector.broadcast %scan3A_265 : i32 to vector<16xi32>
          %select_n3A_271 = arith.select %gt3A, %broadcast_in_dim3A_270, %scan3A_267 : vector<16xi1>, vector<16xi32>
          scf.yield %select_n3A, %select_n3A_271 : vector<16xf32>, vector<16xi32>
        }
        %scan3A_227 = arith.constant 13 : i32
        %scan3A_228 = arith.constant 0 : i32
        %scan3A_229 = arith.constant 16 : i32
        %scan3A_230 = arith.addi %scan3A_228, %scan3A_229 : i32
        %scan3A_231 = arith.constant 1 : i32
        %scan3A_232:2 = scf.for %scan3A_265 = %scan3A_228 to %scan3A_230 step %scan3A_231 iter_args(%scan3A_266 = %broadcast_in_dim3A_1, %scan3A_267 = %broadcast_in_dim3A_3) -> (vector<16xf32>, vector<16xi32>)  : i32 {
          %mul3A_268 = arith.constant 16 : i32
          %mul3A_269 = vector.broadcast %mul3A_268 : i32 to vector<16xi32>
          %mul3A_270 = arith.muli %scan3A_226#1, %mul3A_269 : vector<16xi32>
          %add3A_271 = vector.broadcast %scan3A_265 : i32 to vector<16xi32>
          %add3A_272 = arith.addi %mul3A_270, %add3A_271 : vector<16xi32>
          %gather3A_273 = tpu.vector_load_idx %arg8[%add3A_272, %iota3A] : memref<208x16xf32, #tpu.memory_space<vmem>>[vector<16xi32>, vector<16xi32>], vector<16xf32>,
          %gt3A = arith.cmpf ogt, %gather3A_273, %scan3A_266 : vector<16xf32>
          %select_n3A = arith.select %gt3A, %gather3A_273, %scan3A_266 : vector<16xi1>, vector<16xf32>
          %select_n3A_274 = arith.select %gt3A, %add3A_272, %scan3A_267 : vector<16xi1>, vector<16xi32>
          scf.yield %select_n3A, %select_n3A_274 : vector<16xf32>, vector<16xi32>
        }
        %scan3A_233 = arith.constant 16 : i32
        %scan3A_234 = arith.constant 0 : i32
        %scan3A_235 = arith.constant 16 : i32
        %scan3A_236 = arith.addi %scan3A_234, %scan3A_235 : i32
        %scan3A_237 = arith.constant 1 : i32
        %scan3A_238:2 = scf.for %scan3A_265 = %scan3A_234 to %scan3A_236 step %scan3A_237 iter_args(%scan3A_266 = %broadcast_in_dim3A_1, %scan3A_267 = %broadcast_in_dim3A_3) -> (vector<16xf32>, vector<16xi32>)  : i32 {
          %mul3A_268 = arith.constant 16 : i32
          %mul3A_269 = vector.broadcast %mul3A_268 : i32 to vector<16xi32>
          %mul3A_270 = arith.muli %scan3A_232#1, %mul3A_269 : vector<16xi32>
          %add3A_271 = vector.broadcast %scan3A_265 : i32 to vector<16xi32>
          %add3A_272 = arith.addi %mul3A_270, %add3A_271 : vector<16xi32>
          %gather3A_273 = tpu.vector_load_idx %arg7[%add3A_272, %iota3A] : memref<3136x16xf32, #tpu.memory_space<vmem>>[vector<16xi32>, vector<16xi32>], vector<16xf32>,
          %gt3A = arith.cmpf ogt, %gather3A_273, %scan3A_266 : vector<16xf32>
          %select_n3A = arith.select %gt3A, %gather3A_273, %scan3A_266 : vector<16xi1>, vector<16xf32>
          %select_n3A_274 = arith.select %gt3A, %add3A_272, %scan3A_267 : vector<16xi1>, vector<16xi32>
          scf.yield %select_n3A, %select_n3A_274 : vector<16xf32>, vector<16xi32>
        }
        %scan3A_239 = arith.constant 16 : i32
        %swap3A = arith.index_cast %scan3A_220 : i32 to index
        %swap3A_240 = arith.constant 0 : index
        %swap3A_241 = tpu.vector_load %arg10[%swap3A, %swap3A_240] {strides = array<i32>} : memref<64x16xi32, #tpu.memory_space<vmem>>, vector<16xi32>,
        tpu.vector_store %arg10[%swap3A, %swap3A_240], %scan3A_238#1 {strides = array<i32>} : memref<64x16xi32, #tpu.memory_space<vmem>>, vector<16xi32>,
        %swap3A_242 = arith.index_cast %scan3A_220 : i32 to index
        %swap3A_243 = arith.constant 0 : index
        %swap3A_244 = tpu.vector_load %arg11[%swap3A_242, %swap3A_243] {strides = array<i32>} : memref<64x16xf32, #tpu.memory_space<vmem>>, vector<16xf32>,
        tpu.vector_store %arg11[%swap3A_242, %swap3A_243], %scan3A_238#0 {strides = array<i32>} : memref<64x16xf32, #tpu.memory_space<vmem>>, vector<16xf32>,
        tpu.vector_store_idx %arg7[%scan3A_238#1, %iota3A], %broadcast_in_dim3A_1 : memref<3136x16xf32, #tpu.memory_space<vmem>>[vector<16xi32>, vector<16xi32>], vector<16xf32>,
        %mul3A_245 = arith.constant 16 : i32
        %mul3A_246 = vector.broadcast %mul3A_245 : i32 to vector<16xi32>
        %mul3A_247 = arith.muli %scan3A_232#1, %mul3A_246 : vector<16xi32>
        %gather3A = tpu.vector_load_idx %arg7[%mul3A_247, %iota3A] : memref<3136x16xf32, #tpu.memory_space<vmem>>[vector<16xi32>, vector<16xi32>], vector<16xf32>,
        %scan3A_248 = arith.constant 1 : i32
        %scan3A_249 = arith.constant 15 : i32
        %scan3A_250 = arith.addi %scan3A_248, %scan3A_249 : i32
        %scan3A_251 = arith.constant 1 : i32
        %scan3A_252 = scf.for %scan3A_265 = %scan3A_248 to %scan3A_250 step %scan3A_251 iter_args(%scan3A_266 = %gather3A) -> (vector<16xf32>)  : i32 {
          %mul3A_267 = arith.constant 16 : i32
          %mul3A_268 = vector.broadcast %mul3A_267 : i32 to vector<16xi32>
          %mul3A_269 = arith.muli %scan3A_232#1, %mul3A_268 : vector<16xi32>
          %add3A_270 = vector.broadcast %scan3A_265 : i32 to vector<16xi32>
          %add3A_271 = arith.addi %mul3A_269, %add3A_270 : vector<16xi32>
          %gather3A_272 = tpu.vector_load_idx %arg7[%add3A_271, %iota3A] : memref<3136x16xf32, #tpu.memory_space<vmem>>[vector<16xi32>, vector<16xi32>], vector<16xf32>,
          %max3A = arith.maximumf %scan3A_266, %gather3A_272 : vector<16xf32>
          scf.yield %max3A : vector<16xf32>
        }
        %scan3A_253 = arith.constant 15 : i32
        tpu.vector_store_idx %arg8[%scan3A_232#1, %iota3A], %scan3A_252 : memref<208x16xf32, #tpu.memory_space<vmem>>[vector<16xi32>, vector<16xi32>], vector<16xf32>,
        %mul3A_254 = arith.constant 16 : i32
        %mul3A_255 = vector.broadcast %mul3A_254 : i32 to vector<16xi32>
        %mul3A_256 = arith.muli %scan3A_226#1, %mul3A_255 : vector<16xi32>
        %gather3A_257 = tpu.vector_load_idx %arg8[%mul3A_256, %iota3A] : memref<208x16xf32, #tpu.memory_space<vmem>>[vector<16xi32>, vector<16xi32>], vector<16xf32>,
        %scan3A_258 = arith.constant 1 : i32
        %scan3A_259 = arith.constant 15 : i32
        %scan3A_260 = arith.addi %scan3A_258, %scan3A_259 : i32
        %scan3A_261 = arith.constant 1 : i32
        %scan3A_262 = scf.for %scan3A_265 = %scan3A_258 to %scan3A_260 step %scan3A_261 iter_args(%scan3A_266 = %gather3A_257) -> (vector<16xf32>)  : i32 {
          %mul3A_267 = arith.constant 16 : i32
          %mul3A_268 = vector.broadcast %mul3A_267 : i32 to vector<16xi32>
          %mul3A_269 = arith.muli %scan3A_226#1, %mul3A_268 : vector<16xi32>
          %add3A_270 = vector.broadcast %scan3A_265 : i32 to vector<16xi32>
          %add3A_271 = arith.addi %mul3A_269, %add3A_270 : vector<16xi32>
          %gather3A_272 = tpu.vector_load_idx %arg8[%add3A_271, %iota3A] : memref<208x16xf32, #tpu.memory_space<vmem>>[vector<16xi32>, vector<16xi32>], vector<16xf32>,
          %max3A = arith.maximumf %scan3A_266, %gather3A_272 : vector<16xf32>
          scf.yield %max3A : vector<16xf32>
        }
        %scan3A_263 = arith.constant 15 : i32
        tpu.vector_store_idx %arg9[%scan3A_226#1, %iota3A], %scan3A_262 : memref<13x16xf32, #tpu.memory_space<vmem>>[vector<16xi32>, vector<16xi32>], vector<16xf32>,
        %scan3A_264 = arith.constant 0 : i32
        scf.yield %scan3A_264 : i32
      }
      %scan3A_50 = arith.constant 64 : i32
      %scan3A_51 = arith.constant 0 : i32
      %scan3A_52 = arith.constant 0 : i32
      %scan3A_53 = arith.constant 64 : i32
      %scan3A_54 = arith.addi %scan3A_52, %scan3A_53 : i32
      %scan3A_55 = arith.constant 1 : i32
      %scan3A_56 = scf.for %scan3A_220 = %scan3A_52 to %scan3A_54 step %scan3A_55 iter_args(%scan3A_221 = %scan3A_51) -> (i32)  : i32 {
        %add3A_222 = vector.broadcast %mul3A_23 : i32 to vector<16xi32>
        %add3A_223 = arith.addi %add3A_222, %iota3A : vector<16xi32>
        %mul3A_224 = arith.constant 3136 : i32
        %mul3A_225 = vector.broadcast %mul3A_224 : i32 to vector<16xi32>
        %mul3A_226 = arith.muli %add3A_223, %mul3A_225 : vector<16xi32>
        %get3A = arith.index_cast %scan3A_220 : i32 to index
        %get3A_227 = arith.constant 0 : index
        %get3A_228 = tpu.vector_load %arg10[%get3A, %get3A_227] {strides = array<i32>} : memref<64x16xi32, #tpu.memory_space<vmem>>, vector<16xi32>,
        %add3A_229 = arith.addi %mul3A_226, %get3A_228 : vector<16xi32>
        %mul3A_230 = arith.constant 16 : i32
        %mul3A_231 = arith.muli %scan3A_220, %mul3A_230 : i32
        %add3A_232 = vector.broadcast %mul3A_231 : i32 to vector<16xi32>
        %add3A_233 = arith.addi %add3A_232, %iota3A : vector<16xi32>
        tpu.vector_store_idx %arg12[%add3A_233], %add3A_229 : memref<1024xi32, #tpu.memory_space<vmem>>[vector<16xi32>], vector<16xi32>,
        %scan3A_234 = arith.constant 0 : i32
        scf.yield %scan3A_234 : i32
      }
      %scan3A_57 = arith.constant 64 : i32
      %dma_start3A = arith.constant 0 : i32
      %dma_start3A_58 = arith.constant 0 : i32
      %dma_start3A_59 = tpu.memref_slice %arg13[%dma_start3A, %dma_start3A_58] : memref<1024x32xf32, #tpu.memory_space<vmem>> -> memref<128x32xf32, #tpu.memory_space<vmem>>
      %dma_start3A_60 = arith.constant 0 : i32
      %dma_start3A_61 = tpu.memref_slice %arg12[%dma_start3A_60] : memref<1024xi32, #tpu.memory_space<vmem>> -> memref<128xi32, #tpu.memory_space<vmem>>
      %dma_start3A_62 = arith.constant 0 : i32
      %dma_start3A_63 = arith.constant 0 : i32
      %dma_start3A_64 = tpu.memref_slice %arg2[%dma_start3A_62, %dma_start3A_63] : memref<3211264x32xf32, #tpu.memory_space<hbm>> -> memref<3211264x32xf32, #tpu.memory_space<hbm>>
      tpu.enqueue_indirect_dma source(%dma_start3A_64 : memref<3211264x32xf32, #tpu.memory_space<hbm>>) target(%dma_start3A_59 : memref<128x32xf32, #tpu.memory_space<vmem>>) offsets(%dma_start3A_61 : memref<128xi32, #tpu.memory_space<vmem>>) semaphore(%arg19 : memref<!tpu.dma_semaphore, #tpu.memory_space<semaphore_mem>>)
      %dma_start3A_65 = arith.constant 128 : i32
      %dma_start3A_66 = arith.constant 0 : i32
      %dma_start3A_67 = tpu.memref_slice %arg13[%dma_start3A_65, %dma_start3A_66] : memref<1024x32xf32, #tpu.memory_space<vmem>> -> memref<128x32xf32, #tpu.memory_space<vmem>>
      %dma_start3A_68 = arith.constant 128 : i32
      %dma_start3A_69 = tpu.memref_slice %arg12[%dma_start3A_68] : memref<1024xi32, #tpu.memory_space<vmem>> -> memref<128xi32, #tpu.memory_space<vmem>>
      %dma_start3A_70 = arith.constant 0 : i32
      %dma_start3A_71 = arith.constant 0 : i32
      %dma_start3A_72 = tpu.memref_slice %arg2[%dma_start3A_70, %dma_start3A_71] : memref<3211264x32xf32, #tpu.memory_space<hbm>> -> memref<3211264x32xf32, #tpu.memory_space<hbm>>
      tpu.enqueue_indirect_dma source(%dma_start3A_72 : memref<3211264x32xf32, #tpu.memory_space<hbm>>) target(%dma_start3A_67 : memref<128x32xf32, #tpu.memory_space<vmem>>) offsets(%dma_start3A_69 : memref<128xi32, #tpu.memory_space<vmem>>) semaphore(%arg19 : memref<!tpu.dma_semaphore, #tpu.memory_space<semaphore_mem>>)
      %dma_start3A_73 = arith.constant 256 : i32
      %dma_start3A_74 = arith.constant 0 : i32
      %dma_start3A_75 = tpu.memref_slice %arg13[%dma_start3A_73, %dma_start3A_74] : memref<1024x32xf32, #tpu.memory_space<vmem>> -> memref<128x32xf32, #tpu.memory_space<vmem>>
      %dma_start3A_76 = arith.constant 256 : i32
      %dma_start3A_77 = tpu.memref_slice %arg12[%dma_start3A_76] : memref<1024xi32, #tpu.memory_space<vmem>> -> memref<128xi32, #tpu.memory_space<vmem>>
      %dma_start3A_78 = arith.constant 0 : i32
      %dma_start3A_79 = arith.constant 0 : i32
      %dma_start3A_80 = tpu.memref_slice %arg2[%dma_start3A_78, %dma_start3A_79] : memref<3211264x32xf32, #tpu.memory_space<hbm>> -> memref<3211264x32xf32, #tpu.memory_space<hbm>>
      tpu.enqueue_indirect_dma source(%dma_start3A_80 : memref<3211264x32xf32, #tpu.memory_space<hbm>>) target(%dma_start3A_75 : memref<128x32xf32, #tpu.memory_space<vmem>>) offsets(%dma_start3A_77 : memref<128xi32, #tpu.memory_space<vmem>>) semaphore(%arg19 : memref<!tpu.dma_semaphore, #tpu.memory_space<semaphore_mem>>)
      %dma_start3A_81 = arith.constant 384 : i32
      %dma_start3A_82 = arith.constant 0 : i32
      %dma_start3A_83 = tpu.memref_slice %arg13[%dma_start3A_81, %dma_start3A_82] : memref<1024x32xf32, #tpu.memory_space<vmem>> -> memref<128x32xf32, #tpu.memory_space<vmem>>
      %dma_start3A_84 = arith.constant 384 : i32
      %dma_start3A_85 = tpu.memref_slice %arg12[%dma_start3A_84] : memref<1024xi32, #tpu.memory_space<vmem>> -> memref<128xi32, #tpu.memory_space<vmem>>
      %dma_start3A_86 = arith.constant 0 : i32
      %dma_start3A_87 = arith.constant 0 : i32
      %dma_start3A_88 = tpu.memref_slice %arg2[%dma_start3A_86, %dma_start3A_87] : memref<3211264x32xf32, #tpu.memory_space<hbm>> -> memref<3211264x32xf32, #tpu.memory_space<hbm>>
      tpu.enqueue_indirect_dma source(%dma_start3A_88 : memref<3211264x32xf32, #tpu.memory_space<hbm>>) target(%dma_start3A_83 : memref<128x32xf32, #tpu.memory_space<vmem>>) offsets(%dma_start3A_85 : memref<128xi32, #tpu.memory_space<vmem>>) semaphore(%arg19 : memref<!tpu.dma_semaphore, #tpu.memory_space<semaphore_mem>>)
      %dma_start3A_89 = arith.constant 512 : i32
      %dma_start3A_90 = arith.constant 0 : i32
      %dma_start3A_91 = tpu.memref_slice %arg13[%dma_start3A_89, %dma_start3A_90] : memref<1024x32xf32, #tpu.memory_space<vmem>> -> memref<128x32xf32, #tpu.memory_space<vmem>>
      %dma_start3A_92 = arith.constant 512 : i32
      %dma_start3A_93 = tpu.memref_slice %arg12[%dma_start3A_92] : memref<1024xi32, #tpu.memory_space<vmem>> -> memref<128xi32, #tpu.memory_space<vmem>>
      %dma_start3A_94 = arith.constant 0 : i32
      %dma_start3A_95 = arith.constant 0 : i32
      %dma_start3A_96 = tpu.memref_slice %arg2[%dma_start3A_94, %dma_start3A_95] : memref<3211264x32xf32, #tpu.memory_space<hbm>> -> memref<3211264x32xf32, #tpu.memory_space<hbm>>
      tpu.enqueue_indirect_dma source(%dma_start3A_96 : memref<3211264x32xf32, #tpu.memory_space<hbm>>) target(%dma_start3A_91 : memref<128x32xf32, #tpu.memory_space<vmem>>) offsets(%dma_start3A_93 : memref<128xi32, #tpu.memory_space<vmem>>) semaphore(%arg19 : memref<!tpu.dma_semaphore, #tpu.memory_space<semaphore_mem>>)
      %dma_start3A_97 = arith.constant 640 : i32
      %dma_start3A_98 = arith.constant 0 : i32
      %dma_start3A_99 = tpu.memref_slice %arg13[%dma_start3A_97, %dma_start3A_98] : memref<1024x32xf32, #tpu.memory_space<vmem>> -> memref<128x32xf32, #tpu.memory_space<vmem>>
      %dma_start3A_100 = arith.constant 640 : i32
      %dma_start3A_101 = tpu.memref_slice %arg12[%dma_start3A_100] : memref<1024xi32, #tpu.memory_space<vmem>> -> memref<128xi32, #tpu.memory_space<vmem>>
      %dma_start3A_102 = arith.constant 0 : i32
      %dma_start3A_103 = arith.constant 0 : i32
      %dma_start3A_104 = tpu.memref_slice %arg2[%dma_start3A_102, %dma_start3A_103] : memref<3211264x32xf32, #tpu.memory_space<hbm>> -> memref<3211264x32xf32, #tpu.memory_space<hbm>>
      tpu.enqueue_indirect_dma source(%dma_start3A_104 : memref<3211264x32xf32, #tpu.memory_space<hbm>>) target(%dma_start3A_99 : memref<128x32xf32, #tpu.memory_space<vmem>>) offsets(%dma_start3A_101 : memref<128xi32, #tpu.memory_space<vmem>>) semaphore(%arg19 : memref<!tpu.dma_semaphore, #tpu.memory_space<semaphore_mem>>)
      %dma_start3A_105 = arith.constant 768 : i32
      %dma_start3A_106 = arith.constant 0 : i32
      %dma_start3A_107 = tpu.memref_slice %arg13[%dma_start3A_105, %dma_start3A_106] : memref<1024x32xf32, #tpu.memory_space<vmem>> -> memref<128x32xf32, #tpu.memory_space<vmem>>
      %dma_start3A_108 = arith.constant 768 : i32
      %dma_start3A_109 = tpu.memref_slice %arg12[%dma_start3A_108] : memref<1024xi32, #tpu.memory_space<vmem>> -> memref<128xi32, #tpu.memory_space<vmem>>
      %dma_start3A_110 = arith.constant 0 : i32
      %dma_start3A_111 = arith.constant 0 : i32
      %dma_start3A_112 = tpu.memref_slice %arg2[%dma_start3A_110, %dma_start3A_111] : memref<3211264x32xf32, #tpu.memory_space<hbm>> -> memref<3211264x32xf32, #tpu.memory_space<hbm>>
      tpu.enqueue_indirect_dma source(%dma_start3A_112 : memref<3211264x32xf32, #tpu.memory_space<hbm>>) target(%dma_start3A_107 : memref<128x32xf32, #tpu.memory_space<vmem>>) offsets(%dma_start3A_109 : memref<128xi32, #tpu.memory_space<vmem>>) semaphore(%arg19 : memref<!tpu.dma_semaphore, #tpu.memory_space<semaphore_mem>>)
      %dma_start3A_113 = arith.constant 896 : i32
      %dma_start3A_114 = arith.constant 0 : i32
      %dma_start3A_115 = tpu.memref_slice %arg13[%dma_start3A_113, %dma_start3A_114] : memref<1024x32xf32, #tpu.memory_space<vmem>> -> memref<128x32xf32, #tpu.memory_space<vmem>>
      %dma_start3A_116 = arith.constant 896 : i32
      %dma_start3A_117 = tpu.memref_slice %arg12[%dma_start3A_116] : memref<1024xi32, #tpu.memory_space<vmem>> -> memref<128xi32, #tpu.memory_space<vmem>>
      %dma_start3A_118 = arith.constant 0 : i32
      %dma_start3A_119 = arith.constant 0 : i32
      %dma_start3A_120 = tpu.memref_slice %arg2[%dma_start3A_118, %dma_start3A_119] : memref<3211264x32xf32, #tpu.memory_space<hbm>> -> memref<3211264x32xf32, #tpu.memory_space<hbm>>
      tpu.enqueue_indirect_dma source(%dma_start3A_120 : memref<3211264x32xf32, #tpu.memory_space<hbm>>) target(%dma_start3A_115 : memref<128x32xf32, #tpu.memory_space<vmem>>) offsets(%dma_start3A_117 : memref<128xi32, #tpu.memory_space<vmem>>) semaphore(%arg19 : memref<!tpu.dma_semaphore, #tpu.memory_space<semaphore_mem>>)
      %dma_wait3A = arith.constant 0 : i32
      %dma_wait3A_121 = arith.constant 0 : i32
      %dma_wait3A_122 = tpu.memref_slice %arg13[%dma_wait3A, %dma_wait3A_121] : memref<1024x32xf32, #tpu.memory_space<vmem>> -> memref<128x32xf32, #tpu.memory_space<vmem>>
      %dma_wait3A_123 = arith.constant 0 : i32
      %dma_wait3A_124 = tpu.memref_slice %arg12[%dma_wait3A_123] : memref<1024xi32, #tpu.memory_space<vmem>> -> memref<128xi32, #tpu.memory_space<vmem>>
      %dma_wait3A_125 = arith.constant 0 : i32
      %dma_wait3A_126 = arith.constant 0 : i32
      %dma_wait3A_127 = tpu.memref_slice %arg2[%dma_wait3A_125, %dma_wait3A_126] : memref<3211264x32xf32, #tpu.memory_space<hbm>> -> memref<3211264x32xf32, #tpu.memory_space<hbm>>
      tpu.wait_indirect_dma semaphore(%arg19 : memref<!tpu.dma_semaphore, #tpu.memory_space<semaphore_mem>>) src(%dma_wait3A_127 : memref<3211264x32xf32, #tpu.memory_space<hbm>>) dst(%dma_wait3A_122 : memref<128x32xf32, #tpu.memory_space<vmem>>)
      %dma_wait3A_128 = arith.constant 128 : i32
      %dma_wait3A_129 = arith.constant 0 : i32
      %dma_wait3A_130 = tpu.memref_slice %arg13[%dma_wait3A_128, %dma_wait3A_129] : memref<1024x32xf32, #tpu.memory_space<vmem>> -> memref<128x32xf32, #tpu.memory_space<vmem>>
      %dma_wait3A_131 = arith.constant 128 : i32
      %dma_wait3A_132 = tpu.memref_slice %arg12[%dma_wait3A_131] : memref<1024xi32, #tpu.memory_space<vmem>> -> memref<128xi32, #tpu.memory_space<vmem>>
      %dma_wait3A_133 = arith.constant 0 : i32
      %dma_wait3A_134 = arith.constant 0 : i32
      %dma_wait3A_135 = tpu.memref_slice %arg2[%dma_wait3A_133, %dma_wait3A_134] : memref<3211264x32xf32, #tpu.memory_space<hbm>> -> memref<3211264x32xf32, #tpu.memory_space<hbm>>
      tpu.wait_indirect_dma semaphore(%arg19 : memref<!tpu.dma_semaphore, #tpu.memory_space<semaphore_mem>>) src(%dma_wait3A_135 : memref<3211264x32xf32, #tpu.memory_space<hbm>>) dst(%dma_wait3A_130 : memref<128x32xf32, #tpu.memory_space<vmem>>)
      %dma_wait3A_136 = arith.constant 256 : i32
      %dma_wait3A_137 = arith.constant 0 : i32
      %dma_wait3A_138 = tpu.memref_slice %arg13[%dma_wait3A_136, %dma_wait3A_137] : memref<1024x32xf32, #tpu.memory_space<vmem>> -> memref<128x32xf32, #tpu.memory_space<vmem>>
      %dma_wait3A_139 = arith.constant 256 : i32
      %dma_wait3A_140 = tpu.memref_slice %arg12[%dma_wait3A_139] : memref<1024xi32, #tpu.memory_space<vmem>> -> memref<128xi32, #tpu.memory_space<vmem>>
      %dma_wait3A_141 = arith.constant 0 : i32
      %dma_wait3A_142 = arith.constant 0 : i32
      %dma_wait3A_143 = tpu.memref_slice %arg2[%dma_wait3A_141, %dma_wait3A_142] : memref<3211264x32xf32, #tpu.memory_space<hbm>> -> memref<3211264x32xf32, #tpu.memory_space<hbm>>
      tpu.wait_indirect_dma semaphore(%arg19 : memref<!tpu.dma_semaphore, #tpu.memory_space<semaphore_mem>>) src(%dma_wait3A_143 : memref<3211264x32xf32, #tpu.memory_space<hbm>>) dst(%dma_wait3A_138 : memref<128x32xf32, #tpu.memory_space<vmem>>)
      %dma_wait3A_144 = arith.constant 384 : i32
      %dma_wait3A_145 = arith.constant 0 : i32
      %dma_wait3A_146 = tpu.memref_slice %arg13[%dma_wait3A_144, %dma_wait3A_145] : memref<1024x32xf32, #tpu.memory_space<vmem>> -> memref<128x32xf32, #tpu.memory_space<vmem>>
      %dma_wait3A_147 = arith.constant 384 : i32
      %dma_wait3A_148 = tpu.memref_slice %arg12[%dma_wait3A_147] : memref<1024xi32, #tpu.memory_space<vmem>> -> memref<128xi32, #tpu.memory_space<vmem>>
      %dma_wait3A_149 = arith.constant 0 : i32
      %dma_wait3A_150 = arith.constant 0 : i32
      %dma_wait3A_151 = tpu.memref_slice %arg2[%dma_wait3A_149, %dma_wait3A_150] : memref<3211264x32xf32, #tpu.memory_space<hbm>> -> memref<3211264x32xf32, #tpu.memory_space<hbm>>
      tpu.wait_indirect_dma semaphore(%arg19 : memref<!tpu.dma_semaphore, #tpu.memory_space<semaphore_mem>>) src(%dma_wait3A_151 : memref<3211264x32xf32, #tpu.memory_space<hbm>>) dst(%dma_wait3A_146 : memref<128x32xf32, #tpu.memory_space<vmem>>)
      %dma_wait3A_152 = arith.constant 512 : i32
      %dma_wait3A_153 = arith.constant 0 : i32
      %dma_wait3A_154 = tpu.memref_slice %arg13[%dma_wait3A_152, %dma_wait3A_153] : memref<1024x32xf32, #tpu.memory_space<vmem>> -> memref<128x32xf32, #tpu.memory_space<vmem>>
      %dma_wait3A_155 = arith.constant 512 : i32
      %dma_wait3A_156 = tpu.memref_slice %arg12[%dma_wait3A_155] : memref<1024xi32, #tpu.memory_space<vmem>> -> memref<128xi32, #tpu.memory_space<vmem>>
      %dma_wait3A_157 = arith.constant 0 : i32
      %dma_wait3A_158 = arith.constant 0 : i32
      %dma_wait3A_159 = tpu.memref_slice %arg2[%dma_wait3A_157, %dma_wait3A_158] : memref<3211264x32xf32, #tpu.memory_space<hbm>> -> memref<3211264x32xf32, #tpu.memory_space<hbm>>
      tpu.wait_indirect_dma semaphore(%arg19 : memref<!tpu.dma_semaphore, #tpu.memory_space<semaphore_mem>>) src(%dma_wait3A_159 : memref<3211264x32xf32, #tpu.memory_space<hbm>>) dst(%dma_wait3A_154 : memref<128x32xf32, #tpu.memory_space<vmem>>)
      %dma_wait3A_160 = arith.constant 640 : i32
      %dma_wait3A_161 = arith.constant 0 : i32
      %dma_wait3A_162 = tpu.memref_slice %arg13[%dma_wait3A_160, %dma_wait3A_161] : memref<1024x32xf32, #tpu.memory_space<vmem>> -> memref<128x32xf32, #tpu.memory_space<vmem>>
      %dma_wait3A_163 = arith.constant 640 : i32
      %dma_wait3A_164 = tpu.memref_slice %arg12[%dma_wait3A_163] : memref<1024xi32, #tpu.memory_space<vmem>> -> memref<128xi32, #tpu.memory_space<vmem>>
      %dma_wait3A_165 = arith.constant 0 : i32
      %dma_wait3A_166 = arith.constant 0 : i32
      %dma_wait3A_167 = tpu.memref_slice %arg2[%dma_wait3A_165, %dma_wait3A_166] : memref<3211264x32xf32, #tpu.memory_space<hbm>> -> memref<3211264x32xf32, #tpu.memory_space<hbm>>
      tpu.wait_indirect_dma semaphore(%arg19 : memref<!tpu.dma_semaphore, #tpu.memory_space<semaphore_mem>>) src(%dma_wait3A_167 : memref<3211264x32xf32, #tpu.memory_space<hbm>>) dst(%dma_wait3A_162 : memref<128x32xf32, #tpu.memory_space<vmem>>)
      %dma_wait3A_168 = arith.constant 768 : i32
      %dma_wait3A_169 = arith.constant 0 : i32
      %dma_wait3A_170 = tpu.memref_slice %arg13[%dma_wait3A_168, %dma_wait3A_169] : memref<1024x32xf32, #tpu.memory_space<vmem>> -> memref<128x32xf32, #tpu.memory_space<vmem>>
      %dma_wait3A_171 = arith.constant 768 : i32
      %dma_wait3A_172 = tpu.memref_slice %arg12[%dma_wait3A_171] : memref<1024xi32, #tpu.memory_space<vmem>> -> memref<128xi32, #tpu.memory_space<vmem>>
      %dma_wait3A_173 = arith.constant 0 : i32
      %dma_wait3A_174 = arith.constant 0 : i32
      %dma_wait3A_175 = tpu.memref_slice %arg2[%dma_wait3A_173, %dma_wait3A_174] : memref<3211264x32xf32, #tpu.memory_space<hbm>> -> memref<3211264x32xf32, #tpu.memory_space<hbm>>
      tpu.wait_indirect_dma semaphore(%arg19 : memref<!tpu.dma_semaphore, #tpu.memory_space<semaphore_mem>>) src(%dma_wait3A_175 : memref<3211264x32xf32, #tpu.memory_space<hbm>>) dst(%dma_wait3A_170 : memref<128x32xf32, #tpu.memory_space<vmem>>)
      %dma_wait3A_176 = arith.constant 896 : i32
      %dma_wait3A_177 = arith.constant 0 : i32
      %dma_wait3A_178 = tpu.memref_slice %arg13[%dma_wait3A_176, %dma_wait3A_177] : memref<1024x32xf32, #tpu.memory_space<vmem>> -> memref<128x32xf32, #tpu.memory_space<vmem>>
      %dma_wait3A_179 = arith.constant 896 : i32
      %dma_wait3A_180 = tpu.memref_slice %arg12[%dma_wait3A_179] : memref<1024xi32, #tpu.memory_space<vmem>> -> memref<128xi32, #tpu.memory_space<vmem>>
      %dma_wait3A_181 = arith.constant 0 : i32
      %dma_wait3A_182 = arith.constant 0 : i32
      %dma_wait3A_183 = tpu.memref_slice %arg2[%dma_wait3A_181, %dma_wait3A_182] : memref<3211264x32xf32, #tpu.memory_space<hbm>> -> memref<3211264x32xf32, #tpu.memory_space<hbm>>
      tpu.wait_indirect_dma semaphore(%arg19 : memref<!tpu.dma_semaphore, #tpu.memory_space<semaphore_mem>>) src(%dma_wait3A_183 : memref<3211264x32xf32, #tpu.memory_space<hbm>>) dst(%dma_wait3A_178 : memref<128x32xf32, #tpu.memory_space<vmem>>)
      %scan3A_184 = arith.constant 0 : i32
      %scan3A_185 = arith.constant 0 : i32
      %scan3A_186 = arith.constant 64 : i32
      %scan3A_187 = arith.addi %scan3A_185, %scan3A_186 : i32
      %scan3A_188 = arith.constant 1 : i32
      %scan3A_189 = scf.for %scan3A_220 = %scan3A_185 to %scan3A_187 step %scan3A_188 iter_args(%scan3A_221 = %scan3A_184) -> (i32)  : i32 {
        %scan3A_222 = arith.constant 0 : i32
        %scan3A_223 = arith.constant 64 : i32
        %scan3A_224 = arith.addi %scan3A_222, %scan3A_223 : i32
        %scan3A_225 = arith.constant 1 : i32
        %scan3A_226:2 = scf.for %scan3A_250 = %scan3A_222 to %scan3A_224 step %scan3A_225 iter_args(%scan3A_251 = %broadcast_in_dim3A_1, %scan3A_252 = %broadcast_in_dim3A_3) -> (vector<16xf32>, vector<16xi32>)  : i32 {
          %get3A = arith.index_cast %scan3A_250 : i32 to index
          %get3A_253 = arith.constant 0 : index
          %get3A_254 = tpu.vector_load %arg11[%get3A, %get3A_253] {strides = array<i32>} : memref<64x16xf32, #tpu.memory_space<vmem>>, vector<16xf32>,
          %gt3A = arith.cmpf ogt, %get3A_254, %scan3A_251 : vector<16xf32>
          %select_n3A = arith.select %gt3A, %get3A_254, %scan3A_251 : vector<16xi1>, vector<16xf32>
          %broadcast_in_dim3A_255 = vector.broadcast %scan3A_250 : i32 to vector<16xi32>
          %select_n3A_256 = arith.select %gt3A, %broadcast_in_dim3A_255, %scan3A_252 : vector<16xi1>, vector<16xi32>
          scf.yield %select_n3A, %select_n3A_256 : vector<16xf32>, vector<16xi32>
        }
        %scan3A_227 = arith.constant 64 : i32
        %mul3A_228 = arith.constant 16 : i32
        %mul3A_229 = vector.broadcast %mul3A_228 : i32 to vector<16xi32>
        %mul3A_230 = arith.muli %scan3A_226#1, %mul3A_229 : vector<16xi32>
        %add3A_231 = arith.addi %mul3A_230, %iota3A : vector<16xi32>
        %scan3A_232 = arith.constant 0 : i32
        %scan3A_233 = arith.constant 32 : i32
        %scan3A_234 = arith.addi %scan3A_232, %scan3A_233 : i32
        %scan3A_235 = arith.constant 1 : i32
        %scan3A_236:3 = scf.for %scan3A_250 = %scan3A_232 to %scan3A_234 step %scan3A_235 iter_args(%scan3A_251 = %broadcast_in_dim3A_1, %scan3A_252 = %broadcast_in_dim3A_1, %scan3A_253 = %broadcast_in_dim3A_3) -> (vector<16xf32>, vector<16xf32>, vector<16xi32>)  : i32 {
          %broadcast_in_dim3A_254 = vector.broadcast %scan3A_250 : i32 to vector<16xi32>
          %gather3A_255 = tpu.vector_load_idx %arg13[%add3A_231, %broadcast_in_dim3A_254] : memref<1024x32xf32, #tpu.memory_space<vmem>>[vector<16xi32>, vector<16xi32>], vector<16xf32>,
          %gt3A = arith.cmpf ogt, %gather3A_255, %scan3A_251 : vector<16xf32>
          %max3A = arith.maximumf %scan3A_252, %gather3A_255 : vector<16xf32>
          %select_n3A = arith.select %gt3A, %scan3A_251, %max3A : vector<16xi1>, vector<16xf32>
          %select_n3A_256 = arith.select %gt3A, %gather3A_255, %scan3A_251 : vector<16xi1>, vector<16xf32>
          %broadcast_in_dim3A_257 = vector.broadcast %scan3A_250 : i32 to vector<16xi32>
          %select_n3A_258 = arith.select %gt3A, %broadcast_in_dim3A_257, %scan3A_253 : vector<16xi1>, vector<16xi32>
          scf.yield %select_n3A_256, %select_n3A, %select_n3A_258 : vector<16xf32>, vector<16xf32>, vector<16xi32>
        }
        %scan3A_237 = arith.constant 32 : i32
        %swap3A = arith.index_cast %scan3A_220 : i32 to index
        %swap3A_238 = arith.constant 0 : index
        %swap3A_239 = tpu.vector_load %arg14[%swap3A, %swap3A_238] {strides = array<i32>} : memref<64x16xf32, #tpu.memory_space<vmem>>, vector<16xf32>,
        tpu.vector_store %arg14[%swap3A, %swap3A_238], %scan3A_236#0 {strides = array<i32>} : memref<64x16xf32, #tpu.memory_space<vmem>>, vector<16xf32>,
        %gather3A = tpu.vector_load_idx %arg10[%scan3A_226#1, %iota3A] : memref<64x16xi32, #tpu.memory_space<vmem>>[vector<16xi32>, vector<16xi32>], vector<16xi32>,
        %mul3A_240 = arith.constant 64 : i32
        %mul3A_241 = vector.broadcast %mul3A_240 : i32 to vector<16xi32>
        %mul3A_242 = arith.muli %iota3A, %mul3A_241 : vector<16xi32>
        %add3A_243 = vector.broadcast %scan3A_220 : i32 to vector<16xi32>
        %add3A_244 = arith.addi %mul3A_242, %add3A_243 : vector<16xi32>
        %mul3A_245 = arith.constant 32 : i32
        %mul3A_246 = vector.broadcast %mul3A_245 : i32 to vector<16xi32>
        %mul3A_247 = arith.muli %gather3A, %mul3A_246 : vector<16xi32>
        %add3A_248 = arith.addi %mul3A_247, %scan3A_236#2 : vector<16xi32>
        tpu.vector_store_idx %arg15[%add3A_244], %add3A_248 : memref<1024xi32, #tpu.memory_space<vmem>>[vector<16xi32>], vector<16xi32>,
        tpu.vector_store_idx %arg13[%add3A_231, %scan3A_236#2], %broadcast_in_dim3A_1 : memref<1024x32xf32, #tpu.memory_space<vmem>>[vector<16xi32>, vector<16xi32>], vector<16xf32>,
        tpu.vector_store_idx %arg11[%scan3A_226#1, %iota3A], %scan3A_236#1 : memref<64x16xf32, #tpu.memory_space<vmem>>[vector<16xi32>, vector<16xi32>], vector<16xf32>,
        %scan3A_249 = arith.constant 0 : i32
        scf.yield %scan3A_249 : i32
      }
      %scan3A_190 = arith.constant 64 : i32
      %scan3A_191 = arith.constant 0 : i32
      %scan3A_192 = arith.constant 64 : i32
      %scan3A_193 = arith.addi %scan3A_191, %scan3A_192 : i32
      %scan3A_194 = arith.constant 1 : i32
      %scan3A_195 = scf.for %scan3A_220 = %scan3A_191 to %scan3A_193 step %scan3A_194 iter_args(%scan3A_221 = %broadcast_in_dim3A_1) -> (vector<16xf32>)  : i32 {
        %get3A = arith.index_cast %scan3A_220 : i32 to index
        %get3A_222 = arith.constant 0 : index
        %get3A_223 = tpu.vector_load %arg14[%get3A, %get3A_222] {strides = array<i32>} : memref<64x16xf32, #tpu.memory_space<vmem>>, vector<16xf32>,
        %max3A = arith.maximumf %scan3A_221, %get3A_223 : vector<16xf32>
        scf.yield %max3A : vector<16xf32>
      }
      %scan3A_196 = arith.constant 64 : i32
      %broadcast_in_dim3A_197 = arith.constant 0.000000e+00 : f32
      %broadcast_in_dim3A_198 = vector.broadcast %broadcast_in_dim3A_197 : f32 to vector<16xf32>
      %scan3A_199 = arith.constant 0 : i32
      %scan3A_200 = arith.constant 64 : i32
      %scan3A_201 = arith.addi %scan3A_199, %scan3A_200 : i32
      %scan3A_202 = arith.constant 1 : i32
      %scan3A_203 = scf.for %scan3A_220 = %scan3A_199 to %scan3A_201 step %scan3A_202 iter_args(%scan3A_221 = %broadcast_in_dim3A_198) -> (vector<16xf32>)  : i32 {
        %get3A = arith.index_cast %scan3A_220 : i32 to index
        %get3A_222 = arith.constant 0 : index
        %get3A_223 = tpu.vector_load %arg14[%get3A, %get3A_222] {strides = array<i32>} : memref<64x16xf32, #tpu.memory_space<vmem>>, vector<16xf32>,
        %sub3A = arith.subf %get3A_223, %scan3A_195 : vector<16xf32>
        %exp3A = math.exp %sub3A : vector<16xf32>
        %swap3A = arith.index_cast %scan3A_220 : i32 to index
        %swap3A_224 = arith.constant 0 : index
        %swap3A_225 = tpu.vector_load %arg14[%swap3A, %swap3A_224] {strides = array<i32>} : memref<64x16xf32, #tpu.memory_space<vmem>>, vector<16xf32>,
        tpu.vector_store %arg14[%swap3A, %swap3A_224], %exp3A {strides = array<i32>} : memref<64x16xf32, #tpu.memory_space<vmem>>, vector<16xf32>,
        %add3A_226 = arith.addf %scan3A_221, %exp3A : vector<16xf32>
        scf.yield %add3A_226 : vector<16xf32>
      }
      %scan3A_204 = arith.constant 64 : i32
      %scan3A_205 = arith.constant 0 : i32
      %scan3A_206 = arith.constant 0 : i32
      %scan3A_207 = arith.constant 64 : i32
      %scan3A_208 = arith.addi %scan3A_206, %scan3A_207 : i32
      %scan3A_209 = arith.constant 1 : i32
      %scan3A_210 = scf.for %scan3A_220 = %scan3A_206 to %scan3A_208 step %scan3A_209 iter_args(%scan3A_221 = %scan3A_205) -> (i32)  : i32 {
        %get3A = arith.index_cast %scan3A_220 : i32 to index
        %get3A_222 = arith.constant 0 : index
        %get3A_223 = tpu.vector_load %arg14[%get3A, %get3A_222] {strides = array<i32>} : memref<64x16xf32, #tpu.memory_space<vmem>>, vector<16xf32>,
        %div3A = arith.divf %get3A_223, %scan3A_203 : vector<16xf32>
        %broadcast_in_dim3A_224 = vector.broadcast %scan3A_220 : i32 to vector<16xi32>
        tpu.vector_store_idx %arg16[%iota3A, %broadcast_in_dim3A_224], %div3A : memref<16x64xf32, #tpu.memory_space<vmem>>[vector<16xi32>, vector<16xi32>], vector<16xf32>,
        %scan3A_225 = arith.constant 0 : i32
        scf.yield %scan3A_225 : i32
      }
      %scan3A_211 = arith.constant 64 : i32
      "tpu.region"() ({
        %run_scoped3A = tpu.sem_alloc : memref<!tpu.dma_semaphore, #tpu.memory_space<semaphore_mem>>
        %dma_start3A_220 = arith.constant 0 : i32
        %dma_start3A_221 = tpu.memref_slice %arg6[%mul3A_23, %dma_start3A_220] : memref<1024x64xf32, #tpu.memory_space<hbm>> -> memref<16x64xf32, #tpu.memory_space<hbm>>
        %dma_start3A_222 = arith.constant 0 : i32
        %dma_start3A_223 = tpu.memref_slice %arg6[%mul3A_23, %dma_start3A_222] : memref<1024x64xf32, #tpu.memory_space<hbm>> -> memref<16x64xf32, #tpu.memory_space<hbm>>
        tpu.enqueue_dma source(%arg16 : memref<16x64xf32, #tpu.memory_space<vmem>>) target(%dma_start3A_223 : memref<16x64xf32, #tpu.memory_space<hbm>>) target_semaphore(%run_scoped3A : memref<!tpu.dma_semaphore, #tpu.memory_space<semaphore_mem>>)
        %dma_wait3A_224 = arith.constant 0 : i32
        %dma_wait3A_225 = tpu.memref_slice %arg6[%mul3A_23, %dma_wait3A_224] : memref<1024x64xf32, #tpu.memory_space<hbm>> -> memref<16x64xf32, #tpu.memory_space<hbm>>
        %dma_wait3A_226 = arith.constant 0 : i32
        %dma_wait3A_227 = tpu.memref_slice %arg6[%mul3A_23, %dma_wait3A_226] : memref<1024x64xf32, #tpu.memory_space<hbm>> -> memref<16x64xf32, #tpu.memory_space<hbm>>
        tpu.wait_dma2 semaphore(%run_scoped3A : memref<!tpu.dma_semaphore, #tpu.memory_space<semaphore_mem>>) src(%arg16 : memref<16x64xf32, #tpu.memory_space<vmem>>) dst(%dma_wait3A_227 : memref<16x64xf32, #tpu.memory_space<hbm>>)
        tpu.yield
      }) : () -> ()
      %scan3A_212 = arith.constant 0 : i32
      %scan3A_213 = arith.constant 0 : i32
      %scan3A_214 = arith.constant 16 : i32
      %scan3A_215 = arith.addi %scan3A_213, %scan3A_214 : i32
      %scan3A_216 = arith.constant 1 : i32
      %scan3A_217 = scf.for %scan3A_220 = %scan3A_213 to %scan3A_215 step %scan3A_216 iter_args(%scan3A_221 = %scan3A_212) -> (i32)  : i32 {
        %broadcast_in_dim3A_222 = arith.constant 0.000000e+00 : f32
        %broadcast_in_dim3A_223 = vector.broadcast %broadcast_in_dim3A_222 : f32 to vector<16xf32>
        %broadcast_in_dim3A_224 = arith.constant 0.000000e+00 : f32
        %broadcast_in_dim3A_225 = vector.broadcast %broadcast_in_dim3A_224 : f32 to vector<16xf32>
        %broadcast_in_dim3A_226 = arith.constant 0.000000e+00 : f32
        %broadcast_in_dim3A_227 = vector.broadcast %broadcast_in_dim3A_226 : f32 to vector<16xf32>
        %broadcast_in_dim3A_228 = arith.constant 0.000000e+00 : f32
        %broadcast_in_dim3A_229 = vector.broadcast %broadcast_in_dim3A_228 : f32 to vector<16xf32>
        %broadcast_in_dim3A_230 = arith.constant 0.000000e+00 : f32
        %broadcast_in_dim3A_231 = vector.broadcast %broadcast_in_dim3A_230 : f32 to vector<16xf32>
        %broadcast_in_dim3A_232 = arith.constant 0.000000e+00 : f32
        %broadcast_in_dim3A_233 = vector.broadcast %broadcast_in_dim3A_232 : f32 to vector<16xf32>
        %broadcast_in_dim3A_234 = arith.constant 0.000000e+00 : f32
        %broadcast_in_dim3A_235 = vector.broadcast %broadcast_in_dim3A_234 : f32 to vector<16xf32>
        %broadcast_in_dim3A_236 = arith.constant 0.000000e+00 : f32
        %broadcast_in_dim3A_237 = vector.broadcast %broadcast_in_dim3A_236 : f32 to vector<16xf32>
        %broadcast_in_dim3A_238 = arith.constant 0.000000e+00 : f32
        %broadcast_in_dim3A_239 = vector.broadcast %broadcast_in_dim3A_238 : f32 to vector<16xf32>
        %broadcast_in_dim3A_240 = arith.constant 0.000000e+00 : f32
        %broadcast_in_dim3A_241 = vector.broadcast %broadcast_in_dim3A_240 : f32 to vector<16xf32>
        %broadcast_in_dim3A_242 = arith.constant 0.000000e+00 : f32
        %broadcast_in_dim3A_243 = vector.broadcast %broadcast_in_dim3A_242 : f32 to vector<16xf32>
        %broadcast_in_dim3A_244 = arith.constant 0.000000e+00 : f32
        %broadcast_in_dim3A_245 = vector.broadcast %broadcast_in_dim3A_244 : f32 to vector<16xf32>
        %broadcast_in_dim3A_246 = arith.constant 0.000000e+00 : f32
        %broadcast_in_dim3A_247 = vector.broadcast %broadcast_in_dim3A_246 : f32 to vector<16xf32>
        %broadcast_in_dim3A_248 = arith.constant 0.000000e+00 : f32
        %broadcast_in_dim3A_249 = vector.broadcast %broadcast_in_dim3A_248 : f32 to vector<16xf32>
        %broadcast_in_dim3A_250 = arith.constant 0.000000e+00 : f32
        %broadcast_in_dim3A_251 = vector.broadcast %broadcast_in_dim3A_250 : f32 to vector<16xf32>
        %broadcast_in_dim3A_252 = arith.constant 0.000000e+00 : f32
        %broadcast_in_dim3A_253 = vector.broadcast %broadcast_in_dim3A_252 : f32 to vector<16xf32>
        %broadcast_in_dim3A_254 = arith.constant 0.000000e+00 : f32
        %broadcast_in_dim3A_255 = vector.broadcast %broadcast_in_dim3A_254 : f32 to vector<16xf32>
        %broadcast_in_dim3A_256 = arith.constant 0.000000e+00 : f32
        %broadcast_in_dim3A_257 = vector.broadcast %broadcast_in_dim3A_256 : f32 to vector<16xf32>
        %broadcast_in_dim3A_258 = arith.constant 0.000000e+00 : f32
        %broadcast_in_dim3A_259 = vector.broadcast %broadcast_in_dim3A_258 : f32 to vector<16xf32>
        %broadcast_in_dim3A_260 = arith.constant 0.000000e+00 : f32
        %broadcast_in_dim3A_261 = vector.broadcast %broadcast_in_dim3A_260 : f32 to vector<16xf32>
        %broadcast_in_dim3A_262 = arith.constant 0.000000e+00 : f32
        %broadcast_in_dim3A_263 = vector.broadcast %broadcast_in_dim3A_262 : f32 to vector<16xf32>
        %broadcast_in_dim3A_264 = arith.constant 0.000000e+00 : f32
        %broadcast_in_dim3A_265 = vector.broadcast %broadcast_in_dim3A_264 : f32 to vector<16xf32>
        %broadcast_in_dim3A_266 = arith.constant 0.000000e+00 : f32
        %broadcast_in_dim3A_267 = vector.broadcast %broadcast_in_dim3A_266 : f32 to vector<16xf32>
        %broadcast_in_dim3A_268 = arith.constant 0.000000e+00 : f32
        %broadcast_in_dim3A_269 = vector.broadcast %broadcast_in_dim3A_268 : f32 to vector<16xf32>
        %broadcast_in_dim3A_270 = arith.constant 0.000000e+00 : f32
        %broadcast_in_dim3A_271 = vector.broadcast %broadcast_in_dim3A_270 : f32 to vector<16xf32>
        %broadcast_in_dim3A_272 = arith.constant 0.000000e+00 : f32
        %broadcast_in_dim3A_273 = vector.broadcast %broadcast_in_dim3A_272 : f32 to vector<16xf32>
        %broadcast_in_dim3A_274 = arith.constant 0.000000e+00 : f32
        %broadcast_in_dim3A_275 = vector.broadcast %broadcast_in_dim3A_274 : f32 to vector<16xf32>
        %broadcast_in_dim3A_276 = arith.constant 0.000000e+00 : f32
        %broadcast_in_dim3A_277 = vector.broadcast %broadcast_in_dim3A_276 : f32 to vector<16xf32>
        %broadcast_in_dim3A_278 = arith.constant 0.000000e+00 : f32
        %broadcast_in_dim3A_279 = vector.broadcast %broadcast_in_dim3A_278 : f32 to vector<16xf32>
        %broadcast_in_dim3A_280 = arith.constant 0.000000e+00 : f32
        %broadcast_in_dim3A_281 = vector.broadcast %broadcast_in_dim3A_280 : f32 to vector<16xf32>
        %broadcast_in_dim3A_282 = arith.constant 0.000000e+00 : f32
        %broadcast_in_dim3A_283 = vector.broadcast %broadcast_in_dim3A_282 : f32 to vector<16xf32>
        %broadcast_in_dim3A_284 = arith.constant 0.000000e+00 : f32
        %broadcast_in_dim3A_285 = vector.broadcast %broadcast_in_dim3A_284 : f32 to vector<16xf32>
        %mul3A_286 = arith.constant 64 : i32
        %mul3A_287 = arith.muli %scan3A_220, %mul3A_286 : i32
        %add3A_288 = arith.constant 0 : i32
        %add3A_289 = arith.addi %mul3A_287, %add3A_288 : i32
        %dma_start3A_290 = tpu.memref_slice %arg15[%add3A_289] : memref<1024xi32, #tpu.memory_space<vmem>> -> memref<32xi32, #tpu.memory_space<vmem>>
        %dma_start3A_291 = arith.constant 0 : i32
        %dma_start3A_292 = arith.constant 0 : i32
        %dma_start3A_293 = tpu.memref_slice %arg4[%dma_start3A_291, %dma_start3A_292] : memref<100000x512xf32, #tpu.memory_space<hbm>> -> memref<100000x512xf32, #tpu.memory_space<hbm>>
        tpu.enqueue_indirect_dma source(%dma_start3A_293 : memref<100000x512xf32, #tpu.memory_space<hbm>>) target(%arg17 : memref<32x512xf32, #tpu.memory_space<vmem>>) offsets(%dma_start3A_290 : memref<32xi32, #tpu.memory_space<vmem>>) semaphore(%arg19 : memref<!tpu.dma_semaphore, #tpu.memory_space<semaphore_mem>>)
        %dma_wait3A_294 = tpu.memref_slice %arg15[%add3A_289] : memref<1024xi32, #tpu.memory_space<vmem>> -> memref<32xi32, #tpu.memory_space<vmem>>
        %dma_wait3A_295 = arith.constant 0 : i32
        %dma_wait3A_296 = arith.constant 0 : i32
        %dma_wait3A_297 = tpu.memref_slice %arg4[%dma_wait3A_295, %dma_wait3A_296] : memref<100000x512xf32, #tpu.memory_space<hbm>> -> memref<100000x512xf32, #tpu.memory_space<hbm>>
        tpu.wait_indirect_dma semaphore(%arg19 : memref<!tpu.dma_semaphore, #tpu.memory_space<semaphore_mem>>) src(%dma_wait3A_297 : memref<100000x512xf32, #tpu.memory_space<hbm>>) dst(%arg17 : memref<32x512xf32, #tpu.memory_space<vmem>>)
        %scan3A_298 = arith.constant 0 : i32
        %scan3A_299 = arith.constant 32 : i32
        %scan3A_300 = arith.addi %scan3A_298, %scan3A_299 : i32
        %scan3A_301 = arith.constant 1 : i32
        %scan3A_302:32 = scf.for %scan3A_451 = %scan3A_298 to %scan3A_300 step %scan3A_301 iter_args(%scan3A_452 = %broadcast_in_dim3A_223, %scan3A_453 = %broadcast_in_dim3A_225, %scan3A_454 = %broadcast_in_dim3A_227, %scan3A_455 = %broadcast_in_dim3A_229, %scan3A_456 = %broadcast_in_dim3A_231, %scan3A_457 = %broadcast_in_dim3A_233, %scan3A_458 = %broadcast_in_dim3A_235, %scan3A_459 = %broadcast_in_dim3A_237, %scan3A_460 = %broadcast_in_dim3A_239, %scan3A_461 = %broadcast_in_dim3A_241, %scan3A_462 = %broadcast_in_dim3A_243, %scan3A_463 = %broadcast_in_dim3A_245, %scan3A_464 = %broadcast_in_dim3A_247, %scan3A_465 = %broadcast_in_dim3A_249, %scan3A_466 = %broadcast_in_dim3A_251, %scan3A_467 = %broadcast_in_dim3A_253, %scan3A_468 = %broadcast_in_dim3A_255, %scan3A_469 = %broadcast_in_dim3A_257, %scan3A_470 = %broadcast_in_dim3A_259, %scan3A_471 = %broadcast_in_dim3A_261, %scan3A_472 = %broadcast_in_dim3A_263, %scan3A_473 = %broadcast_in_dim3A_265, %scan3A_474 = %broadcast_in_dim3A_267, %scan3A_475 = %broadcast_in_dim3A_269, %scan3A_476 = %broadcast_in_dim3A_271, %scan3A_477 = %broadcast_in_dim3A_273, %scan3A_478 = %broadcast_in_dim3A_275, %scan3A_479 = %broadcast_in_dim3A_277, %scan3A_480 = %broadcast_in_dim3A_279, %scan3A_481 = %broadcast_in_dim3A_281, %scan3A_482 = %broadcast_in_dim3A_283, %scan3A_483 = %broadcast_in_dim3A_285) -> (vector<16xf32>, vector<16xf32>, vector<16xf32>, vector<16xf32>, vector<16xf32>, vector<16xf32>, vector<16xf32>, vector<16xf32>, vector<16xf32>, vector<16xf32>, vector<16xf32>, vector<16xf32>, vector<16xf32>, vector<16xf32>, vector<16xf32>, vector<16xf32>, vector<16xf32>, vector<16xf32>, vector<16xf32>, vector<16xf32>, vector<16xf32>, vector<16xf32>, vector<16xf32>, vector<16xf32>, vector<16xf32>, vector<16xf32>, vector<16xf32>, vector<16xf32>, vector<16xf32>, vector<16xf32>, vector<16xf32>, vector<16xf32>)  : i32 {
          %broadcast_in_dim3A_484 = vector.broadcast %scan3A_220 : i32 to vector<16xi32>
          %broadcast_in_dim3A_485 = arith.constant 0 : i32
          %broadcast_in_dim3A_486 = vector.broadcast %broadcast_in_dim3A_485 : i32 to vector<16xi32>
          %add3A_487 = vector.broadcast %scan3A_451 : i32 to vector<16xi32>
          %add3A_488 = arith.addi %broadcast_in_dim3A_486, %add3A_487 : vector<16xi32>
          %gather3A = tpu.vector_load_idx %arg16[%broadcast_in_dim3A_484, %add3A_488] : memref<16x64xf32, #tpu.memory_space<vmem>>[vector<16xi32>, vector<16xi32>], vector<16xf32>,
          %get3A = arith.index_cast %scan3A_451 : i32 to index
          %get3A_489 = arith.constant 0 : index
          %get3A_490 = tpu.vector_load %arg17[%get3A, %get3A_489] {strides = array<i32>} : memref<32x512xf32, #tpu.memory_space<vmem>>, vector<16xf32>,
          %mul3A_491 = arith.mulf %gather3A, %get3A_490 : vector<16xf32>
          %add3A_492 = arith.addf %scan3A_452, %mul3A_491 : vector<16xf32>
          %get3A_493 = arith.index_cast %scan3A_451 : i32 to index
          %get3A_494 = arith.constant 16 : index
          %get3A_495 = tpu.vector_load %arg17[%get3A_493, %get3A_494] {strides = array<i32>} : memref<32x512xf32, #tpu.memory_space<vmem>>, vector<16xf32>,
          %mul3A_496 = arith.mulf %gather3A, %get3A_495 : vector<16xf32>
          %add3A_497 = arith.addf %scan3A_453, %mul3A_496 : vector<16xf32>
          %get3A_498 = arith.index_cast %scan3A_451 : i32 to index
          %get3A_499 = arith.constant 32 : index
          %get3A_500 = tpu.vector_load %arg17[%get3A_498, %get3A_499] {strides = array<i32>} : memref<32x512xf32, #tpu.memory_space<vmem>>, vector<16xf32>,
          %mul3A_501 = arith.mulf %gather3A, %get3A_500 : vector<16xf32>
          %add3A_502 = arith.addf %scan3A_454, %mul3A_501 : vector<16xf32>
          %get3A_503 = arith.index_cast %scan3A_451 : i32 to index
          %get3A_504 = arith.constant 48 : index
          %get3A_505 = tpu.vector_load %arg17[%get3A_503, %get3A_504] {strides = array<i32>} : memref<32x512xf32, #tpu.memory_space<vmem>>, vector<16xf32>,
          %mul3A_506 = arith.mulf %gather3A, %get3A_505 : vector<16xf32>
          %add3A_507 = arith.addf %scan3A_455, %mul3A_506 : vector<16xf32>
          %get3A_508 = arith.index_cast %scan3A_451 : i32 to index
          %get3A_509 = arith.constant 64 : index
          %get3A_510 = tpu.vector_load %arg17[%get3A_508, %get3A_509] {strides = array<i32>} : memref<32x512xf32, #tpu.memory_space<vmem>>, vector<16xf32>,
          %mul3A_511 = arith.mulf %gather3A, %get3A_510 : vector<16xf32>
          %add3A_512 = arith.addf %scan3A_456, %mul3A_511 : vector<16xf32>
          %get3A_513 = arith.index_cast %scan3A_451 : i32 to index
          %get3A_514 = arith.constant 80 : index
          %get3A_515 = tpu.vector_load %arg17[%get3A_513, %get3A_514] {strides = array<i32>} : memref<32x512xf32, #tpu.memory_space<vmem>>, vector<16xf32>,
          %mul3A_516 = arith.mulf %gather3A, %get3A_515 : vector<16xf32>
          %add3A_517 = arith.addf %scan3A_457, %mul3A_516 : vector<16xf32>
          %get3A_518 = arith.index_cast %scan3A_451 : i32 to index
          %get3A_519 = arith.constant 96 : index
          %get3A_520 = tpu.vector_load %arg17[%get3A_518, %get3A_519] {strides = array<i32>} : memref<32x512xf32, #tpu.memory_space<vmem>>, vector<16xf32>,
          %mul3A_521 = arith.mulf %gather3A, %get3A_520 : vector<16xf32>
          %add3A_522 = arith.addf %scan3A_458, %mul3A_521 : vector<16xf32>
          %get3A_523 = arith.index_cast %scan3A_451 : i32 to index
          %get3A_524 = arith.constant 112 : index
          %get3A_525 = tpu.vector_load %arg17[%get3A_523, %get3A_524] {strides = array<i32>} : memref<32x512xf32, #tpu.memory_space<vmem>>, vector<16xf32>,
          %mul3A_526 = arith.mulf %gather3A, %get3A_525 : vector<16xf32>
          %add3A_527 = arith.addf %scan3A_459, %mul3A_526 : vector<16xf32>
          %get3A_528 = arith.index_cast %scan3A_451 : i32 to index
          %get3A_529 = arith.constant 128 : index
          %get3A_530 = tpu.vector_load %arg17[%get3A_528, %get3A_529] {strides = array<i32>} : memref<32x512xf32, #tpu.memory_space<vmem>>, vector<16xf32>,
          %mul3A_531 = arith.mulf %gather3A, %get3A_530 : vector<16xf32>
          %add3A_532 = arith.addf %scan3A_460, %mul3A_531 : vector<16xf32>
          %get3A_533 = arith.index_cast %scan3A_451 : i32 to index
          %get3A_534 = arith.constant 144 : index
          %get3A_535 = tpu.vector_load %arg17[%get3A_533, %get3A_534] {strides = array<i32>} : memref<32x512xf32, #tpu.memory_space<vmem>>, vector<16xf32>,
          %mul3A_536 = arith.mulf %gather3A, %get3A_535 : vector<16xf32>
          %add3A_537 = arith.addf %scan3A_461, %mul3A_536 : vector<16xf32>
          %get3A_538 = arith.index_cast %scan3A_451 : i32 to index
          %get3A_539 = arith.constant 160 : index
          %get3A_540 = tpu.vector_load %arg17[%get3A_538, %get3A_539] {strides = array<i32>} : memref<32x512xf32, #tpu.memory_space<vmem>>, vector<16xf32>,
          %mul3A_541 = arith.mulf %gather3A, %get3A_540 : vector<16xf32>
          %add3A_542 = arith.addf %scan3A_462, %mul3A_541 : vector<16xf32>
          %get3A_543 = arith.index_cast %scan3A_451 : i32 to index
          %get3A_544 = arith.constant 176 : index
          %get3A_545 = tpu.vector_load %arg17[%get3A_543, %get3A_544] {strides = array<i32>} : memref<32x512xf32, #tpu.memory_space<vmem>>, vector<16xf32>,
          %mul3A_546 = arith.mulf %gather3A, %get3A_545 : vector<16xf32>
          %add3A_547 = arith.addf %scan3A_463, %mul3A_546 : vector<16xf32>
          %get3A_548 = arith.index_cast %scan3A_451 : i32 to index
          %get3A_549 = arith.constant 192 : index
          %get3A_550 = tpu.vector_load %arg17[%get3A_548, %get3A_549] {strides = array<i32>} : memref<32x512xf32, #tpu.memory_space<vmem>>, vector<16xf32>,
          %mul3A_551 = arith.mulf %gather3A, %get3A_550 : vector<16xf32>
          %add3A_552 = arith.addf %scan3A_464, %mul3A_551 : vector<16xf32>
          %get3A_553 = arith.index_cast %scan3A_451 : i32 to index
          %get3A_554 = arith.constant 208 : index
          %get3A_555 = tpu.vector_load %arg17[%get3A_553, %get3A_554] {strides = array<i32>} : memref<32x512xf32, #tpu.memory_space<vmem>>, vector<16xf32>,
          %mul3A_556 = arith.mulf %gather3A, %get3A_555 : vector<16xf32>
          %add3A_557 = arith.addf %scan3A_465, %mul3A_556 : vector<16xf32>
          %get3A_558 = arith.index_cast %scan3A_451 : i32 to index
          %get3A_559 = arith.constant 224 : index
          %get3A_560 = tpu.vector_load %arg17[%get3A_558, %get3A_559] {strides = array<i32>} : memref<32x512xf32, #tpu.memory_space<vmem>>, vector<16xf32>,
          %mul3A_561 = arith.mulf %gather3A, %get3A_560 : vector<16xf32>
          %add3A_562 = arith.addf %scan3A_466, %mul3A_561 : vector<16xf32>
          %get3A_563 = arith.index_cast %scan3A_451 : i32 to index
          %get3A_564 = arith.constant 240 : index
          %get3A_565 = tpu.vector_load %arg17[%get3A_563, %get3A_564] {strides = array<i32>} : memref<32x512xf32, #tpu.memory_space<vmem>>, vector<16xf32>,
          %mul3A_566 = arith.mulf %gather3A, %get3A_565 : vector<16xf32>
          %add3A_567 = arith.addf %scan3A_467, %mul3A_566 : vector<16xf32>
          %get3A_568 = arith.index_cast %scan3A_451 : i32 to index
          %get3A_569 = arith.constant 256 : index
          %get3A_570 = tpu.vector_load %arg17[%get3A_568, %get3A_569] {strides = array<i32>} : memref<32x512xf32, #tpu.memory_space<vmem>>, vector<16xf32>,
          %mul3A_571 = arith.mulf %gather3A, %get3A_570 : vector<16xf32>
          %add3A_572 = arith.addf %scan3A_468, %mul3A_571 : vector<16xf32>
          %get3A_573 = arith.index_cast %scan3A_451 : i32 to index
          %get3A_574 = arith.constant 272 : index
          %get3A_575 = tpu.vector_load %arg17[%get3A_573, %get3A_574] {strides = array<i32>} : memref<32x512xf32, #tpu.memory_space<vmem>>, vector<16xf32>,
          %mul3A_576 = arith.mulf %gather3A, %get3A_575 : vector<16xf32>
          %add3A_577 = arith.addf %scan3A_469, %mul3A_576 : vector<16xf32>
          %get3A_578 = arith.index_cast %scan3A_451 : i32 to index
          %get3A_579 = arith.constant 288 : index
          %get3A_580 = tpu.vector_load %arg17[%get3A_578, %get3A_579] {strides = array<i32>} : memref<32x512xf32, #tpu.memory_space<vmem>>, vector<16xf32>,
          %mul3A_581 = arith.mulf %gather3A, %get3A_580 : vector<16xf32>
          %add3A_582 = arith.addf %scan3A_470, %mul3A_581 : vector<16xf32>
          %get3A_583 = arith.index_cast %scan3A_451 : i32 to index
          %get3A_584 = arith.constant 304 : index
          %get3A_585 = tpu.vector_load %arg17[%get3A_583, %get3A_584] {strides = array<i32>} : memref<32x512xf32, #tpu.memory_space<vmem>>, vector<16xf32>,
          %mul3A_586 = arith.mulf %gather3A, %get3A_585 : vector<16xf32>
          %add3A_587 = arith.addf %scan3A_471, %mul3A_586 : vector<16xf32>
          %get3A_588 = arith.index_cast %scan3A_451 : i32 to index
          %get3A_589 = arith.constant 320 : index
          %get3A_590 = tpu.vector_load %arg17[%get3A_588, %get3A_589] {strides = array<i32>} : memref<32x512xf32, #tpu.memory_space<vmem>>, vector<16xf32>,
          %mul3A_591 = arith.mulf %gather3A, %get3A_590 : vector<16xf32>
          %add3A_592 = arith.addf %scan3A_472, %mul3A_591 : vector<16xf32>
          %get3A_593 = arith.index_cast %scan3A_451 : i32 to index
          %get3A_594 = arith.constant 336 : index
          %get3A_595 = tpu.vector_load %arg17[%get3A_593, %get3A_594] {strides = array<i32>} : memref<32x512xf32, #tpu.memory_space<vmem>>, vector<16xf32>,
          %mul3A_596 = arith.mulf %gather3A, %get3A_595 : vector<16xf32>
          %add3A_597 = arith.addf %scan3A_473, %mul3A_596 : vector<16xf32>
          %get3A_598 = arith.index_cast %scan3A_451 : i32 to index
          %get3A_599 = arith.constant 352 : index
          %get3A_600 = tpu.vector_load %arg17[%get3A_598, %get3A_599] {strides = array<i32>} : memref<32x512xf32, #tpu.memory_space<vmem>>, vector<16xf32>,
          %mul3A_601 = arith.mulf %gather3A, %get3A_600 : vector<16xf32>
          %add3A_602 = arith.addf %scan3A_474, %mul3A_601 : vector<16xf32>
          %get3A_603 = arith.index_cast %scan3A_451 : i32 to index
          %get3A_604 = arith.constant 368 : index
          %get3A_605 = tpu.vector_load %arg17[%get3A_603, %get3A_604] {strides = array<i32>} : memref<32x512xf32, #tpu.memory_space<vmem>>, vector<16xf32>,
          %mul3A_606 = arith.mulf %gather3A, %get3A_605 : vector<16xf32>
          %add3A_607 = arith.addf %scan3A_475, %mul3A_606 : vector<16xf32>
          %get3A_608 = arith.index_cast %scan3A_451 : i32 to index
          %get3A_609 = arith.constant 384 : index
          %get3A_610 = tpu.vector_load %arg17[%get3A_608, %get3A_609] {strides = array<i32>} : memref<32x512xf32, #tpu.memory_space<vmem>>, vector<16xf32>,
          %mul3A_611 = arith.mulf %gather3A, %get3A_610 : vector<16xf32>
          %add3A_612 = arith.addf %scan3A_476, %mul3A_611 : vector<16xf32>
          %get3A_613 = arith.index_cast %scan3A_451 : i32 to index
          %get3A_614 = arith.constant 400 : index
          %get3A_615 = tpu.vector_load %arg17[%get3A_613, %get3A_614] {strides = array<i32>} : memref<32x512xf32, #tpu.memory_space<vmem>>, vector<16xf32>,
          %mul3A_616 = arith.mulf %gather3A, %get3A_615 : vector<16xf32>
          %add3A_617 = arith.addf %scan3A_477, %mul3A_616 : vector<16xf32>
          %get3A_618 = arith.index_cast %scan3A_451 : i32 to index
          %get3A_619 = arith.constant 416 : index
          %get3A_620 = tpu.vector_load %arg17[%get3A_618, %get3A_619] {strides = array<i32>} : memref<32x512xf32, #tpu.memory_space<vmem>>, vector<16xf32>,
          %mul3A_621 = arith.mulf %gather3A, %get3A_620 : vector<16xf32>
          %add3A_622 = arith.addf %scan3A_478, %mul3A_621 : vector<16xf32>
          %get3A_623 = arith.index_cast %scan3A_451 : i32 to index
          %get3A_624 = arith.constant 432 : index
          %get3A_625 = tpu.vector_load %arg17[%get3A_623, %get3A_624] {strides = array<i32>} : memref<32x512xf32, #tpu.memory_space<vmem>>, vector<16xf32>,
          %mul3A_626 = arith.mulf %gather3A, %get3A_625 : vector<16xf32>
          %add3A_627 = arith.addf %scan3A_479, %mul3A_626 : vector<16xf32>
          %get3A_628 = arith.index_cast %scan3A_451 : i32 to index
          %get3A_629 = arith.constant 448 : index
          %get3A_630 = tpu.vector_load %arg17[%get3A_628, %get3A_629] {strides = array<i32>} : memref<32x512xf32, #tpu.memory_space<vmem>>, vector<16xf32>,
          %mul3A_631 = arith.mulf %gather3A, %get3A_630 : vector<16xf32>
          %add3A_632 = arith.addf %scan3A_480, %mul3A_631 : vector<16xf32>
          %get3A_633 = arith.index_cast %scan3A_451 : i32 to index
          %get3A_634 = arith.constant 464 : index
          %get3A_635 = tpu.vector_load %arg17[%get3A_633, %get3A_634] {strides = array<i32>} : memref<32x512xf32, #tpu.memory_space<vmem>>, vector<16xf32>,
          %mul3A_636 = arith.mulf %gather3A, %get3A_635 : vector<16xf32>
          %add3A_637 = arith.addf %scan3A_481, %mul3A_636 : vector<16xf32>
          %get3A_638 = arith.index_cast %scan3A_451 : i32 to index
          %get3A_639 = arith.constant 480 : index
          %get3A_640 = tpu.vector_load %arg17[%get3A_638, %get3A_639] {strides = array<i32>} : memref<32x512xf32, #tpu.memory_space<vmem>>, vector<16xf32>,
          %mul3A_641 = arith.mulf %gather3A, %get3A_640 : vector<16xf32>
          %add3A_642 = arith.addf %scan3A_482, %mul3A_641 : vector<16xf32>
          %get3A_643 = arith.index_cast %scan3A_451 : i32 to index
          %get3A_644 = arith.constant 496 : index
          %get3A_645 = tpu.vector_load %arg17[%get3A_643, %get3A_644] {strides = array<i32>} : memref<32x512xf32, #tpu.memory_space<vmem>>, vector<16xf32>,
          %mul3A_646 = arith.mulf %gather3A, %get3A_645 : vector<16xf32>
          %add3A_647 = arith.addf %scan3A_483, %mul3A_646 : vector<16xf32>
          scf.yield %add3A_492, %add3A_497, %add3A_502, %add3A_507, %add3A_512, %add3A_517, %add3A_522, %add3A_527, %add3A_532, %add3A_537, %add3A_542, %add3A_547, %add3A_552, %add3A_557, %add3A_562, %add3A_567, %add3A_572, %add3A_577, %add3A_582, %add3A_587, %add3A_592, %add3A_597, %add3A_602, %add3A_607, %add3A_612, %add3A_617, %add3A_622, %add3A_627, %add3A_632, %add3A_637, %add3A_642, %add3A_647 : vector<16xf32>, vector<16xf32>, vector<16xf32>, vector<16xf32>, vector<16xf32>, vector<16xf32>, vector<16xf32>, vector<16xf32>, vector<16xf32>, vector<16xf32>, vector<16xf32>, vector<16xf32>, vector<16xf32>, vector<16xf32>, vector<16xf32>, vector<16xf32>, vector<16xf32>, vector<16xf32>, vector<16xf32>, vector<16xf32>, vector<16xf32>, vector<16xf32>, vector<16xf32>, vector<16xf32>, vector<16xf32>, vector<16xf32>, vector<16xf32>, vector<16xf32>, vector<16xf32>, vector<16xf32>, vector<16xf32>, vector<16xf32>
        }
        %scan3A_303 = arith.constant 32 : i32
        %mul3A_304 = arith.constant 64 : i32
        %mul3A_305 = arith.muli %scan3A_220, %mul3A_304 : i32
        %add3A_306 = arith.constant 32 : i32
        %add3A_307 = arith.addi %mul3A_305, %add3A_306 : i32
        %dma_start3A_308 = tpu.memref_slice %arg15[%add3A_307] : memref<1024xi32, #tpu.memory_space<vmem>> -> memref<32xi32, #tpu.memory_space<vmem>>
        %dma_start3A_309 = arith.constant 0 : i32
        %dma_start3A_310 = arith.constant 0 : i32
        %dma_start3A_311 = tpu.memref_slice %arg4[%dma_start3A_309, %dma_start3A_310] : memref<100000x512xf32, #tpu.memory_space<hbm>> -> memref<100000x512xf32, #tpu.memory_space<hbm>>
        tpu.enqueue_indirect_dma source(%dma_start3A_311 : memref<100000x512xf32, #tpu.memory_space<hbm>>) target(%arg17 : memref<32x512xf32, #tpu.memory_space<vmem>>) offsets(%dma_start3A_308 : memref<32xi32, #tpu.memory_space<vmem>>) semaphore(%arg19 : memref<!tpu.dma_semaphore, #tpu.memory_space<semaphore_mem>>)
        %dma_wait3A_312 = tpu.memref_slice %arg15[%add3A_307] : memref<1024xi32, #tpu.memory_space<vmem>> -> memref<32xi32, #tpu.memory_space<vmem>>
        %dma_wait3A_313 = arith.constant 0 : i32
        %dma_wait3A_314 = arith.constant 0 : i32
        %dma_wait3A_315 = tpu.memref_slice %arg4[%dma_wait3A_313, %dma_wait3A_314] : memref<100000x512xf32, #tpu.memory_space<hbm>> -> memref<100000x512xf32, #tpu.memory_space<hbm>>
        tpu.wait_indirect_dma semaphore(%arg19 : memref<!tpu.dma_semaphore, #tpu.memory_space<semaphore_mem>>) src(%dma_wait3A_315 : memref<100000x512xf32, #tpu.memory_space<hbm>>) dst(%arg17 : memref<32x512xf32, #tpu.memory_space<vmem>>)
        %scan3A_316 = arith.constant 0 : i32
        %scan3A_317 = arith.constant 32 : i32
        %scan3A_318 = arith.addi %scan3A_316, %scan3A_317 : i32
        %scan3A_319 = arith.constant 1 : i32
        %scan3A_320:32 = scf.for %scan3A_451 = %scan3A_316 to %scan3A_318 step %scan3A_319 iter_args(%scan3A_452 = %scan3A_302#0, %scan3A_453 = %scan3A_302#1, %scan3A_454 = %scan3A_302#2, %scan3A_455 = %scan3A_302#3, %scan3A_456 = %scan3A_302#4, %scan3A_457 = %scan3A_302#5, %scan3A_458 = %scan3A_302#6, %scan3A_459 = %scan3A_302#7, %scan3A_460 = %scan3A_302#8, %scan3A_461 = %scan3A_302#9, %scan3A_462 = %scan3A_302#10, %scan3A_463 = %scan3A_302#11, %scan3A_464 = %scan3A_302#12, %scan3A_465 = %scan3A_302#13, %scan3A_466 = %scan3A_302#14, %scan3A_467 = %scan3A_302#15, %scan3A_468 = %scan3A_302#16, %scan3A_469 = %scan3A_302#17, %scan3A_470 = %scan3A_302#18, %scan3A_471 = %scan3A_302#19, %scan3A_472 = %scan3A_302#20, %scan3A_473 = %scan3A_302#21, %scan3A_474 = %scan3A_302#22, %scan3A_475 = %scan3A_302#23, %scan3A_476 = %scan3A_302#24, %scan3A_477 = %scan3A_302#25, %scan3A_478 = %scan3A_302#26, %scan3A_479 = %scan3A_302#27, %scan3A_480 = %scan3A_302#28, %scan3A_481 = %scan3A_302#29, %scan3A_482 = %scan3A_302#30, %scan3A_483 = %scan3A_302#31) -> (vector<16xf32>, vector<16xf32>, vector<16xf32>, vector<16xf32>, vector<16xf32>, vector<16xf32>, vector<16xf32>, vector<16xf32>, vector<16xf32>, vector<16xf32>, vector<16xf32>, vector<16xf32>, vector<16xf32>, vector<16xf32>, vector<16xf32>, vector<16xf32>, vector<16xf32>, vector<16xf32>, vector<16xf32>, vector<16xf32>, vector<16xf32>, vector<16xf32>, vector<16xf32>, vector<16xf32>, vector<16xf32>, vector<16xf32>, vector<16xf32>, vector<16xf32>, vector<16xf32>, vector<16xf32>, vector<16xf32>, vector<16xf32>)  : i32 {
          %broadcast_in_dim3A_484 = vector.broadcast %scan3A_220 : i32 to vector<16xi32>
          %broadcast_in_dim3A_485 = arith.constant 32 : i32
          %broadcast_in_dim3A_486 = vector.broadcast %broadcast_in_dim3A_485 : i32 to vector<16xi32>
          %add3A_487 = vector.broadcast %scan3A_451 : i32 to vector<16xi32>
          %add3A_488 = arith.addi %broadcast_in_dim3A_486, %add3A_487 : vector<16xi32>
          %gather3A = tpu.vector_load_idx %arg16[%broadcast_in_dim3A_484, %add3A_488] : memref<16x64xf32, #tpu.memory_space<vmem>>[vector<16xi32>, vector<16xi32>], vector<16xf32>,
          %get3A = arith.index_cast %scan3A_451 : i32 to index
          %get3A_489 = arith.constant 0 : index
          %get3A_490 = tpu.vector_load %arg17[%get3A, %get3A_489] {strides = array<i32>} : memref<32x512xf32, #tpu.memory_space<vmem>>, vector<16xf32>,
          %mul3A_491 = arith.mulf %gather3A, %get3A_490 : vector<16xf32>
          %add3A_492 = arith.addf %scan3A_452, %mul3A_491 : vector<16xf32>
          %get3A_493 = arith.index_cast %scan3A_451 : i32 to index
          %get3A_494 = arith.constant 16 : index
          %get3A_495 = tpu.vector_load %arg17[%get3A_493, %get3A_494] {strides = array<i32>} : memref<32x512xf32, #tpu.memory_space<vmem>>, vector<16xf32>,
          %mul3A_496 = arith.mulf %gather3A, %get3A_495 : vector<16xf32>
          %add3A_497 = arith.addf %scan3A_453, %mul3A_496 : vector<16xf32>
          %get3A_498 = arith.index_cast %scan3A_451 : i32 to index
          %get3A_499 = arith.constant 32 : index
          %get3A_500 = tpu.vector_load %arg17[%get3A_498, %get3A_499] {strides = array<i32>} : memref<32x512xf32, #tpu.memory_space<vmem>>, vector<16xf32>,
          %mul3A_501 = arith.mulf %gather3A, %get3A_500 : vector<16xf32>
          %add3A_502 = arith.addf %scan3A_454, %mul3A_501 : vector<16xf32>
          %get3A_503 = arith.index_cast %scan3A_451 : i32 to index
          %get3A_504 = arith.constant 48 : index
          %get3A_505 = tpu.vector_load %arg17[%get3A_503, %get3A_504] {strides = array<i32>} : memref<32x512xf32, #tpu.memory_space<vmem>>, vector<16xf32>,
          %mul3A_506 = arith.mulf %gather3A, %get3A_505 : vector<16xf32>
          %add3A_507 = arith.addf %scan3A_455, %mul3A_506 : vector<16xf32>
          %get3A_508 = arith.index_cast %scan3A_451 : i32 to index
          %get3A_509 = arith.constant 64 : index
          %get3A_510 = tpu.vector_load %arg17[%get3A_508, %get3A_509] {strides = array<i32>} : memref<32x512xf32, #tpu.memory_space<vmem>>, vector<16xf32>,
          %mul3A_511 = arith.mulf %gather3A, %get3A_510 : vector<16xf32>
          %add3A_512 = arith.addf %scan3A_456, %mul3A_511 : vector<16xf32>
          %get3A_513 = arith.index_cast %scan3A_451 : i32 to index
          %get3A_514 = arith.constant 80 : index
          %get3A_515 = tpu.vector_load %arg17[%get3A_513, %get3A_514] {strides = array<i32>} : memref<32x512xf32, #tpu.memory_space<vmem>>, vector<16xf32>,
          %mul3A_516 = arith.mulf %gather3A, %get3A_515 : vector<16xf32>
          %add3A_517 = arith.addf %scan3A_457, %mul3A_516 : vector<16xf32>
          %get3A_518 = arith.index_cast %scan3A_451 : i32 to index
          %get3A_519 = arith.constant 96 : index
          %get3A_520 = tpu.vector_load %arg17[%get3A_518, %get3A_519] {strides = array<i32>} : memref<32x512xf32, #tpu.memory_space<vmem>>, vector<16xf32>,
          %mul3A_521 = arith.mulf %gather3A, %get3A_520 : vector<16xf32>
          %add3A_522 = arith.addf %scan3A_458, %mul3A_521 : vector<16xf32>
          %get3A_523 = arith.index_cast %scan3A_451 : i32 to index
          %get3A_524 = arith.constant 112 : index
          %get3A_525 = tpu.vector_load %arg17[%get3A_523, %get3A_524] {strides = array<i32>} : memref<32x512xf32, #tpu.memory_space<vmem>>, vector<16xf32>,
          %mul3A_526 = arith.mulf %gather3A, %get3A_525 : vector<16xf32>
          %add3A_527 = arith.addf %scan3A_459, %mul3A_526 : vector<16xf32>
          %get3A_528 = arith.index_cast %scan3A_451 : i32 to index
          %get3A_529 = arith.constant 128 : index
          %get3A_530 = tpu.vector_load %arg17[%get3A_528, %get3A_529] {strides = array<i32>} : memref<32x512xf32, #tpu.memory_space<vmem>>, vector<16xf32>,
          %mul3A_531 = arith.mulf %gather3A, %get3A_530 : vector<16xf32>
          %add3A_532 = arith.addf %scan3A_460, %mul3A_531 : vector<16xf32>
          %get3A_533 = arith.index_cast %scan3A_451 : i32 to index
          %get3A_534 = arith.constant 144 : index
          %get3A_535 = tpu.vector_load %arg17[%get3A_533, %get3A_534] {strides = array<i32>} : memref<32x512xf32, #tpu.memory_space<vmem>>, vector<16xf32>,
          %mul3A_536 = arith.mulf %gather3A, %get3A_535 : vector<16xf32>
          %add3A_537 = arith.addf %scan3A_461, %mul3A_536 : vector<16xf32>
          %get3A_538 = arith.index_cast %scan3A_451 : i32 to index
          %get3A_539 = arith.constant 160 : index
          %get3A_540 = tpu.vector_load %arg17[%get3A_538, %get3A_539] {strides = array<i32>} : memref<32x512xf32, #tpu.memory_space<vmem>>, vector<16xf32>,
          %mul3A_541 = arith.mulf %gather3A, %get3A_540 : vector<16xf32>
          %add3A_542 = arith.addf %scan3A_462, %mul3A_541 : vector<16xf32>
          %get3A_543 = arith.index_cast %scan3A_451 : i32 to index
          %get3A_544 = arith.constant 176 : index
          %get3A_545 = tpu.vector_load %arg17[%get3A_543, %get3A_544] {strides = array<i32>} : memref<32x512xf32, #tpu.memory_space<vmem>>, vector<16xf32>,
          %mul3A_546 = arith.mulf %gather3A, %get3A_545 : vector<16xf32>
          %add3A_547 = arith.addf %scan3A_463, %mul3A_546 : vector<16xf32>
          %get3A_548 = arith.index_cast %scan3A_451 : i32 to index
          %get3A_549 = arith.constant 192 : index
          %get3A_550 = tpu.vector_load %arg17[%get3A_548, %get3A_549] {strides = array<i32>} : memref<32x512xf32, #tpu.memory_space<vmem>>, vector<16xf32>,
          %mul3A_551 = arith.mulf %gather3A, %get3A_550 : vector<16xf32>
          %add3A_552 = arith.addf %scan3A_464, %mul3A_551 : vector<16xf32>
          %get3A_553 = arith.index_cast %scan3A_451 : i32 to index
          %get3A_554 = arith.constant 208 : index
          %get3A_555 = tpu.vector_load %arg17[%get3A_553, %get3A_554] {strides = array<i32>} : memref<32x512xf32, #tpu.memory_space<vmem>>, vector<16xf32>,
          %mul3A_556 = arith.mulf %gather3A, %get3A_555 : vector<16xf32>
          %add3A_557 = arith.addf %scan3A_465, %mul3A_556 : vector<16xf32>
          %get3A_558 = arith.index_cast %scan3A_451 : i32 to index
          %get3A_559 = arith.constant 224 : index
          %get3A_560 = tpu.vector_load %arg17[%get3A_558, %get3A_559] {strides = array<i32>} : memref<32x512xf32, #tpu.memory_space<vmem>>, vector<16xf32>,
          %mul3A_561 = arith.mulf %gather3A, %get3A_560 : vector<16xf32>
          %add3A_562 = arith.addf %scan3A_466, %mul3A_561 : vector<16xf32>
          %get3A_563 = arith.index_cast %scan3A_451 : i32 to index
          %get3A_564 = arith.constant 240 : index
          %get3A_565 = tpu.vector_load %arg17[%get3A_563, %get3A_564] {strides = array<i32>} : memref<32x512xf32, #tpu.memory_space<vmem>>, vector<16xf32>,
          %mul3A_566 = arith.mulf %gather3A, %get3A_565 : vector<16xf32>
          %add3A_567 = arith.addf %scan3A_467, %mul3A_566 : vector<16xf32>
          %get3A_568 = arith.index_cast %scan3A_451 : i32 to index
          %get3A_569 = arith.constant 256 : index
          %get3A_570 = tpu.vector_load %arg17[%get3A_568, %get3A_569] {strides = array<i32>} : memref<32x512xf32, #tpu.memory_space<vmem>>, vector<16xf32>,
          %mul3A_571 = arith.mulf %gather3A, %get3A_570 : vector<16xf32>
          %add3A_572 = arith.addf %scan3A_468, %mul3A_571 : vector<16xf32>
          %get3A_573 = arith.index_cast %scan3A_451 : i32 to index
          %get3A_574 = arith.constant 272 : index
          %get3A_575 = tpu.vector_load %arg17[%get3A_573, %get3A_574] {strides = array<i32>} : memref<32x512xf32, #tpu.memory_space<vmem>>, vector<16xf32>,
          %mul3A_576 = arith.mulf %gather3A, %get3A_575 : vector<16xf32>
          %add3A_577 = arith.addf %scan3A_469, %mul3A_576 : vector<16xf32>
          %get3A_578 = arith.index_cast %scan3A_451 : i32 to index
          %get3A_579 = arith.constant 288 : index
          %get3A_580 = tpu.vector_load %arg17[%get3A_578, %get3A_579] {strides = array<i32>} : memref<32x512xf32, #tpu.memory_space<vmem>>, vector<16xf32>,
          %mul3A_581 = arith.mulf %gather3A, %get3A_580 : vector<16xf32>
          %add3A_582 = arith.addf %scan3A_470, %mul3A_581 : vector<16xf32>
          %get3A_583 = arith.index_cast %scan3A_451 : i32 to index
          %get3A_584 = arith.constant 304 : index
          %get3A_585 = tpu.vector_load %arg17[%get3A_583, %get3A_584] {strides = array<i32>} : memref<32x512xf32, #tpu.memory_space<vmem>>, vector<16xf32>,
          %mul3A_586 = arith.mulf %gather3A, %get3A_585 : vector<16xf32>
          %add3A_587 = arith.addf %scan3A_471, %mul3A_586 : vector<16xf32>
          %get3A_588 = arith.index_cast %scan3A_451 : i32 to index
          %get3A_589 = arith.constant 320 : index
          %get3A_590 = tpu.vector_load %arg17[%get3A_588, %get3A_589] {strides = array<i32>} : memref<32x512xf32, #tpu.memory_space<vmem>>, vector<16xf32>,
          %mul3A_591 = arith.mulf %gather3A, %get3A_590 : vector<16xf32>
          %add3A_592 = arith.addf %scan3A_472, %mul3A_591 : vector<16xf32>
          %get3A_593 = arith.index_cast %scan3A_451 : i32 to index
          %get3A_594 = arith.constant 336 : index
          %get3A_595 = tpu.vector_load %arg17[%get3A_593, %get3A_594] {strides = array<i32>} : memref<32x512xf32, #tpu.memory_space<vmem>>, vector<16xf32>,
          %mul3A_596 = arith.mulf %gather3A, %get3A_595 : vector<16xf32>
          %add3A_597 = arith.addf %scan3A_473, %mul3A_596 : vector<16xf32>
          %get3A_598 = arith.index_cast %scan3A_451 : i32 to index
          %get3A_599 = arith.constant 352 : index
          %get3A_600 = tpu.vector_load %arg17[%get3A_598, %get3A_599] {strides = array<i32>} : memref<32x512xf32, #tpu.memory_space<vmem>>, vector<16xf32>,
          %mul3A_601 = arith.mulf %gather3A, %get3A_600 : vector<16xf32>
          %add3A_602 = arith.addf %scan3A_474, %mul3A_601 : vector<16xf32>
          %get3A_603 = arith.index_cast %scan3A_451 : i32 to index
          %get3A_604 = arith.constant 368 : index
          %get3A_605 = tpu.vector_load %arg17[%get3A_603, %get3A_604] {strides = array<i32>} : memref<32x512xf32, #tpu.memory_space<vmem>>, vector<16xf32>,
          %mul3A_606 = arith.mulf %gather3A, %get3A_605 : vector<16xf32>
          %add3A_607 = arith.addf %scan3A_475, %mul3A_606 : vector<16xf32>
          %get3A_608 = arith.index_cast %scan3A_451 : i32 to index
          %get3A_609 = arith.constant 384 : index
          %get3A_610 = tpu.vector_load %arg17[%get3A_608, %get3A_609] {strides = array<i32>} : memref<32x512xf32, #tpu.memory_space<vmem>>, vector<16xf32>,
          %mul3A_611 = arith.mulf %gather3A, %get3A_610 : vector<16xf32>
          %add3A_612 = arith.addf %scan3A_476, %mul3A_611 : vector<16xf32>
          %get3A_613 = arith.index_cast %scan3A_451 : i32 to index
          %get3A_614 = arith.constant 400 : index
          %get3A_615 = tpu.vector_load %arg17[%get3A_613, %get3A_614] {strides = array<i32>} : memref<32x512xf32, #tpu.memory_space<vmem>>, vector<16xf32>,
          %mul3A_616 = arith.mulf %gather3A, %get3A_615 : vector<16xf32>
          %add3A_617 = arith.addf %scan3A_477, %mul3A_616 : vector<16xf32>
          %get3A_618 = arith.index_cast %scan3A_451 : i32 to index
          %get3A_619 = arith.constant 416 : index
          %get3A_620 = tpu.vector_load %arg17[%get3A_618, %get3A_619] {strides = array<i32>} : memref<32x512xf32, #tpu.memory_space<vmem>>, vector<16xf32>,
          %mul3A_621 = arith.mulf %gather3A, %get3A_620 : vector<16xf32>
          %add3A_622 = arith.addf %scan3A_478, %mul3A_621 : vector<16xf32>
          %get3A_623 = arith.index_cast %scan3A_451 : i32 to index
          %get3A_624 = arith.constant 432 : index
          %get3A_625 = tpu.vector_load %arg17[%get3A_623, %get3A_624] {strides = array<i32>} : memref<32x512xf32, #tpu.memory_space<vmem>>, vector<16xf32>,
          %mul3A_626 = arith.mulf %gather3A, %get3A_625 : vector<16xf32>
          %add3A_627 = arith.addf %scan3A_479, %mul3A_626 : vector<16xf32>
          %get3A_628 = arith.index_cast %scan3A_451 : i32 to index
          %get3A_629 = arith.constant 448 : index
          %get3A_630 = tpu.vector_load %arg17[%get3A_628, %get3A_629] {strides = array<i32>} : memref<32x512xf32, #tpu.memory_space<vmem>>, vector<16xf32>,
          %mul3A_631 = arith.mulf %gather3A, %get3A_630 : vector<16xf32>
          %add3A_632 = arith.addf %scan3A_480, %mul3A_631 : vector<16xf32>
          %get3A_633 = arith.index_cast %scan3A_451 : i32 to index
          %get3A_634 = arith.constant 464 : index
          %get3A_635 = tpu.vector_load %arg17[%get3A_633, %get3A_634] {strides = array<i32>} : memref<32x512xf32, #tpu.memory_space<vmem>>, vector<16xf32>,
          %mul3A_636 = arith.mulf %gather3A, %get3A_635 : vector<16xf32>
          %add3A_637 = arith.addf %scan3A_481, %mul3A_636 : vector<16xf32>
          %get3A_638 = arith.index_cast %scan3A_451 : i32 to index
          %get3A_639 = arith.constant 480 : index
          %get3A_640 = tpu.vector_load %arg17[%get3A_638, %get3A_639] {strides = array<i32>} : memref<32x512xf32, #tpu.memory_space<vmem>>, vector<16xf32>,
          %mul3A_641 = arith.mulf %gather3A, %get3A_640 : vector<16xf32>
          %add3A_642 = arith.addf %scan3A_482, %mul3A_641 : vector<16xf32>
          %get3A_643 = arith.index_cast %scan3A_451 : i32 to index
          %get3A_644 = arith.constant 496 : index
          %get3A_645 = tpu.vector_load %arg17[%get3A_643, %get3A_644] {strides = array<i32>} : memref<32x512xf32, #tpu.memory_space<vmem>>, vector<16xf32>,
          %mul3A_646 = arith.mulf %gather3A, %get3A_645 : vector<16xf32>
          %add3A_647 = arith.addf %scan3A_483, %mul3A_646 : vector<16xf32>
          scf.yield %add3A_492, %add3A_497, %add3A_502, %add3A_507, %add3A_512, %add3A_517, %add3A_522, %add3A_527, %add3A_532, %add3A_537, %add3A_542, %add3A_547, %add3A_552, %add3A_557, %add3A_562, %add3A_567, %add3A_572, %add3A_577, %add3A_582, %add3A_587, %add3A_592, %add3A_597, %add3A_602, %add3A_607, %add3A_612, %add3A_617, %add3A_622, %add3A_627, %add3A_632, %add3A_637, %add3A_642, %add3A_647 : vector<16xf32>, vector<16xf32>, vector<16xf32>, vector<16xf32>, vector<16xf32>, vector<16xf32>, vector<16xf32>, vector<16xf32>, vector<16xf32>, vector<16xf32>, vector<16xf32>, vector<16xf32>, vector<16xf32>, vector<16xf32>, vector<16xf32>, vector<16xf32>, vector<16xf32>, vector<16xf32>, vector<16xf32>, vector<16xf32>, vector<16xf32>, vector<16xf32>, vector<16xf32>, vector<16xf32>, vector<16xf32>, vector<16xf32>, vector<16xf32>, vector<16xf32>, vector<16xf32>, vector<16xf32>, vector<16xf32>, vector<16xf32>
        }
        %scan3A_321 = arith.constant 32 : i32
        %broadcast_in_dim3A_322 = vector.broadcast %scan3A_220 : i32 to vector<16xi32>
        %add3A_323 = arith.constant 0 : i32
        %add3A_324 = vector.broadcast %add3A_323 : i32 to vector<16xi32>
        %add3A_325 = arith.addi %add3A_324, %iota3A : vector<16xi32>
        tpu.vector_store_idx %arg18[%broadcast_in_dim3A_322, %add3A_325], %scan3A_320#0 : memref<16x512xf32, #tpu.memory_space<vmem>>[vector<16xi32>, vector<16xi32>], vector<16xf32>,
        %broadcast_in_dim3A_326 = vector.broadcast %scan3A_220 : i32 to vector<16xi32>
        %add3A_327 = arith.constant 16 : i32
        %add3A_328 = vector.broadcast %add3A_327 : i32 to vector<16xi32>
        %add3A_329 = arith.addi %add3A_328, %iota3A : vector<16xi32>
        tpu.vector_store_idx %arg18[%broadcast_in_dim3A_326, %add3A_329], %scan3A_320#1 : memref<16x512xf32, #tpu.memory_space<vmem>>[vector<16xi32>, vector<16xi32>], vector<16xf32>,
        %broadcast_in_dim3A_330 = vector.broadcast %scan3A_220 : i32 to vector<16xi32>
        %add3A_331 = arith.constant 32 : i32
        %add3A_332 = vector.broadcast %add3A_331 : i32 to vector<16xi32>
        %add3A_333 = arith.addi %add3A_332, %iota3A : vector<16xi32>
        tpu.vector_store_idx %arg18[%broadcast_in_dim3A_330, %add3A_333], %scan3A_320#2 : memref<16x512xf32, #tpu.memory_space<vmem>>[vector<16xi32>, vector<16xi32>], vector<16xf32>,
        %broadcast_in_dim3A_334 = vector.broadcast %scan3A_220 : i32 to vector<16xi32>
        %add3A_335 = arith.constant 48 : i32
        %add3A_336 = vector.broadcast %add3A_335 : i32 to vector<16xi32>
        %add3A_337 = arith.addi %add3A_336, %iota3A : vector<16xi32>
        tpu.vector_store_idx %arg18[%broadcast_in_dim3A_334, %add3A_337], %scan3A_320#3 : memref<16x512xf32, #tpu.memory_space<vmem>>[vector<16xi32>, vector<16xi32>], vector<16xf32>,
        %broadcast_in_dim3A_338 = vector.broadcast %scan3A_220 : i32 to vector<16xi32>
        %add3A_339 = arith.constant 64 : i32
        %add3A_340 = vector.broadcast %add3A_339 : i32 to vector<16xi32>
        %add3A_341 = arith.addi %add3A_340, %iota3A : vector<16xi32>
        tpu.vector_store_idx %arg18[%broadcast_in_dim3A_338, %add3A_341], %scan3A_320#4 : memref<16x512xf32, #tpu.memory_space<vmem>>[vector<16xi32>, vector<16xi32>], vector<16xf32>,
        %broadcast_in_dim3A_342 = vector.broadcast %scan3A_220 : i32 to vector<16xi32>
        %add3A_343 = arith.constant 80 : i32
        %add3A_344 = vector.broadcast %add3A_343 : i32 to vector<16xi32>
        %add3A_345 = arith.addi %add3A_344, %iota3A : vector<16xi32>
        tpu.vector_store_idx %arg18[%broadcast_in_dim3A_342, %add3A_345], %scan3A_320#5 : memref<16x512xf32, #tpu.memory_space<vmem>>[vector<16xi32>, vector<16xi32>], vector<16xf32>,
        %broadcast_in_dim3A_346 = vector.broadcast %scan3A_220 : i32 to vector<16xi32>
        %add3A_347 = arith.constant 96 : i32
        %add3A_348 = vector.broadcast %add3A_347 : i32 to vector<16xi32>
        %add3A_349 = arith.addi %add3A_348, %iota3A : vector<16xi32>
        tpu.vector_store_idx %arg18[%broadcast_in_dim3A_346, %add3A_349], %scan3A_320#6 : memref<16x512xf32, #tpu.memory_space<vmem>>[vector<16xi32>, vector<16xi32>], vector<16xf32>,
        %broadcast_in_dim3A_350 = vector.broadcast %scan3A_220 : i32 to vector<16xi32>
        %add3A_351 = arith.constant 112 : i32
        %add3A_352 = vector.broadcast %add3A_351 : i32 to vector<16xi32>
        %add3A_353 = arith.addi %add3A_352, %iota3A : vector<16xi32>
        tpu.vector_store_idx %arg18[%broadcast_in_dim3A_350, %add3A_353], %scan3A_320#7 : memref<16x512xf32, #tpu.memory_space<vmem>>[vector<16xi32>, vector<16xi32>], vector<16xf32>,
        %broadcast_in_dim3A_354 = vector.broadcast %scan3A_220 : i32 to vector<16xi32>
        %add3A_355 = arith.constant 128 : i32
        %add3A_356 = vector.broadcast %add3A_355 : i32 to vector<16xi32>
        %add3A_357 = arith.addi %add3A_356, %iota3A : vector<16xi32>
        tpu.vector_store_idx %arg18[%broadcast_in_dim3A_354, %add3A_357], %scan3A_320#8 : memref<16x512xf32, #tpu.memory_space<vmem>>[vector<16xi32>, vector<16xi32>], vector<16xf32>,
        %broadcast_in_dim3A_358 = vector.broadcast %scan3A_220 : i32 to vector<16xi32>
        %add3A_359 = arith.constant 144 : i32
        %add3A_360 = vector.broadcast %add3A_359 : i32 to vector<16xi32>
        %add3A_361 = arith.addi %add3A_360, %iota3A : vector<16xi32>
        tpu.vector_store_idx %arg18[%broadcast_in_dim3A_358, %add3A_361], %scan3A_320#9 : memref<16x512xf32, #tpu.memory_space<vmem>>[vector<16xi32>, vector<16xi32>], vector<16xf32>,
        %broadcast_in_dim3A_362 = vector.broadcast %scan3A_220 : i32 to vector<16xi32>
        %add3A_363 = arith.constant 160 : i32
        %add3A_364 = vector.broadcast %add3A_363 : i32 to vector<16xi32>
        %add3A_365 = arith.addi %add3A_364, %iota3A : vector<16xi32>
        tpu.vector_store_idx %arg18[%broadcast_in_dim3A_362, %add3A_365], %scan3A_320#10 : memref<16x512xf32, #tpu.memory_space<vmem>>[vector<16xi32>, vector<16xi32>], vector<16xf32>,
        %broadcast_in_dim3A_366 = vector.broadcast %scan3A_220 : i32 to vector<16xi32>
        %add3A_367 = arith.constant 176 : i32
        %add3A_368 = vector.broadcast %add3A_367 : i32 to vector<16xi32>
        %add3A_369 = arith.addi %add3A_368, %iota3A : vector<16xi32>
        tpu.vector_store_idx %arg18[%broadcast_in_dim3A_366, %add3A_369], %scan3A_320#11 : memref<16x512xf32, #tpu.memory_space<vmem>>[vector<16xi32>, vector<16xi32>], vector<16xf32>,
        %broadcast_in_dim3A_370 = vector.broadcast %scan3A_220 : i32 to vector<16xi32>
        %add3A_371 = arith.constant 192 : i32
        %add3A_372 = vector.broadcast %add3A_371 : i32 to vector<16xi32>
        %add3A_373 = arith.addi %add3A_372, %iota3A : vector<16xi32>
        tpu.vector_store_idx %arg18[%broadcast_in_dim3A_370, %add3A_373], %scan3A_320#12 : memref<16x512xf32, #tpu.memory_space<vmem>>[vector<16xi32>, vector<16xi32>], vector<16xf32>,
        %broadcast_in_dim3A_374 = vector.broadcast %scan3A_220 : i32 to vector<16xi32>
        %add3A_375 = arith.constant 208 : i32
        %add3A_376 = vector.broadcast %add3A_375 : i32 to vector<16xi32>
        %add3A_377 = arith.addi %add3A_376, %iota3A : vector<16xi32>
        tpu.vector_store_idx %arg18[%broadcast_in_dim3A_374, %add3A_377], %scan3A_320#13 : memref<16x512xf32, #tpu.memory_space<vmem>>[vector<16xi32>, vector<16xi32>], vector<16xf32>,
        %broadcast_in_dim3A_378 = vector.broadcast %scan3A_220 : i32 to vector<16xi32>
        %add3A_379 = arith.constant 224 : i32
        %add3A_380 = vector.broadcast %add3A_379 : i32 to vector<16xi32>
        %add3A_381 = arith.addi %add3A_380, %iota3A : vector<16xi32>
        tpu.vector_store_idx %arg18[%broadcast_in_dim3A_378, %add3A_381], %scan3A_320#14 : memref<16x512xf32, #tpu.memory_space<vmem>>[vector<16xi32>, vector<16xi32>], vector<16xf32>,
        %broadcast_in_dim3A_382 = vector.broadcast %scan3A_220 : i32 to vector<16xi32>
        %add3A_383 = arith.constant 240 : i32
        %add3A_384 = vector.broadcast %add3A_383 : i32 to vector<16xi32>
        %add3A_385 = arith.addi %add3A_384, %iota3A : vector<16xi32>
        tpu.vector_store_idx %arg18[%broadcast_in_dim3A_382, %add3A_385], %scan3A_320#15 : memref<16x512xf32, #tpu.memory_space<vmem>>[vector<16xi32>, vector<16xi32>], vector<16xf32>,
        %broadcast_in_dim3A_386 = vector.broadcast %scan3A_220 : i32 to vector<16xi32>
        %add3A_387 = arith.constant 256 : i32
        %add3A_388 = vector.broadcast %add3A_387 : i32 to vector<16xi32>
        %add3A_389 = arith.addi %add3A_388, %iota3A : vector<16xi32>
        tpu.vector_store_idx %arg18[%broadcast_in_dim3A_386, %add3A_389], %scan3A_320#16 : memref<16x512xf32, #tpu.memory_space<vmem>>[vector<16xi32>, vector<16xi32>], vector<16xf32>,
        %broadcast_in_dim3A_390 = vector.broadcast %scan3A_220 : i32 to vector<16xi32>
        %add3A_391 = arith.constant 272 : i32
        %add3A_392 = vector.broadcast %add3A_391 : i32 to vector<16xi32>
        %add3A_393 = arith.addi %add3A_392, %iota3A : vector<16xi32>
        tpu.vector_store_idx %arg18[%broadcast_in_dim3A_390, %add3A_393], %scan3A_320#17 : memref<16x512xf32, #tpu.memory_space<vmem>>[vector<16xi32>, vector<16xi32>], vector<16xf32>,
        %broadcast_in_dim3A_394 = vector.broadcast %scan3A_220 : i32 to vector<16xi32>
        %add3A_395 = arith.constant 288 : i32
        %add3A_396 = vector.broadcast %add3A_395 : i32 to vector<16xi32>
        %add3A_397 = arith.addi %add3A_396, %iota3A : vector<16xi32>
        tpu.vector_store_idx %arg18[%broadcast_in_dim3A_394, %add3A_397], %scan3A_320#18 : memref<16x512xf32, #tpu.memory_space<vmem>>[vector<16xi32>, vector<16xi32>], vector<16xf32>,
        %broadcast_in_dim3A_398 = vector.broadcast %scan3A_220 : i32 to vector<16xi32>
        %add3A_399 = arith.constant 304 : i32
        %add3A_400 = vector.broadcast %add3A_399 : i32 to vector<16xi32>
        %add3A_401 = arith.addi %add3A_400, %iota3A : vector<16xi32>
        tpu.vector_store_idx %arg18[%broadcast_in_dim3A_398, %add3A_401], %scan3A_320#19 : memref<16x512xf32, #tpu.memory_space<vmem>>[vector<16xi32>, vector<16xi32>], vector<16xf32>,
        %broadcast_in_dim3A_402 = vector.broadcast %scan3A_220 : i32 to vector<16xi32>
        %add3A_403 = arith.constant 320 : i32
        %add3A_404 = vector.broadcast %add3A_403 : i32 to vector<16xi32>
        %add3A_405 = arith.addi %add3A_404, %iota3A : vector<16xi32>
        tpu.vector_store_idx %arg18[%broadcast_in_dim3A_402, %add3A_405], %scan3A_320#20 : memref<16x512xf32, #tpu.memory_space<vmem>>[vector<16xi32>, vector<16xi32>], vector<16xf32>,
        %broadcast_in_dim3A_406 = vector.broadcast %scan3A_220 : i32 to vector<16xi32>
        %add3A_407 = arith.constant 336 : i32
        %add3A_408 = vector.broadcast %add3A_407 : i32 to vector<16xi32>
        %add3A_409 = arith.addi %add3A_408, %iota3A : vector<16xi32>
        tpu.vector_store_idx %arg18[%broadcast_in_dim3A_406, %add3A_409], %scan3A_320#21 : memref<16x512xf32, #tpu.memory_space<vmem>>[vector<16xi32>, vector<16xi32>], vector<16xf32>,
        %broadcast_in_dim3A_410 = vector.broadcast %scan3A_220 : i32 to vector<16xi32>
        %add3A_411 = arith.constant 352 : i32
        %add3A_412 = vector.broadcast %add3A_411 : i32 to vector<16xi32>
        %add3A_413 = arith.addi %add3A_412, %iota3A : vector<16xi32>
        tpu.vector_store_idx %arg18[%broadcast_in_dim3A_410, %add3A_413], %scan3A_320#22 : memref<16x512xf32, #tpu.memory_space<vmem>>[vector<16xi32>, vector<16xi32>], vector<16xf32>,
        %broadcast_in_dim3A_414 = vector.broadcast %scan3A_220 : i32 to vector<16xi32>
        %add3A_415 = arith.constant 368 : i32
        %add3A_416 = vector.broadcast %add3A_415 : i32 to vector<16xi32>
        %add3A_417 = arith.addi %add3A_416, %iota3A : vector<16xi32>
        tpu.vector_store_idx %arg18[%broadcast_in_dim3A_414, %add3A_417], %scan3A_320#23 : memref<16x512xf32, #tpu.memory_space<vmem>>[vector<16xi32>, vector<16xi32>], vector<16xf32>,
        %broadcast_in_dim3A_418 = vector.broadcast %scan3A_220 : i32 to vector<16xi32>
        %add3A_419 = arith.constant 384 : i32
        %add3A_420 = vector.broadcast %add3A_419 : i32 to vector<16xi32>
        %add3A_421 = arith.addi %add3A_420, %iota3A : vector<16xi32>
        tpu.vector_store_idx %arg18[%broadcast_in_dim3A_418, %add3A_421], %scan3A_320#24 : memref<16x512xf32, #tpu.memory_space<vmem>>[vector<16xi32>, vector<16xi32>], vector<16xf32>,
        %broadcast_in_dim3A_422 = vector.broadcast %scan3A_220 : i32 to vector<16xi32>
        %add3A_423 = arith.constant 400 : i32
        %add3A_424 = vector.broadcast %add3A_423 : i32 to vector<16xi32>
        %add3A_425 = arith.addi %add3A_424, %iota3A : vector<16xi32>
        tpu.vector_store_idx %arg18[%broadcast_in_dim3A_422, %add3A_425], %scan3A_320#25 : memref<16x512xf32, #tpu.memory_space<vmem>>[vector<16xi32>, vector<16xi32>], vector<16xf32>,
        %broadcast_in_dim3A_426 = vector.broadcast %scan3A_220 : i32 to vector<16xi32>
        %add3A_427 = arith.constant 416 : i32
        %add3A_428 = vector.broadcast %add3A_427 : i32 to vector<16xi32>
        %add3A_429 = arith.addi %add3A_428, %iota3A : vector<16xi32>
        tpu.vector_store_idx %arg18[%broadcast_in_dim3A_426, %add3A_429], %scan3A_320#26 : memref<16x512xf32, #tpu.memory_space<vmem>>[vector<16xi32>, vector<16xi32>], vector<16xf32>,
        %broadcast_in_dim3A_430 = vector.broadcast %scan3A_220 : i32 to vector<16xi32>
        %add3A_431 = arith.constant 432 : i32
        %add3A_432 = vector.broadcast %add3A_431 : i32 to vector<16xi32>
        %add3A_433 = arith.addi %add3A_432, %iota3A : vector<16xi32>
        tpu.vector_store_idx %arg18[%broadcast_in_dim3A_430, %add3A_433], %scan3A_320#27 : memref<16x512xf32, #tpu.memory_space<vmem>>[vector<16xi32>, vector<16xi32>], vector<16xf32>,
        %broadcast_in_dim3A_434 = vector.broadcast %scan3A_220 : i32 to vector<16xi32>
        %add3A_435 = arith.constant 448 : i32
        %add3A_436 = vector.broadcast %add3A_435 : i32 to vector<16xi32>
        %add3A_437 = arith.addi %add3A_436, %iota3A : vector<16xi32>
        tpu.vector_store_idx %arg18[%broadcast_in_dim3A_434, %add3A_437], %scan3A_320#28 : memref<16x512xf32, #tpu.memory_space<vmem>>[vector<16xi32>, vector<16xi32>], vector<16xf32>,
        %broadcast_in_dim3A_438 = vector.broadcast %scan3A_220 : i32 to vector<16xi32>
        %add3A_439 = arith.constant 464 : i32
        %add3A_440 = vector.broadcast %add3A_439 : i32 to vector<16xi32>
        %add3A_441 = arith.addi %add3A_440, %iota3A : vector<16xi32>
        tpu.vector_store_idx %arg18[%broadcast_in_dim3A_438, %add3A_441], %scan3A_320#29 : memref<16x512xf32, #tpu.memory_space<vmem>>[vector<16xi32>, vector<16xi32>], vector<16xf32>,
        %broadcast_in_dim3A_442 = vector.broadcast %scan3A_220 : i32 to vector<16xi32>
        %add3A_443 = arith.constant 480 : i32
        %add3A_444 = vector.broadcast %add3A_443 : i32 to vector<16xi32>
        %add3A_445 = arith.addi %add3A_444, %iota3A : vector<16xi32>
        tpu.vector_store_idx %arg18[%broadcast_in_dim3A_442, %add3A_445], %scan3A_320#30 : memref<16x512xf32, #tpu.memory_space<vmem>>[vector<16xi32>, vector<16xi32>], vector<16xf32>,
        %broadcast_in_dim3A_446 = vector.broadcast %scan3A_220 : i32 to vector<16xi32>
        %add3A_447 = arith.constant 496 : i32
        %add3A_448 = vector.broadcast %add3A_447 : i32 to vector<16xi32>
        %add3A_449 = arith.addi %add3A_448, %iota3A : vector<16xi32>
        tpu.vector_store_idx %arg18[%broadcast_in_dim3A_446, %add3A_449], %scan3A_320#31 : memref<16x512xf32, #tpu.memory_space<vmem>>[vector<16xi32>, vector<16xi32>], vector<16xf32>,
        %scan3A_450 = arith.constant 0 : i32
        scf.yield %scan3A_450 : i32
      }
      %scan3A_218 = arith.constant 16 : i32
      "tpu.region"() ({
        %run_scoped3A = tpu.sem_alloc : memref<!tpu.dma_semaphore, #tpu.memory_space<semaphore_mem>>
        %dma_start3A_220 = arith.constant 0 : i32
        %dma_start3A_221 = tpu.memref_slice %arg5[%mul3A_23, %dma_start3A_220] : memref<1024x512xf32, #tpu.memory_space<hbm>> -> memref<16x512xf32, #tpu.memory_space<hbm>>
        %dma_start3A_222 = arith.constant 0 : i32
        %dma_start3A_223 = tpu.memref_slice %arg5[%mul3A_23, %dma_start3A_222] : memref<1024x512xf32, #tpu.memory_space<hbm>> -> memref<16x512xf32, #tpu.memory_space<hbm>>
        tpu.enqueue_dma source(%arg18 : memref<16x512xf32, #tpu.memory_space<vmem>>) target(%dma_start3A_223 : memref<16x512xf32, #tpu.memory_space<hbm>>) target_semaphore(%run_scoped3A : memref<!tpu.dma_semaphore, #tpu.memory_space<semaphore_mem>>)
        %dma_wait3A_224 = arith.constant 0 : i32
        %dma_wait3A_225 = tpu.memref_slice %arg5[%mul3A_23, %dma_wait3A_224] : memref<1024x512xf32, #tpu.memory_space<hbm>> -> memref<16x512xf32, #tpu.memory_space<hbm>>
        %dma_wait3A_226 = arith.constant 0 : i32
        %dma_wait3A_227 = tpu.memref_slice %arg5[%mul3A_23, %dma_wait3A_226] : memref<1024x512xf32, #tpu.memory_space<hbm>> -> memref<16x512xf32, #tpu.memory_space<hbm>>
        tpu.wait_dma2 semaphore(%run_scoped3A : memref<!tpu.dma_semaphore, #tpu.memory_space<semaphore_mem>>) src(%arg18 : memref<16x512xf32, #tpu.memory_space<vmem>>) dst(%dma_wait3A_227 : memref<16x512xf32, #tpu.memory_space<hbm>>)
        tpu.yield
      }) : () -> ()
      %while3A_219 = arith.constant 0 : i32
      scf.yield %while3A_219 : i32
    }
    %while3A_18 = arith.constant 1 : i32
    %while3A_19 = scf.for %while3A_20 = %while3A_15 to %while3A_11 step %while3A_18 iter_args(%while3A_21 = %while3A_17) -> (i32)  : i32 {
      %mul3A_22 = arith.constant 16 : i32
      %mul3A_23 = arith.muli %while3A_20, %mul3A_22 : i32
      "tpu.region"() ({
        %run_scoped3A = tpu.sem_alloc : memref<!tpu.dma_semaphore, #tpu.memory_space<semaphore_mem>>
        %dma_start3A_220 = arith.constant 0 : i32
        %dma_start3A_221 = arith.constant 0 : i32
        %dma_start3A_222 = tpu.memref_slice %arg3[%while3A_20, %dma_start3A_220, %dma_start3A_221] : memref<64x3136x16xf32, #tpu.memory_space<hbm>> -> memref<1x3136x16xf32, #tpu.memory_space<hbm>>
        %dma_start3A_223 = tpu.memref_squeeze %dma_start3A_222 : memref<1x3136x16xf32, #tpu.memory_space<hbm>> -> memref<3136x16xf32, #tpu.memory_space<hbm>>
        %dma_start3A_224 = arith.constant 0 : i32
        %dma_start3A_225 = arith.constant 0 : i32
        %dma_start3A_226 = tpu.memref_slice %arg3[%while3A_20, %dma_start3A_224, %dma_start3A_225] : memref<64x3136x16xf32, #tpu.memory_space<hbm>> -> memref<1x3136x16xf32, #tpu.memory_space<hbm>>
        %dma_start3A_227 = tpu.memref_squeeze %dma_start3A_226 : memref<1x3136x16xf32, #tpu.memory_space<hbm>> -> memref<3136x16xf32, #tpu.memory_space<hbm>>
        tpu.enqueue_dma source(%dma_start3A_227 : memref<3136x16xf32, #tpu.memory_space<hbm>>) target(%arg7 : memref<3136x16xf32, #tpu.memory_space<vmem>>) target_semaphore(%run_scoped3A : memref<!tpu.dma_semaphore, #tpu.memory_space<semaphore_mem>>)
        %dma_wait3A_228 = arith.constant 0 : i32
        %dma_wait3A_229 = arith.constant 0 : i32
        %dma_wait3A_230 = tpu.memref_slice %arg3[%while3A_20, %dma_wait3A_228, %dma_wait3A_229] : memref<64x3136x16xf32, #tpu.memory_space<hbm>> -> memref<1x3136x16xf32, #tpu.memory_space<hbm>>
        %dma_wait3A_231 = tpu.memref_squeeze %dma_wait3A_230 : memref<1x3136x16xf32, #tpu.memory_space<hbm>> -> memref<3136x16xf32, #tpu.memory_space<hbm>>
        %dma_wait3A_232 = arith.constant 0 : i32
        %dma_wait3A_233 = arith.constant 0 : i32
        %dma_wait3A_234 = tpu.memref_slice %arg3[%while3A_20, %dma_wait3A_232, %dma_wait3A_233] : memref<64x3136x16xf32, #tpu.memory_space<hbm>> -> memref<1x3136x16xf32, #tpu.memory_space<hbm>>
        %dma_wait3A_235 = tpu.memref_squeeze %dma_wait3A_234 : memref<1x3136x16xf32, #tpu.memory_space<hbm>> -> memref<3136x16xf32, #tpu.memory_space<hbm>>
        tpu.wait_dma2 semaphore(%run_scoped3A : memref<!tpu.dma_semaphore, #tpu.memory_space<semaphore_mem>>) src(%dma_wait3A_235 : memref<3136x16xf32, #tpu.memory_space<hbm>>) dst(%arg7 : memref<3136x16xf32, #tpu.memory_space<vmem>>)
        tpu.yield
      }) : () -> ()
      %scan3A = arith.constant 0 : i32
      %scan3A_24 = arith.constant 196 : i32
      %scan3A_25 = arith.constant 12 : i32
      %scan3A_26 = arith.addi %scan3A_24, %scan3A_25 : i32
      %scan3A_27 = arith.constant 1 : i32
      %scan3A_28 = scf.for %scan3A_220 = %scan3A_24 to %scan3A_26 step %scan3A_27 iter_args(%scan3A_221 = %scan3A) -> (i32)  : i32 {
        %swap3A = arith.index_cast %scan3A_220 : i32 to index
        %swap3A_222 = arith.constant 0 : index
        %swap3A_223 = tpu.vector_load %arg8[%swap3A, %swap3A_222] {strides = array<i32>} : memref<208x16xf32, #tpu.memory_space<vmem>>, vector<16xf32>,
        tpu.vector_store %arg8[%swap3A, %swap3A_222], %broadcast_in_dim3A_1 {strides = array<i32>} : memref<208x16xf32, #tpu.memory_space<vmem>>, vector<16xf32>,
        %scan3A_224 = arith.constant 0 : i32
        scf.yield %scan3A_224 : i32
      }
      %scan3A_29 = arith.constant 12 : i32
      %scan3A_30 = arith.constant 0 : i32
      %scan3A_31 = arith.constant 0 : i32
      %scan3A_32 = arith.constant 196 : i32
      %scan3A_33 = arith.addi %scan3A_31, %scan3A_32 : i32
      %scan3A_34 = arith.constant 1 : i32
      %scan3A_35 = scf.for %scan3A_220 = %scan3A_31 to %scan3A_33 step %scan3A_34 iter_args(%scan3A_221 = %scan3A_30) -> (i32)  : i32 {
        %mul3A_222 = arith.constant 16 : i32
        %mul3A_223 = arith.muli %scan3A_220, %mul3A_222 : i32
        %get3A = arith.index_cast %mul3A_223 : i32 to index
        %get3A_224 = arith.constant 0 : index
        %get3A_225 = tpu.vector_load %arg7[%get3A, %get3A_224] {strides = array<i32>} : memref<3136x16xf32, #tpu.memory_space<vmem>>, vector<16xf32>,
        %mul3A_226 = arith.constant 16 : i32
        %mul3A_227 = arith.muli %scan3A_220, %mul3A_226 : i32
        %add3A_228 = arith.constant 1 : i32
        %add3A_229 = arith.addi %mul3A_227, %add3A_228 : i32
        %get3A_230 = arith.index_cast %add3A_229 : i32 to index
        %get3A_231 = arith.constant 0 : index
        %get3A_232 = tpu.vector_load %arg7[%get3A_230, %get3A_231] {strides = array<i32>} : memref<3136x16xf32, #tpu.memory_space<vmem>>, vector<16xf32>,
        %max3A = arith.maximumf %get3A_225, %get3A_232 : vector<16xf32>
        %mul3A_233 = arith.constant 16 : i32
        %mul3A_234 = arith.muli %scan3A_220, %mul3A_233 : i32
        %add3A_235 = arith.constant 2 : i32
        %add3A_236 = arith.addi %mul3A_234, %add3A_235 : i32
        %get3A_237 = arith.index_cast %add3A_236 : i32 to index
        %get3A_238 = arith.constant 0 : index
        %get3A_239 = tpu.vector_load %arg7[%get3A_237, %get3A_238] {strides = array<i32>} : memref<3136x16xf32, #tpu.memory_space<vmem>>, vector<16xf32>,
        %max3A_240 = arith.maximumf %max3A, %get3A_239 : vector<16xf32>
        %mul3A_241 = arith.constant 16 : i32
        %mul3A_242 = arith.muli %scan3A_220, %mul3A_241 : i32
        %add3A_243 = arith.constant 3 : i32
        %add3A_244 = arith.addi %mul3A_242, %add3A_243 : i32
        %get3A_245 = arith.index_cast %add3A_244 : i32 to index
        %get3A_246 = arith.constant 0 : index
        %get3A_247 = tpu.vector_load %arg7[%get3A_245, %get3A_246] {strides = array<i32>} : memref<3136x16xf32, #tpu.memory_space<vmem>>, vector<16xf32>,
        %max3A_248 = arith.maximumf %max3A_240, %get3A_247 : vector<16xf32>
        %mul3A_249 = arith.constant 16 : i32
        %mul3A_250 = arith.muli %scan3A_220, %mul3A_249 : i32
        %add3A_251 = arith.constant 4 : i32
        %add3A_252 = arith.addi %mul3A_250, %add3A_251 : i32
        %get3A_253 = arith.index_cast %add3A_252 : i32 to index
        %get3A_254 = arith.constant 0 : index
        %get3A_255 = tpu.vector_load %arg7[%get3A_253, %get3A_254] {strides = array<i32>} : memref<3136x16xf32, #tpu.memory_space<vmem>>, vector<16xf32>,
        %max3A_256 = arith.maximumf %max3A_248, %get3A_255 : vector<16xf32>
        %mul3A_257 = arith.constant 16 : i32
        %mul3A_258 = arith.muli %scan3A_220, %mul3A_257 : i32
        %add3A_259 = arith.constant 5 : i32
        %add3A_260 = arith.addi %mul3A_258, %add3A_259 : i32
        %get3A_261 = arith.index_cast %add3A_260 : i32 to index
        %get3A_262 = arith.constant 0 : index
        %get3A_263 = tpu.vector_load %arg7[%get3A_261, %get3A_262] {strides = array<i32>} : memref<3136x16xf32, #tpu.memory_space<vmem>>, vector<16xf32>,
        %max3A_264 = arith.maximumf %max3A_256, %get3A_263 : vector<16xf32>
        %mul3A_265 = arith.constant 16 : i32
        %mul3A_266 = arith.muli %scan3A_220, %mul3A_265 : i32
        %add3A_267 = arith.constant 6 : i32
        %add3A_268 = arith.addi %mul3A_266, %add3A_267 : i32
        %get3A_269 = arith.index_cast %add3A_268 : i32 to index
        %get3A_270 = arith.constant 0 : index
        %get3A_271 = tpu.vector_load %arg7[%get3A_269, %get3A_270] {strides = array<i32>} : memref<3136x16xf32, #tpu.memory_space<vmem>>, vector<16xf32>,
        %max3A_272 = arith.maximumf %max3A_264, %get3A_271 : vector<16xf32>
        %mul3A_273 = arith.constant 16 : i32
        %mul3A_274 = arith.muli %scan3A_220, %mul3A_273 : i32
        %add3A_275 = arith.constant 7 : i32
        %add3A_276 = arith.addi %mul3A_274, %add3A_275 : i32
        %get3A_277 = arith.index_cast %add3A_276 : i32 to index
        %get3A_278 = arith.constant 0 : index
        %get3A_279 = tpu.vector_load %arg7[%get3A_277, %get3A_278] {strides = array<i32>} : memref<3136x16xf32, #tpu.memory_space<vmem>>, vector<16xf32>,
        %max3A_280 = arith.maximumf %max3A_272, %get3A_279 : vector<16xf32>
        %mul3A_281 = arith.constant 16 : i32
        %mul3A_282 = arith.muli %scan3A_220, %mul3A_281 : i32
        %add3A_283 = arith.constant 8 : i32
        %add3A_284 = arith.addi %mul3A_282, %add3A_283 : i32
        %get3A_285 = arith.index_cast %add3A_284 : i32 to index
        %get3A_286 = arith.constant 0 : index
        %get3A_287 = tpu.vector_load %arg7[%get3A_285, %get3A_286] {strides = array<i32>} : memref<3136x16xf32, #tpu.memory_space<vmem>>, vector<16xf32>,
        %max3A_288 = arith.maximumf %max3A_280, %get3A_287 : vector<16xf32>
        %mul3A_289 = arith.constant 16 : i32
        %mul3A_290 = arith.muli %scan3A_220, %mul3A_289 : i32
        %add3A_291 = arith.constant 9 : i32
        %add3A_292 = arith.addi %mul3A_290, %add3A_291 : i32
        %get3A_293 = arith.index_cast %add3A_292 : i32 to index
        %get3A_294 = arith.constant 0 : index
        %get3A_295 = tpu.vector_load %arg7[%get3A_293, %get3A_294] {strides = array<i32>} : memref<3136x16xf32, #tpu.memory_space<vmem>>, vector<16xf32>,
        %max3A_296 = arith.maximumf %max3A_288, %get3A_295 : vector<16xf32>
        %mul3A_297 = arith.constant 16 : i32
        %mul3A_298 = arith.muli %scan3A_220, %mul3A_297 : i32
        %add3A_299 = arith.constant 10 : i32
        %add3A_300 = arith.addi %mul3A_298, %add3A_299 : i32
        %get3A_301 = arith.index_cast %add3A_300 : i32 to index
        %get3A_302 = arith.constant 0 : index
        %get3A_303 = tpu.vector_load %arg7[%get3A_301, %get3A_302] {strides = array<i32>} : memref<3136x16xf32, #tpu.memory_space<vmem>>, vector<16xf32>,
        %max3A_304 = arith.maximumf %max3A_296, %get3A_303 : vector<16xf32>
        %mul3A_305 = arith.constant 16 : i32
        %mul3A_306 = arith.muli %scan3A_220, %mul3A_305 : i32
        %add3A_307 = arith.constant 11 : i32
        %add3A_308 = arith.addi %mul3A_306, %add3A_307 : i32
        %get3A_309 = arith.index_cast %add3A_308 : i32 to index
        %get3A_310 = arith.constant 0 : index
        %get3A_311 = tpu.vector_load %arg7[%get3A_309, %get3A_310] {strides = array<i32>} : memref<3136x16xf32, #tpu.memory_space<vmem>>, vector<16xf32>,
        %max3A_312 = arith.maximumf %max3A_304, %get3A_311 : vector<16xf32>
        %mul3A_313 = arith.constant 16 : i32
        %mul3A_314 = arith.muli %scan3A_220, %mul3A_313 : i32
        %add3A_315 = arith.constant 12 : i32
        %add3A_316 = arith.addi %mul3A_314, %add3A_315 : i32
        %get3A_317 = arith.index_cast %add3A_316 : i32 to index
        %get3A_318 = arith.constant 0 : index
        %get3A_319 = tpu.vector_load %arg7[%get3A_317, %get3A_318] {strides = array<i32>} : memref<3136x16xf32, #tpu.memory_space<vmem>>, vector<16xf32>,
        %max3A_320 = arith.maximumf %max3A_312, %get3A_319 : vector<16xf32>
        %mul3A_321 = arith.constant 16 : i32
        %mul3A_322 = arith.muli %scan3A_220, %mul3A_321 : i32
        %add3A_323 = arith.constant 13 : i32
        %add3A_324 = arith.addi %mul3A_322, %add3A_323 : i32
        %get3A_325 = arith.index_cast %add3A_324 : i32 to index
        %get3A_326 = arith.constant 0 : index
        %get3A_327 = tpu.vector_load %arg7[%get3A_325, %get3A_326] {strides = array<i32>} : memref<3136x16xf32, #tpu.memory_space<vmem>>, vector<16xf32>,
        %max3A_328 = arith.maximumf %max3A_320, %get3A_327 : vector<16xf32>
        %mul3A_329 = arith.constant 16 : i32
        %mul3A_330 = arith.muli %scan3A_220, %mul3A_329 : i32
        %add3A_331 = arith.constant 14 : i32
        %add3A_332 = arith.addi %mul3A_330, %add3A_331 : i32
        %get3A_333 = arith.index_cast %add3A_332 : i32 to index
        %get3A_334 = arith.constant 0 : index
        %get3A_335 = tpu.vector_load %arg7[%get3A_333, %get3A_334] {strides = array<i32>} : memref<3136x16xf32, #tpu.memory_space<vmem>>, vector<16xf32>,
        %max3A_336 = arith.maximumf %max3A_328, %get3A_335 : vector<16xf32>
        %mul3A_337 = arith.constant 16 : i32
        %mul3A_338 = arith.muli %scan3A_220, %mul3A_337 : i32
        %add3A_339 = arith.constant 15 : i32
        %add3A_340 = arith.addi %mul3A_338, %add3A_339 : i32
        %get3A_341 = arith.index_cast %add3A_340 : i32 to index
        %get3A_342 = arith.constant 0 : index
        %get3A_343 = tpu.vector_load %arg7[%get3A_341, %get3A_342] {strides = array<i32>} : memref<3136x16xf32, #tpu.memory_space<vmem>>, vector<16xf32>,
        %max3A_344 = arith.maximumf %max3A_336, %get3A_343 : vector<16xf32>
        %swap3A = arith.index_cast %scan3A_220 : i32 to index
        %swap3A_345 = arith.constant 0 : index
        %swap3A_346 = tpu.vector_load %arg8[%swap3A, %swap3A_345] {strides = array<i32>} : memref<208x16xf32, #tpu.memory_space<vmem>>, vector<16xf32>,
        tpu.vector_store %arg8[%swap3A, %swap3A_345], %max3A_344 {strides = array<i32>} : memref<208x16xf32, #tpu.memory_space<vmem>>, vector<16xf32>,
        %scan3A_347 = arith.constant 0 : i32
        scf.yield %scan3A_347 : i32
      }
      %scan3A_36 = arith.constant 196 : i32
      %scan3A_37 = arith.constant 0 : i32
      %scan3A_38 = arith.constant 0 : i32
      %scan3A_39 = arith.constant 13 : i32
      %scan3A_40 = arith.addi %scan3A_38, %scan3A_39 : i32
      %scan3A_41 = arith.constant 1 : i32
      %scan3A_42 = scf.for %scan3A_220 = %scan3A_38 to %scan3A_40 step %scan3A_41 iter_args(%scan3A_221 = %scan3A_37) -> (i32)  : i32 {
        %mul3A_222 = arith.constant 16 : i32
        %mul3A_223 = arith.muli %scan3A_220, %mul3A_222 : i32
        %get3A = arith.index_cast %mul3A_223 : i32 to index
        %get3A_224 = arith.constant 0 : index
        %get3A_225 = tpu.vector_load %arg8[%get3A, %get3A_224] {strides = array<i32>} : memref<208x16xf32, #tpu.memory_space<vmem>>, vector<16xf32>,
        %mul3A_226 = arith.constant 16 : i32
        %mul3A_227 = arith.muli %scan3A_220, %mul3A_226 : i32
        %add3A_228 = arith.constant 1 : i32
        %add3A_229 = arith.addi %mul3A_227, %add3A_228 : i32
        %get3A_230 = arith.index_cast %add3A_229 : i32 to index
        %get3A_231 = arith.constant 0 : index
        %get3A_232 = tpu.vector_load %arg8[%get3A_230, %get3A_231] {strides = array<i32>} : memref<208x16xf32, #tpu.memory_space<vmem>>, vector<16xf32>,
        %max3A = arith.maximumf %get3A_225, %get3A_232 : vector<16xf32>
        %mul3A_233 = arith.constant 16 : i32
        %mul3A_234 = arith.muli %scan3A_220, %mul3A_233 : i32
        %add3A_235 = arith.constant 2 : i32
        %add3A_236 = arith.addi %mul3A_234, %add3A_235 : i32
        %get3A_237 = arith.index_cast %add3A_236 : i32 to index
        %get3A_238 = arith.constant 0 : index
        %get3A_239 = tpu.vector_load %arg8[%get3A_237, %get3A_238] {strides = array<i32>} : memref<208x16xf32, #tpu.memory_space<vmem>>, vector<16xf32>,
        %max3A_240 = arith.maximumf %max3A, %get3A_239 : vector<16xf32>
        %mul3A_241 = arith.constant 16 : i32
        %mul3A_242 = arith.muli %scan3A_220, %mul3A_241 : i32
        %add3A_243 = arith.constant 3 : i32
        %add3A_244 = arith.addi %mul3A_242, %add3A_243 : i32
        %get3A_245 = arith.index_cast %add3A_244 : i32 to index
        %get3A_246 = arith.constant 0 : index
        %get3A_247 = tpu.vector_load %arg8[%get3A_245, %get3A_246] {strides = array<i32>} : memref<208x16xf32, #tpu.memory_space<vmem>>, vector<16xf32>,
        %max3A_248 = arith.maximumf %max3A_240, %get3A_247 : vector<16xf32>
        %mul3A_249 = arith.constant 16 : i32
        %mul3A_250 = arith.muli %scan3A_220, %mul3A_249 : i32
        %add3A_251 = arith.constant 4 : i32
        %add3A_252 = arith.addi %mul3A_250, %add3A_251 : i32
        %get3A_253 = arith.index_cast %add3A_252 : i32 to index
        %get3A_254 = arith.constant 0 : index
        %get3A_255 = tpu.vector_load %arg8[%get3A_253, %get3A_254] {strides = array<i32>} : memref<208x16xf32, #tpu.memory_space<vmem>>, vector<16xf32>,
        %max3A_256 = arith.maximumf %max3A_248, %get3A_255 : vector<16xf32>
        %mul3A_257 = arith.constant 16 : i32
        %mul3A_258 = arith.muli %scan3A_220, %mul3A_257 : i32
        %add3A_259 = arith.constant 5 : i32
        %add3A_260 = arith.addi %mul3A_258, %add3A_259 : i32
        %get3A_261 = arith.index_cast %add3A_260 : i32 to index
        %get3A_262 = arith.constant 0 : index
        %get3A_263 = tpu.vector_load %arg8[%get3A_261, %get3A_262] {strides = array<i32>} : memref<208x16xf32, #tpu.memory_space<vmem>>, vector<16xf32>,
        %max3A_264 = arith.maximumf %max3A_256, %get3A_263 : vector<16xf32>
        %mul3A_265 = arith.constant 16 : i32
        %mul3A_266 = arith.muli %scan3A_220, %mul3A_265 : i32
        %add3A_267 = arith.constant 6 : i32
        %add3A_268 = arith.addi %mul3A_266, %add3A_267 : i32
        %get3A_269 = arith.index_cast %add3A_268 : i32 to index
        %get3A_270 = arith.constant 0 : index
        %get3A_271 = tpu.vector_load %arg8[%get3A_269, %get3A_270] {strides = array<i32>} : memref<208x16xf32, #tpu.memory_space<vmem>>, vector<16xf32>,
        %max3A_272 = arith.maximumf %max3A_264, %get3A_271 : vector<16xf32>
        %mul3A_273 = arith.constant 16 : i32
        %mul3A_274 = arith.muli %scan3A_220, %mul3A_273 : i32
        %add3A_275 = arith.constant 7 : i32
        %add3A_276 = arith.addi %mul3A_274, %add3A_275 : i32
        %get3A_277 = arith.index_cast %add3A_276 : i32 to index
        %get3A_278 = arith.constant 0 : index
        %get3A_279 = tpu.vector_load %arg8[%get3A_277, %get3A_278] {strides = array<i32>} : memref<208x16xf32, #tpu.memory_space<vmem>>, vector<16xf32>,
        %max3A_280 = arith.maximumf %max3A_272, %get3A_279 : vector<16xf32>
        %mul3A_281 = arith.constant 16 : i32
        %mul3A_282 = arith.muli %scan3A_220, %mul3A_281 : i32
        %add3A_283 = arith.constant 8 : i32
        %add3A_284 = arith.addi %mul3A_282, %add3A_283 : i32
        %get3A_285 = arith.index_cast %add3A_284 : i32 to index
        %get3A_286 = arith.constant 0 : index
        %get3A_287 = tpu.vector_load %arg8[%get3A_285, %get3A_286] {strides = array<i32>} : memref<208x16xf32, #tpu.memory_space<vmem>>, vector<16xf32>,
        %max3A_288 = arith.maximumf %max3A_280, %get3A_287 : vector<16xf32>
        %mul3A_289 = arith.constant 16 : i32
        %mul3A_290 = arith.muli %scan3A_220, %mul3A_289 : i32
        %add3A_291 = arith.constant 9 : i32
        %add3A_292 = arith.addi %mul3A_290, %add3A_291 : i32
        %get3A_293 = arith.index_cast %add3A_292 : i32 to index
        %get3A_294 = arith.constant 0 : index
        %get3A_295 = tpu.vector_load %arg8[%get3A_293, %get3A_294] {strides = array<i32>} : memref<208x16xf32, #tpu.memory_space<vmem>>, vector<16xf32>,
        %max3A_296 = arith.maximumf %max3A_288, %get3A_295 : vector<16xf32>
        %mul3A_297 = arith.constant 16 : i32
        %mul3A_298 = arith.muli %scan3A_220, %mul3A_297 : i32
        %add3A_299 = arith.constant 10 : i32
        %add3A_300 = arith.addi %mul3A_298, %add3A_299 : i32
        %get3A_301 = arith.index_cast %add3A_300 : i32 to index
        %get3A_302 = arith.constant 0 : index
        %get3A_303 = tpu.vector_load %arg8[%get3A_301, %get3A_302] {strides = array<i32>} : memref<208x16xf32, #tpu.memory_space<vmem>>, vector<16xf32>,
        %max3A_304 = arith.maximumf %max3A_296, %get3A_303 : vector<16xf32>
        %mul3A_305 = arith.constant 16 : i32
        %mul3A_306 = arith.muli %scan3A_220, %mul3A_305 : i32
        %add3A_307 = arith.constant 11 : i32
        %add3A_308 = arith.addi %mul3A_306, %add3A_307 : i32
        %get3A_309 = arith.index_cast %add3A_308 : i32 to index
        %get3A_310 = arith.constant 0 : index
        %get3A_311 = tpu.vector_load %arg8[%get3A_309, %get3A_310] {strides = array<i32>} : memref<208x16xf32, #tpu.memory_space<vmem>>, vector<16xf32>,
        %max3A_312 = arith.maximumf %max3A_304, %get3A_311 : vector<16xf32>
        %mul3A_313 = arith.constant 16 : i32
        %mul3A_314 = arith.muli %scan3A_220, %mul3A_313 : i32
        %add3A_315 = arith.constant 12 : i32
        %add3A_316 = arith.addi %mul3A_314, %add3A_315 : i32
        %get3A_317 = arith.index_cast %add3A_316 : i32 to index
        %get3A_318 = arith.constant 0 : index
        %get3A_319 = tpu.vector_load %arg8[%get3A_317, %get3A_318] {strides = array<i32>} : memref<208x16xf32, #tpu.memory_space<vmem>>, vector<16xf32>,
        %max3A_320 = arith.maximumf %max3A_312, %get3A_319 : vector<16xf32>
        %mul3A_321 = arith.constant 16 : i32
        %mul3A_322 = arith.muli %scan3A_220, %mul3A_321 : i32
        %add3A_323 = arith.constant 13 : i32
        %add3A_324 = arith.addi %mul3A_322, %add3A_323 : i32
        %get3A_325 = arith.index_cast %add3A_324 : i32 to index
        %get3A_326 = arith.constant 0 : index
        %get3A_327 = tpu.vector_load %arg8[%get3A_325, %get3A_326] {strides = array<i32>} : memref<208x16xf32, #tpu.memory_space<vmem>>, vector<16xf32>,
        %max3A_328 = arith.maximumf %max3A_320, %get3A_327 : vector<16xf32>
        %mul3A_329 = arith.constant 16 : i32
        %mul3A_330 = arith.muli %scan3A_220, %mul3A_329 : i32
        %add3A_331 = arith.constant 14 : i32
        %add3A_332 = arith.addi %mul3A_330, %add3A_331 : i32
        %get3A_333 = arith.index_cast %add3A_332 : i32 to index
        %get3A_334 = arith.constant 0 : index
        %get3A_335 = tpu.vector_load %arg8[%get3A_333, %get3A_334] {strides = array<i32>} : memref<208x16xf32, #tpu.memory_space<vmem>>, vector<16xf32>,
        %max3A_336 = arith.maximumf %max3A_328, %get3A_335 : vector<16xf32>
        %mul3A_337 = arith.constant 16 : i32
        %mul3A_338 = arith.muli %scan3A_220, %mul3A_337 : i32
        %add3A_339 = arith.constant 15 : i32
        %add3A_340 = arith.addi %mul3A_338, %add3A_339 : i32
        %get3A_341 = arith.index_cast %add3A_340 : i32 to index
        %get3A_342 = arith.constant 0 : index
        %get3A_343 = tpu.vector_load %arg8[%get3A_341, %get3A_342] {strides = array<i32>} : memref<208x16xf32, #tpu.memory_space<vmem>>, vector<16xf32>,
        %max3A_344 = arith.maximumf %max3A_336, %get3A_343 : vector<16xf32>
        %swap3A = arith.index_cast %scan3A_220 : i32 to index
        %swap3A_345 = arith.constant 0 : index
        %swap3A_346 = tpu.vector_load %arg9[%swap3A, %swap3A_345] {strides = array<i32>} : memref<13x16xf32, #tpu.memory_space<vmem>>, vector<16xf32>,
        tpu.vector_store %arg9[%swap3A, %swap3A_345], %max3A_344 {strides = array<i32>} : memref<13x16xf32, #tpu.memory_space<vmem>>, vector<16xf32>,
        %scan3A_347 = arith.constant 0 : i32
        scf.yield %scan3A_347 : i32
      }
      %scan3A_43 = arith.constant 13 : i32
      %scan3A_44 = arith.constant 0 : i32
      %scan3A_45 = arith.constant 0 : i32
      %scan3A_46 = arith.constant 64 : i32
      %scan3A_47 = arith.addi %scan3A_45, %scan3A_46 : i32
      %scan3A_48 = arith.constant 1 : i32
      %scan3A_49 = scf.for %scan3A_220 = %scan3A_45 to %scan3A_47 step %scan3A_48 iter_args(%scan3A_221 = %scan3A_44) -> (i32)  : i32 {
        %scan3A_222 = arith.constant 0 : i32
        %scan3A_223 = arith.constant 13 : i32
        %scan3A_224 = arith.addi %scan3A_222, %scan3A_223 : i32
        %scan3A_225 = arith.constant 1 : i32
        %scan3A_226:2 = scf.for %scan3A_265 = %scan3A_222 to %scan3A_224 step %scan3A_225 iter_args(%scan3A_266 = %broadcast_in_dim3A_1, %scan3A_267 = %broadcast_in_dim3A_3) -> (vector<16xf32>, vector<16xi32>)  : i32 {
          %get3A = arith.index_cast %scan3A_265 : i32 to index
          %get3A_268 = arith.constant 0 : index
          %get3A_269 = tpu.vector_load %arg9[%get3A, %get3A_268] {strides = array<i32>} : memref<13x16xf32, #tpu.memory_space<vmem>>, vector<16xf32>,
          %gt3A = arith.cmpf ogt, %get3A_269, %scan3A_266 : vector<16xf32>
          %select_n3A = arith.select %gt3A, %get3A_269, %scan3A_266 : vector<16xi1>, vector<16xf32>
          %broadcast_in_dim3A_270 = vector.broadcast %scan3A_265 : i32 to vector<16xi32>
          %select_n3A_271 = arith.select %gt3A, %broadcast_in_dim3A_270, %scan3A_267 : vector<16xi1>, vector<16xi32>
          scf.yield %select_n3A, %select_n3A_271 : vector<16xf32>, vector<16xi32>
        }
        %scan3A_227 = arith.constant 13 : i32
        %scan3A_228 = arith.constant 0 : i32
        %scan3A_229 = arith.constant 16 : i32
        %scan3A_230 = arith.addi %scan3A_228, %scan3A_229 : i32
        %scan3A_231 = arith.constant 1 : i32
        %scan3A_232:2 = scf.for %scan3A_265 = %scan3A_228 to %scan3A_230 step %scan3A_231 iter_args(%scan3A_266 = %broadcast_in_dim3A_1, %scan3A_267 = %broadcast_in_dim3A_3) -> (vector<16xf32>, vector<16xi32>)  : i32 {
          %mul3A_268 = arith.constant 16 : i32
          %mul3A_269 = vector.broadcast %mul3A_268 : i32 to vector<16xi32>
          %mul3A_270 = arith.muli %scan3A_226#1, %mul3A_269 : vector<16xi32>
          %add3A_271 = vector.broadcast %scan3A_265 : i32 to vector<16xi32>
          %add3A_272 = arith.addi %mul3A_270, %add3A_271 : vector<16xi32>
          %gather3A_273 = tpu.vector_load_idx %arg8[%add3A_272, %iota3A] : memref<208x16xf32, #tpu.memory_space<vmem>>[vector<16xi32>, vector<16xi32>], vector<16xf32>,
          %gt3A = arith.cmpf ogt, %gather3A_273, %scan3A_266 : vector<16xf32>
          %select_n3A = arith.select %gt3A, %gather3A_273, %scan3A_266 : vector<16xi1>, vector<16xf32>
          %select_n3A_274 = arith.select %gt3A, %add3A_272, %scan3A_267 : vector<16xi1>, vector<16xi32>
          scf.yield %select_n3A, %select_n3A_274 : vector<16xf32>, vector<16xi32>
        }
        %scan3A_233 = arith.constant 16 : i32
        %scan3A_234 = arith.constant 0 : i32
        %scan3A_235 = arith.constant 16 : i32
        %scan3A_236 = arith.addi %scan3A_234, %scan3A_235 : i32
        %scan3A_237 = arith.constant 1 : i32
        %scan3A_238:2 = scf.for %scan3A_265 = %scan3A_234 to %scan3A_236 step %scan3A_237 iter_args(%scan3A_266 = %broadcast_in_dim3A_1, %scan3A_267 = %broadcast_in_dim3A_3) -> (vector<16xf32>, vector<16xi32>)  : i32 {
          %mul3A_268 = arith.constant 16 : i32
          %mul3A_269 = vector.broadcast %mul3A_268 : i32 to vector<16xi32>
          %mul3A_270 = arith.muli %scan3A_232#1, %mul3A_269 : vector<16xi32>
          %add3A_271 = vector.broadcast %scan3A_265 : i32 to vector<16xi32>
          %add3A_272 = arith.addi %mul3A_270, %add3A_271 : vector<16xi32>
          %gather3A_273 = tpu.vector_load_idx %arg7[%add3A_272, %iota3A] : memref<3136x16xf32, #tpu.memory_space<vmem>>[vector<16xi32>, vector<16xi32>], vector<16xf32>,
          %gt3A = arith.cmpf ogt, %gather3A_273, %scan3A_266 : vector<16xf32>
          %select_n3A = arith.select %gt3A, %gather3A_273, %scan3A_266 : vector<16xi1>, vector<16xf32>
          %select_n3A_274 = arith.select %gt3A, %add3A_272, %scan3A_267 : vector<16xi1>, vector<16xi32>
          scf.yield %select_n3A, %select_n3A_274 : vector<16xf32>, vector<16xi32>
        }
        %scan3A_239 = arith.constant 16 : i32
        %swap3A = arith.index_cast %scan3A_220 : i32 to index
        %swap3A_240 = arith.constant 0 : index
        %swap3A_241 = tpu.vector_load %arg10[%swap3A, %swap3A_240] {strides = array<i32>} : memref<64x16xi32, #tpu.memory_space<vmem>>, vector<16xi32>,
        tpu.vector_store %arg10[%swap3A, %swap3A_240], %scan3A_238#1 {strides = array<i32>} : memref<64x16xi32, #tpu.memory_space<vmem>>, vector<16xi32>,
        %swap3A_242 = arith.index_cast %scan3A_220 : i32 to index
        %swap3A_243 = arith.constant 0 : index
        %swap3A_244 = tpu.vector_load %arg11[%swap3A_242, %swap3A_243] {strides = array<i32>} : memref<64x16xf32, #tpu.memory_space<vmem>>, vector<16xf32>,
        tpu.vector_store %arg11[%swap3A_242, %swap3A_243], %scan3A_238#0 {strides = array<i32>} : memref<64x16xf32, #tpu.memory_space<vmem>>, vector<16xf32>,
        tpu.vector_store_idx %arg7[%scan3A_238#1, %iota3A], %broadcast_in_dim3A_1 : memref<3136x16xf32, #tpu.memory_space<vmem>>[vector<16xi32>, vector<16xi32>], vector<16xf32>,
        %mul3A_245 = arith.constant 16 : i32
        %mul3A_246 = vector.broadcast %mul3A_245 : i32 to vector<16xi32>
        %mul3A_247 = arith.muli %scan3A_232#1, %mul3A_246 : vector<16xi32>
        %gather3A = tpu.vector_load_idx %arg7[%mul3A_247, %iota3A] : memref<3136x16xf32, #tpu.memory_space<vmem>>[vector<16xi32>, vector<16xi32>], vector<16xf32>,
        %scan3A_248 = arith.constant 1 : i32
        %scan3A_249 = arith.constant 15 : i32
        %scan3A_250 = arith.addi %scan3A_248, %scan3A_249 : i32
        %scan3A_251 = arith.constant 1 : i32
        %scan3A_252 = scf.for %scan3A_265 = %scan3A_248 to %scan3A_250 step %scan3A_251 iter_args(%scan3A_266 = %gather3A) -> (vector<16xf32>)  : i32 {
          %mul3A_267 = arith.constant 16 : i32
          %mul3A_268 = vector.broadcast %mul3A_267 : i32 to vector<16xi32>
          %mul3A_269 = arith.muli %scan3A_232#1, %mul3A_268 : vector<16xi32>
          %add3A_270 = vector.broadcast %scan3A_265 : i32 to vector<16xi32>
          %add3A_271 = arith.addi %mul3A_269, %add3A_270 : vector<16xi32>
          %gather3A_272 = tpu.vector_load_idx %arg7[%add3A_271, %iota3A] : memref<3136x16xf32, #tpu.memory_space<vmem>>[vector<16xi32>, vector<16xi32>], vector<16xf32>,
          %max3A = arith.maximumf %scan3A_266, %gather3A_272 : vector<16xf32>
          scf.yield %max3A : vector<16xf32>
        }
        %scan3A_253 = arith.constant 15 : i32
        tpu.vector_store_idx %arg8[%scan3A_232#1, %iota3A], %scan3A_252 : memref<208x16xf32, #tpu.memory_space<vmem>>[vector<16xi32>, vector<16xi32>], vector<16xf32>,
        %mul3A_254 = arith.constant 16 : i32
        %mul3A_255 = vector.broadcast %mul3A_254 : i32 to vector<16xi32>
        %mul3A_256 = arith.muli %scan3A_226#1, %mul3A_255 : vector<16xi32>
        %gather3A_257 = tpu.vector_load_idx %arg8[%mul3A_256, %iota3A] : memref<208x16xf32, #tpu.memory_space<vmem>>[vector<16xi32>, vector<16xi32>], vector<16xf32>,
        %scan3A_258 = arith.constant 1 : i32
        %scan3A_259 = arith.constant 15 : i32
        %scan3A_260 = arith.addi %scan3A_258, %scan3A_259 : i32
        %scan3A_261 = arith.constant 1 : i32
        %scan3A_262 = scf.for %scan3A_265 = %scan3A_258 to %scan3A_260 step %scan3A_261 iter_args(%scan3A_266 = %gather3A_257) -> (vector<16xf32>)  : i32 {
          %mul3A_267 = arith.constant 16 : i32
          %mul3A_268 = vector.broadcast %mul3A_267 : i32 to vector<16xi32>
          %mul3A_269 = arith.muli %scan3A_226#1, %mul3A_268 : vector<16xi32>
          %add3A_270 = vector.broadcast %scan3A_265 : i32 to vector<16xi32>
          %add3A_271 = arith.addi %mul3A_269, %add3A_270 : vector<16xi32>
          %gather3A_272 = tpu.vector_load_idx %arg8[%add3A_271, %iota3A] : memref<208x16xf32, #tpu.memory_space<vmem>>[vector<16xi32>, vector<16xi32>], vector<16xf32>,
          %max3A = arith.maximumf %scan3A_266, %gather3A_272 : vector<16xf32>
          scf.yield %max3A : vector<16xf32>
        }
        %scan3A_263 = arith.constant 15 : i32
        tpu.vector_store_idx %arg9[%scan3A_226#1, %iota3A], %scan3A_262 : memref<13x16xf32, #tpu.memory_space<vmem>>[vector<16xi32>, vector<16xi32>], vector<16xf32>,
        %scan3A_264 = arith.constant 0 : i32
        scf.yield %scan3A_264 : i32
      }
      %scan3A_50 = arith.constant 64 : i32
      %scan3A_51 = arith.constant 0 : i32
      %scan3A_52 = arith.constant 0 : i32
      %scan3A_53 = arith.constant 64 : i32
      %scan3A_54 = arith.addi %scan3A_52, %scan3A_53 : i32
      %scan3A_55 = arith.constant 1 : i32
      %scan3A_56 = scf.for %scan3A_220 = %scan3A_52 to %scan3A_54 step %scan3A_55 iter_args(%scan3A_221 = %scan3A_51) -> (i32)  : i32 {
        %add3A_222 = vector.broadcast %mul3A_23 : i32 to vector<16xi32>
        %add3A_223 = arith.addi %add3A_222, %iota3A : vector<16xi32>
        %mul3A_224 = arith.constant 3136 : i32
        %mul3A_225 = vector.broadcast %mul3A_224 : i32 to vector<16xi32>
        %mul3A_226 = arith.muli %add3A_223, %mul3A_225 : vector<16xi32>
        %get3A = arith.index_cast %scan3A_220 : i32 to index
        %get3A_227 = arith.constant 0 : index
        %get3A_228 = tpu.vector_load %arg10[%get3A, %get3A_227] {strides = array<i32>} : memref<64x16xi32, #tpu.memory_space<vmem>>, vector<16xi32>,
        %add3A_229 = arith.addi %mul3A_226, %get3A_228 : vector<16xi32>
        %mul3A_230 = arith.constant 16 : i32
        %mul3A_231 = arith.muli %scan3A_220, %mul3A_230 : i32
        %add3A_232 = vector.broadcast %mul3A_231 : i32 to vector<16xi32>
        %add3A_233 = arith.addi %add3A_232, %iota3A : vector<16xi32>
        tpu.vector_store_idx %arg12[%add3A_233], %add3A_229 : memref<1024xi32, #tpu.memory_space<vmem>>[vector<16xi32>], vector<16xi32>,
        %scan3A_234 = arith.constant 0 : i32
        scf.yield %scan3A_234 : i32
      }
      %scan3A_57 = arith.constant 64 : i32
      %dma_start3A = arith.constant 0 : i32
      %dma_start3A_58 = arith.constant 0 : i32
      %dma_start3A_59 = tpu.memref_slice %arg13[%dma_start3A, %dma_start3A_58] : memref<1024x32xf32, #tpu.memory_space<vmem>> -> memref<128x32xf32, #tpu.memory_space<vmem>>
      %dma_start3A_60 = arith.constant 0 : i32
      %dma_start3A_61 = tpu.memref_slice %arg12[%dma_start3A_60] : memref<1024xi32, #tpu.memory_space<vmem>> -> memref<128xi32, #tpu.memory_space<vmem>>
      %dma_start3A_62 = arith.constant 0 : i32
      %dma_start3A_63 = arith.constant 0 : i32
      %dma_start3A_64 = tpu.memref_slice %arg2[%dma_start3A_62, %dma_start3A_63] : memref<3211264x32xf32, #tpu.memory_space<hbm>> -> memref<3211264x32xf32, #tpu.memory_space<hbm>>
      tpu.enqueue_indirect_dma source(%dma_start3A_64 : memref<3211264x32xf32, #tpu.memory_space<hbm>>) target(%dma_start3A_59 : memref<128x32xf32, #tpu.memory_space<vmem>>) offsets(%dma_start3A_61 : memref<128xi32, #tpu.memory_space<vmem>>) semaphore(%arg19 : memref<!tpu.dma_semaphore, #tpu.memory_space<semaphore_mem>>)
      %dma_start3A_65 = arith.constant 128 : i32
      %dma_start3A_66 = arith.constant 0 : i32
      %dma_start3A_67 = tpu.memref_slice %arg13[%dma_start3A_65, %dma_start3A_66] : memref<1024x32xf32, #tpu.memory_space<vmem>> -> memref<128x32xf32, #tpu.memory_space<vmem>>
      %dma_start3A_68 = arith.constant 128 : i32
      %dma_start3A_69 = tpu.memref_slice %arg12[%dma_start3A_68] : memref<1024xi32, #tpu.memory_space<vmem>> -> memref<128xi32, #tpu.memory_space<vmem>>
      %dma_start3A_70 = arith.constant 0 : i32
      %dma_start3A_71 = arith.constant 0 : i32
      %dma_start3A_72 = tpu.memref_slice %arg2[%dma_start3A_70, %dma_start3A_71] : memref<3211264x32xf32, #tpu.memory_space<hbm>> -> memref<3211264x32xf32, #tpu.memory_space<hbm>>
      tpu.enqueue_indirect_dma source(%dma_start3A_72 : memref<3211264x32xf32, #tpu.memory_space<hbm>>) target(%dma_start3A_67 : memref<128x32xf32, #tpu.memory_space<vmem>>) offsets(%dma_start3A_69 : memref<128xi32, #tpu.memory_space<vmem>>) semaphore(%arg19 : memref<!tpu.dma_semaphore, #tpu.memory_space<semaphore_mem>>)
      %dma_start3A_73 = arith.constant 256 : i32
      %dma_start3A_74 = arith.constant 0 : i32
      %dma_start3A_75 = tpu.memref_slice %arg13[%dma_start3A_73, %dma_start3A_74] : memref<1024x32xf32, #tpu.memory_space<vmem>> -> memref<128x32xf32, #tpu.memory_space<vmem>>
      %dma_start3A_76 = arith.constant 256 : i32
      %dma_start3A_77 = tpu.memref_slice %arg12[%dma_start3A_76] : memref<1024xi32, #tpu.memory_space<vmem>> -> memref<128xi32, #tpu.memory_space<vmem>>
      %dma_start3A_78 = arith.constant 0 : i32
      %dma_start3A_79 = arith.constant 0 : i32
      %dma_start3A_80 = tpu.memref_slice %arg2[%dma_start3A_78, %dma_start3A_79] : memref<3211264x32xf32, #tpu.memory_space<hbm>> -> memref<3211264x32xf32, #tpu.memory_space<hbm>>
      tpu.enqueue_indirect_dma source(%dma_start3A_80 : memref<3211264x32xf32, #tpu.memory_space<hbm>>) target(%dma_start3A_75 : memref<128x32xf32, #tpu.memory_space<vmem>>) offsets(%dma_start3A_77 : memref<128xi32, #tpu.memory_space<vmem>>) semaphore(%arg19 : memref<!tpu.dma_semaphore, #tpu.memory_space<semaphore_mem>>)
      %dma_start3A_81 = arith.constant 384 : i32
      %dma_start3A_82 = arith.constant 0 : i32
      %dma_start3A_83 = tpu.memref_slice %arg13[%dma_start3A_81, %dma_start3A_82] : memref<1024x32xf32, #tpu.memory_space<vmem>> -> memref<128x32xf32, #tpu.memory_space<vmem>>
      %dma_start3A_84 = arith.constant 384 : i32
      %dma_start3A_85 = tpu.memref_slice %arg12[%dma_start3A_84] : memref<1024xi32, #tpu.memory_space<vmem>> -> memref<128xi32, #tpu.memory_space<vmem>>
      %dma_start3A_86 = arith.constant 0 : i32
      %dma_start3A_87 = arith.constant 0 : i32
      %dma_start3A_88 = tpu.memref_slice %arg2[%dma_start3A_86, %dma_start3A_87] : memref<3211264x32xf32, #tpu.memory_space<hbm>> -> memref<3211264x32xf32, #tpu.memory_space<hbm>>
      tpu.enqueue_indirect_dma source(%dma_start3A_88 : memref<3211264x32xf32, #tpu.memory_space<hbm>>) target(%dma_start3A_83 : memref<128x32xf32, #tpu.memory_space<vmem>>) offsets(%dma_start3A_85 : memref<128xi32, #tpu.memory_space<vmem>>) semaphore(%arg19 : memref<!tpu.dma_semaphore, #tpu.memory_space<semaphore_mem>>)
      %dma_start3A_89 = arith.constant 512 : i32
      %dma_start3A_90 = arith.constant 0 : i32
      %dma_start3A_91 = tpu.memref_slice %arg13[%dma_start3A_89, %dma_start3A_90] : memref<1024x32xf32, #tpu.memory_space<vmem>> -> memref<128x32xf32, #tpu.memory_space<vmem>>
      %dma_start3A_92 = arith.constant 512 : i32
      %dma_start3A_93 = tpu.memref_slice %arg12[%dma_start3A_92] : memref<1024xi32, #tpu.memory_space<vmem>> -> memref<128xi32, #tpu.memory_space<vmem>>
      %dma_start3A_94 = arith.constant 0 : i32
      %dma_start3A_95 = arith.constant 0 : i32
      %dma_start3A_96 = tpu.memref_slice %arg2[%dma_start3A_94, %dma_start3A_95] : memref<3211264x32xf32, #tpu.memory_space<hbm>> -> memref<3211264x32xf32, #tpu.memory_space<hbm>>
      tpu.enqueue_indirect_dma source(%dma_start3A_96 : memref<3211264x32xf32, #tpu.memory_space<hbm>>) target(%dma_start3A_91 : memref<128x32xf32, #tpu.memory_space<vmem>>) offsets(%dma_start3A_93 : memref<128xi32, #tpu.memory_space<vmem>>) semaphore(%arg19 : memref<!tpu.dma_semaphore, #tpu.memory_space<semaphore_mem>>)
      %dma_start3A_97 = arith.constant 640 : i32
      %dma_start3A_98 = arith.constant 0 : i32
      %dma_start3A_99 = tpu.memref_slice %arg13[%dma_start3A_97, %dma_start3A_98] : memref<1024x32xf32, #tpu.memory_space<vmem>> -> memref<128x32xf32, #tpu.memory_space<vmem>>
      %dma_start3A_100 = arith.constant 640 : i32
      %dma_start3A_101 = tpu.memref_slice %arg12[%dma_start3A_100] : memref<1024xi32, #tpu.memory_space<vmem>> -> memref<128xi32, #tpu.memory_space<vmem>>
      %dma_start3A_102 = arith.constant 0 : i32
      %dma_start3A_103 = arith.constant 0 : i32
      %dma_start3A_104 = tpu.memref_slice %arg2[%dma_start3A_102, %dma_start3A_103] : memref<3211264x32xf32, #tpu.memory_space<hbm>> -> memref<3211264x32xf32, #tpu.memory_space<hbm>>
      tpu.enqueue_indirect_dma source(%dma_start3A_104 : memref<3211264x32xf32, #tpu.memory_space<hbm>>) target(%dma_start3A_99 : memref<128x32xf32, #tpu.memory_space<vmem>>) offsets(%dma_start3A_101 : memref<128xi32, #tpu.memory_space<vmem>>) semaphore(%arg19 : memref<!tpu.dma_semaphore, #tpu.memory_space<semaphore_mem>>)
      %dma_start3A_105 = arith.constant 768 : i32
      %dma_start3A_106 = arith.constant 0 : i32
      %dma_start3A_107 = tpu.memref_slice %arg13[%dma_start3A_105, %dma_start3A_106] : memref<1024x32xf32, #tpu.memory_space<vmem>> -> memref<128x32xf32, #tpu.memory_space<vmem>>
      %dma_start3A_108 = arith.constant 768 : i32
      %dma_start3A_109 = tpu.memref_slice %arg12[%dma_start3A_108] : memref<1024xi32, #tpu.memory_space<vmem>> -> memref<128xi32, #tpu.memory_space<vmem>>
      %dma_start3A_110 = arith.constant 0 : i32
      %dma_start3A_111 = arith.constant 0 : i32
      %dma_start3A_112 = tpu.memref_slice %arg2[%dma_start3A_110, %dma_start3A_111] : memref<3211264x32xf32, #tpu.memory_space<hbm>> -> memref<3211264x32xf32, #tpu.memory_space<hbm>>
      tpu.enqueue_indirect_dma source(%dma_start3A_112 : memref<3211264x32xf32, #tpu.memory_space<hbm>>) target(%dma_start3A_107 : memref<128x32xf32, #tpu.memory_space<vmem>>) offsets(%dma_start3A_109 : memref<128xi32, #tpu.memory_space<vmem>>) semaphore(%arg19 : memref<!tpu.dma_semaphore, #tpu.memory_space<semaphore_mem>>)
      %dma_start3A_113 = arith.constant 896 : i32
      %dma_start3A_114 = arith.constant 0 : i32
      %dma_start3A_115 = tpu.memref_slice %arg13[%dma_start3A_113, %dma_start3A_114] : memref<1024x32xf32, #tpu.memory_space<vmem>> -> memref<128x32xf32, #tpu.memory_space<vmem>>
      %dma_start3A_116 = arith.constant 896 : i32
      %dma_start3A_117 = tpu.memref_slice %arg12[%dma_start3A_116] : memref<1024xi32, #tpu.memory_space<vmem>> -> memref<128xi32, #tpu.memory_space<vmem>>
      %dma_start3A_118 = arith.constant 0 : i32
      %dma_start3A_119 = arith.constant 0 : i32
      %dma_start3A_120 = tpu.memref_slice %arg2[%dma_start3A_118, %dma_start3A_119] : memref<3211264x32xf32, #tpu.memory_space<hbm>> -> memref<3211264x32xf32, #tpu.memory_space<hbm>>
      tpu.enqueue_indirect_dma source(%dma_start3A_120 : memref<3211264x32xf32, #tpu.memory_space<hbm>>) target(%dma_start3A_115 : memref<128x32xf32, #tpu.memory_space<vmem>>) offsets(%dma_start3A_117 : memref<128xi32, #tpu.memory_space<vmem>>) semaphore(%arg19 : memref<!tpu.dma_semaphore, #tpu.memory_space<semaphore_mem>>)
      %dma_wait3A = arith.constant 0 : i32
      %dma_wait3A_121 = arith.constant 0 : i32
      %dma_wait3A_122 = tpu.memref_slice %arg13[%dma_wait3A, %dma_wait3A_121] : memref<1024x32xf32, #tpu.memory_space<vmem>> -> memref<128x32xf32, #tpu.memory_space<vmem>>
      %dma_wait3A_123 = arith.constant 0 : i32
      %dma_wait3A_124 = tpu.memref_slice %arg12[%dma_wait3A_123] : memref<1024xi32, #tpu.memory_space<vmem>> -> memref<128xi32, #tpu.memory_space<vmem>>
      %dma_wait3A_125 = arith.constant 0 : i32
      %dma_wait3A_126 = arith.constant 0 : i32
      %dma_wait3A_127 = tpu.memref_slice %arg2[%dma_wait3A_125, %dma_wait3A_126] : memref<3211264x32xf32, #tpu.memory_space<hbm>> -> memref<3211264x32xf32, #tpu.memory_space<hbm>>
      tpu.wait_indirect_dma semaphore(%arg19 : memref<!tpu.dma_semaphore, #tpu.memory_space<semaphore_mem>>) src(%dma_wait3A_127 : memref<3211264x32xf32, #tpu.memory_space<hbm>>) dst(%dma_wait3A_122 : memref<128x32xf32, #tpu.memory_space<vmem>>)
      %dma_wait3A_128 = arith.constant 128 : i32
      %dma_wait3A_129 = arith.constant 0 : i32
      %dma_wait3A_130 = tpu.memref_slice %arg13[%dma_wait3A_128, %dma_wait3A_129] : memref<1024x32xf32, #tpu.memory_space<vmem>> -> memref<128x32xf32, #tpu.memory_space<vmem>>
      %dma_wait3A_131 = arith.constant 128 : i32
      %dma_wait3A_132 = tpu.memref_slice %arg12[%dma_wait3A_131] : memref<1024xi32, #tpu.memory_space<vmem>> -> memref<128xi32, #tpu.memory_space<vmem>>
      %dma_wait3A_133 = arith.constant 0 : i32
      %dma_wait3A_134 = arith.constant 0 : i32
      %dma_wait3A_135 = tpu.memref_slice %arg2[%dma_wait3A_133, %dma_wait3A_134] : memref<3211264x32xf32, #tpu.memory_space<hbm>> -> memref<3211264x32xf32, #tpu.memory_space<hbm>>
      tpu.wait_indirect_dma semaphore(%arg19 : memref<!tpu.dma_semaphore, #tpu.memory_space<semaphore_mem>>) src(%dma_wait3A_135 : memref<3211264x32xf32, #tpu.memory_space<hbm>>) dst(%dma_wait3A_130 : memref<128x32xf32, #tpu.memory_space<vmem>>)
      %dma_wait3A_136 = arith.constant 256 : i32
      %dma_wait3A_137 = arith.constant 0 : i32
      %dma_wait3A_138 = tpu.memref_slice %arg13[%dma_wait3A_136, %dma_wait3A_137] : memref<1024x32xf32, #tpu.memory_space<vmem>> -> memref<128x32xf32, #tpu.memory_space<vmem>>
      %dma_wait3A_139 = arith.constant 256 : i32
      %dma_wait3A_140 = tpu.memref_slice %arg12[%dma_wait3A_139] : memref<1024xi32, #tpu.memory_space<vmem>> -> memref<128xi32, #tpu.memory_space<vmem>>
      %dma_wait3A_141 = arith.constant 0 : i32
      %dma_wait3A_142 = arith.constant 0 : i32
      %dma_wait3A_143 = tpu.memref_slice %arg2[%dma_wait3A_141, %dma_wait3A_142] : memref<3211264x32xf32, #tpu.memory_space<hbm>> -> memref<3211264x32xf32, #tpu.memory_space<hbm>>
      tpu.wait_indirect_dma semaphore(%arg19 : memref<!tpu.dma_semaphore, #tpu.memory_space<semaphore_mem>>) src(%dma_wait3A_143 : memref<3211264x32xf32, #tpu.memory_space<hbm>>) dst(%dma_wait3A_138 : memref<128x32xf32, #tpu.memory_space<vmem>>)
      %dma_wait3A_144 = arith.constant 384 : i32
      %dma_wait3A_145 = arith.constant 0 : i32
      %dma_wait3A_146 = tpu.memref_slice %arg13[%dma_wait3A_144, %dma_wait3A_145] : memref<1024x32xf32, #tpu.memory_space<vmem>> -> memref<128x32xf32, #tpu.memory_space<vmem>>
      %dma_wait3A_147 = arith.constant 384 : i32
      %dma_wait3A_148 = tpu.memref_slice %arg12[%dma_wait3A_147] : memref<1024xi32, #tpu.memory_space<vmem>> -> memref<128xi32, #tpu.memory_space<vmem>>
      %dma_wait3A_149 = arith.constant 0 : i32
      %dma_wait3A_150 = arith.constant 0 : i32
      %dma_wait3A_151 = tpu.memref_slice %arg2[%dma_wait3A_149, %dma_wait3A_150] : memref<3211264x32xf32, #tpu.memory_space<hbm>> -> memref<3211264x32xf32, #tpu.memory_space<hbm>>
      tpu.wait_indirect_dma semaphore(%arg19 : memref<!tpu.dma_semaphore, #tpu.memory_space<semaphore_mem>>) src(%dma_wait3A_151 : memref<3211264x32xf32, #tpu.memory_space<hbm>>) dst(%dma_wait3A_146 : memref<128x32xf32, #tpu.memory_space<vmem>>)
      %dma_wait3A_152 = arith.constant 512 : i32
      %dma_wait3A_153 = arith.constant 0 : i32
      %dma_wait3A_154 = tpu.memref_slice %arg13[%dma_wait3A_152, %dma_wait3A_153] : memref<1024x32xf32, #tpu.memory_space<vmem>> -> memref<128x32xf32, #tpu.memory_space<vmem>>
      %dma_wait3A_155 = arith.constant 512 : i32
      %dma_wait3A_156 = tpu.memref_slice %arg12[%dma_wait3A_155] : memref<1024xi32, #tpu.memory_space<vmem>> -> memref<128xi32, #tpu.memory_space<vmem>>
      %dma_wait3A_157 = arith.constant 0 : i32
      %dma_wait3A_158 = arith.constant 0 : i32
      %dma_wait3A_159 = tpu.memref_slice %arg2[%dma_wait3A_157, %dma_wait3A_158] : memref<3211264x32xf32, #tpu.memory_space<hbm>> -> memref<3211264x32xf32, #tpu.memory_space<hbm>>
      tpu.wait_indirect_dma semaphore(%arg19 : memref<!tpu.dma_semaphore, #tpu.memory_space<semaphore_mem>>) src(%dma_wait3A_159 : memref<3211264x32xf32, #tpu.memory_space<hbm>>) dst(%dma_wait3A_154 : memref<128x32xf32, #tpu.memory_space<vmem>>)
      %dma_wait3A_160 = arith.constant 640 : i32
      %dma_wait3A_161 = arith.constant 0 : i32
      %dma_wait3A_162 = tpu.memref_slice %arg13[%dma_wait3A_160, %dma_wait3A_161] : memref<1024x32xf32, #tpu.memory_space<vmem>> -> memref<128x32xf32, #tpu.memory_space<vmem>>
      %dma_wait3A_163 = arith.constant 640 : i32
      %dma_wait3A_164 = tpu.memref_slice %arg12[%dma_wait3A_163] : memref<1024xi32, #tpu.memory_space<vmem>> -> memref<128xi32, #tpu.memory_space<vmem>>
      %dma_wait3A_165 = arith.constant 0 : i32
      %dma_wait3A_166 = arith.constant 0 : i32
      %dma_wait3A_167 = tpu.memref_slice %arg2[%dma_wait3A_165, %dma_wait3A_166] : memref<3211264x32xf32, #tpu.memory_space<hbm>> -> memref<3211264x32xf32, #tpu.memory_space<hbm>>
      tpu.wait_indirect_dma semaphore(%arg19 : memref<!tpu.dma_semaphore, #tpu.memory_space<semaphore_mem>>) src(%dma_wait3A_167 : memref<3211264x32xf32, #tpu.memory_space<hbm>>) dst(%dma_wait3A_162 : memref<128x32xf32, #tpu.memory_space<vmem>>)
      %dma_wait3A_168 = arith.constant 768 : i32
      %dma_wait3A_169 = arith.constant 0 : i32
      %dma_wait3A_170 = tpu.memref_slice %arg13[%dma_wait3A_168, %dma_wait3A_169] : memref<1024x32xf32, #tpu.memory_space<vmem>> -> memref<128x32xf32, #tpu.memory_space<vmem>>
      %dma_wait3A_171 = arith.constant 768 : i32
      %dma_wait3A_172 = tpu.memref_slice %arg12[%dma_wait3A_171] : memref<1024xi32, #tpu.memory_space<vmem>> -> memref<128xi32, #tpu.memory_space<vmem>>
      %dma_wait3A_173 = arith.constant 0 : i32
      %dma_wait3A_174 = arith.constant 0 : i32
      %dma_wait3A_175 = tpu.memref_slice %arg2[%dma_wait3A_173, %dma_wait3A_174] : memref<3211264x32xf32, #tpu.memory_space<hbm>> -> memref<3211264x32xf32, #tpu.memory_space<hbm>>
      tpu.wait_indirect_dma semaphore(%arg19 : memref<!tpu.dma_semaphore, #tpu.memory_space<semaphore_mem>>) src(%dma_wait3A_175 : memref<3211264x32xf32, #tpu.memory_space<hbm>>) dst(%dma_wait3A_170 : memref<128x32xf32, #tpu.memory_space<vmem>>)
      %dma_wait3A_176 = arith.constant 896 : i32
      %dma_wait3A_177 = arith.constant 0 : i32
      %dma_wait3A_178 = tpu.memref_slice %arg13[%dma_wait3A_176, %dma_wait3A_177] : memref<1024x32xf32, #tpu.memory_space<vmem>> -> memref<128x32xf32, #tpu.memory_space<vmem>>
      %dma_wait3A_179 = arith.constant 896 : i32
      %dma_wait3A_180 = tpu.memref_slice %arg12[%dma_wait3A_179] : memref<1024xi32, #tpu.memory_space<vmem>> -> memref<128xi32, #tpu.memory_space<vmem>>
      %dma_wait3A_181 = arith.constant 0 : i32
      %dma_wait3A_182 = arith.constant 0 : i32
      %dma_wait3A_183 = tpu.memref_slice %arg2[%dma_wait3A_181, %dma_wait3A_182] : memref<3211264x32xf32, #tpu.memory_space<hbm>> -> memref<3211264x32xf32, #tpu.memory_space<hbm>>
      tpu.wait_indirect_dma semaphore(%arg19 : memref<!tpu.dma_semaphore, #tpu.memory_space<semaphore_mem>>) src(%dma_wait3A_183 : memref<3211264x32xf32, #tpu.memory_space<hbm>>) dst(%dma_wait3A_178 : memref<128x32xf32, #tpu.memory_space<vmem>>)
      %scan3A_184 = arith.constant 0 : i32
      %scan3A_185 = arith.constant 0 : i32
      %scan3A_186 = arith.constant 64 : i32
      %scan3A_187 = arith.addi %scan3A_185, %scan3A_186 : i32
      %scan3A_188 = arith.constant 1 : i32
      %scan3A_189 = scf.for %scan3A_220 = %scan3A_185 to %scan3A_187 step %scan3A_188 iter_args(%scan3A_221 = %scan3A_184) -> (i32)  : i32 {
        %scan3A_222 = arith.constant 0 : i32
        %scan3A_223 = arith.constant 64 : i32
        %scan3A_224 = arith.addi %scan3A_222, %scan3A_223 : i32
        %scan3A_225 = arith.constant 1 : i32
        %scan3A_226:2 = scf.for %scan3A_250 = %scan3A_222 to %scan3A_224 step %scan3A_225 iter_args(%scan3A_251 = %broadcast_in_dim3A_1, %scan3A_252 = %broadcast_in_dim3A_3) -> (vector<16xf32>, vector<16xi32>)  : i32 {
          %get3A = arith.index_cast %scan3A_250 : i32 to index
          %get3A_253 = arith.constant 0 : index
          %get3A_254 = tpu.vector_load %arg11[%get3A, %get3A_253] {strides = array<i32>} : memref<64x16xf32, #tpu.memory_space<vmem>>, vector<16xf32>,
          %gt3A = arith.cmpf ogt, %get3A_254, %scan3A_251 : vector<16xf32>
          %select_n3A = arith.select %gt3A, %get3A_254, %scan3A_251 : vector<16xi1>, vector<16xf32>
          %broadcast_in_dim3A_255 = vector.broadcast %scan3A_250 : i32 to vector<16xi32>
          %select_n3A_256 = arith.select %gt3A, %broadcast_in_dim3A_255, %scan3A_252 : vector<16xi1>, vector<16xi32>
          scf.yield %select_n3A, %select_n3A_256 : vector<16xf32>, vector<16xi32>
        }
        %scan3A_227 = arith.constant 64 : i32
        %mul3A_228 = arith.constant 16 : i32
        %mul3A_229 = vector.broadcast %mul3A_228 : i32 to vector<16xi32>
        %mul3A_230 = arith.muli %scan3A_226#1, %mul3A_229 : vector<16xi32>
        %add3A_231 = arith.addi %mul3A_230, %iota3A : vector<16xi32>
        %scan3A_232 = arith.constant 0 : i32
        %scan3A_233 = arith.constant 32 : i32
        %scan3A_234 = arith.addi %scan3A_232, %scan3A_233 : i32
        %scan3A_235 = arith.constant 1 : i32
        %scan3A_236:3 = scf.for %scan3A_250 = %scan3A_232 to %scan3A_234 step %scan3A_235 iter_args(%scan3A_251 = %broadcast_in_dim3A_1, %scan3A_252 = %broadcast_in_dim3A_1, %scan3A_253 = %broadcast_in_dim3A_3) -> (vector<16xf32>, vector<16xf32>, vector<16xi32>)  : i32 {
          %broadcast_in_dim3A_254 = vector.broadcast %scan3A_250 : i32 to vector<16xi32>
          %gather3A_255 = tpu.vector_load_idx %arg13[%add3A_231, %broadcast_in_dim3A_254] : memref<1024x32xf32, #tpu.memory_space<vmem>>[vector<16xi32>, vector<16xi32>], vector<16xf32>,
          %gt3A = arith.cmpf ogt, %gather3A_255, %scan3A_251 : vector<16xf32>
          %max3A = arith.maximumf %scan3A_252, %gather3A_255 : vector<16xf32>
          %select_n3A = arith.select %gt3A, %scan3A_251, %max3A : vector<16xi1>, vector<16xf32>
          %select_n3A_256 = arith.select %gt3A, %gather3A_255, %scan3A_251 : vector<16xi1>, vector<16xf32>
          %broadcast_in_dim3A_257 = vector.broadcast %scan3A_250 : i32 to vector<16xi32>
          %select_n3A_258 = arith.select %gt3A, %broadcast_in_dim3A_257, %scan3A_253 : vector<16xi1>, vector<16xi32>
          scf.yield %select_n3A_256, %select_n3A, %select_n3A_258 : vector<16xf32>, vector<16xf32>, vector<16xi32>
        }
        %scan3A_237 = arith.constant 32 : i32
        %swap3A = arith.index_cast %scan3A_220 : i32 to index
        %swap3A_238 = arith.constant 0 : index
        %swap3A_239 = tpu.vector_load %arg14[%swap3A, %swap3A_238] {strides = array<i32>} : memref<64x16xf32, #tpu.memory_space<vmem>>, vector<16xf32>,
        tpu.vector_store %arg14[%swap3A, %swap3A_238], %scan3A_236#0 {strides = array<i32>} : memref<64x16xf32, #tpu.memory_space<vmem>>, vector<16xf32>,
        %gather3A = tpu.vector_load_idx %arg10[%scan3A_226#1, %iota3A] : memref<64x16xi32, #tpu.memory_space<vmem>>[vector<16xi32>, vector<16xi32>], vector<16xi32>,
        %mul3A_240 = arith.constant 64 : i32
        %mul3A_241 = vector.broadcast %mul3A_240 : i32 to vector<16xi32>
        %mul3A_242 = arith.muli %iota3A, %mul3A_241 : vector<16xi32>
        %add3A_243 = vector.broadcast %scan3A_220 : i32 to vector<16xi32>
        %add3A_244 = arith.addi %mul3A_242, %add3A_243 : vector<16xi32>
        %mul3A_245 = arith.constant 32 : i32
        %mul3A_246 = vector.broadcast %mul3A_245 : i32 to vector<16xi32>
        %mul3A_247 = arith.muli %gather3A, %mul3A_246 : vector<16xi32>
        %add3A_248 = arith.addi %mul3A_247, %scan3A_236#2 : vector<16xi32>
        tpu.vector_store_idx %arg15[%add3A_244], %add3A_248 : memref<1024xi32, #tpu.memory_space<vmem>>[vector<16xi32>], vector<16xi32>,
        tpu.vector_store_idx %arg13[%add3A_231, %scan3A_236#2], %broadcast_in_dim3A_1 : memref<1024x32xf32, #tpu.memory_space<vmem>>[vector<16xi32>, vector<16xi32>], vector<16xf32>,
        tpu.vector_store_idx %arg11[%scan3A_226#1, %iota3A], %scan3A_236#1 : memref<64x16xf32, #tpu.memory_space<vmem>>[vector<16xi32>, vector<16xi32>], vector<16xf32>,
        %scan3A_249 = arith.constant 0 : i32
        scf.yield %scan3A_249 : i32
      }
      %scan3A_190 = arith.constant 64 : i32
      %scan3A_191 = arith.constant 0 : i32
      %scan3A_192 = arith.constant 64 : i32
      %scan3A_193 = arith.addi %scan3A_191, %scan3A_192 : i32
      %scan3A_194 = arith.constant 1 : i32
      %scan3A_195 = scf.for %scan3A_220 = %scan3A_191 to %scan3A_193 step %scan3A_194 iter_args(%scan3A_221 = %broadcast_in_dim3A_1) -> (vector<16xf32>)  : i32 {
        %get3A = arith.index_cast %scan3A_220 : i32 to index
        %get3A_222 = arith.constant 0 : index
        %get3A_223 = tpu.vector_load %arg14[%get3A, %get3A_222] {strides = array<i32>} : memref<64x16xf32, #tpu.memory_space<vmem>>, vector<16xf32>,
        %max3A = arith.maximumf %scan3A_221, %get3A_223 : vector<16xf32>
        scf.yield %max3A : vector<16xf32>
      }
      %scan3A_196 = arith.constant 64 : i32
      %broadcast_in_dim3A_197 = arith.constant 0.000000e+00 : f32
      %broadcast_in_dim3A_198 = vector.broadcast %broadcast_in_dim3A_197 : f32 to vector<16xf32>
      %scan3A_199 = arith.constant 0 : i32
      %scan3A_200 = arith.constant 64 : i32
      %scan3A_201 = arith.addi %scan3A_199, %scan3A_200 : i32
      %scan3A_202 = arith.constant 1 : i32
      %scan3A_203 = scf.for %scan3A_220 = %scan3A_199 to %scan3A_201 step %scan3A_202 iter_args(%scan3A_221 = %broadcast_in_dim3A_198) -> (vector<16xf32>)  : i32 {
        %get3A = arith.index_cast %scan3A_220 : i32 to index
        %get3A_222 = arith.constant 0 : index
        %get3A_223 = tpu.vector_load %arg14[%get3A, %get3A_222] {strides = array<i32>} : memref<64x16xf32, #tpu.memory_space<vmem>>, vector<16xf32>,
        %sub3A = arith.subf %get3A_223, %scan3A_195 : vector<16xf32>
        %exp3A = math.exp %sub3A : vector<16xf32>
        %swap3A = arith.index_cast %scan3A_220 : i32 to index
        %swap3A_224 = arith.constant 0 : index
        %swap3A_225 = tpu.vector_load %arg14[%swap3A, %swap3A_224] {strides = array<i32>} : memref<64x16xf32, #tpu.memory_space<vmem>>, vector<16xf32>,
        tpu.vector_store %arg14[%swap3A, %swap3A_224], %exp3A {strides = array<i32>} : memref<64x16xf32, #tpu.memory_space<vmem>>, vector<16xf32>,
        %add3A_226 = arith.addf %scan3A_221, %exp3A : vector<16xf32>
        scf.yield %add3A_226 : vector<16xf32>
      }
      %scan3A_204 = arith.constant 64 : i32
      %scan3A_205 = arith.constant 0 : i32
      %scan3A_206 = arith.constant 0 : i32
      %scan3A_207 = arith.constant 64 : i32
      %scan3A_208 = arith.addi %scan3A_206, %scan3A_207 : i32
      %scan3A_209 = arith.constant 1 : i32
      %scan3A_210 = scf.for %scan3A_220 = %scan3A_206 to %scan3A_208 step %scan3A_209 iter_args(%scan3A_221 = %scan3A_205) -> (i32)  : i32 {
        %get3A = arith.index_cast %scan3A_220 : i32 to index
        %get3A_222 = arith.constant 0 : index
        %get3A_223 = tpu.vector_load %arg14[%get3A, %get3A_222] {strides = array<i32>} : memref<64x16xf32, #tpu.memory_space<vmem>>, vector<16xf32>,
        %div3A = arith.divf %get3A_223, %scan3A_203 : vector<16xf32>
        %broadcast_in_dim3A_224 = vector.broadcast %scan3A_220 : i32 to vector<16xi32>
        tpu.vector_store_idx %arg16[%iota3A, %broadcast_in_dim3A_224], %div3A : memref<16x64xf32, #tpu.memory_space<vmem>>[vector<16xi32>, vector<16xi32>], vector<16xf32>,
        %scan3A_225 = arith.constant 0 : i32
        scf.yield %scan3A_225 : i32
      }
      %scan3A_211 = arith.constant 64 : i32
      "tpu.region"() ({
        %run_scoped3A = tpu.sem_alloc : memref<!tpu.dma_semaphore, #tpu.memory_space<semaphore_mem>>
        %dma_start3A_220 = arith.constant 0 : i32
        %dma_start3A_221 = tpu.memref_slice %arg6[%mul3A_23, %dma_start3A_220] : memref<1024x64xf32, #tpu.memory_space<hbm>> -> memref<16x64xf32, #tpu.memory_space<hbm>>
        %dma_start3A_222 = arith.constant 0 : i32
        %dma_start3A_223 = tpu.memref_slice %arg6[%mul3A_23, %dma_start3A_222] : memref<1024x64xf32, #tpu.memory_space<hbm>> -> memref<16x64xf32, #tpu.memory_space<hbm>>
        tpu.enqueue_dma source(%arg16 : memref<16x64xf32, #tpu.memory_space<vmem>>) target(%dma_start3A_223 : memref<16x64xf32, #tpu.memory_space<hbm>>) target_semaphore(%run_scoped3A : memref<!tpu.dma_semaphore, #tpu.memory_space<semaphore_mem>>)
        %dma_wait3A_224 = arith.constant 0 : i32
        %dma_wait3A_225 = tpu.memref_slice %arg6[%mul3A_23, %dma_wait3A_224] : memref<1024x64xf32, #tpu.memory_space<hbm>> -> memref<16x64xf32, #tpu.memory_space<hbm>>
        %dma_wait3A_226 = arith.constant 0 : i32
        %dma_wait3A_227 = tpu.memref_slice %arg6[%mul3A_23, %dma_wait3A_226] : memref<1024x64xf32, #tpu.memory_space<hbm>> -> memref<16x64xf32, #tpu.memory_space<hbm>>
        tpu.wait_dma2 semaphore(%run_scoped3A : memref<!tpu.dma_semaphore, #tpu.memory_space<semaphore_mem>>) src(%arg16 : memref<16x64xf32, #tpu.memory_space<vmem>>) dst(%dma_wait3A_227 : memref<16x64xf32, #tpu.memory_space<hbm>>)
        tpu.yield
      }) : () -> ()
      %scan3A_212 = arith.constant 0 : i32
      %scan3A_213 = arith.constant 0 : i32
      %scan3A_214 = arith.constant 16 : i32
      %scan3A_215 = arith.addi %scan3A_213, %scan3A_214 : i32
      %scan3A_216 = arith.constant 1 : i32
      %scan3A_217 = scf.for %scan3A_220 = %scan3A_213 to %scan3A_215 step %scan3A_216 iter_args(%scan3A_221 = %scan3A_212) -> (i32)  : i32 {
        %broadcast_in_dim3A_222 = arith.constant 0.000000e+00 : f32
        %broadcast_in_dim3A_223 = vector.broadcast %broadcast_in_dim3A_222 : f32 to vector<16xf32>
        %broadcast_in_dim3A_224 = arith.constant 0.000000e+00 : f32
        %broadcast_in_dim3A_225 = vector.broadcast %broadcast_in_dim3A_224 : f32 to vector<16xf32>
        %broadcast_in_dim3A_226 = arith.constant 0.000000e+00 : f32
        %broadcast_in_dim3A_227 = vector.broadcast %broadcast_in_dim3A_226 : f32 to vector<16xf32>
        %broadcast_in_dim3A_228 = arith.constant 0.000000e+00 : f32
        %broadcast_in_dim3A_229 = vector.broadcast %broadcast_in_dim3A_228 : f32 to vector<16xf32>
        %broadcast_in_dim3A_230 = arith.constant 0.000000e+00 : f32
        %broadcast_in_dim3A_231 = vector.broadcast %broadcast_in_dim3A_230 : f32 to vector<16xf32>
        %broadcast_in_dim3A_232 = arith.constant 0.000000e+00 : f32
        %broadcast_in_dim3A_233 = vector.broadcast %broadcast_in_dim3A_232 : f32 to vector<16xf32>
        %broadcast_in_dim3A_234 = arith.constant 0.000000e+00 : f32
        %broadcast_in_dim3A_235 = vector.broadcast %broadcast_in_dim3A_234 : f32 to vector<16xf32>
        %broadcast_in_dim3A_236 = arith.constant 0.000000e+00 : f32
        %broadcast_in_dim3A_237 = vector.broadcast %broadcast_in_dim3A_236 : f32 to vector<16xf32>
        %broadcast_in_dim3A_238 = arith.constant 0.000000e+00 : f32
        %broadcast_in_dim3A_239 = vector.broadcast %broadcast_in_dim3A_238 : f32 to vector<16xf32>
        %broadcast_in_dim3A_240 = arith.constant 0.000000e+00 : f32
        %broadcast_in_dim3A_241 = vector.broadcast %broadcast_in_dim3A_240 : f32 to vector<16xf32>
        %broadcast_in_dim3A_242 = arith.constant 0.000000e+00 : f32
        %broadcast_in_dim3A_243 = vector.broadcast %broadcast_in_dim3A_242 : f32 to vector<16xf32>
        %broadcast_in_dim3A_244 = arith.constant 0.000000e+00 : f32
        %broadcast_in_dim3A_245 = vector.broadcast %broadcast_in_dim3A_244 : f32 to vector<16xf32>
        %broadcast_in_dim3A_246 = arith.constant 0.000000e+00 : f32
        %broadcast_in_dim3A_247 = vector.broadcast %broadcast_in_dim3A_246 : f32 to vector<16xf32>
        %broadcast_in_dim3A_248 = arith.constant 0.000000e+00 : f32
        %broadcast_in_dim3A_249 = vector.broadcast %broadcast_in_dim3A_248 : f32 to vector<16xf32>
        %broadcast_in_dim3A_250 = arith.constant 0.000000e+00 : f32
        %broadcast_in_dim3A_251 = vector.broadcast %broadcast_in_dim3A_250 : f32 to vector<16xf32>
        %broadcast_in_dim3A_252 = arith.constant 0.000000e+00 : f32
        %broadcast_in_dim3A_253 = vector.broadcast %broadcast_in_dim3A_252 : f32 to vector<16xf32>
        %broadcast_in_dim3A_254 = arith.constant 0.000000e+00 : f32
        %broadcast_in_dim3A_255 = vector.broadcast %broadcast_in_dim3A_254 : f32 to vector<16xf32>
        %broadcast_in_dim3A_256 = arith.constant 0.000000e+00 : f32
        %broadcast_in_dim3A_257 = vector.broadcast %broadcast_in_dim3A_256 : f32 to vector<16xf32>
        %broadcast_in_dim3A_258 = arith.constant 0.000000e+00 : f32
        %broadcast_in_dim3A_259 = vector.broadcast %broadcast_in_dim3A_258 : f32 to vector<16xf32>
        %broadcast_in_dim3A_260 = arith.constant 0.000000e+00 : f32
        %broadcast_in_dim3A_261 = vector.broadcast %broadcast_in_dim3A_260 : f32 to vector<16xf32>
        %broadcast_in_dim3A_262 = arith.constant 0.000000e+00 : f32
        %broadcast_in_dim3A_263 = vector.broadcast %broadcast_in_dim3A_262 : f32 to vector<16xf32>
        %broadcast_in_dim3A_264 = arith.constant 0.000000e+00 : f32
        %broadcast_in_dim3A_265 = vector.broadcast %broadcast_in_dim3A_264 : f32 to vector<16xf32>
        %broadcast_in_dim3A_266 = arith.constant 0.000000e+00 : f32
        %broadcast_in_dim3A_267 = vector.broadcast %broadcast_in_dim3A_266 : f32 to vector<16xf32>
        %broadcast_in_dim3A_268 = arith.constant 0.000000e+00 : f32
        %broadcast_in_dim3A_269 = vector.broadcast %broadcast_in_dim3A_268 : f32 to vector<16xf32>
        %broadcast_in_dim3A_270 = arith.constant 0.000000e+00 : f32
        %broadcast_in_dim3A_271 = vector.broadcast %broadcast_in_dim3A_270 : f32 to vector<16xf32>
        %broadcast_in_dim3A_272 = arith.constant 0.000000e+00 : f32
        %broadcast_in_dim3A_273 = vector.broadcast %broadcast_in_dim3A_272 : f32 to vector<16xf32>
        %broadcast_in_dim3A_274 = arith.constant 0.000000e+00 : f32
        %broadcast_in_dim3A_275 = vector.broadcast %broadcast_in_dim3A_274 : f32 to vector<16xf32>
        %broadcast_in_dim3A_276 = arith.constant 0.000000e+00 : f32
        %broadcast_in_dim3A_277 = vector.broadcast %broadcast_in_dim3A_276 : f32 to vector<16xf32>
        %broadcast_in_dim3A_278 = arith.constant 0.000000e+00 : f32
        %broadcast_in_dim3A_279 = vector.broadcast %broadcast_in_dim3A_278 : f32 to vector<16xf32>
        %broadcast_in_dim3A_280 = arith.constant 0.000000e+00 : f32
        %broadcast_in_dim3A_281 = vector.broadcast %broadcast_in_dim3A_280 : f32 to vector<16xf32>
        %broadcast_in_dim3A_282 = arith.constant 0.000000e+00 : f32
        %broadcast_in_dim3A_283 = vector.broadcast %broadcast_in_dim3A_282 : f32 to vector<16xf32>
        %broadcast_in_dim3A_284 = arith.constant 0.000000e+00 : f32
        %broadcast_in_dim3A_285 = vector.broadcast %broadcast_in_dim3A_284 : f32 to vector<16xf32>
        %mul3A_286 = arith.constant 64 : i32
        %mul3A_287 = arith.muli %scan3A_220, %mul3A_286 : i32
        %add3A_288 = arith.constant 0 : i32
        %add3A_289 = arith.addi %mul3A_287, %add3A_288 : i32
        %dma_start3A_290 = tpu.memref_slice %arg15[%add3A_289] : memref<1024xi32, #tpu.memory_space<vmem>> -> memref<32xi32, #tpu.memory_space<vmem>>
        %dma_start3A_291 = arith.constant 0 : i32
        %dma_start3A_292 = arith.constant 0 : i32
        %dma_start3A_293 = tpu.memref_slice %arg4[%dma_start3A_291, %dma_start3A_292] : memref<100000x512xf32, #tpu.memory_space<hbm>> -> memref<100000x512xf32, #tpu.memory_space<hbm>>
        tpu.enqueue_indirect_dma source(%dma_start3A_293 : memref<100000x512xf32, #tpu.memory_space<hbm>>) target(%arg17 : memref<32x512xf32, #tpu.memory_space<vmem>>) offsets(%dma_start3A_290 : memref<32xi32, #tpu.memory_space<vmem>>) semaphore(%arg19 : memref<!tpu.dma_semaphore, #tpu.memory_space<semaphore_mem>>)
        %dma_wait3A_294 = tpu.memref_slice %arg15[%add3A_289] : memref<1024xi32, #tpu.memory_space<vmem>> -> memref<32xi32, #tpu.memory_space<vmem>>
        %dma_wait3A_295 = arith.constant 0 : i32
        %dma_wait3A_296 = arith.constant 0 : i32
        %dma_wait3A_297 = tpu.memref_slice %arg4[%dma_wait3A_295, %dma_wait3A_296] : memref<100000x512xf32, #tpu.memory_space<hbm>> -> memref<100000x512xf32, #tpu.memory_space<hbm>>
        tpu.wait_indirect_dma semaphore(%arg19 : memref<!tpu.dma_semaphore, #tpu.memory_space<semaphore_mem>>) src(%dma_wait3A_297 : memref<100000x512xf32, #tpu.memory_space<hbm>>) dst(%arg17 : memref<32x512xf32, #tpu.memory_space<vmem>>)
        %scan3A_298 = arith.constant 0 : i32
        %scan3A_299 = arith.constant 32 : i32
        %scan3A_300 = arith.addi %scan3A_298, %scan3A_299 : i32
        %scan3A_301 = arith.constant 1 : i32
        %scan3A_302:32 = scf.for %scan3A_451 = %scan3A_298 to %scan3A_300 step %scan3A_301 iter_args(%scan3A_452 = %broadcast_in_dim3A_223, %scan3A_453 = %broadcast_in_dim3A_225, %scan3A_454 = %broadcast_in_dim3A_227, %scan3A_455 = %broadcast_in_dim3A_229, %scan3A_456 = %broadcast_in_dim3A_231, %scan3A_457 = %broadcast_in_dim3A_233, %scan3A_458 = %broadcast_in_dim3A_235, %scan3A_459 = %broadcast_in_dim3A_237, %scan3A_460 = %broadcast_in_dim3A_239, %scan3A_461 = %broadcast_in_dim3A_241, %scan3A_462 = %broadcast_in_dim3A_243, %scan3A_463 = %broadcast_in_dim3A_245, %scan3A_464 = %broadcast_in_dim3A_247, %scan3A_465 = %broadcast_in_dim3A_249, %scan3A_466 = %broadcast_in_dim3A_251, %scan3A_467 = %broadcast_in_dim3A_253, %scan3A_468 = %broadcast_in_dim3A_255, %scan3A_469 = %broadcast_in_dim3A_257, %scan3A_470 = %broadcast_in_dim3A_259, %scan3A_471 = %broadcast_in_dim3A_261, %scan3A_472 = %broadcast_in_dim3A_263, %scan3A_473 = %broadcast_in_dim3A_265, %scan3A_474 = %broadcast_in_dim3A_267, %scan3A_475 = %broadcast_in_dim3A_269, %scan3A_476 = %broadcast_in_dim3A_271, %scan3A_477 = %broadcast_in_dim3A_273, %scan3A_478 = %broadcast_in_dim3A_275, %scan3A_479 = %broadcast_in_dim3A_277, %scan3A_480 = %broadcast_in_dim3A_279, %scan3A_481 = %broadcast_in_dim3A_281, %scan3A_482 = %broadcast_in_dim3A_283, %scan3A_483 = %broadcast_in_dim3A_285) -> (vector<16xf32>, vector<16xf32>, vector<16xf32>, vector<16xf32>, vector<16xf32>, vector<16xf32>, vector<16xf32>, vector<16xf32>, vector<16xf32>, vector<16xf32>, vector<16xf32>, vector<16xf32>, vector<16xf32>, vector<16xf32>, vector<16xf32>, vector<16xf32>, vector<16xf32>, vector<16xf32>, vector<16xf32>, vector<16xf32>, vector<16xf32>, vector<16xf32>, vector<16xf32>, vector<16xf32>, vector<16xf32>, vector<16xf32>, vector<16xf32>, vector<16xf32>, vector<16xf32>, vector<16xf32>, vector<16xf32>, vector<16xf32>)  : i32 {
          %broadcast_in_dim3A_484 = vector.broadcast %scan3A_220 : i32 to vector<16xi32>
          %broadcast_in_dim3A_485 = arith.constant 0 : i32
          %broadcast_in_dim3A_486 = vector.broadcast %broadcast_in_dim3A_485 : i32 to vector<16xi32>
          %add3A_487 = vector.broadcast %scan3A_451 : i32 to vector<16xi32>
          %add3A_488 = arith.addi %broadcast_in_dim3A_486, %add3A_487 : vector<16xi32>
          %gather3A = tpu.vector_load_idx %arg16[%broadcast_in_dim3A_484, %add3A_488] : memref<16x64xf32, #tpu.memory_space<vmem>>[vector<16xi32>, vector<16xi32>], vector<16xf32>,
          %get3A = arith.index_cast %scan3A_451 : i32 to index
          %get3A_489 = arith.constant 0 : index
          %get3A_490 = tpu.vector_load %arg17[%get3A, %get3A_489] {strides = array<i32>} : memref<32x512xf32, #tpu.memory_space<vmem>>, vector<16xf32>,
          %mul3A_491 = arith.mulf %gather3A, %get3A_490 : vector<16xf32>
          %add3A_492 = arith.addf %scan3A_452, %mul3A_491 : vector<16xf32>
          %get3A_493 = arith.index_cast %scan3A_451 : i32 to index
          %get3A_494 = arith.constant 16 : index
          %get3A_495 = tpu.vector_load %arg17[%get3A_493, %get3A_494] {strides = array<i32>} : memref<32x512xf32, #tpu.memory_space<vmem>>, vector<16xf32>,
          %mul3A_496 = arith.mulf %gather3A, %get3A_495 : vector<16xf32>
          %add3A_497 = arith.addf %scan3A_453, %mul3A_496 : vector<16xf32>
          %get3A_498 = arith.index_cast %scan3A_451 : i32 to index
          %get3A_499 = arith.constant 32 : index
          %get3A_500 = tpu.vector_load %arg17[%get3A_498, %get3A_499] {strides = array<i32>} : memref<32x512xf32, #tpu.memory_space<vmem>>, vector<16xf32>,
          %mul3A_501 = arith.mulf %gather3A, %get3A_500 : vector<16xf32>
          %add3A_502 = arith.addf %scan3A_454, %mul3A_501 : vector<16xf32>
          %get3A_503 = arith.index_cast %scan3A_451 : i32 to index
          %get3A_504 = arith.constant 48 : index
          %get3A_505 = tpu.vector_load %arg17[%get3A_503, %get3A_504] {strides = array<i32>} : memref<32x512xf32, #tpu.memory_space<vmem>>, vector<16xf32>,
          %mul3A_506 = arith.mulf %gather3A, %get3A_505 : vector<16xf32>
          %add3A_507 = arith.addf %scan3A_455, %mul3A_506 : vector<16xf32>
          %get3A_508 = arith.index_cast %scan3A_451 : i32 to index
          %get3A_509 = arith.constant 64 : index
          %get3A_510 = tpu.vector_load %arg17[%get3A_508, %get3A_509] {strides = array<i32>} : memref<32x512xf32, #tpu.memory_space<vmem>>, vector<16xf32>,
          %mul3A_511 = arith.mulf %gather3A, %get3A_510 : vector<16xf32>
          %add3A_512 = arith.addf %scan3A_456, %mul3A_511 : vector<16xf32>
          %get3A_513 = arith.index_cast %scan3A_451 : i32 to index
          %get3A_514 = arith.constant 80 : index
          %get3A_515 = tpu.vector_load %arg17[%get3A_513, %get3A_514] {strides = array<i32>} : memref<32x512xf32, #tpu.memory_space<vmem>>, vector<16xf32>,
          %mul3A_516 = arith.mulf %gather3A, %get3A_515 : vector<16xf32>
          %add3A_517 = arith.addf %scan3A_457, %mul3A_516 : vector<16xf32>
          %get3A_518 = arith.index_cast %scan3A_451 : i32 to index
          %get3A_519 = arith.constant 96 : index
          %get3A_520 = tpu.vector_load %arg17[%get3A_518, %get3A_519] {strides = array<i32>} : memref<32x512xf32, #tpu.memory_space<vmem>>, vector<16xf32>,
          %mul3A_521 = arith.mulf %gather3A, %get3A_520 : vector<16xf32>
          %add3A_522 = arith.addf %scan3A_458, %mul3A_521 : vector<16xf32>
          %get3A_523 = arith.index_cast %scan3A_451 : i32 to index
          %get3A_524 = arith.constant 112 : index
          %get3A_525 = tpu.vector_load %arg17[%get3A_523, %get3A_524] {strides = array<i32>} : memref<32x512xf32, #tpu.memory_space<vmem>>, vector<16xf32>,
          %mul3A_526 = arith.mulf %gather3A, %get3A_525 : vector<16xf32>
          %add3A_527 = arith.addf %scan3A_459, %mul3A_526 : vector<16xf32>
          %get3A_528 = arith.index_cast %scan3A_451 : i32 to index
          %get3A_529 = arith.constant 128 : index
          %get3A_530 = tpu.vector_load %arg17[%get3A_528, %get3A_529] {strides = array<i32>} : memref<32x512xf32, #tpu.memory_space<vmem>>, vector<16xf32>,
          %mul3A_531 = arith.mulf %gather3A, %get3A_530 : vector<16xf32>
          %add3A_532 = arith.addf %scan3A_460, %mul3A_531 : vector<16xf32>
          %get3A_533 = arith.index_cast %scan3A_451 : i32 to index
          %get3A_534 = arith.constant 144 : index
          %get3A_535 = tpu.vector_load %arg17[%get3A_533, %get3A_534] {strides = array<i32>} : memref<32x512xf32, #tpu.memory_space<vmem>>, vector<16xf32>,
          %mul3A_536 = arith.mulf %gather3A, %get3A_535 : vector<16xf32>
          %add3A_537 = arith.addf %scan3A_461, %mul3A_536 : vector<16xf32>
          %get3A_538 = arith.index_cast %scan3A_451 : i32 to index
          %get3A_539 = arith.constant 160 : index
          %get3A_540 = tpu.vector_load %arg17[%get3A_538, %get3A_539] {strides = array<i32>} : memref<32x512xf32, #tpu.memory_space<vmem>>, vector<16xf32>,
          %mul3A_541 = arith.mulf %gather3A, %get3A_540 : vector<16xf32>
          %add3A_542 = arith.addf %scan3A_462, %mul3A_541 : vector<16xf32>
          %get3A_543 = arith.index_cast %scan3A_451 : i32 to index
          %get3A_544 = arith.constant 176 : index
          %get3A_545 = tpu.vector_load %arg17[%get3A_543, %get3A_544] {strides = array<i32>} : memref<32x512xf32, #tpu.memory_space<vmem>>, vector<16xf32>,
          %mul3A_546 = arith.mulf %gather3A, %get3A_545 : vector<16xf32>
          %add3A_547 = arith.addf %scan3A_463, %mul3A_546 : vector<16xf32>
          %get3A_548 = arith.index_cast %scan3A_451 : i32 to index
          %get3A_549 = arith.constant 192 : index
          %get3A_550 = tpu.vector_load %arg17[%get3A_548, %get3A_549] {strides = array<i32>} : memref<32x512xf32, #tpu.memory_space<vmem>>, vector<16xf32>,
          %mul3A_551 = arith.mulf %gather3A, %get3A_550 : vector<16xf32>
          %add3A_552 = arith.addf %scan3A_464, %mul3A_551 : vector<16xf32>
          %get3A_553 = arith.index_cast %scan3A_451 : i32 to index
          %get3A_554 = arith.constant 208 : index
          %get3A_555 = tpu.vector_load %arg17[%get3A_553, %get3A_554] {strides = array<i32>} : memref<32x512xf32, #tpu.memory_space<vmem>>, vector<16xf32>,
          %mul3A_556 = arith.mulf %gather3A, %get3A_555 : vector<16xf32>
          %add3A_557 = arith.addf %scan3A_465, %mul3A_556 : vector<16xf32>
          %get3A_558 = arith.index_cast %scan3A_451 : i32 to index
          %get3A_559 = arith.constant 224 : index
          %get3A_560 = tpu.vector_load %arg17[%get3A_558, %get3A_559] {strides = array<i32>} : memref<32x512xf32, #tpu.memory_space<vmem>>, vector<16xf32>,
          %mul3A_561 = arith.mulf %gather3A, %get3A_560 : vector<16xf32>
          %add3A_562 = arith.addf %scan3A_466, %mul3A_561 : vector<16xf32>
          %get3A_563 = arith.index_cast %scan3A_451 : i32 to index
          %get3A_564 = arith.constant 240 : index
          %get3A_565 = tpu.vector_load %arg17[%get3A_563, %get3A_564] {strides = array<i32>} : memref<32x512xf32, #tpu.memory_space<vmem>>, vector<16xf32>,
          %mul3A_566 = arith.mulf %gather3A, %get3A_565 : vector<16xf32>
          %add3A_567 = arith.addf %scan3A_467, %mul3A_566 : vector<16xf32>
          %get3A_568 = arith.index_cast %scan3A_451 : i32 to index
          %get3A_569 = arith.constant 256 : index
          %get3A_570 = tpu.vector_load %arg17[%get3A_568, %get3A_569] {strides = array<i32>} : memref<32x512xf32, #tpu.memory_space<vmem>>, vector<16xf32>,
          %mul3A_571 = arith.mulf %gather3A, %get3A_570 : vector<16xf32>
          %add3A_572 = arith.addf %scan3A_468, %mul3A_571 : vector<16xf32>
          %get3A_573 = arith.index_cast %scan3A_451 : i32 to index
          %get3A_574 = arith.constant 272 : index
          %get3A_575 = tpu.vector_load %arg17[%get3A_573, %get3A_574] {strides = array<i32>} : memref<32x512xf32, #tpu.memory_space<vmem>>, vector<16xf32>,
          %mul3A_576 = arith.mulf %gather3A, %get3A_575 : vector<16xf32>
          %add3A_577 = arith.addf %scan3A_469, %mul3A_576 : vector<16xf32>
          %get3A_578 = arith.index_cast %scan3A_451 : i32 to index
          %get3A_579 = arith.constant 288 : index
          %get3A_580 = tpu.vector_load %arg17[%get3A_578, %get3A_579] {strides = array<i32>} : memref<32x512xf32, #tpu.memory_space<vmem>>, vector<16xf32>,
          %mul3A_581 = arith.mulf %gather3A, %get3A_580 : vector<16xf32>
          %add3A_582 = arith.addf %scan3A_470, %mul3A_581 : vector<16xf32>
          %get3A_583 = arith.index_cast %scan3A_451 : i32 to index
          %get3A_584 = arith.constant 304 : index
          %get3A_585 = tpu.vector_load %arg17[%get3A_583, %get3A_584] {strides = array<i32>} : memref<32x512xf32, #tpu.memory_space<vmem>>, vector<16xf32>,
          %mul3A_586 = arith.mulf %gather3A, %get3A_585 : vector<16xf32>
          %add3A_587 = arith.addf %scan3A_471, %mul3A_586 : vector<16xf32>
          %get3A_588 = arith.index_cast %scan3A_451 : i32 to index
          %get3A_589 = arith.constant 320 : index
          %get3A_590 = tpu.vector_load %arg17[%get3A_588, %get3A_589] {strides = array<i32>} : memref<32x512xf32, #tpu.memory_space<vmem>>, vector<16xf32>,
          %mul3A_591 = arith.mulf %gather3A, %get3A_590 : vector<16xf32>
          %add3A_592 = arith.addf %scan3A_472, %mul3A_591 : vector<16xf32>
          %get3A_593 = arith.index_cast %scan3A_451 : i32 to index
          %get3A_594 = arith.constant 336 : index
          %get3A_595 = tpu.vector_load %arg17[%get3A_593, %get3A_594] {strides = array<i32>} : memref<32x512xf32, #tpu.memory_space<vmem>>, vector<16xf32>,
          %mul3A_596 = arith.mulf %gather3A, %get3A_595 : vector<16xf32>
          %add3A_597 = arith.addf %scan3A_473, %mul3A_596 : vector<16xf32>
          %get3A_598 = arith.index_cast %scan3A_451 : i32 to index
          %get3A_599 = arith.constant 352 : index
          %get3A_600 = tpu.vector_load %arg17[%get3A_598, %get3A_599] {strides = array<i32>} : memref<32x512xf32, #tpu.memory_space<vmem>>, vector<16xf32>,
          %mul3A_601 = arith.mulf %gather3A, %get3A_600 : vector<16xf32>
          %add3A_602 = arith.addf %scan3A_474, %mul3A_601 : vector<16xf32>
          %get3A_603 = arith.index_cast %scan3A_451 : i32 to index
          %get3A_604 = arith.constant 368 : index
          %get3A_605 = tpu.vector_load %arg17[%get3A_603, %get3A_604] {strides = array<i32>} : memref<32x512xf32, #tpu.memory_space<vmem>>, vector<16xf32>,
          %mul3A_606 = arith.mulf %gather3A, %get3A_605 : vector<16xf32>
          %add3A_607 = arith.addf %scan3A_475, %mul3A_606 : vector<16xf32>
          %get3A_608 = arith.index_cast %scan3A_451 : i32 to index
          %get3A_609 = arith.constant 384 : index
          %get3A_610 = tpu.vector_load %arg17[%get3A_608, %get3A_609] {strides = array<i32>} : memref<32x512xf32, #tpu.memory_space<vmem>>, vector<16xf32>,
          %mul3A_611 = arith.mulf %gather3A, %get3A_610 : vector<16xf32>
          %add3A_612 = arith.addf %scan3A_476, %mul3A_611 : vector<16xf32>
          %get3A_613 = arith.index_cast %scan3A_451 : i32 to index
          %get3A_614 = arith.constant 400 : index
          %get3A_615 = tpu.vector_load %arg17[%get3A_613, %get3A_614] {strides = array<i32>} : memref<32x512xf32, #tpu.memory_space<vmem>>, vector<16xf32>,
          %mul3A_616 = arith.mulf %gather3A, %get3A_615 : vector<16xf32>
          %add3A_617 = arith.addf %scan3A_477, %mul3A_616 : vector<16xf32>
          %get3A_618 = arith.index_cast %scan3A_451 : i32 to index
          %get3A_619 = arith.constant 416 : index
          %get3A_620 = tpu.vector_load %arg17[%get3A_618, %get3A_619] {strides = array<i32>} : memref<32x512xf32, #tpu.memory_space<vmem>>, vector<16xf32>,
          %mul3A_621 = arith.mulf %gather3A, %get3A_620 : vector<16xf32>
          %add3A_622 = arith.addf %scan3A_478, %mul3A_621 : vector<16xf32>
          %get3A_623 = arith.index_cast %scan3A_451 : i32 to index
          %get3A_624 = arith.constant 432 : index
          %get3A_625 = tpu.vector_load %arg17[%get3A_623, %get3A_624] {strides = array<i32>} : memref<32x512xf32, #tpu.memory_space<vmem>>, vector<16xf32>,
          %mul3A_626 = arith.mulf %gather3A, %get3A_625 : vector<16xf32>
          %add3A_627 = arith.addf %scan3A_479, %mul3A_626 : vector<16xf32>
          %get3A_628 = arith.index_cast %scan3A_451 : i32 to index
          %get3A_629 = arith.constant 448 : index
          %get3A_630 = tpu.vector_load %arg17[%get3A_628, %get3A_629] {strides = array<i32>} : memref<32x512xf32, #tpu.memory_space<vmem>>, vector<16xf32>,
          %mul3A_631 = arith.mulf %gather3A, %get3A_630 : vector<16xf32>
          %add3A_632 = arith.addf %scan3A_480, %mul3A_631 : vector<16xf32>
          %get3A_633 = arith.index_cast %scan3A_451 : i32 to index
          %get3A_634 = arith.constant 464 : index
          %get3A_635 = tpu.vector_load %arg17[%get3A_633, %get3A_634] {strides = array<i32>} : memref<32x512xf32, #tpu.memory_space<vmem>>, vector<16xf32>,
          %mul3A_636 = arith.mulf %gather3A, %get3A_635 : vector<16xf32>
          %add3A_637 = arith.addf %scan3A_481, %mul3A_636 : vector<16xf32>
          %get3A_638 = arith.index_cast %scan3A_451 : i32 to index
          %get3A_639 = arith.constant 480 : index
          %get3A_640 = tpu.vector_load %arg17[%get3A_638, %get3A_639] {strides = array<i32>} : memref<32x512xf32, #tpu.memory_space<vmem>>, vector<16xf32>,
          %mul3A_641 = arith.mulf %gather3A, %get3A_640 : vector<16xf32>
          %add3A_642 = arith.addf %scan3A_482, %mul3A_641 : vector<16xf32>
          %get3A_643 = arith.index_cast %scan3A_451 : i32 to index
          %get3A_644 = arith.constant 496 : index
          %get3A_645 = tpu.vector_load %arg17[%get3A_643, %get3A_644] {strides = array<i32>} : memref<32x512xf32, #tpu.memory_space<vmem>>, vector<16xf32>,
          %mul3A_646 = arith.mulf %gather3A, %get3A_645 : vector<16xf32>
          %add3A_647 = arith.addf %scan3A_483, %mul3A_646 : vector<16xf32>
          scf.yield %add3A_492, %add3A_497, %add3A_502, %add3A_507, %add3A_512, %add3A_517, %add3A_522, %add3A_527, %add3A_532, %add3A_537, %add3A_542, %add3A_547, %add3A_552, %add3A_557, %add3A_562, %add3A_567, %add3A_572, %add3A_577, %add3A_582, %add3A_587, %add3A_592, %add3A_597, %add3A_602, %add3A_607, %add3A_612, %add3A_617, %add3A_622, %add3A_627, %add3A_632, %add3A_637, %add3A_642, %add3A_647 : vector<16xf32>, vector<16xf32>, vector<16xf32>, vector<16xf32>, vector<16xf32>, vector<16xf32>, vector<16xf32>, vector<16xf32>, vector<16xf32>, vector<16xf32>, vector<16xf32>, vector<16xf32>, vector<16xf32>, vector<16xf32>, vector<16xf32>, vector<16xf32>, vector<16xf32>, vector<16xf32>, vector<16xf32>, vector<16xf32>, vector<16xf32>, vector<16xf32>, vector<16xf32>, vector<16xf32>, vector<16xf32>, vector<16xf32>, vector<16xf32>, vector<16xf32>, vector<16xf32>, vector<16xf32>, vector<16xf32>, vector<16xf32>
        }
        %scan3A_303 = arith.constant 32 : i32
        %mul3A_304 = arith.constant 64 : i32
        %mul3A_305 = arith.muli %scan3A_220, %mul3A_304 : i32
        %add3A_306 = arith.constant 32 : i32
        %add3A_307 = arith.addi %mul3A_305, %add3A_306 : i32
        %dma_start3A_308 = tpu.memref_slice %arg15[%add3A_307] : memref<1024xi32, #tpu.memory_space<vmem>> -> memref<32xi32, #tpu.memory_space<vmem>>
        %dma_start3A_309 = arith.constant 0 : i32
        %dma_start3A_310 = arith.constant 0 : i32
        %dma_start3A_311 = tpu.memref_slice %arg4[%dma_start3A_309, %dma_start3A_310] : memref<100000x512xf32, #tpu.memory_space<hbm>> -> memref<100000x512xf32, #tpu.memory_space<hbm>>
        tpu.enqueue_indirect_dma source(%dma_start3A_311 : memref<100000x512xf32, #tpu.memory_space<hbm>>) target(%arg17 : memref<32x512xf32, #tpu.memory_space<vmem>>) offsets(%dma_start3A_308 : memref<32xi32, #tpu.memory_space<vmem>>) semaphore(%arg19 : memref<!tpu.dma_semaphore, #tpu.memory_space<semaphore_mem>>)
        %dma_wait3A_312 = tpu.memref_slice %arg15[%add3A_307] : memref<1024xi32, #tpu.memory_space<vmem>> -> memref<32xi32, #tpu.memory_space<vmem>>
        %dma_wait3A_313 = arith.constant 0 : i32
        %dma_wait3A_314 = arith.constant 0 : i32
        %dma_wait3A_315 = tpu.memref_slice %arg4[%dma_wait3A_313, %dma_wait3A_314] : memref<100000x512xf32, #tpu.memory_space<hbm>> -> memref<100000x512xf32, #tpu.memory_space<hbm>>
        tpu.wait_indirect_dma semaphore(%arg19 : memref<!tpu.dma_semaphore, #tpu.memory_space<semaphore_mem>>) src(%dma_wait3A_315 : memref<100000x512xf32, #tpu.memory_space<hbm>>) dst(%arg17 : memref<32x512xf32, #tpu.memory_space<vmem>>)
        %scan3A_316 = arith.constant 0 : i32
        %scan3A_317 = arith.constant 32 : i32
        %scan3A_318 = arith.addi %scan3A_316, %scan3A_317 : i32
        %scan3A_319 = arith.constant 1 : i32
        %scan3A_320:32 = scf.for %scan3A_451 = %scan3A_316 to %scan3A_318 step %scan3A_319 iter_args(%scan3A_452 = %scan3A_302#0, %scan3A_453 = %scan3A_302#1, %scan3A_454 = %scan3A_302#2, %scan3A_455 = %scan3A_302#3, %scan3A_456 = %scan3A_302#4, %scan3A_457 = %scan3A_302#5, %scan3A_458 = %scan3A_302#6, %scan3A_459 = %scan3A_302#7, %scan3A_460 = %scan3A_302#8, %scan3A_461 = %scan3A_302#9, %scan3A_462 = %scan3A_302#10, %scan3A_463 = %scan3A_302#11, %scan3A_464 = %scan3A_302#12, %scan3A_465 = %scan3A_302#13, %scan3A_466 = %scan3A_302#14, %scan3A_467 = %scan3A_302#15, %scan3A_468 = %scan3A_302#16, %scan3A_469 = %scan3A_302#17, %scan3A_470 = %scan3A_302#18, %scan3A_471 = %scan3A_302#19, %scan3A_472 = %scan3A_302#20, %scan3A_473 = %scan3A_302#21, %scan3A_474 = %scan3A_302#22, %scan3A_475 = %scan3A_302#23, %scan3A_476 = %scan3A_302#24, %scan3A_477 = %scan3A_302#25, %scan3A_478 = %scan3A_302#26, %scan3A_479 = %scan3A_302#27, %scan3A_480 = %scan3A_302#28, %scan3A_481 = %scan3A_302#29, %scan3A_482 = %scan3A_302#30, %scan3A_483 = %scan3A_302#31) -> (vector<16xf32>, vector<16xf32>, vector<16xf32>, vector<16xf32>, vector<16xf32>, vector<16xf32>, vector<16xf32>, vector<16xf32>, vector<16xf32>, vector<16xf32>, vector<16xf32>, vector<16xf32>, vector<16xf32>, vector<16xf32>, vector<16xf32>, vector<16xf32>, vector<16xf32>, vector<16xf32>, vector<16xf32>, vector<16xf32>, vector<16xf32>, vector<16xf32>, vector<16xf32>, vector<16xf32>, vector<16xf32>, vector<16xf32>, vector<16xf32>, vector<16xf32>, vector<16xf32>, vector<16xf32>, vector<16xf32>, vector<16xf32>)  : i32 {
          %broadcast_in_dim3A_484 = vector.broadcast %scan3A_220 : i32 to vector<16xi32>
          %broadcast_in_dim3A_485 = arith.constant 32 : i32
          %broadcast_in_dim3A_486 = vector.broadcast %broadcast_in_dim3A_485 : i32 to vector<16xi32>
          %add3A_487 = vector.broadcast %scan3A_451 : i32 to vector<16xi32>
          %add3A_488 = arith.addi %broadcast_in_dim3A_486, %add3A_487 : vector<16xi32>
          %gather3A = tpu.vector_load_idx %arg16[%broadcast_in_dim3A_484, %add3A_488] : memref<16x64xf32, #tpu.memory_space<vmem>>[vector<16xi32>, vector<16xi32>], vector<16xf32>,
          %get3A = arith.index_cast %scan3A_451 : i32 to index
          %get3A_489 = arith.constant 0 : index
          %get3A_490 = tpu.vector_load %arg17[%get3A, %get3A_489] {strides = array<i32>} : memref<32x512xf32, #tpu.memory_space<vmem>>, vector<16xf32>,
          %mul3A_491 = arith.mulf %gather3A, %get3A_490 : vector<16xf32>
          %add3A_492 = arith.addf %scan3A_452, %mul3A_491 : vector<16xf32>
          %get3A_493 = arith.index_cast %scan3A_451 : i32 to index
          %get3A_494 = arith.constant 16 : index
          %get3A_495 = tpu.vector_load %arg17[%get3A_493, %get3A_494] {strides = array<i32>} : memref<32x512xf32, #tpu.memory_space<vmem>>, vector<16xf32>,
          %mul3A_496 = arith.mulf %gather3A, %get3A_495 : vector<16xf32>
          %add3A_497 = arith.addf %scan3A_453, %mul3A_496 : vector<16xf32>
          %get3A_498 = arith.index_cast %scan3A_451 : i32 to index
          %get3A_499 = arith.constant 32 : index
          %get3A_500 = tpu.vector_load %arg17[%get3A_498, %get3A_499] {strides = array<i32>} : memref<32x512xf32, #tpu.memory_space<vmem>>, vector<16xf32>,
          %mul3A_501 = arith.mulf %gather3A, %get3A_500 : vector<16xf32>
          %add3A_502 = arith.addf %scan3A_454, %mul3A_501 : vector<16xf32>
          %get3A_503 = arith.index_cast %scan3A_451 : i32 to index
          %get3A_504 = arith.constant 48 : index
          %get3A_505 = tpu.vector_load %arg17[%get3A_503, %get3A_504] {strides = array<i32>} : memref<32x512xf32, #tpu.memory_space<vmem>>, vector<16xf32>,
          %mul3A_506 = arith.mulf %gather3A, %get3A_505 : vector<16xf32>
          %add3A_507 = arith.addf %scan3A_455, %mul3A_506 : vector<16xf32>
          %get3A_508 = arith.index_cast %scan3A_451 : i32 to index
          %get3A_509 = arith.constant 64 : index
          %get3A_510 = tpu.vector_load %arg17[%get3A_508, %get3A_509] {strides = array<i32>} : memref<32x512xf32, #tpu.memory_space<vmem>>, vector<16xf32>,
          %mul3A_511 = arith.mulf %gather3A, %get3A_510 : vector<16xf32>
          %add3A_512 = arith.addf %scan3A_456, %mul3A_511 : vector<16xf32>
          %get3A_513 = arith.index_cast %scan3A_451 : i32 to index
          %get3A_514 = arith.constant 80 : index
          %get3A_515 = tpu.vector_load %arg17[%get3A_513, %get3A_514] {strides = array<i32>} : memref<32x512xf32, #tpu.memory_space<vmem>>, vector<16xf32>,
          %mul3A_516 = arith.mulf %gather3A, %get3A_515 : vector<16xf32>
          %add3A_517 = arith.addf %scan3A_457, %mul3A_516 : vector<16xf32>
          %get3A_518 = arith.index_cast %scan3A_451 : i32 to index
          %get3A_519 = arith.constant 96 : index
          %get3A_520 = tpu.vector_load %arg17[%get3A_518, %get3A_519] {strides = array<i32>} : memref<32x512xf32, #tpu.memory_space<vmem>>, vector<16xf32>,
          %mul3A_521 = arith.mulf %gather3A, %get3A_520 : vector<16xf32>
          %add3A_522 = arith.addf %scan3A_458, %mul3A_521 : vector<16xf32>
          %get3A_523 = arith.index_cast %scan3A_451 : i32 to index
          %get3A_524 = arith.constant 112 : index
          %get3A_525 = tpu.vector_load %arg17[%get3A_523, %get3A_524] {strides = array<i32>} : memref<32x512xf32, #tpu.memory_space<vmem>>, vector<16xf32>,
          %mul3A_526 = arith.mulf %gather3A, %get3A_525 : vector<16xf32>
          %add3A_527 = arith.addf %scan3A_459, %mul3A_526 : vector<16xf32>
          %get3A_528 = arith.index_cast %scan3A_451 : i32 to index
          %get3A_529 = arith.constant 128 : index
          %get3A_530 = tpu.vector_load %arg17[%get3A_528, %get3A_529] {strides = array<i32>} : memref<32x512xf32, #tpu.memory_space<vmem>>, vector<16xf32>,
          %mul3A_531 = arith.mulf %gather3A, %get3A_530 : vector<16xf32>
          %add3A_532 = arith.addf %scan3A_460, %mul3A_531 : vector<16xf32>
          %get3A_533 = arith.index_cast %scan3A_451 : i32 to index
          %get3A_534 = arith.constant 144 : index
          %get3A_535 = tpu.vector_load %arg17[%get3A_533, %get3A_534] {strides = array<i32>} : memref<32x512xf32, #tpu.memory_space<vmem>>, vector<16xf32>,
          %mul3A_536 = arith.mulf %gather3A, %get3A_535 : vector<16xf32>
          %add3A_537 = arith.addf %scan3A_461, %mul3A_536 : vector<16xf32>
          %get3A_538 = arith.index_cast %scan3A_451 : i32 to index
          %get3A_539 = arith.constant 160 : index
          %get3A_540 = tpu.vector_load %arg17[%get3A_538, %get3A_539] {strides = array<i32>} : memref<32x512xf32, #tpu.memory_space<vmem>>, vector<16xf32>,
          %mul3A_541 = arith.mulf %gather3A, %get3A_540 : vector<16xf32>
          %add3A_542 = arith.addf %scan3A_462, %mul3A_541 : vector<16xf32>
          %get3A_543 = arith.index_cast %scan3A_451 : i32 to index
          %get3A_544 = arith.constant 176 : index
          %get3A_545 = tpu.vector_load %arg17[%get3A_543, %get3A_544] {strides = array<i32>} : memref<32x512xf32, #tpu.memory_space<vmem>>, vector<16xf32>,
          %mul3A_546 = arith.mulf %gather3A, %get3A_545 : vector<16xf32>
          %add3A_547 = arith.addf %scan3A_463, %mul3A_546 : vector<16xf32>
          %get3A_548 = arith.index_cast %scan3A_451 : i32 to index
          %get3A_549 = arith.constant 192 : index
          %get3A_550 = tpu.vector_load %arg17[%get3A_548, %get3A_549] {strides = array<i32>} : memref<32x512xf32, #tpu.memory_space<vmem>>, vector<16xf32>,
          %mul3A_551 = arith.mulf %gather3A, %get3A_550 : vector<16xf32>
          %add3A_552 = arith.addf %scan3A_464, %mul3A_551 : vector<16xf32>
          %get3A_553 = arith.index_cast %scan3A_451 : i32 to index
          %get3A_554 = arith.constant 208 : index
          %get3A_555 = tpu.vector_load %arg17[%get3A_553, %get3A_554] {strides = array<i32>} : memref<32x512xf32, #tpu.memory_space<vmem>>, vector<16xf32>,
          %mul3A_556 = arith.mulf %gather3A, %get3A_555 : vector<16xf32>
          %add3A_557 = arith.addf %scan3A_465, %mul3A_556 : vector<16xf32>
          %get3A_558 = arith.index_cast %scan3A_451 : i32 to index
          %get3A_559 = arith.constant 224 : index
          %get3A_560 = tpu.vector_load %arg17[%get3A_558, %get3A_559] {strides = array<i32>} : memref<32x512xf32, #tpu.memory_space<vmem>>, vector<16xf32>,
          %mul3A_561 = arith.mulf %gather3A, %get3A_560 : vector<16xf32>
          %add3A_562 = arith.addf %scan3A_466, %mul3A_561 : vector<16xf32>
          %get3A_563 = arith.index_cast %scan3A_451 : i32 to index
          %get3A_564 = arith.constant 240 : index
          %get3A_565 = tpu.vector_load %arg17[%get3A_563, %get3A_564] {strides = array<i32>} : memref<32x512xf32, #tpu.memory_space<vmem>>, vector<16xf32>,
          %mul3A_566 = arith.mulf %gather3A, %get3A_565 : vector<16xf32>
          %add3A_567 = arith.addf %scan3A_467, %mul3A_566 : vector<16xf32>
          %get3A_568 = arith.index_cast %scan3A_451 : i32 to index
          %get3A_569 = arith.constant 256 : index
          %get3A_570 = tpu.vector_load %arg17[%get3A_568, %get3A_569] {strides = array<i32>} : memref<32x512xf32, #tpu.memory_space<vmem>>, vector<16xf32>,
          %mul3A_571 = arith.mulf %gather3A, %get3A_570 : vector<16xf32>
          %add3A_572 = arith.addf %scan3A_468, %mul3A_571 : vector<16xf32>
          %get3A_573 = arith.index_cast %scan3A_451 : i32 to index
          %get3A_574 = arith.constant 272 : index
          %get3A_575 = tpu.vector_load %arg17[%get3A_573, %get3A_574] {strides = array<i32>} : memref<32x512xf32, #tpu.memory_space<vmem>>, vector<16xf32>,
          %mul3A_576 = arith.mulf %gather3A, %get3A_575 : vector<16xf32>
          %add3A_577 = arith.addf %scan3A_469, %mul3A_576 : vector<16xf32>
          %get3A_578 = arith.index_cast %scan3A_451 : i32 to index
          %get3A_579 = arith.constant 288 : index
          %get3A_580 = tpu.vector_load %arg17[%get3A_578, %get3A_579] {strides = array<i32>} : memref<32x512xf32, #tpu.memory_space<vmem>>, vector<16xf32>,
          %mul3A_581 = arith.mulf %gather3A, %get3A_580 : vector<16xf32>
          %add3A_582 = arith.addf %scan3A_470, %mul3A_581 : vector<16xf32>
          %get3A_583 = arith.index_cast %scan3A_451 : i32 to index
          %get3A_584 = arith.constant 304 : index
          %get3A_585 = tpu.vector_load %arg17[%get3A_583, %get3A_584] {strides = array<i32>} : memref<32x512xf32, #tpu.memory_space<vmem>>, vector<16xf32>,
          %mul3A_586 = arith.mulf %gather3A, %get3A_585 : vector<16xf32>
          %add3A_587 = arith.addf %scan3A_471, %mul3A_586 : vector<16xf32>
          %get3A_588 = arith.index_cast %scan3A_451 : i32 to index
          %get3A_589 = arith.constant 320 : index
          %get3A_590 = tpu.vector_load %arg17[%get3A_588, %get3A_589] {strides = array<i32>} : memref<32x512xf32, #tpu.memory_space<vmem>>, vector<16xf32>,
          %mul3A_591 = arith.mulf %gather3A, %get3A_590 : vector<16xf32>
          %add3A_592 = arith.addf %scan3A_472, %mul3A_591 : vector<16xf32>
          %get3A_593 = arith.index_cast %scan3A_451 : i32 to index
          %get3A_594 = arith.constant 336 : index
          %get3A_595 = tpu.vector_load %arg17[%get3A_593, %get3A_594] {strides = array<i32>} : memref<32x512xf32, #tpu.memory_space<vmem>>, vector<16xf32>,
          %mul3A_596 = arith.mulf %gather3A, %get3A_595 : vector<16xf32>
          %add3A_597 = arith.addf %scan3A_473, %mul3A_596 : vector<16xf32>
          %get3A_598 = arith.index_cast %scan3A_451 : i32 to index
          %get3A_599 = arith.constant 352 : index
          %get3A_600 = tpu.vector_load %arg17[%get3A_598, %get3A_599] {strides = array<i32>} : memref<32x512xf32, #tpu.memory_space<vmem>>, vector<16xf32>,
          %mul3A_601 = arith.mulf %gather3A, %get3A_600 : vector<16xf32>
          %add3A_602 = arith.addf %scan3A_474, %mul3A_601 : vector<16xf32>
          %get3A_603 = arith.index_cast %scan3A_451 : i32 to index
          %get3A_604 = arith.constant 368 : index
          %get3A_605 = tpu.vector_load %arg17[%get3A_603, %get3A_604] {strides = array<i32>} : memref<32x512xf32, #tpu.memory_space<vmem>>, vector<16xf32>,
          %mul3A_606 = arith.mulf %gather3A, %get3A_605 : vector<16xf32>
          %add3A_607 = arith.addf %scan3A_475, %mul3A_606 : vector<16xf32>
          %get3A_608 = arith.index_cast %scan3A_451 : i32 to index
          %get3A_609 = arith.constant 384 : index
          %get3A_610 = tpu.vector_load %arg17[%get3A_608, %get3A_609] {strides = array<i32>} : memref<32x512xf32, #tpu.memory_space<vmem>>, vector<16xf32>,
          %mul3A_611 = arith.mulf %gather3A, %get3A_610 : vector<16xf32>
          %add3A_612 = arith.addf %scan3A_476, %mul3A_611 : vector<16xf32>
          %get3A_613 = arith.index_cast %scan3A_451 : i32 to index
          %get3A_614 = arith.constant 400 : index
          %get3A_615 = tpu.vector_load %arg17[%get3A_613, %get3A_614] {strides = array<i32>} : memref<32x512xf32, #tpu.memory_space<vmem>>, vector<16xf32>,
          %mul3A_616 = arith.mulf %gather3A, %get3A_615 : vector<16xf32>
          %add3A_617 = arith.addf %scan3A_477, %mul3A_616 : vector<16xf32>
          %get3A_618 = arith.index_cast %scan3A_451 : i32 to index
          %get3A_619 = arith.constant 416 : index
          %get3A_620 = tpu.vector_load %arg17[%get3A_618, %get3A_619] {strides = array<i32>} : memref<32x512xf32, #tpu.memory_space<vmem>>, vector<16xf32>,
          %mul3A_621 = arith.mulf %gather3A, %get3A_620 : vector<16xf32>
          %add3A_622 = arith.addf %scan3A_478, %mul3A_621 : vector<16xf32>
          %get3A_623 = arith.index_cast %scan3A_451 : i32 to index
          %get3A_624 = arith.constant 432 : index
          %get3A_625 = tpu.vector_load %arg17[%get3A_623, %get3A_624] {strides = array<i32>} : memref<32x512xf32, #tpu.memory_space<vmem>>, vector<16xf32>,
          %mul3A_626 = arith.mulf %gather3A, %get3A_625 : vector<16xf32>
          %add3A_627 = arith.addf %scan3A_479, %mul3A_626 : vector<16xf32>
          %get3A_628 = arith.index_cast %scan3A_451 : i32 to index
          %get3A_629 = arith.constant 448 : index
          %get3A_630 = tpu.vector_load %arg17[%get3A_628, %get3A_629] {strides = array<i32>} : memref<32x512xf32, #tpu.memory_space<vmem>>, vector<16xf32>,
          %mul3A_631 = arith.mulf %gather3A, %get3A_630 : vector<16xf32>
          %add3A_632 = arith.addf %scan3A_480, %mul3A_631 : vector<16xf32>
          %get3A_633 = arith.index_cast %scan3A_451 : i32 to index
          %get3A_634 = arith.constant 464 : index
          %get3A_635 = tpu.vector_load %arg17[%get3A_633, %get3A_634] {strides = array<i32>} : memref<32x512xf32, #tpu.memory_space<vmem>>, vector<16xf32>,
          %mul3A_636 = arith.mulf %gather3A, %get3A_635 : vector<16xf32>
          %add3A_637 = arith.addf %scan3A_481, %mul3A_636 : vector<16xf32>
          %get3A_638 = arith.index_cast %scan3A_451 : i32 to index
          %get3A_639 = arith.constant 480 : index
          %get3A_640 = tpu.vector_load %arg17[%get3A_638, %get3A_639] {strides = array<i32>} : memref<32x512xf32, #tpu.memory_space<vmem>>, vector<16xf32>,
          %mul3A_641 = arith.mulf %gather3A, %get3A_640 : vector<16xf32>
          %add3A_642 = arith.addf %scan3A_482, %mul3A_641 : vector<16xf32>
          %get3A_643 = arith.index_cast %scan3A_451 : i32 to index
          %get3A_644 = arith.constant 496 : index
          %get3A_645 = tpu.vector_load %arg17[%get3A_643, %get3A_644] {strides = array<i32>} : memref<32x512xf32, #tpu.memory_space<vmem>>, vector<16xf32>,
          %mul3A_646 = arith.mulf %gather3A, %get3A_645 : vector<16xf32>
          %add3A_647 = arith.addf %scan3A_483, %mul3A_646 : vector<16xf32>
          scf.yield %add3A_492, %add3A_497, %add3A_502, %add3A_507, %add3A_512, %add3A_517, %add3A_522, %add3A_527, %add3A_532, %add3A_537, %add3A_542, %add3A_547, %add3A_552, %add3A_557, %add3A_562, %add3A_567, %add3A_572, %add3A_577, %add3A_582, %add3A_587, %add3A_592, %add3A_597, %add3A_602, %add3A_607, %add3A_612, %add3A_617, %add3A_622, %add3A_627, %add3A_632, %add3A_637, %add3A_642, %add3A_647 : vector<16xf32>, vector<16xf32>, vector<16xf32>, vector<16xf32>, vector<16xf32>, vector<16xf32>, vector<16xf32>, vector<16xf32>, vector<16xf32>, vector<16xf32>, vector<16xf32>, vector<16xf32>, vector<16xf32>, vector<16xf32>, vector<16xf32>, vector<16xf32>, vector<16xf32>, vector<16xf32>, vector<16xf32>, vector<16xf32>, vector<16xf32>, vector<16xf32>, vector<16xf32>, vector<16xf32>, vector<16xf32>, vector<16xf32>, vector<16xf32>, vector<16xf32>, vector<16xf32>, vector<16xf32>, vector<16xf32>, vector<16xf32>
        }
        %scan3A_321 = arith.constant 32 : i32
        %broadcast_in_dim3A_322 = vector.broadcast %scan3A_220 : i32 to vector<16xi32>
        %add3A_323 = arith.constant 0 : i32
        %add3A_324 = vector.broadcast %add3A_323 : i32 to vector<16xi32>
        %add3A_325 = arith.addi %add3A_324, %iota3A : vector<16xi32>
        tpu.vector_store_idx %arg18[%broadcast_in_dim3A_322, %add3A_325], %scan3A_320#0 : memref<16x512xf32, #tpu.memory_space<vmem>>[vector<16xi32>, vector<16xi32>], vector<16xf32>,
        %broadcast_in_dim3A_326 = vector.broadcast %scan3A_220 : i32 to vector<16xi32>
        %add3A_327 = arith.constant 16 : i32
        %add3A_328 = vector.broadcast %add3A_327 : i32 to vector<16xi32>
        %add3A_329 = arith.addi %add3A_328, %iota3A : vector<16xi32>
        tpu.vector_store_idx %arg18[%broadcast_in_dim3A_326, %add3A_329], %scan3A_320#1 : memref<16x512xf32, #tpu.memory_space<vmem>>[vector<16xi32>, vector<16xi32>], vector<16xf32>,
        %broadcast_in_dim3A_330 = vector.broadcast %scan3A_220 : i32 to vector<16xi32>
        %add3A_331 = arith.constant 32 : i32
        %add3A_332 = vector.broadcast %add3A_331 : i32 to vector<16xi32>
        %add3A_333 = arith.addi %add3A_332, %iota3A : vector<16xi32>
        tpu.vector_store_idx %arg18[%broadcast_in_dim3A_330, %add3A_333], %scan3A_320#2 : memref<16x512xf32, #tpu.memory_space<vmem>>[vector<16xi32>, vector<16xi32>], vector<16xf32>,
        %broadcast_in_dim3A_334 = vector.broadcast %scan3A_220 : i32 to vector<16xi32>
        %add3A_335 = arith.constant 48 : i32
        %add3A_336 = vector.broadcast %add3A_335 : i32 to vector<16xi32>
        %add3A_337 = arith.addi %add3A_336, %iota3A : vector<16xi32>
        tpu.vector_store_idx %arg18[%broadcast_in_dim3A_334, %add3A_337], %scan3A_320#3 : memref<16x512xf32, #tpu.memory_space<vmem>>[vector<16xi32>, vector<16xi32>], vector<16xf32>,
        %broadcast_in_dim3A_338 = vector.broadcast %scan3A_220 : i32 to vector<16xi32>
        %add3A_339 = arith.constant 64 : i32
        %add3A_340 = vector.broadcast %add3A_339 : i32 to vector<16xi32>
        %add3A_341 = arith.addi %add3A_340, %iota3A : vector<16xi32>
        tpu.vector_store_idx %arg18[%broadcast_in_dim3A_338, %add3A_341], %scan3A_320#4 : memref<16x512xf32, #tpu.memory_space<vmem>>[vector<16xi32>, vector<16xi32>], vector<16xf32>,
        %broadcast_in_dim3A_342 = vector.broadcast %scan3A_220 : i32 to vector<16xi32>
        %add3A_343 = arith.constant 80 : i32
        %add3A_344 = vector.broadcast %add3A_343 : i32 to vector<16xi32>
        %add3A_345 = arith.addi %add3A_344, %iota3A : vector<16xi32>
        tpu.vector_store_idx %arg18[%broadcast_in_dim3A_342, %add3A_345], %scan3A_320#5 : memref<16x512xf32, #tpu.memory_space<vmem>>[vector<16xi32>, vector<16xi32>], vector<16xf32>,
        %broadcast_in_dim3A_346 = vector.broadcast %scan3A_220 : i32 to vector<16xi32>
        %add3A_347 = arith.constant 96 : i32
        %add3A_348 = vector.broadcast %add3A_347 : i32 to vector<16xi32>
        %add3A_349 = arith.addi %add3A_348, %iota3A : vector<16xi32>
        tpu.vector_store_idx %arg18[%broadcast_in_dim3A_346, %add3A_349], %scan3A_320#6 : memref<16x512xf32, #tpu.memory_space<vmem>>[vector<16xi32>, vector<16xi32>], vector<16xf32>,
        %broadcast_in_dim3A_350 = vector.broadcast %scan3A_220 : i32 to vector<16xi32>
        %add3A_351 = arith.constant 112 : i32
        %add3A_352 = vector.broadcast %add3A_351 : i32 to vector<16xi32>
        %add3A_353 = arith.addi %add3A_352, %iota3A : vector<16xi32>
        tpu.vector_store_idx %arg18[%broadcast_in_dim3A_350, %add3A_353], %scan3A_320#7 : memref<16x512xf32, #tpu.memory_space<vmem>>[vector<16xi32>, vector<16xi32>], vector<16xf32>,
        %broadcast_in_dim3A_354 = vector.broadcast %scan3A_220 : i32 to vector<16xi32>
        %add3A_355 = arith.constant 128 : i32
        %add3A_356 = vector.broadcast %add3A_355 : i32 to vector<16xi32>
        %add3A_357 = arith.addi %add3A_356, %iota3A : vector<16xi32>
        tpu.vector_store_idx %arg18[%broadcast_in_dim3A_354, %add3A_357], %scan3A_320#8 : memref<16x512xf32, #tpu.memory_space<vmem>>[vector<16xi32>, vector<16xi32>], vector<16xf32>,
        %broadcast_in_dim3A_358 = vector.broadcast %scan3A_220 : i32 to vector<16xi32>
        %add3A_359 = arith.constant 144 : i32
        %add3A_360 = vector.broadcast %add3A_359 : i32 to vector<16xi32>
        %add3A_361 = arith.addi %add3A_360, %iota3A : vector<16xi32>
        tpu.vector_store_idx %arg18[%broadcast_in_dim3A_358, %add3A_361], %scan3A_320#9 : memref<16x512xf32, #tpu.memory_space<vmem>>[vector<16xi32>, vector<16xi32>], vector<16xf32>,
        %broadcast_in_dim3A_362 = vector.broadcast %scan3A_220 : i32 to vector<16xi32>
        %add3A_363 = arith.constant 160 : i32
        %add3A_364 = vector.broadcast %add3A_363 : i32 to vector<16xi32>
        %add3A_365 = arith.addi %add3A_364, %iota3A : vector<16xi32>
        tpu.vector_store_idx %arg18[%broadcast_in_dim3A_362, %add3A_365], %scan3A_320#10 : memref<16x512xf32, #tpu.memory_space<vmem>>[vector<16xi32>, vector<16xi32>], vector<16xf32>,
        %broadcast_in_dim3A_366 = vector.broadcast %scan3A_220 : i32 to vector<16xi32>
        %add3A_367 = arith.constant 176 : i32
        %add3A_368 = vector.broadcast %add3A_367 : i32 to vector<16xi32>
        %add3A_369 = arith.addi %add3A_368, %iota3A : vector<16xi32>
        tpu.vector_store_idx %arg18[%broadcast_in_dim3A_366, %add3A_369], %scan3A_320#11 : memref<16x512xf32, #tpu.memory_space<vmem>>[vector<16xi32>, vector<16xi32>], vector<16xf32>,
        %broadcast_in_dim3A_370 = vector.broadcast %scan3A_220 : i32 to vector<16xi32>
        %add3A_371 = arith.constant 192 : i32
        %add3A_372 = vector.broadcast %add3A_371 : i32 to vector<16xi32>
        %add3A_373 = arith.addi %add3A_372, %iota3A : vector<16xi32>
        tpu.vector_store_idx %arg18[%broadcast_in_dim3A_370, %add3A_373], %scan3A_320#12 : memref<16x512xf32, #tpu.memory_space<vmem>>[vector<16xi32>, vector<16xi32>], vector<16xf32>,
        %broadcast_in_dim3A_374 = vector.broadcast %scan3A_220 : i32 to vector<16xi32>
        %add3A_375 = arith.constant 208 : i32
        %add3A_376 = vector.broadcast %add3A_375 : i32 to vector<16xi32>
        %add3A_377 = arith.addi %add3A_376, %iota3A : vector<16xi32>
        tpu.vector_store_idx %arg18[%broadcast_in_dim3A_374, %add3A_377], %scan3A_320#13 : memref<16x512xf32, #tpu.memory_space<vmem>>[vector<16xi32>, vector<16xi32>], vector<16xf32>,
        %broadcast_in_dim3A_378 = vector.broadcast %scan3A_220 : i32 to vector<16xi32>
        %add3A_379 = arith.constant 224 : i32
        %add3A_380 = vector.broadcast %add3A_379 : i32 to vector<16xi32>
        %add3A_381 = arith.addi %add3A_380, %iota3A : vector<16xi32>
        tpu.vector_store_idx %arg18[%broadcast_in_dim3A_378, %add3A_381], %scan3A_320#14 : memref<16x512xf32, #tpu.memory_space<vmem>>[vector<16xi32>, vector<16xi32>], vector<16xf32>,
        %broadcast_in_dim3A_382 = vector.broadcast %scan3A_220 : i32 to vector<16xi32>
        %add3A_383 = arith.constant 240 : i32
        %add3A_384 = vector.broadcast %add3A_383 : i32 to vector<16xi32>
        %add3A_385 = arith.addi %add3A_384, %iota3A : vector<16xi32>
        tpu.vector_store_idx %arg18[%broadcast_in_dim3A_382, %add3A_385], %scan3A_320#15 : memref<16x512xf32, #tpu.memory_space<vmem>>[vector<16xi32>, vector<16xi32>], vector<16xf32>,
        %broadcast_in_dim3A_386 = vector.broadcast %scan3A_220 : i32 to vector<16xi32>
        %add3A_387 = arith.constant 256 : i32
        %add3A_388 = vector.broadcast %add3A_387 : i32 to vector<16xi32>
        %add3A_389 = arith.addi %add3A_388, %iota3A : vector<16xi32>
        tpu.vector_store_idx %arg18[%broadcast_in_dim3A_386, %add3A_389], %scan3A_320#16 : memref<16x512xf32, #tpu.memory_space<vmem>>[vector<16xi32>, vector<16xi32>], vector<16xf32>,
        %broadcast_in_dim3A_390 = vector.broadcast %scan3A_220 : i32 to vector<16xi32>
        %add3A_391 = arith.constant 272 : i32
        %add3A_392 = vector.broadcast %add3A_391 : i32 to vector<16xi32>
        %add3A_393 = arith.addi %add3A_392, %iota3A : vector<16xi32>
        tpu.vector_store_idx %arg18[%broadcast_in_dim3A_390, %add3A_393], %scan3A_320#17 : memref<16x512xf32, #tpu.memory_space<vmem>>[vector<16xi32>, vector<16xi32>], vector<16xf32>,
        %broadcast_in_dim3A_394 = vector.broadcast %scan3A_220 : i32 to vector<16xi32>
        %add3A_395 = arith.constant 288 : i32
        %add3A_396 = vector.broadcast %add3A_395 : i32 to vector<16xi32>
        %add3A_397 = arith.addi %add3A_396, %iota3A : vector<16xi32>
        tpu.vector_store_idx %arg18[%broadcast_in_dim3A_394, %add3A_397], %scan3A_320#18 : memref<16x512xf32, #tpu.memory_space<vmem>>[vector<16xi32>, vector<16xi32>], vector<16xf32>,
        %broadcast_in_dim3A_398 = vector.broadcast %scan3A_220 : i32 to vector<16xi32>
        %add3A_399 = arith.constant 304 : i32
        %add3A_400 = vector.broadcast %add3A_399 : i32 to vector<16xi32>
        %add3A_401 = arith.addi %add3A_400, %iota3A : vector<16xi32>
        tpu.vector_store_idx %arg18[%broadcast_in_dim3A_398, %add3A_401], %scan3A_320#19 : memref<16x512xf32, #tpu.memory_space<vmem>>[vector<16xi32>, vector<16xi32>], vector<16xf32>,
        %broadcast_in_dim3A_402 = vector.broadcast %scan3A_220 : i32 to vector<16xi32>
        %add3A_403 = arith.constant 320 : i32
        %add3A_404 = vector.broadcast %add3A_403 : i32 to vector<16xi32>
        %add3A_405 = arith.addi %add3A_404, %iota3A : vector<16xi32>
        tpu.vector_store_idx %arg18[%broadcast_in_dim3A_402, %add3A_405], %scan3A_320#20 : memref<16x512xf32, #tpu.memory_space<vmem>>[vector<16xi32>, vector<16xi32>], vector<16xf32>,
        %broadcast_in_dim3A_406 = vector.broadcast %scan3A_220 : i32 to vector<16xi32>
        %add3A_407 = arith.constant 336 : i32
        %add3A_408 = vector.broadcast %add3A_407 : i32 to vector<16xi32>
        %add3A_409 = arith.addi %add3A_408, %iota3A : vector<16xi32>
        tpu.vector_store_idx %arg18[%broadcast_in_dim3A_406, %add3A_409], %scan3A_320#21 : memref<16x512xf32, #tpu.memory_space<vmem>>[vector<16xi32>, vector<16xi32>], vector<16xf32>,
        %broadcast_in_dim3A_410 = vector.broadcast %scan3A_220 : i32 to vector<16xi32>
        %add3A_411 = arith.constant 352 : i32
        %add3A_412 = vector.broadcast %add3A_411 : i32 to vector<16xi32>
        %add3A_413 = arith.addi %add3A_412, %iota3A : vector<16xi32>
        tpu.vector_store_idx %arg18[%broadcast_in_dim3A_410, %add3A_413], %scan3A_320#22 : memref<16x512xf32, #tpu.memory_space<vmem>>[vector<16xi32>, vector<16xi32>], vector<16xf32>,
        %broadcast_in_dim3A_414 = vector.broadcast %scan3A_220 : i32 to vector<16xi32>
        %add3A_415 = arith.constant 368 : i32
        %add3A_416 = vector.broadcast %add3A_415 : i32 to vector<16xi32>
        %add3A_417 = arith.addi %add3A_416, %iota3A : vector<16xi32>
        tpu.vector_store_idx %arg18[%broadcast_in_dim3A_414, %add3A_417], %scan3A_320#23 : memref<16x512xf32, #tpu.memory_space<vmem>>[vector<16xi32>, vector<16xi32>], vector<16xf32>,
        %broadcast_in_dim3A_418 = vector.broadcast %scan3A_220 : i32 to vector<16xi32>
        %add3A_419 = arith.constant 384 : i32
        %add3A_420 = vector.broadcast %add3A_419 : i32 to vector<16xi32>
        %add3A_421 = arith.addi %add3A_420, %iota3A : vector<16xi32>
        tpu.vector_store_idx %arg18[%broadcast_in_dim3A_418, %add3A_421], %scan3A_320#24 : memref<16x512xf32, #tpu.memory_space<vmem>>[vector<16xi32>, vector<16xi32>], vector<16xf32>,
        %broadcast_in_dim3A_422 = vector.broadcast %scan3A_220 : i32 to vector<16xi32>
        %add3A_423 = arith.constant 400 : i32
        %add3A_424 = vector.broadcast %add3A_423 : i32 to vector<16xi32>
        %add3A_425 = arith.addi %add3A_424, %iota3A : vector<16xi32>
        tpu.vector_store_idx %arg18[%broadcast_in_dim3A_422, %add3A_425], %scan3A_320#25 : memref<16x512xf32, #tpu.memory_space<vmem>>[vector<16xi32>, vector<16xi32>], vector<16xf32>,
        %broadcast_in_dim3A_426 = vector.broadcast %scan3A_220 : i32 to vector<16xi32>
        %add3A_427 = arith.constant 416 : i32
        %add3A_428 = vector.broadcast %add3A_427 : i32 to vector<16xi32>
        %add3A_429 = arith.addi %add3A_428, %iota3A : vector<16xi32>
        tpu.vector_store_idx %arg18[%broadcast_in_dim3A_426, %add3A_429], %scan3A_320#26 : memref<16x512xf32, #tpu.memory_space<vmem>>[vector<16xi32>, vector<16xi32>], vector<16xf32>,
        %broadcast_in_dim3A_430 = vector.broadcast %scan3A_220 : i32 to vector<16xi32>
        %add3A_431 = arith.constant 432 : i32
        %add3A_432 = vector.broadcast %add3A_431 : i32 to vector<16xi32>
        %add3A_433 = arith.addi %add3A_432, %iota3A : vector<16xi32>
        tpu.vector_store_idx %arg18[%broadcast_in_dim3A_430, %add3A_433], %scan3A_320#27 : memref<16x512xf32, #tpu.memory_space<vmem>>[vector<16xi32>, vector<16xi32>], vector<16xf32>,
        %broadcast_in_dim3A_434 = vector.broadcast %scan3A_220 : i32 to vector<16xi32>
        %add3A_435 = arith.constant 448 : i32
        %add3A_436 = vector.broadcast %add3A_435 : i32 to vector<16xi32>
        %add3A_437 = arith.addi %add3A_436, %iota3A : vector<16xi32>
        tpu.vector_store_idx %arg18[%broadcast_in_dim3A_434, %add3A_437], %scan3A_320#28 : memref<16x512xf32, #tpu.memory_space<vmem>>[vector<16xi32>, vector<16xi32>], vector<16xf32>,
        %broadcast_in_dim3A_438 = vector.broadcast %scan3A_220 : i32 to vector<16xi32>
        %add3A_439 = arith.constant 464 : i32
        %add3A_440 = vector.broadcast %add3A_439 : i32 to vector<16xi32>
        %add3A_441 = arith.addi %add3A_440, %iota3A : vector<16xi32>
        tpu.vector_store_idx %arg18[%broadcast_in_dim3A_438, %add3A_441], %scan3A_320#29 : memref<16x512xf32, #tpu.memory_space<vmem>>[vector<16xi32>, vector<16xi32>], vector<16xf32>,
        %broadcast_in_dim3A_442 = vector.broadcast %scan3A_220 : i32 to vector<16xi32>
        %add3A_443 = arith.constant 480 : i32
        %add3A_444 = vector.broadcast %add3A_443 : i32 to vector<16xi32>
        %add3A_445 = arith.addi %add3A_444, %iota3A : vector<16xi32>
        tpu.vector_store_idx %arg18[%broadcast_in_dim3A_442, %add3A_445], %scan3A_320#30 : memref<16x512xf32, #tpu.memory_space<vmem>>[vector<16xi32>, vector<16xi32>], vector<16xf32>,
        %broadcast_in_dim3A_446 = vector.broadcast %scan3A_220 : i32 to vector<16xi32>
        %add3A_447 = arith.constant 496 : i32
        %add3A_448 = vector.broadcast %add3A_447 : i32 to vector<16xi32>
        %add3A_449 = arith.addi %add3A_448, %iota3A : vector<16xi32>
        tpu.vector_store_idx %arg18[%broadcast_in_dim3A_446, %add3A_449], %scan3A_320#31 : memref<16x512xf32, #tpu.memory_space<vmem>>[vector<16xi32>, vector<16xi32>], vector<16xf32>,
        %scan3A_450 = arith.constant 0 : i32
        scf.yield %scan3A_450 : i32
      }
      %scan3A_218 = arith.constant 16 : i32
      "tpu.region"() ({
        %run_scoped3A = tpu.sem_alloc : memref<!tpu.dma_semaphore, #tpu.memory_space<semaphore_mem>>
        %dma_start3A_220 = arith.constant 0 : i32
        %dma_start3A_221 = tpu.memref_slice %arg5[%mul3A_23, %dma_start3A_220] : memref<1024x512xf32, #tpu.memory_space<hbm>> -> memref<16x512xf32, #tpu.memory_space<hbm>>
        %dma_start3A_222 = arith.constant 0 : i32
        %dma_start3A_223 = tpu.memref_slice %arg5[%mul3A_23, %dma_start3A_222] : memref<1024x512xf32, #tpu.memory_space<hbm>> -> memref<16x512xf32, #tpu.memory_space<hbm>>
        tpu.enqueue_dma source(%arg18 : memref<16x512xf32, #tpu.memory_space<vmem>>) target(%dma_start3A_223 : memref<16x512xf32, #tpu.memory_space<hbm>>) target_semaphore(%run_scoped3A : memref<!tpu.dma_semaphore, #tpu.memory_space<semaphore_mem>>)
        %dma_wait3A_224 = arith.constant 0 : i32
        %dma_wait3A_225 = tpu.memref_slice %arg5[%mul3A_23, %dma_wait3A_224] : memref<1024x512xf32, #tpu.memory_space<hbm>> -> memref<16x512xf32, #tpu.memory_space<hbm>>
        %dma_wait3A_226 = arith.constant 0 : i32
        %dma_wait3A_227 = tpu.memref_slice %arg5[%mul3A_23, %dma_wait3A_226] : memref<1024x512xf32, #tpu.memory_space<hbm>> -> memref<16x512xf32, #tpu.memory_space<hbm>>
        tpu.wait_dma2 semaphore(%run_scoped3A : memref<!tpu.dma_semaphore, #tpu.memory_space<semaphore_mem>>) src(%arg18 : memref<16x512xf32, #tpu.memory_space<vmem>>) dst(%dma_wait3A_227 : memref<16x512xf32, #tpu.memory_space<hbm>>)
        tpu.yield
      }) : () -> ()
      %while3A_219 = arith.constant 0 : i32
      scf.yield %while3A_219 : i32
    }
    return
  }
}

module attributes {stable_mosaic.version = 14 : i64} {
  func.func @_score_kernel(%arg0: i32, %arg1: memref<1024x512xf32, #tpu.memory_space<vmem>>, %arg2: memref<512x512xf32, #tpu.memory_space<vmem>>, %arg3: memref<1024x512xf32, #tpu.memory_space<vmem>>, %arg4: memref<1x1x1024xf32, #tpu.memory_space<vmem>>, %arg5: memref<1024x1024xf32, #tpu.memory_space<vmem>>, %arg6: memref<1x32x1024xf32, #tpu.memory_space<vmem>>, %arg7: memref<1024x512xf32, #tpu.memory_space<vmem>>) attributes {dimension_semantics = [#tpu.dimension_semantics<arbitrary>], iteration_bounds = array<i64: 98>, scalar_prefetch = 0 : i64, scratch_operands = 1 : i64, tpu.core_type = #tpu.core_type<tc>, window_params = [{pipeline_mode = #tpu.pipeline_mode<synchronous>, transform_indices = @transform_0, window_bounds = array<i64: 1024, 512>}, {pipeline_mode = #tpu.pipeline_mode<synchronous>, transform_indices = @transform_1, window_bounds = array<i64: 512, 512>}, {transform_indices = @transform_2, window_bounds = array<i64: 1024, 512>}, {transform_indices = @transform_3, window_bounds = array<i64: 1, 1, 1024>}, {transform_indices = @transform_4, window_bounds = array<i64: 1024, 1024>}, {transform_indices = @transform_5, window_bounds = array<i64: 1, 32, 1024>}]} {
    %eq3A = arith.constant 0 : i32
    %eq3A_0 = arith.cmpi eq, %arg0, %eq3A : i32
    %convert_element_type3A = arith.extui %eq3A_0 : i1 to i32
    %cond3A = arith.constant 0 : i32
    %cond3A_1 = arith.cmpi ne, %convert_element_type3A, %cond3A : i32
    scf.if %cond3A_1 {
      %get3A_25 = arith.constant 0 : index
      %get3A_26 = arith.constant 0 : index
      %get3A_27 = vector.load %arg1[%get3A_25, %get3A_26] : memref<1024x512xf32, #tpu.memory_space<vmem>>, vector<1024x512xf32>
      %get3A_28 = arith.constant 0 : index
      %get3A_29 = arith.constant 0 : index
      %get3A_30 = vector.load %arg2[%get3A_28, %get3A_29] : memref<512x512xf32, #tpu.memory_space<vmem>>, vector<512x512xf32>
      %dot_general3A_31 = arith.constant dense<0.000000e+00> : vector<1024x512xf32>
      %dot_general3A_32 = tpu.matmul %get3A_27, %get3A_30, %dot_general3A_31 {dimension_numbers = #tpu.dot_dimension_numbers<[1], [0], [0], [1], [0, 0, 1, 1], [], []>, transpose_lhs_hint = false} : vector<1024x512xf32>, vector<512x512xf32>, vector<1024x512xf32> -> vector<1024x512xf32>
      %swap3A = arith.constant 0 : index
      %swap3A_33 = arith.constant 0 : index
      %swap3A_34 = vector.load %arg7[%swap3A, %swap3A_33] : memref<1024x512xf32, #tpu.memory_space<vmem>>, vector<1024x512xf32>
      tpu.vector_store %arg7[%swap3A, %swap3A_33], %dot_general3A_32 {strides = array<i32>} : memref<1024x512xf32, #tpu.memory_space<vmem>>, vector<1024x512xf32>,
    } else {
    }
    %get3A = arith.constant 0 : index
    %get3A_2 = arith.constant 0 : index
    %get3A_3 = vector.load %arg7[%get3A, %get3A_2] : memref<1024x512xf32, #tpu.memory_space<vmem>>, vector<1024x512xf32>
    %get3A_4 = arith.constant 0 : index
    %get3A_5 = arith.constant 0 : index
    %get3A_6 = vector.load %arg3[%get3A_4, %get3A_5] : memref<1024x512xf32, #tpu.memory_space<vmem>>, vector<1024x512xf32>
    %dot_general3A = arith.constant dense<0.000000e+00> : vector<1024x1024xf32>
    %dot_general3A_7 = tpu.matmul %get3A_3, %get3A_6, %dot_general3A {dimension_numbers = #tpu.dot_dimension_numbers<[1], [1], [0], [0], [0, 0, 1, 0], [], []>, transpose_lhs_hint = false} : vector<1024x512xf32>, vector<1024x512xf32>, vector<1024x1024xf32> -> vector<1024x1024xf32>
    %mul3A = arith.constant 0.0441941731 : f32
    %mul3A_8 = vector.broadcast %mul3A : f32 to vector<1024x1024xf32>
    %mul3A_9 = arith.mulf %dot_general3A_7, %mul3A_8 : vector<1024x1024xf32>
    %get3A_10 = arith.constant 0 : index
    %get3A_11 = arith.constant 0 : index
    %get3A_12 = arith.constant 0 : index
    %get3A_13 = vector.load %arg4[%get3A_10, %get3A_11, %get3A_12] : memref<1x1x1024xf32, #tpu.memory_space<vmem>>, vector<1x1x1024xf32>
    %get3A_14 = vector.shape_cast %get3A_13 : vector<1x1x1024xf32> to vector<1x1024xf32>
    %add3A = vector.broadcast %get3A_14 : vector<1x1024xf32> to vector<1024x1024xf32>
    %add3A_15 = arith.addf %mul3A_9, %add3A : vector<1024x1024xf32>
    %eq3A_16 = arith.constant 97 : i32
    %eq3A_17 = arith.cmpi eq, %arg0, %eq3A_16 : i32
    %convert_element_type3A_18 = arith.extui %eq3A_17 : i1 to i32
    %cond3A_19 = arith.constant 0 : i32
    %cond3A_20 = arith.cmpi ne, %convert_element_type3A_18, %cond3A_19 : i32
    scf.if %cond3A_20 {
      %iota3A = tpu.iota {dimensions = array<i32: 1>} : vector<1024x1024xi32>
      %lt3A_25 = arith.constant 672 : i32
      %lt3A_26 = vector.broadcast %lt3A_25 : i32 to vector<1024x1024xi32>
      %lt3A_27 = arith.cmpi slt, %iota3A, %lt3A_26 : vector<1024x1024xi32>
      %jit3A = arith.constant 0xFF800000 : f32
      %broadcast_in_dim3A = vector.broadcast %jit3A : f32 to vector<1024x1024xf32>
      %select_n3A = arith.select %lt3A_27, %add3A_15, %broadcast_in_dim3A : vector<1024x1024xi1>, vector<1024x1024xf32>
      %swap3A = arith.constant 0 : index
      %swap3A_28 = arith.constant 0 : index
      %swap3A_29 = vector.load %arg5[%swap3A, %swap3A_28] : memref<1024x1024xf32, #tpu.memory_space<vmem>>, vector<1024x1024xf32>
      tpu.vector_store %arg5[%swap3A, %swap3A_28], %select_n3A {strides = array<i32>} : memref<1024x1024xf32, #tpu.memory_space<vmem>>, vector<1024x1024xf32>,
      %transpose3A = tpu.transpose %select_n3A, [1, 0] : vector<1024x1024xf32> -> vector<1024x1024xf32>
      %reshape3A = vector.shape_cast %transpose3A : vector<1024x1024xf32> to vector<32x32x1024xf32>
      %reduce_max3A = arith.constant dense<0xFF800000> : vector<32x1024xf32>
      %reduce_max3A_30 = vector.multi_reduction <maximumf>, %reshape3A, %reduce_max3A [1] : vector<32x32x1024xf32> to vector<32x1024xf32>
      %swap3A_31 = arith.constant 0 : index
      %swap3A_32 = arith.constant 0 : index
      %swap3A_33 = arith.constant 0 : index
      %swap3A_34 = vector.load %arg6[%swap3A_31, %swap3A_32, %swap3A_33] : memref<1x32x1024xf32, #tpu.memory_space<vmem>>, vector<1x32x1024xf32>
      %swap3A_35 = vector.shape_cast %swap3A_34 : vector<1x32x1024xf32> to vector<32x1024xf32>
      %swap3A_36 = vector.shape_cast %reduce_max3A_30 : vector<32x1024xf32> to vector<1x32x1024xf32>
      tpu.vector_store %arg6[%swap3A_31, %swap3A_32, %swap3A_33], %swap3A_36 {strides = array<i32>} : memref<1x32x1024xf32, #tpu.memory_space<vmem>>, vector<1x32x1024xf32>,
    } else {
    }
    %lt3A = arith.constant 97 : i32
    %lt3A_21 = arith.cmpi slt, %arg0, %lt3A : i32
    %convert_element_type3A_22 = arith.extui %lt3A_21 : i1 to i32
    %cond3A_23 = arith.constant 0 : i32
    %cond3A_24 = arith.cmpi ne, %convert_element_type3A_22, %cond3A_23 : i32
    scf.if %cond3A_24 {
      %swap3A = arith.constant 0 : index
      %swap3A_25 = arith.constant 0 : index
      %swap3A_26 = vector.load %arg5[%swap3A, %swap3A_25] : memref<1024x1024xf32, #tpu.memory_space<vmem>>, vector<1024x1024xf32>
      tpu.vector_store %arg5[%swap3A, %swap3A_25], %add3A_15 {strides = array<i32>} : memref<1024x1024xf32, #tpu.memory_space<vmem>>, vector<1024x1024xf32>,
      %transpose3A = tpu.transpose %add3A_15, [1, 0] : vector<1024x1024xf32> -> vector<1024x1024xf32>
      %reshape3A = vector.shape_cast %transpose3A : vector<1024x1024xf32> to vector<32x32x1024xf32>
      %reduce_max3A = arith.constant dense<0xFF800000> : vector<32x1024xf32>
      %reduce_max3A_27 = vector.multi_reduction <maximumf>, %reshape3A, %reduce_max3A [1] : vector<32x32x1024xf32> to vector<32x1024xf32>
      %swap3A_28 = arith.constant 0 : index
      %swap3A_29 = arith.constant 0 : index
      %swap3A_30 = arith.constant 0 : index
      %swap3A_31 = vector.load %arg6[%swap3A_28, %swap3A_29, %swap3A_30] : memref<1x32x1024xf32, #tpu.memory_space<vmem>>, vector<1x32x1024xf32>
      %swap3A_32 = vector.shape_cast %swap3A_31 : vector<1x32x1024xf32> to vector<32x1024xf32>
      %swap3A_33 = vector.shape_cast %reduce_max3A_27 : vector<32x1024xf32> to vector<1x32x1024xf32>
      tpu.vector_store %arg6[%swap3A_28, %swap3A_29, %swap3A_30], %swap3A_33 {strides = array<i32>} : memref<1x32x1024xf32, #tpu.memory_space<vmem>>, vector<1x32x1024xf32>,
    } else {
    }
    return
  }
  func.func @transform_0(%arg0: i32) -> (i32, i32) {
    %c0_i32 = arith.constant 0 : i32
    %c0_i32_0 = arith.constant 0 : i32
    %c0_i32_1 = arith.constant 0 : i32
    return %c0_i32, %c0_i32_0 : i32, i32
  }
  func.func @transform_1(%arg0: i32) -> (i32, i32) {
    %c0_i32 = arith.constant 0 : i32
    %c0_i32_0 = arith.constant 0 : i32
    %c0_i32_1 = arith.constant 0 : i32
    return %c0_i32, %c0_i32_0 : i32, i32
  }
  func.func @transform_2(%arg0: i32) -> (i32, i32) {
    %c0_i32 = arith.constant 0 : i32
    %c0_i32_0 = arith.constant 0 : i32
    return %arg0, %c0_i32 : i32, i32
  }
  func.func @transform_3(%arg0: i32) -> (i32, i32, i32) {
    %c0_i32 = arith.constant 0 : i32
    %c0_i32_0 = arith.constant 0 : i32
    %c0_i32_1 = arith.constant 0 : i32
    return %arg0, %c0_i32, %c0_i32_0 : i32, i32, i32
  }
  func.func @transform_4(%arg0: i32) -> (i32, i32) {
    %c0_i32 = arith.constant 0 : i32
    %c0_i32_0 = arith.constant 0 : i32
    return %c0_i32, %arg0 : i32, i32
  }
  func.func @transform_5(%arg0: i32) -> (i32, i32, i32) {
    %c0_i32 = arith.constant 0 : i32
    %c0_i32_0 = arith.constant 0 : i32
    %c0_i32_1 = arith.constant 0 : i32
    return %arg0, %c0_i32, %c0_i32_0 : i32, i32, i32
  }
}

</mosaic_0001>

<sc_bundles>
// kernel: kernel.4.cloned.1.call-start
scs
__scs_entry_jumppad:
0x0: {  	(pc) =	sbr.rel $0x88, $3  }
0x1: {  	(tag) =	ssettag $0x0;
	lr =	simm.s32 $0x1  }
0x2: {  	[smem:$0x3F9D] =	sst lr;
	_ =	strace $0xD0000000  }
0x3: {  	_ = 	snop  }
0x4: {  	_ = 	snop  }
0x5: {  	_ = 	snop  }
0x6: {  	_ = 	snop  }
0x7: {  	_ = 	snop  }
__scs_overlays_trampoline_lowered:
0x8: {  	[smem:$0x3FAC] =	sst s0  }
0x9: {  	[smem:$0x3FAD] =	sst s1  }
0xa: {  	[smem:$0x3FAE] =	sst s2  }
0xb: {  	[smem:$0x3FAF] =	sst s3  }
0xc: {  	[smem:$0x3FB0] =	sst s4  }
0xd: {  	[smem:$0x3FB1] =	sst s5  }
0xe: {  	[smem:$0x3FB2] =	sst s6  }
0xf: {  	[smem:$0x3FB3] =	sst s7  }
0x10: {  	[smem:$0x3FB4] =	sst s8  }
0x11: {  	[smem:$0x3FB5] =	sst s9;
	s0 =	simm.s32 @!p0 $0x0  }
0x12: {  	s1 =	sld [smem:$0x3F9B];
	s0 =	simm.s32 @p0 $0x1  }
0x13: {  	[smem:$0x3FB6] =	sst s0;
	s0 =	simm.s32 @!p1 $0x0  }
0x14: {  	s2 =	sld [smem:$0x3F9A];
	s0 =	simm.s32 @p1 $0x1  }
0x15: {  	[smem:$0x3FB7] =	sst s0;
	s0 =	simm.s32 @!p2 $0x0  }
0x16: {  	s3 =	sld [smem:$0x3FDB];
	s0 =	simm.s32 @p2 $0x1  }
0x17: {  	s4 =	simm.s32 $0x1BF5;
	[smem:$0x3FB9] =	sst s0  }
0x18: {  	s0 =	sld [smem:$0x3F9C];
	_ =	swait.ge [sflag:s4], $0x0  }
0x19: {  	s7 =	sld [smem:$0x3F9D]  }
0x1a: {  	s8 =	sadd.s32 $0xFFFFE003, lr  }
0x1b: {  	s9 =	sadd.s32 $0xFFFFFEF7, lr;
	s5 =	simm.s32 $0xFFFFFFFF;
	p2 =	slt.u32 s8, $0xFFFFF086  }
0x1c: {  	p1 =	slt.u32 s9, $0xF7A;
	s5 =	simm.s32 @!p2 $0x0  }
0x1d: {  	s5 =	simm.s32 @p1 $0x1;
	p0 =	seq.s32 s7, s2  }
0x1e: {  	s7 =	smul.u32 @!p0 $0xF7A, s2;
	p2 =	seq.s32 @!p0 s5, $0x0  }
0x1f: {  	s9 =	smul.u32 $0xF7A, s1;
	s8 =	simm.s32 @!p0 $0x1BF5;
	p2 =	por !p2, p0  }
0x20: {  	[sflag:s8] =	ssyncset.s32 @!p0 $0xFFFFF086;
	s6 =	sadd.s32 @!p0 s3, s7;
	s7 =	simm.s32 @!p0 $0x108  }
0x21: {  	s3 =	sadd.s32 s3, s9;
	s6 =	sadd.s32 @!p0 $0x88, s6;
	s7 =	simm.s32 @p2 $0x1082  }
0x22: {  	[simem:s7], [sflag:s8] =	dma.local @!p0 [hbm:s6], $0xF7A  }
0x23: {  	s9 =	sor.u32 $0xD0000000, s2;
	s6 =	simm.s32 $0x108;
	_ =	swait.ge @!p0 [sflag:s8], $0x0  }
0x24: {  	s3 =	sadd.s32 $0x88, s3;
	s6 =	simm.s32 @!p1 $0x1082;
	[sflag:s4] =	ssyncset.s32 $0xFFFFF086  }
0x25: {  	[simem:s6], [sflag:s4] =	dma.local [hbm:s3], $0xF7A  }
0x26: {  	[smem:$0x3F9D] =	sst s1;
	(tag) =	ssettag s2;
	_ =	strace s9  }
0x27: {  	s1 =	sld [smem:$0x3FAD]  }
0x28: {  	s2 =	sld [smem:$0x3FAE]  }
0x29: {  	s4 =	sld [smem:$0x3FB0]  }
0x2a: {  	p0 =	seq.s32 s5, $0x0;
	s5 =	sld [smem:$0x3FB1]  }
0x2b: {  	s6 =	sld [smem:$0x3FB2]  }
0x2c: {  	s7 =	sld [smem:$0x3FB3]  }
0x2d: {  	s3 =	simm.s32 $0x108;
	s8 =	sld [smem:$0x3FB4]  }
0x2e: {  	s3 =	simm.s32 @!p0 $0x1082;
	s9 =	sld [smem:$0x3FB5]  }
0x2f: {  	lr =	sadd.s32 s0, s3;
	s0 =	sld [smem:$0x3FAC]  }
0x30: {  	s3 =	sld [smem:$0x3FAF]  }
0x31: {  	[smem:$0x3FB8] =	sst s10  }
0x32: {  	s10 =	sld [smem:$0x3FB6];
	_ =	sdelay $0x3  }
0x33: {  	p0 =	seq.s32 s10, $0x1;
	s10 =	sld [smem:$0x3FB8];
	_ =	sdelay $0x3  }
0x34: {  	[smem:$0x3FB8] =	sst s10  }
0x35: {  	s10 =	sld [smem:$0x3FB7];
	_ =	sdelay $0x3  }
0x36: {  	p1 =	seq.s32 s10, $0x1;
	s10 =	sld [smem:$0x3FB8];
	_ =	sdelay $0x3  }
0x37: {  	[smem:$0x3FB8] =	sst s10  }
0x38: {  	s10 =	sld [smem:$0x3FB9]  }
0x39: {  	_ = 	snop;
	(pc) =	sbr.ind lr, $3  }
0x3a: {  	_ = 	snop  }
0x3b: {  	_ = 	snop  }
0x3c: {  	p2 =	seq.s32 s10, $0x1;
	s10 =	sld [smem:$0x3FB8]  }
0x3d: {  	_ =	shalt  }
0x3e: {  	_ =	shalt  }
0x3f: {  	_ =	shalt  }
0x40: {  	_ =	shalt  }
0x41: {  	_ =	shalt  }
0x42: {  	_ =	shalt  }
0x43: {  	_ =	shalt  }
0x44: {  	_ =	shalt  }
0x45: {  	_ =	shalt  }
0x46: {  	_ =	shalt  }
0x47: {  	_ =	shalt  }
0x48: {  	_ =	shalt  }
0x49: {  	_ =	shalt  }
0x4a: {  	_ =	shalt  }
0x4b: {  	_ =	shalt  }
0x4c: {  	_ =	shalt  }
0x4d: {  	_ =	shalt  }
0x4e: {  	_ =	shalt  }
0x4f: {  	_ =	shalt  }
0x50: {  	_ =	shalt  }
0x51: {  	_ =	shalt  }
0x52: {  	_ =	shalt  }
0x53: {  	_ =	shalt  }
0x54: {  	_ =	shalt  }
0x55: {  	_ =	shalt  }
0x56: {  	_ =	shalt  }
0x57: {  	_ =	shalt  }
0x58: {  	_ =	shalt  }
0x59: {  	_ =	shalt  }
0x5a: {  	_ =	shalt  }
0x5b: {  	_ =	shalt  }
0x5c: {  	_ =	shalt  }
0x5d: {  	_ =	shalt  }
0x5e: {  	_ =	shalt  }
0x5f: {  	_ =	shalt  }
0x60: {  	_ =	shalt  }
0x61: {  	_ =	shalt  }
0x62: {  	_ =	shalt  }
0x63: {  	_ =	shalt  }
0x64: {  	_ =	shalt  }
0x65: {  	_ =	shalt  }
0x66: {  	_ =	shalt  }
0x67: {  	_ =	shalt  }
0x68: {  	_ =	shalt  }
0x69: {  	_ =	shalt  }
0x6a: {  	_ =	shalt  }
0x6b: {  	_ =	shalt  }
0x6c: {  	_ =	shalt  }
0x6d: {  	_ =	shalt  }
0x6e: {  	_ =	shalt  }
0x6f: {  	_ =	shalt  }
0x70: {  	_ =	shalt  }
0x71: {  	_ =	shalt  }
0x72: {  	_ =	shalt  }
0x73: {  	_ =	shalt  }
0x74: {  	_ =	shalt  }
0x75: {  	_ =	shalt  }
0x76: {  	_ =	shalt  }
0x77: {  	_ =	shalt  }
0x78: {  	_ =	shalt  }
0x79: {  	_ =	shalt  }
0x7a: {  	_ =	shalt  }
0x7b: {  	_ =	shalt  }
0x7c: {  	_ =	shalt  }
0x7d: {  	_ =	shalt  }
0x7e: {  	_ =	shalt  }
0x7f: {  	_ =	shalt  }
0x80: {  	_ =	shalt  }
0x81: {  	_ =	shalt  }
0x82: {  	_ =	shalt  }
0x83: {  	_ =	shalt  }
0x84: {  	_ =	shalt  }
0x85: {  	_ =	shalt  }
0x86: {  	_ =	shalt  }
0x87: {  	_ =	shalt  }
.Lfunc_end0:
.L_simem_size_0:
called_computation.2_lowered:
.L_overlay_start_0:
0x88: {  	s2 =	sld [smem:$0x3FD9]  }
0x89: {  	s3 =	sld [smem:$0x3FFE];
	_ =	sdelay $0x1  }
0x8a: {  	s1 =	srdreg.scid  }
0x8b: {  	s0 =	sand.u32 $0x1, s1  }
0x8c: {  	s14 =	sshll.u32 s0, $0xA;
	s2 =	sadd.s32 s3, s2  }
0x8d: {  	s2 =	sadd.s32 s2, s14  }
0x8e: {  	[smem:$0x3FC4] =	sst s2  }
0x8f: {  	_ = 	snop  }
0x90: {  	s2 =	sld [smem:$0x3FD0];
	_ =	sdelay $0x2  }
0x91: {  	s15 =	simm.s32 $0xB;
	s4 =	simm.s32 $0x10  }
0x92: {  	[smem:s4], [sflag:s15] =	dma.local [hbm:s2], $0x1  }
0x93: {  	_ =	swait.eq [sflag:s15], $0x1  }
0x94: {  	[sflag:s15] =	ssyncset.done $0x0  }
0x95: {  	[sflag:s15] =	ssyncadd.s32 $0xFFFFFFFF  }
0x96: {  	s16 =	sld [smem:$0x11];
	(tm) =	ssettm $0x1  }
0x97: {  	s17 =	sld [smem:$0x3FFB];
	_ =	sdelay $0x3  }
0x98: {  	_ =	strace s17  }
0x99: {  	s3 =	sld [smem:$0x3FFC];
	_ =	sdelay $0x3  }
0x9a: {  	_ =	strace s3  }
0x9b: {  	s3 =	sld [smem:$0x3FFD];
	_ =	sdelay $0x3  }
0x9c: {  	_ =	strace s3  }
0x9d: {  	_ =	strace $0x8FFFFFFF  }
0x9e: {  	s18 =	sld [smem:$0x3FDB];
	_ =	sdelay $0x1  }
0x9f: {  	s19 =	simm.s32 $_scs_section_size  }
0xa0: {  	s5 =	simm.s32 $_size__tile_overlayer_lowered;
	s6 =	simm.s32 $_tile_overlayer_lowered  }
0xa1: {  	s22 =	simm.s32 $0x1BFF;
	s21 =	sshll.u32 s6, $0x1;
	s3 =	sadd.s32 s19, s18  }
0xa2: {  	s7 =	simm.s32 $0x0;
	s20 =	sshll.u32 s5, $0x1;
	s5 =	sadd.s32 s21, s3  }
0xa3: {  	[timem:s7], [sflag:s22] =	dma.local [hbm:s5], s20  }
0xa4: {  	_ =	swait.ge [sflag:s22], s20  }
0xa5: {  	s4 =	ssub.s32 $0x0, s20;
	[sflag:s22] =	ssyncset.done $0x0  }
0xa6: {  	[sflag:s22] =	ssyncadd.s32 s4;
	_ =	sdelay $0x1  }
0xa7: {  	s23 =	simm.s32 $0x1B8B  }
0xa8: {  	_ =	swait.ge [sflag:s23], $0x1  }
0xa9: {  	[sflag:s23] =	ssyncset.done $0x0  }
0xaa: {  	s25 =	simm.s32 $0x1B8E;
	s24 =	sld [smem:$0x3FFE];
	[sflag:s23] =	ssyncadd.s32 $0xFFFFFFFF  }
0xab: {  	s26 =	simm.s32 $execute0_lowered;
	[smem:$0x3FD2] =	sst s25  }
0xac: {  	s5 =	sshll.u32 s26, $0x1;
	_ =	strace $0x8000004C;
	[dreg:$0x1] =	wrdreg $0xFFFFFFFF  }
0xad: {  	s28 =	simm.s32 $_size_execute0_lowered;
	s3 =	sadd.s32 s3, s5;
	[dreg:$0x0] =	wrdreg $0x0  }
0xae: {  	s5 =	sshll.u32 s28, $0x1;
	[dreg:$0x2] =	wrdreg s3  }
0xaf: {  	[dreg:$0x3] =	wrdreg s5  }
0xb0: {  	[dreg:$0x4] =	wrdreg $0xC0  }
0xb1: {  	_ =	task [dreg:s7], $0x5FFFF  }
0xb2: {  	[dreg:$0x1] =	wrdreg $0xFFFFFFFF  }
0xb3: {  	[dreg:$0x0] =	wrdreg $0x60  }
0xb4: {  	[dreg:$0x2] =	wrdreg s24  }
0xb5: {  	[dreg:$0x3] =	wrdreg s16  }
0xb6: {  	[dreg:$0x4] =	wrdreg $0x9  }
0xb7: {  	_ =	task.clear_ibuf [dreg:s7], $0x5FFFF;
	_ =	strace $0x9000004C  }
0xb8: {  	s29 =	simm.s32 $0x9;
	_ =	strace $0x8000004E  }
0xb9: {  	_ =	swait.ge [sflag:s29], $0x1  }
0xba: {  	[sflag:s29] =	ssyncadd.s32 $0xFFFFFFFF  }
0xbb: {  	_ =	strace $0x9000004E  }
0xbc: {  	_ =	sfence  }
0xbd: {  	s30 =	sld [smem:$0x0];
	_ =	sdelay $0x2  }
0xbe: {  	s31 =	sshll.u32 s1, $0xD;
	s1 =	sshrl.u32 s1, $0x2  }
0xbf: {  	s3 =	sand.u32 $0x4000, s31;
	s1 =	sadd.s32 s1, s30  }
0xc0: {  	s0 =	sor.u32 s3, s0;
	s1 =	sshll.u32 s1, $0x11  }
0xc1: {  	s0 =	sor.u32 s1, s0  }
0xc2: {  	s0 =	sadd.s32 $0x8F2B, s0  }
0xc3: {  	[sflag:s0] =	ssyncadd.remote.s32 $0x1  }
0xc4: {  	_ =	sfence.sel $0xFFFF  }
0xc5: {  	[dreg:$0x0] =	wrdreg $0xFFFFFFFF;
	(pc) =	sbr.abs _section_cstart, $3  }
0xc6: {  	[dreg:$0x1] =	wrdreg $0xFFFFFFFF  }
0xc7: {  	_ =	task.clear_ibuf [dreg:s7], $0x2FFFF;
	_ =	strace $0x9FFFFFFF  }
0xc8: {  	(tm) =	ssettm $0x7FFFFFFF  }
0xc9: {  	_ =	shalt  }
tec
execute0_lowered:
.L_overlay_start_1:
0x0: {  	(tag) =	ssettag $0x1  }
0x1: {  	s0 =	rddreg [dreg:$0x0];
	s2 =	simm.s32 $0x0  }
0x2: {  	s1 =	srdreg.scid;
	s6 =	stileid.u32;
	s11 =	simm.s32 $0x2  }
0x3: {  	s12 =	simm.s32 $0xC400;
	s13 =	simm.s32 $0xD100;
	s14 =	simm.s32 $0xD9D0  }
0x4: {  	s15 =	simm.s32 $0x80;
	s16 =	simm.s32 $0xDDD0;
	s28 =	simm.s32 $0xDCD0  }
0x5: {  	s29 =	simm.s32 $0x13DD0;
	s30 =	simm.s32 $0xDD50;
	s31 =	simm.s32 $0x14DD0  }
0x6: {  	s10 =	simm.s32 $0x161D0;
	s17 =	simm.s32 $0x20;
	s18 =	simm.s32 $0x169D0  }
0x7: {  	s19 =	simm.s32 $0x1A9D0;
	s21 =	simm.s32 $0x0;
	[smem:$0x7FF] =	sst s2  }
0x8: {  	s4 =	sadd.s32 $0x12BD800, s0;
	s5 =	sadd.s32 $0x125B800, s0;
	s1 =	sand.u32 $0x1, s1  }
0x9: {  	s7 =	sshll.u32 s6, $0x2;
	s6 =	sadd.s32 $0x1000, s0;
	s8 =	sadd.s32 $0x61B800, s0  }
0xa: {  	_ =	strace $0x8000004D;
	s3 =	ssub.s32 $0x2, s1;
	s1 =	sshll.u32 s1, $0x1  }
0xb: {  	v0 =	vlaneseq.u32;
	s9 =	sshrl.u32 s3, $0x1;
	s1 =	sor.u32 s1, s7;
	s7 =	simm.s32 $0xD5D0  }
0xc: {  	v2 =	vmul.u32 $0xC40, v0;
	s26 =	ssub.s32 s3, s9;
	[dreg:$0x3] =	wrdreg s1;
	s9 =	sadd.s32 $0x2, s1  }
0xd: {  	s3 =	simm.s32 $0xD1D0;
	s1 =	simm.s32 $0x165D0;
	s0 =	smax.u32 s26, $0x1  }
0xe: {  	v1 =	vimm.f32 $-Inf;
	v3 =	vmul.u32 $0x40, v0;
	[tilespmem:$0x1FFF0] =	vst v2;
	s26 =	simm.s32 $0x12DD0;
	[dreg:$0x4] =	wrdreg s0;
	s0 =	simm.s32 $0x1  }
.LBB2_1:
0xf: {  	[dreg:$0x5] =	wrdreg s21  }
0x10: {  	s20 =	rddreg [dreg:$0x3]  }
.LBB2_2:
0x11: {  	s21 =	smul.u32 $0x1880, s20;
	_ =	sdelay $0x1  }
0x12: {  	s22 =	sadd.s32 s5, s21;
	s21 =	simm.s32 $0x0  }
0x13: {  	[tilespmem:s21], [sflag:$0x2] =	stream.linear.gather [hbm4b:s22+s21], $0xC400, $0x38;
	[tilespmem:$0x1C9D0] =	vst v63  }
0x14: {  	_ =	swait.ge [sflag:s11], $0xC400  }
0x15: {  	[sflag:s11] =	ssyncset.done $0x0  }
0x16: {  	[sflag:s11] =	ssyncadd.s32 $0xFFFF3C00  }
0x17: {  	[tilespmem:$0xD040] =	vst v1  }
0x18: {  	[tilespmem:$0xD050] =	vst v1  }
0x19: {  	[tilespmem:$0xD060] =	vst v1  }
0x1a: {  	[tilespmem:$0xD070] =	vst v1  }
0x1b: {  	[tilespmem:$0xD080] =	vst v1  }
0x1c: {  	[tilespmem:$0xD090] =	vst v1  }
0x1d: {  	[tilespmem:$0xD0A0] =	vst v1  }
0x1e: {  	[tilespmem:$0xD0B0] =	vst v1  }
0x1f: {  	[tilespmem:$0xD0C0] =	vst v1  }
0x20: {  	[tilespmem:$0xD0D0] =	vst v1  }
0x21: {  	[tilespmem:$0xD0E0] =	vst v1  }
0x22: {  	s23 =	simm.s32 $0x80;
	[tilespmem:$0xD0F0] =	vst v1  }
0x23: {  	v4 =	vld [tilespmem:s23+$0xFFFFFF90]  }
0x24: {  	s24 =	simm.s32 $0x40;
	s22 =	simm.s32 $0x0;
	v5 =	vld [tilespmem:s23+$0xFFFFFF80]  }
.LBB2_3:
0x25: {  	p0 =	sne.s32 s24, $0x30C0;
	v6 =	vld [tilespmem:s23+$0xFFFFFFA0]  }
0x26: {  	v7 =	vld [tilespmem:s23+$0xFFFFFFB0]  }
0x27: {  	v8 =	vld [tilespmem:s23+$0xFFFFFFC0]  }
0x28: {  	v9 =	vld [tilespmem:s23+$0xFFFFFFD0]  }
0x29: {  	v4 =	vmax.f32 v5, v4;
	v5 =	vld [tilespmem:s23+$0xFFFFFFE0]  }
0x2a: {  	v4 =	vmax.f32 v4, v6;
	v6 =	vld [tilespmem:s23+$0xFFFFFFF0]  }
0x2b: {  	v4 =	vmax.f32 v4, v7;
	v7 =	vld [tilespmem:s23+$0x0]  }
0x2c: {  	v4 =	vmax.f32 v4, v8;
	v8 =	vld [tilespmem:s23+$0x10]  }
0x2d: {  	v4 =	vmax.f32 v4, v9;
	v9 =	vld [tilespmem:s23+$0x20]  }
0x2e: {  	v4 =	vmax.f32 v4, v5;
	v5 =	vld [tilespmem:s23+$0x30]  }
0x2f: {  	v4 =	vmax.f32 v4, v6;
	v6 =	vld [tilespmem:s23+$0x40]  }
0x30: {  	v4 =	vmax.f32 v4, v7;
	v7 =	vld [tilespmem:s23+$0x50]  }
0x31: {  	v4 =	vmax.f32 v4, v8;
	v8 =	vld [tilespmem:s23+$0x60]  }
0x32: {  	v4 =	vmax.f32 v4, v9;
	v9 =	vld [tilespmem:s23+$0x70]  }
0x33: {  	v4 =	vmax.f32 v4, v5  }
0x34: {  	v4 =	vmax.f32 v4, v6  }
0x35: {  	v4 =	vmax.f32 v4, v7  }
.Ltmp0:
0x36: {  	v4 =	vmax.f32 v4, v8;
	(pc) =	sbr.rel @p0 .LBB2_3-.Ltmp0, $4  }
0x37: {  	s25 =	sshra.s32 s22, $0x2;
	s22 =	smov.u32 s24;
	v4 =	vmax.f32 v4, v9  }
0x38: {  	s23 =	sadd.s32 $0x100, s23;
	[tilespmem:s25+$0xC400] =	vst v4  }
0x39: {  	v4 =	vld [tilespmem:s23+$0xFFFFFF90]  }
0x3a: {  	s24 =	sadd.s32 $0x40, s24;
	v5 =	vld [tilespmem:s23+$0xFFFFFF80]  }
0x3b: {  	v6 =	vld [tilespmem:s23+$0xFFFFFFA0]  }
0x3c: {  	v7 =	vld [tilespmem:s23+$0xFFFFFFB0]  }
0x3d: {  	v8 =	vld [tilespmem:s23+$0xFFFFFFC0]  }
0x3e: {  	v9 =	vld [tilespmem:s23+$0xFFFFFFD0]  }
0x3f: {  	v4 =	vmax.f32 v5, v4;
	v5 =	vld [tilespmem:s23+$0xFFFFFFE0]  }
0x40: {  	v4 =	vmax.f32 v4, v6;
	v6 =	vld [tilespmem:s23+$0xFFFFFFF0]  }
0x41: {  	v4 =	vmax.f32 v4, v7;
	v7 =	vld [tilespmem:s23+$0x0]  }
0x42: {  	v60 =	vld [tilespmem:s23+$0x10];
	v4 =	vmax.f32 v4, v8  }
0x43: {  	v61 =	vld [tilespmem:s23+$0x20];
	v4 =	vmax.f32 v4, v9  }
0x44: {  	v4 =	vmax.f32 v4, v5;
	v5 =	vld [tilespmem:s23+$0x30]  }
0x45: {  	v4 =	vmax.f32 v4, v6;
	v6 =	vld [tilespmem:s23+$0x40]  }
0x46: {  	v4 =	vmax.f32 v4, v7;
	v7 =	vld [tilespmem:s23+$0x50]  }
0x47: {  	v62 =	vld [tilespmem:s23+$0x60];
	v4 =	vmax.f32 v4, v60  }
0x48: {  	v63 =	vld [tilespmem:s23+$0x70];
	v4 =	vmax.f32 v4, v61  }
0x49: {  	v4 =	vmax.f32 v4, v5  }
0x4a: {  	v4 =	vmax.f32 v4, v6  }
0x4b: {  	v4 =	vmax.f32 v4, v7  }
0x4c: {  	v4 =	vmax.f32 v4, v62  }
0x4d: {  	s22 =	sshra.s32 s22, $0x2;
	v4 =	vmax.f32 v4, v63  }
0x4e: {  	[tilespmem:s22+$0xC400] =	vst v4;
	s22 =	simm.s32 $0xC480  }
0x4f: {  	v4 =	vld [tilespmem:s22+$0xFFFFFF90]  }
0x50: {  	s23 =	simm.s32 $0x40;
	v5 =	vld [tilespmem:s22+$0xFFFFFF80]  }
.LBB2_5:
0x51: {  	p0 =	seq.s32 s23, $0x300;
	v6 =	vld [tilespmem:s22+$0xFFFFFFA0]  }
0x52: {  	v7 =	vld [tilespmem:s22+$0xFFFFFFB0]  }
0x53: {  	v8 =	vld [tilespmem:s22+$0xFFFFFFC0]  }
0x54: {  	v9 =	vld [tilespmem:s22+$0xFFFFFFD0]  }
0x55: {  	v4 =	vmax.f32 v5, v4;
	v5 =	vld [tilespmem:s22+$0xFFFFFFE0]  }
0x56: {  	v4 =	vmax.f32 v4, v6;
	v6 =	vld [tilespmem:s22+$0xFFFFFFF0]  }
0x57: {  	v4 =	vmax.f32 v4, v7;
	v7 =	vld [tilespmem:s22+$0x0]  }
0x58: {  	v4 =	vmax.f32 v4, v8;
	v8 =	vld [tilespmem:s22+$0x10]  }
0x59: {  	v4 =	vmax.f32 v4, v9;
	v9 =	vld [tilespmem:s22+$0x20]  }
0x5a: {  	v4 =	vmax.f32 v4, v5;
	v5 =	vld [tilespmem:s22+$0x30]  }
0x5b: {  	v4 =	vmax.f32 v4, v6;
	v6 =	vld [tilespmem:s22+$0x40]  }
0x5c: {  	v4 =	vmax.f32 v4, v7;
	v7 =	vld [tilespmem:s22+$0x50]  }
0x5d: {  	v4 =	vmax.f32 v4, v8;
	v8 =	vld [tilespmem:s22+$0x60]  }
0x5e: {  	v4 =	vmax.f32 v4, v9;
	v9 =	vld [tilespmem:s22+$0x70]  }
0x5f: {  	v4 =	vmax.f32 v4, v5  }
0x60: {  	v4 =	vmax.f32 v4, v6  }
0x61: {  	v4 =	vmax.f32 v4, v7  }
.Ltmp1:
0x62: {  	v4 =	vmax.f32 v4, v8;
	(pc) =	sbr.rel @!p0 .LBB2_5-.Ltmp1, $4  }
0x63: {  	s24 =	sshra.s32 s21, $0x2;
	s21 =	smov.u32 s23;
	v4 =	vmax.f32 v4, v9  }
0x64: {  	s22 =	sadd.s32 $0x100, s22;
	[tilespmem:s24+$0xD100] =	vst v4  }
0x65: {  	v4 =	vld [tilespmem:s22+$0xFFFFFF90]  }
0x66: {  	s23 =	sadd.s32 $0x40, s23;
	v5 =	vld [tilespmem:s22+$0xFFFFFF80]  }
0x67: {  	v6 =	vld [tilespmem:s22+$0xFFFFFFA0]  }
0x68: {  	v7 =	vld [tilespmem:s22+$0xFFFFFFB0]  }
0x69: {  	v8 =	vld [tilespmem:s22+$0xFFFFFFC0]  }
0x6a: {  	v9 =	vld [tilespmem:s22+$0xFFFFFFD0]  }
0x6b: {  	v4 =	vmax.f32 v5, v4;
	v5 =	vld [tilespmem:s22+$0xFFFFFFE0]  }
0x6c: {  	v56 =	vld [tilespmem:s22+$0xFFFFFFF0];
	v4 =	vmax.f32 v4, v6  }
0x6d: {  	v57 =	vld [tilespmem:s22+$0x0];
	v4 =	vmax.f32 v4, v7  }
0x6e: {  	v58 =	vld [tilespmem:s22+$0x10];
	v4 =	vmax.f32 v4, v8  }
0x6f: {  	v59 =	vld [tilespmem:s22+$0x20];
	v4 =	vmax.f32 v4, v9  }
0x70: {  	v4 =	vmax.f32 v4, v5;
	v5 =	vld [tilespmem:s22+$0x30]  }
0x71: {  	v60 =	vld [tilespmem:s22+$0x40];
	v4 =	vmax.f32 v4, v56  }
0x72: {  	v61 =	vld [tilespmem:s22+$0x50];
	v4 =	vmax.f32 v4, v57  }
0x73: {  	v62 =	vld [tilespmem:s22+$0x60];
	v4 =	vmax.f32 v4, v58  }
0x74: {  	v63 =	vld [tilespmem:s22+$0x70];
	v4 =	vmax.f32 v4, v59  }
0x75: {  	v4 =	vmax.f32 v4, v5  }
0x76: {  	v4 =	vmax.f32 v4, v60  }
0x77: {  	v4 =	vmax.f32 v4, v61  }
0x78: {  	v4 =	vmax.f32 v4, v62  }
0x79: {  	s21 =	sshra.s32 s21, $0x2;
	v4 =	vmax.f32 v4, v63  }
0x7a: {  	[tilespmem:s21+$0xD100] =	vst v4;
	s21 =	simm.s32 $0x0  }
.LBB2_7:
0x7b: {  	s22 =	simm.s32 $0xD100  }
0x7c: {  	v6 =	vld [tilespmem:s22+$0x0];
	_ =	sdelay $0x3  }
0x7d: {  	v5 =	vimm.f32 $-Inf  }
0x7e: {  	v4 =	vimm.s32 $0x0;
	s23 =	simm.s32 $0xD110;
	s24 =	simm.s32 $0x0;
	s22 =	simm.s32 $0x1;
	vm0 =	vgt.f32 v6, v5  }
.LBB2_8:
0x7f: {  	p0 =	seq.s32 s22, $0xC;
	v5 =	vsel vm0, v6, v5;
	v6 =	vld [tilespmem:s23+$0x0];
	v4 =	vsel vm0, s24, v4;
	s24 =	smov.u32 s22;
	s22 =	sadd.s32 $0x1, s22  }
.Ltmp2:
0x80: {  	(pc) =	sbr.rel @!p0 .LBB2_8-.Ltmp2, $2  }
0x81: {  	_ =	sdelay $0x2  }
0x82: {  	s23 =	sadd.s32 $0x10, s23;
	vm0 =	vgt.f32 v6, v5  }
0x83: {  	v5 =	vsel vm0, s24, v4  }
0x84: {  	s22 =	simm.s32 $0x0;
	v4 =	vshll.u32 v5, $0x4  }
0x85: {  	v8 =	vadd.s32 s22, v4  }
0x86: {  	v9 =	vshll.u32 v8, $0x4  }
0x87: {  	v10 =	vor.u32 v0, v9;
	_ =	sdelay $0x1  }
0x88: {  	s25 =	simm.s32 $0x1  }
0x89: {  	v9 =	vadd.s32 s25, v4  }
0x8a: {  	v11 =	vshll.u32 v9, $0x4  }
0x8b: {  	v6 =	vimm.f32 $-Inf;
	v7 =	vimm.s32 $0x0;
	s22 =	simm.s32 $0x2;
	v11 =	vor.u32 v0, v11;
	v10 =	vld.idx.msk [tilespmem:v10+s12+$0x0], $0xffff  }
.LBB2_10:
0x8c: {  	p0 =	seq.s32 s22, $0xF  }
.Ltmp3:
0x8d: {  	_ = 	snop;
	(pc) =	sbr.rel @!p0 .LBB2_10-.Ltmp3, $4  }
0x8e: {  	v12 =	vadd.s32 s22, v4  }
0x8f: {  	v13 =	vshll.u32 v12, $0x4  }
0x90: {  	vm0 =	vgt.f32 v10, v6;
	v14 =	vmov v10;
	v10 =	vld.idx.msk [tilespmem:v11+s12+$0x0], $0xffff;
	v11 =	vor.u32 v0, v13  }
0x91: {  	s22 =	sadd.s32 $0x1, s22;
	v6 =	vsel vm0, v14, v6;
	v7 =	vsel vm0, v8, v7;
	v8 =	vmovc v9;
	v9 =	vmov v12  }
0x92: {  	_ =	sdelay $0x3  }
0x93: {  	v11 =	vld.idx.msk [tilespmem:v11+s12+$0x0], $0xffff;
	_ =	sdelay $0x2  }
0x94: {  	vm0 =	vgt.f32 v10, v6  }
0x95: {  	v6 =	vsel vm0, v10, v6  }
0x96: {  	v7 =	vsel vm0, v8, v7;
	vm15 =	vgt.f32 v11, v6  }
0x97: {  	v7 =	vsel vm15, v9, v7  }
0x98: {  	s22 =	simm.s32 $0x0;
	v6 =	vshll.u32 v7, $0x4  }
0x99: {  	v10 =	vadd.s32 s22, v6  }
0x9a: {  	v11 =	vshll.u32 v10, $0x4  }
0x9b: {  	v12 =	vor.u32 v0, v11;
	_ =	sdelay $0x1  }
0x9c: {  	s25 =	simm.s32 $0x1  }
0x9d: {  	v11 =	vadd.s32 s25, v6  }
0x9e: {  	v13 =	vshll.u32 v11, $0x4  }
0x9f: {  	v8 =	vimm.f32 $-Inf;
	v9 =	vimm.s32 $0x0;
	s22 =	simm.s32 $0x2;
	v13 =	vor.u32 v0, v13;
	v12 =	vld.idx.msk [tilespmem:v12+s2+$0x0], $0xffff  }
.LBB2_12:
0xa0: {  	p0 =	sne.s32 s22, $0xF  }
.Ltmp4:
0xa1: {  	_ = 	snop;
	(pc) =	sbr.rel @p0 .LBB2_12-.Ltmp4, $4  }
0xa2: {  	v14 =	vadd.s32 s22, v6  }
0xa3: {  	v15 =	vshll.u32 v14, $0x4  }
0xa4: {  	vm0 =	vgt.f32 v12, v8;
	v16 =	vmov v12;
	v12 =	vld.idx.msk [tilespmem:v13+s2+$0x0], $0xffff;
	v13 =	vor.u32 v0, v15  }
0xa5: {  	s22 =	sadd.s32 $0x1, s22;
	v8 =	vsel vm0, v16, v8;
	v9 =	vsel vm0, v10, v9;
	v10 =	vmovc v11;
	v11 =	vmov v14  }
0xa6: {  	_ =	sdelay $0x3  }
0xa7: {  	v13 =	vld.idx.msk [tilespmem:v13+s2+$0x0], $0xffff;
	_ =	sdelay $0x2  }
0xa8: {  	vm0 =	vgt.f32 v12, v8  }
0xa9: {  	v8 =	vsel vm0, v12, v8  }
0xaa: {  	v9 =	vsel vm0, v10, v9;
	vm15 =	vgt.f32 v13, v8  }
0xab: {  	v9 =	vsel vm15, v11, v9  }
0xac: {  	s22 =	simm.s32 $0x1;
	v10 =	vshll.u32 v9, $0x4  }
0xad: {  	v7 =	vshll.u32 v7, $0x8;
	v11 =	vadd.s32 s22, v6;
	v10 =	vor.u32 v0, v10  }
0xae: {  	v7 =	vor.u32 v0, v7;
	v11 =	vshll.u32 v11, $0x4  }
0xaf: {  	s24 =	sshll.u32 s21, $0x4;
	v11 =	vor.u32 v0, v11  }
0xb0: {  	v8 =	vsel vm15, v13, v8;
	[tilespmem:s24+$0xD1D0] =	vst v9  }
0xb1: {  	s25 =	simm.s32 $0x2;
	[tilespmem:s24+$0xD5D0] =	vst v8  }
0xb2: {  	v8 =	vadd.s32 s25, v6;
	[tilespmem:v10+s2+$0x0] =	vst.idx.msk $0xffff, v1  }
0xb3: {  	v9 =	vshll.u32 v8, $0x4;
	v7 =	vld.idx.msk [tilespmem:v7+s2+$0x0], $0xffff  }
0xb4: {  	s22 =	simm.s32 $0x3;
	v9 =	vor.u32 v0, v9;
	v8 =	vld.idx.msk [tilespmem:v11+s2+$0x0], $0xffff  }
.LBB2_14:
0xb5: {  	p0 =	sne.s32 s22, $0xF  }
.Ltmp5:
0xb6: {  	_ = 	snop;
	(pc) =	sbr.rel @p0 .LBB2_14-.Ltmp5, $4  }
0xb7: {  	_ = 	snop  }
0xb8: {  	v10 =	vadd.s32 s22, v6;
	s22 =	sadd.s32 $0x1, s22  }
0xb9: {  	v10 =	vshll.u32 v10, $0x4;
	v7 =	vmax.f32 v7, v8;
	v8 =	vld.idx.msk [tilespmem:v9+s2+$0x0], $0xffff  }
0xba: {  	v9 =	vor.u32 v0, v10  }
0xbb: {  	_ =	sdelay $0x3  }
0xbc: {  	v9 =	vld.idx.msk [tilespmem:v9+s2+$0x0], $0xffff;
	s22 =	simm.s32 $0x1  }
0xbd: {  	v6 =	vor.u32 v0, v6;
	v5 =	vshll.u32 v5, $0x8;
	v10 =	vadd.s32 s22, v4  }
0xbe: {  	v5 =	vor.u32 v0, v5;
	v10 =	vshll.u32 v10, $0x4  }
0xbf: {  	v10 =	vor.u32 v0, v10  }
0xc0: {  	v7 =	vmax.f32 v7, v8  }
0xc1: {  	s25 =	simm.s32 $0x2;
	v7 =	vmax.f32 v7, v9  }
0xc2: {  	[tilespmem:v6+s12+$0x0] =	vst.idx.msk $0xffff, v7;
	v6 =	vadd.s32 s25, v4  }
0xc3: {  	v5 =	vld.idx.msk [tilespmem:v5+s12+$0x0], $0xffff;
	v7 =	vshll.u32 v6, $0x4  }
0xc4: {  	s22 =	simm.s32 $0x3;
	v6 =	vld.idx.msk [tilespmem:v10+s12+$0x0], $0xffff;
	v7 =	vor.u32 v0, v7  }
.LBB2_16:
0xc5: {  	p0 =	sne.s32 s22, $0xF  }
.Ltmp6:
0xc6: {  	_ = 	snop;
	(pc) =	sbr.rel @p0 .LBB2_16-.Ltmp6, $4  }
0xc7: {  	_ = 	snop  }
0xc8: {  	v8 =	vadd.s32 s22, v4;
	s22 =	sadd.s32 $0x1, s22  }
0xc9: {  	v8 =	vshll.u32 v8, $0x4;
	v5 =	vmax.f32 v5, v6;
	v6 =	vld.idx.msk [tilespmem:v7+s12+$0x0], $0xffff  }
0xca: {  	v7 =	vor.u32 v0, v8  }
0xcb: {  	_ =	sdelay $0x3  }
0xcc: {  	v7 =	vld.idx.msk [tilespmem:v7+s12+$0x0], $0xffff;
	s21 =	sadd.s32 $0x1, s21  }
0xcd: {  	v4 =	vor.u32 v0, v4;
	p0 =	seq.s32 s21, $0x40  }
.Ltmp7:
0xce: {  	_ = 	snop;
	(pc) =	sbr.rel @!p0 .LBB2_7-.Ltmp7, $4  }
0xcf: {  	_ = 	snop  }
0xd0: {  	v5 =	vmax.f32 v5, v6  }
0xd1: {  	v5 =	vmax.f32 v5, v7  }
0xd2: {  	[tilespmem:v4+s13+$0x0] =	vst.idx.msk $0xffff, v5  }
0xd3: {  	s21 =	sshll.u32 s20, $0x4  }
0xd4: {  	v1 =	vld [tilespmem:$0x1FFF0];
	v4 =	vmov s21  }
0xd5: {  	v4 =	vmul.u32 $0xC40, v4;
	_ =	sdelay $0x1  }
0xd6: {  	v4 =	vbroadcast v4, $0x0  }
0xd7: {  	s22 =	simm.s32 $0xD1D0  }
0xd8: {  	s23 =	simm.s32 $0x10;
	s21 =	simm.s32 $0x0;
	v5 =	vld [tilespmem:s22+$0x0];
	v4 =	vadd.s32 v1, v4  }
.LBB2_19:
0xd9: {  	p0 =	sne.s32 s23, $0x3F0;
	v6 =	vor.u32 s21, v0;
	s21 =	smov.u32 s23;
	_ =	sdelay $0x1  }
.Ltmp8:
0xda: {  	(pc) =	sbr.rel @p0 .LBB2_19-.Ltmp8, $4  }
0xdb: {  	_ = 	snop  }
0xdc: {  	v5 =	vadd.s32 v5, v4  }
0xdd: {  	s22 =	sadd.s32 $0x10, s22;
	[tilespmem:v6+s14+$0x0] =	vst.idx.msk $0xffff, v5  }
0xde: {  	s23 =	sadd.s32 $0x10, s23;
	v5 =	vld [tilespmem:s22+$0x0]  }
0xdf: {  	v6 =	vor.u32 s21, v0;
	_ =	sdelay $0x3  }
0xe0: {  	v4 =	vadd.s32 v5, v4  }
0xe1: {  	[tilespmem:v6+s14+$0x0] =	vst.idx.msk $0xffff, v4  }
0xe2: {  	[tilespmem:s16], [sflag:$0x1] =	stream.indirect.gather [hbm4b:s4+s15], $0x20, s14, s15, $0xb8;
	[tilespmem:$0x1C9D0] =	vst v63  }
0xe3: {  	s25 =	simm.s32 $0xDA50;
	s22 =	simm.s32 $0xEDD0  }
0xe4: {  	[tilespmem:s22], [sflag:$0x1] =	stream.indirect.gather [hbm4b:s4+s15], $0x20, s25, s15, $0xb8;
	[tilespmem:$0x1C9D0] =	vst v63  }
0xe5: {  	s23 =	simm.s32 $0xFDD0;
	s22 =	simm.s32 $0xDAD0  }
0xe6: {  	[tilespmem:s23], [sflag:$0x1] =	stream.indirect.gather [hbm4b:s4+s15], $0x20, s22, s15, $0xb8;
	[tilespmem:$0x1C9D0] =	vst v63  }
0xe7: {  	s24 =	simm.s32 $0xDB50;
	s25 =	simm.s32 $0x10DD0  }
0xe8: {  	[tilespmem:s25], [sflag:$0x1] =	stream.indirect.gather [hbm4b:s4+s15], $0x20, s24, s15, $0xb8;
	[tilespmem:$0x1C9D0] =	vst v63  }
0xe9: {  	s23 =	simm.s32 $0xDBD0;
	s24 =	simm.s32 $0x11DD0  }
0xea: {  	[tilespmem:s24], [sflag:$0x1] =	stream.indirect.gather [hbm4b:s4+s15], $0x20, s23, s15, $0xb8;
	[tilespmem:$0x1C9D0] =	vst v63  }
0xeb: {  	s25 =	simm.s32 $0xDC50  }
0xec: {  	[tilespmem:s26], [sflag:$0x1] =	stream.indirect.gather [hbm4b:s4+s15], $0x20, s25, s15, $0xb8;
	[tilespmem:$0x1C9D0] =	vst v63  }
0xed: {  	_ = 	snop  }
0xee: {  	[tilespmem:s29], [sflag:$0x1] =	stream.indirect.gather [hbm4b:s4+s15], $0x20, s28, s15, $0xb8;
	[tilespmem:$0x1C9D0] =	vst v63  }
0xef: {  	_ = 	snop  }
0xf0: {  	[tilespmem:s31], [sflag:$0x1] =	stream.indirect.gather [hbm4b:s4+s15], $0x20, s30, s15, $0xb8;
	[tilespmem:$0x1C9D0] =	vst v63  }
0xf1: {  	_ =	swait.ge [sflag:s0], $0x1000  }
0xf2: {  	[sflag:s0] =	ssyncset.done $0x0  }
0xf3: {  	[sflag:s0] =	ssyncadd.s32 $0xFFFFF000  }
0xf4: {  	_ =	swait.ge [sflag:s0], $0x1000  }
0xf5: {  	[sflag:s0] =	ssyncset.done $0x0  }
0xf6: {  	[sflag:s0] =	ssyncadd.s32 $0xFFFFF000  }
0xf7: {  	_ =	swait.ge [sflag:s0], $0x1000  }
0xf8: {  	[sflag:s0] =	ssyncset.done $0x0  }
0xf9: {  	[sflag:s0] =	ssyncadd.s32 $0xFFFFF000  }
0xfa: {  	_ =	swait.ge [sflag:s0], $0x1000  }
0xfb: {  	[sflag:s0] =	ssyncset.done $0x0  }
0xfc: {  	[sflag:s0] =	ssyncadd.s32 $0xFFFFF000  }
0xfd: {  	_ =	swait.ge [sflag:s0], $0x1000  }
0xfe: {  	[sflag:s0] =	ssyncset.done $0x0  }
0xff: {  	[sflag:s0] =	ssyncadd.s32 $0xFFFFF000  }
0x100: {  	_ =	swait.ge [sflag:s0], $0x1000  }
0x101: {  	[sflag:s0] =	ssyncset.done $0x0  }
0x102: {  	[sflag:s0] =	ssyncadd.s32 $0xFFFFF000  }
0x103: {  	_ =	swait.ge [sflag:s0], $0x1000  }
0x104: {  	[sflag:s0] =	ssyncset.done $0x0  }
0x105: {  	[sflag:s0] =	ssyncadd.s32 $0xFFFFF000  }
0x106: {  	_ =	swait.ge [sflag:s0], $0x1000  }
0x107: {  	[sflag:s0] =	ssyncset.done $0x0  }
0x108: {  	s21 =	simm.s32 $0x0;
	[sflag:s0] =	ssyncadd.s32 $0xFFFFF000  }
.LBB2_21:
0x109: {  	s22 =	simm.s32 $0xD5D0  }
0x10a: {  	v5 =	vld [tilespmem:s22+$0x0];
	_ =	sdelay $0x3  }
0x10b: {  	v6 =	vimm.f32 $-Inf  }
0x10c: {  	v4 =	vimm.s32 $0x0;
	s23 =	simm.s32 $0xD5E0;
	s24 =	simm.s32 $0x0;
	s22 =	simm.s32 $0x1;
	vm0 =	vgt.f32 v5, v6  }
.LBB2_22:
0x10d: {  	p0 =	sne.s32 s22, $0x3F;
	v6 =	vsel vm0, v5, v6;
	v5 =	vld [tilespmem:s23+$0x0];
	v4 =	vsel vm0, s24, v4;
	s24 =	smov.u32 s22;
	s22 =	sadd.s32 $0x1, s22  }
.Ltmp9:
0x10e: {  	(pc) =	sbr.rel @p0 .LBB2_22-.Ltmp9, $2  }
0x10f: {  	_ =	sdelay $0x2  }
0x110: {  	s23 =	sadd.s32 $0x10, s23;
	vm0 =	vgt.f32 v5, v6  }
0x111: {  	v4 =	vsel vm0, s24, v4  }
0x112: {  	v4 =	vshll.u32 v4, $0x4  }
0x113: {  	v4 =	vor.u32 v0, v4  }
0x114: {  	v6 =	vshll.u32 v4, $0x5;
	_ =	sdelay $0x3  }
0x115: {  	s22 =	simm.s32 $0x0;
	v10 =	vor.u32 $0x1, v6  }
0x116: {  	v11 =	vadd.s32 s22, v10;
	v7 =	vld.idx.msk [tilespmem:v6+s16+$0x0], $0xffff  }
0x117: {  	v5 =	vimm.f32 $-Inf;
	v8 =	vimm.s32 $0x0;
	s23 =	simm.s32 $0x1;
	v9 =	vimm.f32 $-Inf  }
.LBB2_24:
0x118: {  	p0 =	sne.s32 s23, $0x1F  }
.Ltmp10:
0x119: {  	_ = 	snop;
	(pc) =	sbr.rel @p0 .LBB2_24-.Ltmp10, $4  }
0x11a: {  	_ = 	snop  }
0x11b: {  	s24 =	smov.u32 s23;
	s23 =	sadd.s32 $0x1, s23;
	vm0 =	vgt.f32 v7, v5;
	v9 =	vmax.f32 v9, v7;
	v12 =	vmov v7;
	v7 =	vld.idx.msk [tilespmem:v11+s16+$0x0], $0xffff  }
0x11c: {  	v11 =	vadd.s32 s24, v10;
	v9 =	vsel vm0, v5, v9;
	v5 =	vsel vm0, v12, v5  }
0x11d: {  	v8 =	vsel vm0, s22, v8;
	s22 =	smov.u32 s24  }
0x11e: {  	_ =	sdelay $0x1  }
0x11f: {  	s23 =	sshll.u32 s21, $0x4;
	vm0 =	vgt.f32 v7, v5  }
0x120: {  	s23 =	sand.u32 $0x3FFFFFF0, s23;
	v10 =	vsel vm0, v7, v5  }
0x121: {  	[tilespmem:s23+$0x15DD0] =	vst v10  }
0x122: {  	v8 =	vsel vm0, s22, v8;
	v10 =	vld.idx.msk [tilespmem:v4+s3+$0x0], $0xffff  }
0x123: {  	v11 =	vand.u32 $0xFFFFFFF8, v8  }
0x124: {  	v12 =	vor.u32 s21, v3;
	v63 =	vand.u32 $0x7, v8;
	v6 =	vadd.s32 v6, v11  }
0x125: {  	s21 =	sadd.s32 $0x1, s21;
	v11 =	vor.u32 v63, v6  }
0x126: {  	p0 =	sne.s32 s21, $0x40  }
.Ltmp11:
0x127: {  	v6 =	vshll.u32 v10, $0x5;
	(pc) =	sbr.rel @p0 .LBB2_21-.Ltmp11, $4  }
0x128: {  	v6 =	vadd.s32 v8, v6  }
0x129: {  	v7 =	vmax.f32 v9, v7;
	[tilespmem:v12+s10+$0x0] =	vst.idx.msk $0xffff, v6;
	v6 =	vimm.f32 $-Inf  }
0x12a: {  	v5 =	vsel vm0, v5, v7;
	[tilespmem:v11+s16+$0x0] =	vst.idx.msk $0xffff, v6  }
0x12b: {  	s22 =	simm.s32 $0x0;
	[tilespmem:v4+s7+$0x0] =	vst.idx.msk $0xffff, v5  }
0x12c: {  	p0 =	seq.s32 s22, $0xFC0  }
.Ltmp12:
0x12d: {  	_ = 	snop;
	(pc) =	sbr.rel @p0 .LBB2_28-.Ltmp12, $3  }
0x12e: {  	_ =	sdelay $0x1  }
0x12f: {  	s23 =	sshra.s32 s22, $0x2  }
0x130: {  	s21 =	sadd.s32 $0x40, s22;
	v4 =	vld [tilespmem:s23+$0x15DD0]  }
.LBB2_27:
0x131: {  	p0 =	seq.s32 s21, $0xFC0  }
.Ltmp13:
0x132: {  	_ = 	snop;
	(pc) =	sbr.rel @!p0 .LBB2_27-.Ltmp13, $3  }
0x133: {  	_ =	sdelay $0x1  }
0x134: {  	s22 =	sshra.s32 s21, $0x2;
	s21 =	sadd.s32 $0x40, s21;
	v6 =	vmax.f32 v6, v4  }
0x135: {  	v4 =	vld [tilespmem:s22+$0x15DD0]  }
.LBB2_28:
0x136: {  	_ =	sdelay $0x3  }
0x137: {  	s21 =	simm.s32 $0x0;
	s22 =	simm.s32 $0x40;
	v5 =	vmax.f32 v6, v4;
	v4 =	vimm.f32 $0.0e+00  }
.LBB2_29:
0x138: {  	p0 =	seq.s32 s22, $0xFC0;
	v6 =	vld [tilespmem:s21+$0x15DD0];
	_ =	sdelay $0x4  }
0x139: {  	v6 =	vsub.f32 v6, v5;
	_ =	sdelay $0x1  }
0x13a: {  	v6 =	vmul.f32 $1.442695020e+00, v6;
	_ =	sdelay $0x1  }
0x13b: {  	(erf) = vpow2.f32 v6;
	_ =	sdelay $0x5  }
.Ltmp14:
0x13c: {  	(pc) =	sbr.rel @!p0 .LBB2_29-.Ltmp14, $3  }
0x13d: {  	_ =	sdelay $0x1  }
0x13e: {  	v6 =	vpop (erf)  }
0x13f: {  	[tilespmem:s21+$0x15DD0] =	vst v6;
	s21 =	sshra.s32 s22, $0x2;
	s22 =	sadd.s32 $0x40, s22;
	v4 =	vadd.f32 v6, v4  }
0x140: {  	v6 =	vld [tilespmem:s21+$0x15DD0];
	_ =	sdelay $0x4  }
0x141: {  	v5 =	vsub.f32 v6, v5;
	_ =	sdelay $0x1  }
0x142: {  	v5 =	vmul.f32 $1.442695020e+00, v5;
	_ =	sdelay $0x1  }
0x143: {  	(erf) = vpow2.f32 v5;
	_ =	sdelay $0x8  }
0x144: {  	v5 =	vpop (erf)  }
0x145: {  	v4 =	vadd.f32 v5, v4;
	_ =	sdelay $0x1  }
0x146: {  	(erf) = vrcp.f32 v4;
	_ =	sdelay $0x1  }
0x147: {  	s22 =	simm.s32 $0x0  }
0x148: {  	[tilespmem:s21+$0x15DD0] =	vst v5;
	v5 =	vmov s22  }
0x149: {  	s21 =	simm.s32 $0x15DD0;
	v5 =	vand.u32 $0x3F, v5  }
0x14a: {  	v6 =	vld [tilespmem:s21+$0x0];
	v5 =	vbroadcast v5, $0x0;
	_ =	sdelay $0x1  }
0x14b: {  	v5 =	vor.u32 v3, v5;
	_ =	sdelay $0x1  }
0x14c: {  	v4 =	vpop (erf)  }
0x14d: {  	s25 =	simm.s32 $0x1;
	v6 =	vmul.f32 v6, v4  }
0x14e: {  	v7 =	vmov s25;
	s22 =	simm.s32 $0x2  }
.LBB2_31:
0x14f: {  	p0 =	sne.s32 s22, $0x3F;
	v7 =	vand.u32 $0x3F, v7;
	[tilespmem:v5+s1+$0x0] =	vst.idx.msk $0xffff, v6;
	s21 =	sadd.s32 $0x10, s21  }
0x150: {  	v6 =	vld [tilespmem:s21+$0x0];
	v5 =	vbroadcast v7, $0x0;
	_ =	sdelay $0x1  }
.Ltmp15:
0x151: {  	v5 =	vor.u32 v3, v5;
	(pc) =	sbr.rel @p0 .LBB2_31-.Ltmp15, $3  }
0x152: {  	_ =	sdelay $0x1  }
0x153: {  	v6 =	vmul.f32 v6, v4  }
0x154: {  	v7 =	vmov s22;
	s22 =	sadd.s32 $0x1, s22  }
0x155: {  	_ =	sdelay $0x3  }
0x156: {  	v7 =	vand.u32 $0x3F, v7;
	[tilespmem:v5+s1+$0x0] =	vst.idx.msk $0xffff, v6;
	s21 =	sadd.s32 $0x10, s21  }
0x157: {  	v5 =	vld [tilespmem:s21+$0x0];
	v63 =	vbroadcast v7, $0x0;
	_ =	sdelay $0x1  }
0x158: {  	v6 =	vor.u32 v3, v63;
	_ =	sdelay $0x2  }
0x159: {  	v4 =	vmul.f32 v5, v4  }
0x15a: {  	s25 =	sshll.u32 s20, $0x7;
	s22 =	rddreg [dreg:$0x1]  }
0x15b: {  	s22 =	sadd.s32 s22, s25;
	s21 =	simm.s32 $0x0;
	[tilespmem:v6+s1+$0x0] =	vst.idx.msk $0xffff, v4  }
0x15c: {  	[hbm4b:s22+s21] =	stream.linear.scatter [tilespmem:s1], [sflag:$0x2], $0x400, $0x38;
	[tilespmem:$0x1C9D0] =	vst v63  }
0x15d: {  	_ =	swait.ge [sflag:s11], $0x400  }
0x15e: {  	[sflag:s11] =	ssyncset.done $0x0  }
0x15f: {  	s22 =	simm.s32 $0x0;
	[sflag:s11] =	ssyncadd.s32 $0xFFFFFC00  }
.LBB2_33:
0x160: {  	s23 =	sshll.u32 s22, $0x6  }
0x161: {  	v4 =	vmov s23;
	s23 =	sand.u32 $0x3FFFFFC0, s23  }
0x162: {  	s24 =	sadd.s32 $0x161D0, s23  }
0x163: {  	v5 =	vmov s21;
	[tilespmem:s18], [sflag:$0x1] =	stream.indirect.gather [hbm4b:s6+s17], $0x200, s24, s17, $0xb8;
	[tilespmem:$0x1C9D0] =	vst v63  }
0x164: {  	v5 =	vand.u32 $0x1F, v5;
	_ =	swait.ge [sflag:s0], $0x4000  }
0x165: {  	v5 =	vor.u32 v4, v5;
	[sflag:s0] =	ssyncset.done $0x0  }
0x166: {  	v5 =	vbroadcast v5, $0x0;
	s24 =	simm.s32 $0x16AD0;
	[sflag:s0] =	ssyncadd.s32 $0xFFFFC000  }
0x167: {  	v6 =	vld [tilespmem:s24+$0xFFFFFF00]  }
0x168: {  	v7 =	vld [tilespmem:s24+$0xFFFFFF10]  }
0x169: {  	v8 =	vld [tilespmem:s24+$0xFFFFFF20]  }
0x16a: {  	v9 =	vld [tilespmem:s24+$0xFFFFFF30]  }
0x16b: {  	v10 =	vld [tilespmem:s24+$0xFFFFFF40]  }
0x16c: {  	v19 =	vld.idx.msk [tilespmem:v5+s1+$0x0], $0xffff  }
0x16d: {  	v5 =	vld [tilespmem:s24+$0xF0]  }
0x16e: {  	v11 =	vld [tilespmem:s24+$0xFFFFFF50]  }
0x16f: {  	v23 =	vimm.f32 $0.0e+00;
	v12 =	vld [tilespmem:s24+$0xFFFFFF60]  }
0x170: {  	v37 =	vimm.f32 $0.0e+00;
	v35 =	vimm.f32 $0.0e+00;
	v36 =	vimm.f32 $0.0e+00;
	v13 =	vld [tilespmem:s24+$0xFFFFFF70]  }
0x171: {  	v33 =	vimm.f32 $0.0e+00;
	v34 =	vimm.f32 $0.0e+00;
	v32 =	vimm.f32 $0.0e+00;
	v14 =	vld [tilespmem:s24+$0xFFFFFF80]  }
0x172: {  	v31 =	vimm.f32 $0.0e+00;
	v29 =	vimm.f32 $0.0e+00;
	v24 =	vld [tilespmem:s24+$0xFFFFFF90];
	v5 =	vmul.f32 v5, v19  }
0x173: {  	v30 =	vimm.f32 $0.0e+00;
	v25 =	vld [tilespmem:s24+$0xFFFFFFA0];
	v6 =	vmul.f32 v6, v19;
	v7 =	vmul.f32 v7, v19  }
0x174: {  	v26 =	vld [tilespmem:s24+$0xFFFFFFB0];
	v8 =	vmul.f32 v8, v19;
	v22 =	vadd.f32 v5, v23;
	v5 =	vmul.f32 v9, v19  }
0x175: {  	v21 =	vadd.f32 v6, v23;
	v9 =	vld [tilespmem:s24+$0xFFFFFFC0];
	v20 =	vadd.f32 v7, v23;
	v6 =	vmul.f32 v10, v19  }
0x176: {  	v18 =	vadd.f32 v8, v23;
	v7 =	vld [tilespmem:s24+$0xFFFFFFD0];
	v8 =	vmul.f32 v12, v19;
	v16 =	vadd.f32 v5, v23  }
0x177: {  	v27 =	vld [tilespmem:s24+$0xFFFFFFE0];
	v5 =	vmul.f32 v11, v19;
	v17 =	vadd.f32 v6, v23;
	v6 =	vmul.f32 v13, v19  }
0x178: {  	v12 =	vmul.f32 v14, v19;
	v10 =	vadd.f32 v8, v23;
	v8 =	vmul.f32 v25, v19;
	v25 =	vld [tilespmem:s24+$0x10]  }
0x179: {  	s25 =	simm.s32 $0x1;
	v28 =	vld [tilespmem:s24+$0xFFFFFFF0];
	v15 =	vadd.f32 v5, v23;
	v5 =	vmul.f32 v24, v19;
	v11 =	vadd.f32 v6, v23  }
0x17a: {  	v38 =	vmov s25;
	v6 =	vadd.f32 v12, v23;
	v24 =	vld [tilespmem:s24+$0x0];
	v14 =	vadd.f32 v8, v23  }
0x17b: {  	v9 =	vmul.f32 v9, v19;
	v7 =	vmul.f32 v7, v19;
	v12 =	vadd.f32 v5, v23  }
0x17c: {  	v39 =	vld [tilespmem:s24+$0x20];
	v5 =	vmul.f32 v26, v19;
	v26 =	vmul.f32 v27, v19;
	v27 =	vimm.f32 $0.0e+00  }
0x17d: {  	v40 =	vld [tilespmem:s24+$0x30];
	v8 =	vadd.f32 v7, v23;
	v45 =	vmul.f32 v25, v19;
	v25 =	vimm.f32 $0.0e+00  }
0x17e: {  	v41 =	vld [tilespmem:s24+$0x40];
	v13 =	vadd.f32 v5, v23;
	v5 =	vadd.f32 v9, v23;
	v9 =	vmul.f32 v28, v19  }
0x17f: {  	v42 =	vld [tilespmem:s24+$0x50];
	v7 =	vadd.f32 v26, v23;
	v28 =	vimm.f32 $0.0e+00;
	v44 =	vmul.f32 v24, v19  }
0x180: {  	s25 =	simm.s32 $0x2;
	v43 =	vld [tilespmem:s24+$0x60];
	v26 =	vimm.f32 $0.0e+00;
	v24 =	vimm.f32 $0.0e+00;
	v9 =	vadd.f32 v9, v23  }
.LBB2_34:
0x181: {  	p0 =	sne.s32 s25, $0x1F;
	v38 =	vand.u32 $0x1F, v38;
	v23 =	vadd.f32 v44, v23;
	v39 =	vmul.f32 v39, v19;
	v44 =	vld [tilespmem:s24+$0x70]  }
0x182: {  	v38 =	vor.u32 v4, v38;
	v37 =	vadd.f32 v45, v37;
	v40 =	vmul.f32 v40, v19;
	v45 =	vld [tilespmem:s24+$0x80]  }
0x183: {  	v38 =	vbroadcast v38, $0x0;
	v35 =	vadd.f32 v39, v35;
	v39 =	vmul.f32 v41, v19;
	v41 =	vld [tilespmem:s24+$0x90]  }
0x184: {  	v36 =	vadd.f32 v40, v36;
	v40 =	vmul.f32 v42, v19;
	v42 =	vld [tilespmem:s24+$0xA0]  }
0x185: {  	v33 =	vadd.f32 v39, v33;
	v39 =	vmul.f32 v43, v19;
	v43 =	vld [tilespmem:s24+$0xB0]  }
0x186: {  	v34 =	vadd.f32 v40, v34;
	v40 =	vmul.f32 v44, v19;
	v44 =	vld [tilespmem:s24+$0xC0]  }
0x187: {  	v32 =	vadd.f32 v39, v32;
	v39 =	vmul.f32 v45, v19;
	v45 =	vld [tilespmem:s24+$0xD0]  }
0x188: {  	v31 =	vadd.f32 v40, v31;
	v40 =	vmul.f32 v41, v19;
	v41 =	vld [tilespmem:s24+$0xE0]  }
0x189: {  	s24 =	sadd.s32 $0x200, s24;
	v38 =	vld.idx.msk [tilespmem:v38+s1+$0x0], $0xffff;
	v29 =	vadd.f32 v39, v29;
	v39 =	vmul.f32 v42, v19  }
0x18a: {  	v42 =	vld [tilespmem:s24+$0xF0];
	v30 =	vadd.f32 v40, v30;
	v40 =	vmul.f32 v43, v19  }
0x18b: {  	v43 =	vld [tilespmem:s24+$0xFFFFFF00];
	v28 =	vadd.f32 v39, v28;
	v39 =	vmul.f32 v44, v19  }
0x18c: {  	v44 =	vld [tilespmem:s24+$0xFFFFFF10];
	v27 =	vadd.f32 v40, v27;
	v40 =	vmul.f32 v45, v19  }
0x18d: {  	v45 =	vld [tilespmem:s24+$0xFFFFFF20];
	v25 =	vadd.f32 v39, v25;
	v1 =	vmul.f32 v41, v19  }
0x18e: {  	v39 =	vld [tilespmem:s24+$0xFFFFFF30];
	v26 =	vadd.f32 v40, v26  }
0x18f: {  	v19 =	vmov v38;
	v40 =	vld [tilespmem:s24+$0xFFFFFF40];
	v41 =	vmul.f32 v42, v38;
	v24 =	vadd.f32 v1, v24  }
0x190: {  	v38 =	vmul.f32 v43, v19;
	v42 =	vld [tilespmem:s24+$0xFFFFFF50]  }
0x191: {  	v43 =	vmul.f32 v44, v19;
	v44 =	vld [tilespmem:s24+$0xFFFFFF60];
	v22 =	vadd.f32 v41, v22  }
0x192: {  	v21 =	vadd.f32 v38, v21;
	v38 =	vmul.f32 v45, v19;
	v41 =	vld [tilespmem:s24+$0xFFFFFF70]  }
0x193: {  	v20 =	vadd.f32 v43, v20;
	v39 =	vmul.f32 v39, v19;
	v43 =	vld [tilespmem:s24+$0xFFFFFF80]  }
0x194: {  	v18 =	vadd.f32 v38, v18;
	v38 =	vmul.f32 v40, v19;
	v40 =	vld [tilespmem:s24+$0xFFFFFF90]  }
0x195: {  	v16 =	vadd.f32 v39, v16;
	v39 =	vmul.f32 v42, v19;
	v42 =	vld [tilespmem:s24+$0xFFFFFFA0]  }
0x196: {  	v17 =	vadd.f32 v38, v17;
	v38 =	vmul.f32 v44, v19;
	v44 =	vld [tilespmem:s24+$0xFFFFFFB0]  }
0x197: {  	v15 =	vadd.f32 v39, v15;
	v39 =	vmul.f32 v41, v19;
	v41 =	vld [tilespmem:s24+$0xFFFFFFC0]  }
0x198: {  	v10 =	vadd.f32 v38, v10;
	v38 =	vmul.f32 v43, v19;
	v43 =	vld [tilespmem:s24+$0xFFFFFFD0]  }
0x199: {  	v11 =	vadd.f32 v39, v11;
	v39 =	vmul.f32 v40, v19;
	v40 =	vld [tilespmem:s24+$0xFFFFFFE0]  }
0x19a: {  	v6 =	vadd.f32 v38, v6;
	v38 =	vmul.f32 v42, v19;
	v42 =	vld [tilespmem:s24+$0xFFFFFFF0]  }
0x19b: {  	v12 =	vadd.f32 v39, v12;
	v39 =	vmul.f32 v44, v19;
	v44 =	vld [tilespmem:s24+$0x0]  }
0x19c: {  	v14 =	vadd.f32 v38, v14;
	v38 =	vmul.f32 v41, v19;
	v45 =	vld [tilespmem:s24+$0x10]  }
.Ltmp16:
0x19d: {  	v13 =	vadd.f32 v39, v13;
	v41 =	vmul.f32 v43, v19;
	v39 =	vld [tilespmem:s24+$0x20];
	(pc) =	sbr.rel @p0 .LBB2_34-.Ltmp16, $4  }
0x19e: {  	v5 =	vadd.f32 v38, v5;
	v38 =	vmul.f32 v40, v19;
	v40 =	vld [tilespmem:s24+$0x30]  }
0x19f: {  	v8 =	vadd.f32 v41, v8;
	v43 =	vmul.f32 v42, v19;
	v41 =	vld [tilespmem:s24+$0x40]  }
0x1a0: {  	v7 =	vadd.f32 v38, v7;
	v44 =	vmul.f32 v44, v19;
	v42 =	vld [tilespmem:s24+$0x50]  }
0x1a1: {  	v38 =	vmov s25;
	s25 =	sadd.s32 $0x1, s25;
	v9 =	vadd.f32 v43, v9;
	v45 =	vmul.f32 v45, v19;
	v43 =	vld [tilespmem:s24+$0x60]  }
0x1a2: {  	v46 =	vld [tilespmem:s24+$0x70]  }
0x1a3: {  	v47 =	vld [tilespmem:s24+$0x80]  }
0x1a4: {  	v48 =	vld [tilespmem:s24+$0x90]  }
0x1a5: {  	v49 =	vld [tilespmem:s24+$0xA0]  }
0x1a6: {  	v50 =	vld [tilespmem:s24+$0xB0]  }
0x1a7: {  	v51 =	vld [tilespmem:s24+$0xC0]  }
0x1a8: {  	v52 =	vld [tilespmem:s24+$0xD0]  }
0x1a9: {  	v53 =	vld [tilespmem:s24+$0xE0];
	s24 =	sadd.s32 $0x200, s24  }
0x1aa: {  	v54 =	vld [tilespmem:s24+$0xF0]  }
0x1ab: {  	v55 =	vld [tilespmem:s24+$0xFFFFFF00]  }
0x1ac: {  	v56 =	vld [tilespmem:s24+$0xFFFFFF10]  }
0x1ad: {  	v1 =	vld [tilespmem:s24+$0xFFFFFFA0]  }
0x1ae: {  	v57 =	vld [tilespmem:s24+$0xFFFFFF20]  }
0x1af: {  	v58 =	vld [tilespmem:s24+$0xFFFFFF30]  }
0x1b0: {  	v59 =	vld [tilespmem:s24+$0xFFFFFF40]  }
0x1b1: {  	v60 =	vld [tilespmem:s24+$0xFFFFFF50]  }
0x1b2: {  	[tilespmem:$0x1FF90] =	vst v1;
	v1 =	vld [tilespmem:s24+$0xFFFFFFB0]  }
0x1b3: {  	v61 =	vld [tilespmem:s24+$0xFFFFFF60]  }
0x1b4: {  	v62 =	vld [tilespmem:s24+$0xFFFFFF70]  }
0x1b5: {  	v63 =	vld [tilespmem:s24+$0xFFFFFF80]  }
0x1b6: {  	v2 =	vld [tilespmem:s24+$0xFFFFFF90]  }
0x1b7: {  	[tilespmem:$0x1FFA0] =	vst v1;
	v1 =	vld [tilespmem:s24+$0xFFFFFFC0]  }
0x1b8: {  	v38 =	vand.u32 $0x1F, v38;
	v23 =	vadd.f32 v44, v23;
	v40 =	vmul.f32 v40, v19;
	v44 =	vld [tilespmem:s24+$0xFFFFFFF0]  }
0x1b9: {  	v38 =	vor.u32 v4, v38;
	v37 =	vadd.f32 v45, v37;
	v45 =	vld [tilespmem:s24+$0x0];
	v42 =	vmul.f32 v42, v19  }
0x1ba: {  	v39 =	vmul.f32 v39, v19;
	v38 =	vbroadcast v38, $0x0;
	v36 =	vadd.f32 v40, v36;
	v40 =	vld [tilespmem:s24+$0x10]  }
0x1bb: {  	v41 =	vmul.f32 v41, v19;
	v34 =	vadd.f32 v42, v34;
	v42 =	vld [tilespmem:s24+$0x20]  }
0x1bc: {  	v35 =	vadd.f32 v39, v35;
	v39 =	vmul.f32 v43, v19;
	[tilespmem:$0x1FFB0] =	vst v1;
	v1 =	vld [tilespmem:s24+$0xFFFFFFD0]  }
0x1bd: {  	v33 =	vadd.f32 v41, v33;
	v41 =	vmul.f32 v46, v19;
	v43 =	vmul.f32 v48, v19;
	v46 =	vld [tilespmem:s24+$0x30]  }
0x1be: {  	v48 =	vld [tilespmem:s24+$0x40]  }
0x1bf: {  	v30 =	vadd.f32 v43, v30;
	v43 =	vld [tilespmem:s24+$0x50]  }
0x1c0: {  	v38 =	vld.idx.msk [tilespmem:v38+s1+$0x0], $0xffff  }
0x1c1: {  	v32 =	vadd.f32 v39, v32;
	v39 =	vmul.f32 v47, v19;
	[tilespmem:$0x1FFC0] =	vst v1;
	v1 =	vld [tilespmem:s24+$0xFFFFFFE0]  }
0x1c2: {  	v31 =	vadd.f32 v41, v31;
	v41 =	vmul.f32 v49, v19;
	v49 =	vld [tilespmem:s24+$0x80]  }
0x1c3: {  	v29 =	vadd.f32 v39, v29;
	v39 =	vmul.f32 v50, v19;
	v50 =	vld [tilespmem:s24+$0x60]  }
0x1c4: {  	s25 =	simm.s32 $0x0;
	[tilespmem:$0x1FFE0] =	vst v32;
	v32 =	vmul.f32 v52, v19;
	v52 =	vld [tilespmem:s24+$0xA0]  }
0x1c5: {  	v47 =	vmov s25;
	v28 =	vadd.f32 v41, v28;
	v41 =	vmul.f32 v51, v19;
	v51 =	vld [tilespmem:s24+$0x70]  }
0x1c6: {  	v47 =	vadd.s32 $0x20, v47;
	v19 =	vmul.f32 v53, v19;
	v54 =	vmul.f32 v54, v38;
	[tilespmem:$0x1FFD0] =	vst v1;
	v1 =	vld [tilespmem:$0x1FF90]  }
0x1c7: {  	v27 =	vadd.f32 v39, v27;
	v26 =	vadd.f32 v32, v26;
	v32 =	vmul.f32 v55, v38;
	v55 =	vld [tilespmem:s24+$0xC0]  }
0x1c8: {  	v24 =	vadd.f32 v19, v24;
	v19 =	vmul.f32 v56, v38;
	v39 =	vadd.f32 v54, v22;
	v22 =	vld [tilespmem:s24+$0x90]  }
0x1c9: {  	v25 =	vadd.f32 v41, v25;
	v41 =	vadd.f32 v32, v21;
	v21 =	vmul.f32 v57, v38;
	v54 =	vld [tilespmem:s24+$0xB0]  }
0x1ca: {  	s23 =	sadd.s32 $0x161F0, s23;
	v53 =	vadd.f32 v19, v20;
	v20 =	vand.u32 $0x3F, v47;
	v57 =	vld [tilespmem:s24+$0xD0]  }
0x1cb: {  	v47 =	vadd.f32 v21, v18;
	v18 =	vmul.f32 v59, v38;
	v59 =	vld [tilespmem:s24+$0xE0];
	[tilespmem:s18], [sflag:$0x1] =	stream.indirect.gather [hbm4b:s6+s17], $0x200, s23, s17, $0xb8;
	v1 =	vmul.f32 v1, v38  }
0x1cc: {  	_ =	swait.ge [sflag:s0], $0x4000  }
0x1cd: {  	v19 =	vmul.f32 v58, v38;
	v32 =	vadd.f32 v1, v14;
	v1 =	vld [tilespmem:$0x1FFB0];
	_ =	sdelay $0x1  }
0x1ce: {  	v56 =	vadd.f32 v19, v16;
	v16 =	vmul.f32 v60, v38  }
0x1cf: {  	v58 =	vadd.f32 v18, v17;
	v17 =	vmul.f32 v61, v38  }
0x1d0: {  	v60 =	vadd.f32 v16, v15  }
0x1d1: {  	v15 =	vmul.f32 v63, v38;
	v61 =	vadd.f32 v17, v10;
	v10 =	vmul.f32 v1, v38;
	v1 =	vld [tilespmem:$0x1FFC0];
	_ =	sdelay $0x1  }
0x1d2: {  	v63 =	vadd.f32 v15, v6;
	v6 =	vld [tilespmem:$0x1FFA0]  }
0x1d3: {  	v18 =	vmul.f32 v62, v38;
	_ =	sdelay $0x1  }
0x1d4: {  	v62 =	vadd.f32 v18, v11;
	v11 =	vmul.f32 v1, v38;
	v1 =	vld [tilespmem:$0x1FFD0]  }
0x1d5: {  	v20 =	vor.u32 v4, v20  }
0x1d6: {  	v19 =	vbroadcast v20, $0x0;
	v6 =	vmul.f32 v6, v38  }
0x1d7: {  	v2 =	vmul.f32 v2, v38  }
0x1d8: {  	v14 =	vadd.f32 v6, v13;
	v13 =	vmul.f32 v44, v38  }
0x1d9: {  	v2 =	vadd.f32 v2, v12;
	[sflag:s0] =	ssyncset.done $0x0;
	v12 =	vmul.f32 v1, v38  }
0x1da: {  	s23 =	simm.s32 $0x16AD0;
	[sflag:s0] =	ssyncadd.s32 $0xFFFFC000;
	v1 =	vadd.f32 v11, v8;
	v11 =	vadd.f32 v13, v9;
	v9 =	vmul.f32 v40, v38  }
0x1db: {  	v17 =	vld [tilespmem:s23+$0xF0];
	v44 =	vadd.f32 v10, v5  }
0x1dc: {  	v6 =	vld.idx.msk [tilespmem:v19+s1+$0x0], $0xffff;
	v10 =	vmul.f32 v46, v38;
	v15 =	vadd.f32 v9, v37;
	v9 =	vmul.f32 v48, v38  }
0x1dd: {  	v5 =	vmul.f32 v45, v38;
	v45 =	vld [tilespmem:s23+$0xFFFFFF30]  }
0x1de: {  	v19 =	vadd.f32 v10, v36;
	v10 =	vmul.f32 v51, v38;
	v20 =	vadd.f32 v9, v33;
	v9 =	vld [tilespmem:$0x1FFE0]  }
0x1df: {  	v46 =	vld [tilespmem:s23+$0xFFFFFF40];
	v8 =	vadd.f32 v5, v23;
	v5 =	vmul.f32 v42, v38  }
0x1e0: {  	v51 =	vld [tilespmem:s23+$0xFFFFFFA0];
	v16 =	vadd.f32 v10, v31  }
0x1e1: {  	v10 =	vmul.f32 v52, v38;
	v52 =	vld [tilespmem:s23+$0xFFFFFFB0];
	v18 =	vadd.f32 v5, v35;
	v5 =	vmul.f32 v50, v38  }
0x1e2: {  	v31 =	vmul.f32 v54, v38;
	v48 =	vld [tilespmem:s23+$0xFFFFFF50]  }
0x1e3: {  	v40 =	vld [tilespmem:s23+$0xFFFFFF00];
	v13 =	vmul.f32 v22, v38;
	v9 =	vadd.f32 v5, v9;
	v5 =	vmul.f32 v49, v38  }
0x1e4: {  	v42 =	vld [tilespmem:s23+$0xFFFFFF10];
	v23 =	vadd.f32 v10, v28;
	v7 =	vadd.f32 v12, v7;
	v12 =	vmul.f32 v43, v38  }
0x1e5: {  	v22 =	vadd.f32 v13, v30;
	v49 =	vld [tilespmem:s23+$0xFFFFFF60];
	v21 =	vadd.f32 v5, v29;
	v5 =	vmul.f32 v55, v38  }
0x1e6: {  	v28 =	vld [tilespmem:s23+$0xFFFFFF80];
	v13 =	vadd.f32 v31, v27;
	v27 =	vmul.f32 v57, v38;
	v12 =	vadd.f32 v12, v34  }
0x1e7: {  	v37 =	vld [tilespmem:s23+$0xFFFFFF20];
	v31 =	vmul.f32 v48, v6;
	v10 =	vadd.f32 v5, v25;
	v5 =	vmul.f32 v59, v38  }
0x1e8: {  	s25 =	simm.s32 $0x1;
	v30 =	vld [tilespmem:s23+$0xFFFFFF70];
	v25 =	vmul.f32 v17, v6;
	v17 =	vadd.f32 v27, v26;
	v26 =	vmul.f32 v40, v6  }
0x1e9: {  	v50 =	vld [tilespmem:s23+$0xFFFFFF90];
	v27 =	vmul.f32 v42, v6;
	v38 =	vmov s25;
	v24 =	vadd.f32 v5, v24  }
0x1ea: {  	v54 =	vld [tilespmem:s23+$0xFFFFFFD0];
	v55 =	vmul.f32 v49, v6;
	v5 =	vadd.f32 v25, v39;
	v33 =	vadd.f32 v26, v41  }
0x1eb: {  	v29 =	vadd.f32 v27, v53;
	v26 =	vmul.f32 v45, v6;
	v53 =	vld [tilespmem:s23+$0xFFFFFFC0];
	v27 =	vmul.f32 v46, v6  }
0x1ec: {  	v57 =	vld [tilespmem:s23+$0xFFFFFFE0];
	v25 =	vmul.f32 v37, v6;
	v35 =	vadd.f32 v55, v61;
	v61 =	vmul.f32 v51, v6  }
0x1ed: {  	v59 =	vld [tilespmem:s23+$0xFFFFFFF0];
	v26 =	vadd.f32 v26, v56;
	v56 =	vmul.f32 v30, v6;
	v34 =	vadd.f32 v27, v58  }
0x1ee: {  	v30 =	vadd.f32 v31, v60;
	v27 =	vmul.f32 v28, v6;
	v28 =	vmul.f32 v50, v6;
	v60 =	vld [tilespmem:s23+$0x0]  }
0x1ef: {  	v37 =	vmul.f32 v52, v6;
	v39 =	vld [tilespmem:s23+$0x10];
	v25 =	vadd.f32 v25, v47;
	v36 =	vadd.f32 v61, v32  }
0x1f0: {  	v40 =	vld [tilespmem:s23+$0x20];
	v31 =	vadd.f32 v56, v62;
	v28 =	vadd.f32 v28, v2;
	v2 =	vmul.f32 v53, v6  }
0x1f1: {  	v41 =	vld [tilespmem:s23+$0x30];
	v27 =	vadd.f32 v27, v63;
	v62 =	vmul.f32 v54, v6;
	v63 =	vmul.f32 v57, v6  }
0x1f2: {  	v42 =	vld [tilespmem:s23+$0x40];
	v32 =	vadd.f32 v37, v14;
	v37 =	vadd.f32 v2, v44;
	v44 =	vmul.f32 v59, v6  }
0x1f3: {  	s24 =	simm.s32 $0x2;
	v43 =	vld [tilespmem:s23+$0x50];
	v14 =	vadd.f32 v62, v1;
	v7 =	vadd.f32 v63, v7;
	v45 =	vmul.f32 v60, v6  }
.LBB2_36:
0x1f4: {  	p0 =	sne.s32 s24, $0x1F;
	v1 =	vadd.s32 $0x20, v38;
	v11 =	vadd.f32 v44, v11;
	v2 =	vmul.f32 v39, v6;
	v38 =	vld [tilespmem:s23+$0x60]  }
0x1f5: {  	v1 =	vand.u32 $0x3F, v1;
	v8 =	vadd.f32 v45, v8;
	v39 =	vmul.f32 v40, v6;
	v40 =	vld [tilespmem:s23+$0x70]  }
0x1f6: {  	v1 =	vor.u32 v4, v1;
	v15 =	vadd.f32 v2, v15;
	v2 =	vmul.f32 v41, v6;
	v41 =	vld [tilespmem:s23+$0x80]  }
0x1f7: {  	v1 =	vbroadcast v1, $0x0;
	v18 =	vadd.f32 v39, v18;
	v39 =	vmul.f32 v42, v6;
	v42 =	vld [tilespmem:s23+$0x90]  }
0x1f8: {  	v19 =	vadd.f32 v2, v19;
	v2 =	vmul.f32 v43, v6;
	v43 =	vld [tilespmem:s23+$0xA0]  }
0x1f9: {  	v20 =	vadd.f32 v39, v20;
	v38 =	vmul.f32 v38, v6;
	v39 =	vld [tilespmem:s23+$0xB0]  }
0x1fa: {  	v12 =	vadd.f32 v2, v12;
	v2 =	vmul.f32 v40, v6;
	v40 =	vld [tilespmem:s23+$0xC0]  }
0x1fb: {  	v9 =	vadd.f32 v38, v9;
	v38 =	vmul.f32 v41, v6;
	v41 =	vld [tilespmem:s23+$0xD0]  }
0x1fc: {  	v16 =	vadd.f32 v2, v16;
	v2 =	vmul.f32 v42, v6;
	v42 =	vld [tilespmem:s23+$0xE0]  }
0x1fd: {  	s23 =	sadd.s32 $0x200, s23;
	v1 =	vld.idx.msk [tilespmem:v1+s1+$0x0], $0xffff;
	v21 =	vadd.f32 v38, v21;
	v38 =	vmul.f32 v43, v6  }
0x1fe: {  	v43 =	vld [tilespmem:s23+$0xF0];
	v22 =	vadd.f32 v2, v22;
	v2 =	vmul.f32 v39, v6  }
0x1ff: {  	v39 =	vld [tilespmem:s23+$0xFFFFFF00];
	v23 =	vadd.f32 v38, v23;
	v38 =	vmul.f32 v40, v6  }
0x200: {  	v40 =	vld [tilespmem:s23+$0xFFFFFF10];
	v13 =	vadd.f32 v2, v13;
	v2 =	vmul.f32 v41, v6  }
0x201: {  	v41 =	vld [tilespmem:s23+$0xFFFFFF20];
	v10 =	vadd.f32 v38, v10;
	v44 =	vmul.f32 v42, v6  }
0x202: {  	v38 =	vld [tilespmem:s23+$0xFFFFFF30];
	v17 =	vadd.f32 v2, v17  }
0x203: {  	v6 =	vmov v1;
	v2 =	vld [tilespmem:s23+$0xFFFFFF40];
	v42 =	vmul.f32 v43, v1;
	v24 =	vadd.f32 v44, v24  }
0x204: {  	v1 =	vmul.f32 v39, v6;
	v39 =	vld [tilespmem:s23+$0xFFFFFF50]  }
0x205: {  	v40 =	vmul.f32 v40, v6;
	v43 =	vld [tilespmem:s23+$0xFFFFFF60];
	v5 =	vadd.f32 v42, v5  }
0x206: {  	v33 =	vadd.f32 v1, v33;
	v1 =	vmul.f32 v41, v6;
	v41 =	vld [tilespmem:s23+$0xFFFFFF70]  }
0x207: {  	v29 =	vadd.f32 v40, v29;
	v38 =	vmul.f32 v38, v6;
	v40 =	vld [tilespmem:s23+$0xFFFFFF80]  }
0x208: {  	v25 =	vadd.f32 v1, v25;
	v1 =	vmul.f32 v2, v6;
	v2 =	vld [tilespmem:s23+$0xFFFFFF90]  }
0x209: {  	v26 =	vadd.f32 v38, v26;
	v38 =	vmul.f32 v39, v6;
	v39 =	vld [tilespmem:s23+$0xFFFFFFA0]  }
0x20a: {  	v34 =	vadd.f32 v1, v34;
	v1 =	vmul.f32 v43, v6;
	v42 =	vld [tilespmem:s23+$0xFFFFFFB0]  }
0x20b: {  	v30 =	vadd.f32 v38, v30;
	v38 =	vmul.f32 v41, v6;
	v41 =	vld [tilespmem:s23+$0xFFFFFFC0]  }
0x20c: {  	v35 =	vadd.f32 v1, v35;
	v1 =	vmul.f32 v40, v6;
	v40 =	vld [tilespmem:s23+$0xFFFFFFD0]  }
0x20d: {  	v31 =	vadd.f32 v38, v31;
	v2 =	vmul.f32 v2, v6;
	v38 =	vld [tilespmem:s23+$0xFFFFFFE0]  }
0x20e: {  	v27 =	vadd.f32 v1, v27;
	v1 =	vmul.f32 v39, v6;
	v43 =	vld [tilespmem:s23+$0xFFFFFFF0]  }
0x20f: {  	v28 =	vadd.f32 v2, v28;
	v2 =	vmul.f32 v42, v6;
	v45 =	vld [tilespmem:s23+$0x0]  }
.Ltmp17:
0x210: {  	v36 =	vadd.f32 v1, v36;
	v1 =	vmul.f32 v41, v6;
	v39 =	vld [tilespmem:s23+$0x10];
	(pc) =	sbr.rel @p0 .LBB2_36-.Ltmp17, $4  }
0x211: {  	v32 =	vadd.f32 v2, v32;
	v2 =	vmul.f32 v40, v6;
	v40 =	vld [tilespmem:s23+$0x20]  }
0x212: {  	v37 =	vadd.f32 v1, v37;
	v1 =	vmul.f32 v38, v6;
	v41 =	vld [tilespmem:s23+$0x30]  }
0x213: {  	v14 =	vadd.f32 v2, v14;
	v44 =	vmul.f32 v43, v6;
	v42 =	vld [tilespmem:s23+$0x40]  }
0x214: {  	v38 =	vmov s24;
	s24 =	sadd.s32 $0x1, s24;
	v7 =	vadd.f32 v1, v7;
	v45 =	vmul.f32 v45, v6;
	v43 =	vld [tilespmem:s23+$0x50]  }
0x215: {  	v2 =	vld [tilespmem:s23+$0x60]  }
0x216: {  	v46 =	vld [tilespmem:s23+$0x70]  }
0x217: {  	v47 =	vld [tilespmem:s23+$0x80]  }
0x218: {  	v48 =	vld [tilespmem:s23+$0x90]  }
0x219: {  	v49 =	vld [tilespmem:s23+$0xA0]  }
0x21a: {  	v50 =	vld [tilespmem:s23+$0xB0]  }
0x21b: {  	v51 =	vld [tilespmem:s23+$0xC0]  }
0x21c: {  	v52 =	vld [tilespmem:s23+$0xD0]  }
0x21d: {  	v53 =	vld [tilespmem:s23+$0xE0];
	s24 =	sadd.s32 $0x200, s23  }
0x21e: {  	v1 =	vadd.s32 $0x20, v38;
	v38 =	vld [tilespmem:s24+$0xF0]  }
0x21f: {  	v54 =	vld [tilespmem:s24+$0xFFFFFF10]  }
0x220: {  	v1 =	vand.u32 $0x3F, v1;
	v55 =	vld [tilespmem:s24+$0xFFFFFF20]  }
0x221: {  	v56 =	vld [tilespmem:s24+$0xFFFFFF30];
	v1 =	vor.u32 v4, v1  }
0x222: {  	v57 =	vld [tilespmem:s24+$0xFFFFFF40];
	v1 =	vbroadcast v1, $0x0  }
0x223: {  	v58 =	vld [tilespmem:s24+$0xFFFFFF50]  }
0x224: {  	v39 =	vmul.f32 v39, v6;
	v59 =	vld [tilespmem:s24+$0xFFFFFF60]  }
0x225: {  	v63 =	vmul.f32 v40, v6;
	v40 =	vmul.f32 v41, v6;
	v41 =	vld [tilespmem:s24+$0xFFFFFF70]  }
0x226: {  	v44 =	vadd.f32 v44, v11;
	v39 =	vadd.f32 v39, v15;
	v15 =	vmul.f32 v42, v6;
	v42 =	vld [tilespmem:s24+$0xFFFFFF80]  }
0x227: {  	v45 =	vadd.f32 v45, v8;
	v60 =	vadd.f32 v63, v18;
	v61 =	vmul.f32 v43, v6;
	v43 =	vld [tilespmem:s24+$0xFFFFFF90]  }
0x228: {  	v40 =	vadd.f32 v40, v19;
	v2 =	vmul.f32 v2, v6;
	v8 =	vmul.f32 v46, v6;
	v4 =	vld.idx.msk [tilespmem:v1+s1+$0x0], $0xffff  }
0x229: {  	v20 =	vadd.f32 v15, v20;
	v62 =	vmul.f32 v47, v6;
	v63 =	vmul.f32 v48, v6;
	v1 =	vld [tilespmem:s24+$0xFFFFFF00]  }
0x22a: {  	v46 =	vld [tilespmem:s24+$0xFFFFFFA0];
	v50 =	vmul.f32 v50, v6;
	v19 =	vadd.f32 v2, v9;
	v2 =	vmul.f32 v49, v6  }
0x22b: {  	v47 =	vld [tilespmem:s24+$0xFFFFFFB0];
	v52 =	vmul.f32 v52, v6;
	v61 =	vadd.f32 v61, v12;
	v18 =	vadd.f32 v8, v16  }
0x22c: {  	v48 =	vld [tilespmem:s24+$0xFFFFFFC0];
	v16 =	vadd.f32 v62, v21;
	v12 =	vadd.f32 v2, v23;
	v2 =	vmul.f32 v51, v6  }
0x22d: {  	v53 =	vmul.f32 v53, v6;
	v15 =	vadd.f32 v63, v22;
	v21 =	vld [tilespmem:s24+$0xFFFFFFD0];
	v11 =	vadd.f32 v50, v13  }
0x22e: {  	v13 =	vld [tilespmem:s24+$0xFFFFFFF0];
	v9 =	vadd.f32 v2, v10;
	v1 =	vmul.f32 v1, v4;
	v2 =	vmul.f32 v54, v4  }
0x22f: {  	v8 =	vadd.f32 v53, v24;
	v22 =	vld [tilespmem:s24+$0x10];
	v62 =	vmul.f32 v55, v4;
	v63 =	vmul.f32 v56, v4  }
0x230: {  	v23 =	vld [tilespmem:s24+$0xFFFFFFE0];
	v6 =	vadd.f32 v52, v17;
	v52 =	vmul.f32 v57, v4;
	v53 =	vmul.f32 v58, v4  }
0x231: {  	v50 =	vld [tilespmem:s24+$0x30];
	v54 =	vmul.f32 v59, v4;
	v55 =	vmul.f32 v41, v4  }
0x232: {  	v51 =	vld [tilespmem:s24+$0xC0];
	v56 =	vmul.f32 v42, v4;
	v57 =	vmul.f32 v43, v4  }
0x233: {  	v10 =	vld [tilespmem:s24+$0x0];
	v58 =	vmul.f32 v46, v4;
	v59 =	vmul.f32 v47, v4  }
0x234: {  	v41 =	vld [tilespmem:s24+$0x50];
	v21 =	vmul.f32 v21, v4;
	v1 =	vadd.f32 v1, v33;
	v2 =	vadd.f32 v2, v29  }
0x235: {  	v43 =	vld [tilespmem:s24+$0x60];
	v23 =	vmul.f32 v23, v4;
	v17 =	vadd.f32 v62, v25;
	v24 =	vadd.f32 v63, v26  }
0x236: {  	v47 =	vld [tilespmem:s24+$0x70];
	v13 =	vmul.f32 v13, v4;
	v26 =	vadd.f32 v52, v34;
	v25 =	vadd.f32 v53, v30  }
0x237: {  	v42 =	vld [tilespmem:s24+$0xA0];
	v46 =	vor.u32 $0xD0, v0;
	v30 =	vadd.f32 v54, v35;
	v29 =	vadd.f32 v55, v31  }
0x238: {  	s25 =	sshll.u32 s22, $0x9;
	v33 =	vld [tilespmem:s24+$0x20];
	v27 =	vadd.f32 v56, v27;
	v62 =	vmul.f32 v48, v4;
	v28 =	vadd.f32 v57, v28  }
0x239: {  	v34 =	vld [tilespmem:s24+$0x40];
	v31 =	vadd.f32 v58, v36;
	v63 =	vor.u32 s25, v0;
	v54 =	vor.u32 $0x10, v0  }
0x23a: {  	v36 =	vld [tilespmem:s24+$0x80];
	v32 =	vadd.f32 v59, v32;
	v55 =	vor.u32 $0x20, v0;
	v48 =	vor.u32 s25, v54  }
0x23b: {  	v14 =	vadd.f32 v21, v14;
	v21 =	vld [tilespmem:s24+$0xB0];
	v56 =	vor.u32 $0x30, v0;
	v49 =	vor.u32 s25, v55  }
0x23c: {  	v7 =	vadd.f32 v23, v7;
	v23 =	vld [tilespmem:s24+$0xD0];
	v57 =	vor.u32 $0x40, v0;
	v52 =	vor.u32 s25, v56  }
0x23d: {  	v10 =	vmul.f32 v10, v4;
	v58 =	vor.u32 $0x50, v0;
	v54 =	vld [tilespmem:s24+$0xE0];
	v53 =	vor.u32 s25, v57  }
0x23e: {  	v59 =	vor.u32 s25, v58;
	v35 =	vadd.f32 v62, v37;
	v37 =	vld [tilespmem:s24+$0x90];
	v62 =	vor.u32 $0x60, v0;
	[tilespmem:v63+s19+$0x0] =	vst.idx.msk $0xffff, v1  }
0x23f: {  	v63 =	vor.u32 $0x70, v0;
	[tilespmem:v48+s19+$0x0] =	vst.idx.msk $0xffff, v2;
	v2 =	vmul.f32 v22, v4;
	v22 =	vor.u32 s25, v62  }
0x240: {  	v55 =	vor.u32 $0x90, v0;
	v48 =	vor.u32 $0x80, v0;
	[tilespmem:v49+s19+$0x0] =	vst.idx.msk $0xffff, v17;
	v17 =	vor.u32 s25, v63  }
0x241: {  	v57 =	vor.u32 $0xA0, v0;
	v58 =	vmul.f32 v50, v4;
	[tilespmem:v52+s19+$0x0] =	vst.idx.msk $0xffff, v24;
	v52 =	vor.u32 s25, v48  }
0x242: {  	v10 =	vadd.f32 v10, v45;
	v56 =	vor.u32 s25, v55;
	v50 =	vmul.f32 v41, v4;
	[tilespmem:v53+s19+$0x0] =	vst.idx.msk $0xffff, v26  }
0x243: {  	v62 =	vor.u32 $0xB0, v0;
	v49 =	vmul.f32 v33, v4;
	[tilespmem:v59+s19+$0x0] =	vst.idx.msk $0xffff, v25;
	v59 =	vor.u32 s25, v57  }
0x244: {  	v63 =	vor.u32 s25, v62;
	v2 =	vadd.f32 v2, v39;
	v39 =	vor.u32 $0xC0, v0;
	[tilespmem:v22+s19+$0x0] =	vst.idx.msk $0xffff, v30  }
0x245: {  	v1 =	vadd.f32 v13, v44;
	v44 =	vmul.f32 v34, v4;
	v45 =	vor.u32 s25, v39;
	[tilespmem:v17+s19+$0x0] =	vst.idx.msk $0xffff, v29  }
0x246: {  	v48 =	vor.u32 s25, v46;
	v22 =	vadd.f32 v49, v60;
	v49 =	vor.u32 $0xE0, v0;
	[tilespmem:v52+s19+$0x0] =	vst.idx.msk $0xffff, v27  }
0x247: {  	v13 =	vadd.f32 v58, v40;
	v53 =	vor.u32 $0xF0, v0;
	v52 =	vor.u32 s25, v49;
	[tilespmem:v56+s19+$0x0] =	vst.idx.msk $0xffff, v28  }
0x248: {  	v34 =	vor.u32 $0x140, v0;
	v55 =	vor.u32 s25, v53;
	v56 =	vor.u32 $0x100, v0;
	[tilespmem:v59+s19+$0x0] =	vst.idx.msk $0xffff, v31  }
0x249: {  	v40 =	vor.u32 $0x160, v0;
	v58 =	vor.u32 s25, v56;
	v59 =	vor.u32 $0x110, v0;
	[tilespmem:v63+s19+$0x0] =	vst.idx.msk $0xffff, v32  }
0x24a: {  	v60 =	vadd.f32 v50, v61;
	v61 =	vor.u32 $0x120, v0;
	v25 =	vor.u32 s25, v59;
	[tilespmem:v45+s19+$0x0] =	vst.idx.msk $0xffff, v35  }
0x24b: {  	v62 =	vmul.f32 v47, v4;
	v63 =	vor.u32 s25, v61;
	v32 =	vor.u32 $0x130, v0;
	[tilespmem:v48+s19+$0x0] =	vst.idx.msk $0xffff, v14  }
0x24c: {  	v41 =	vmul.f32 v37, v4;
	v46 =	vmul.f32 v42, v4;
	v33 =	vor.u32 s25, v32;
	[tilespmem:v52+s19+$0x0] =	vst.idx.msk $0xffff, v7  }
0x24d: {  	v35 =	vmul.f32 v36, v4;
	v36 =	vor.u32 $0x150, v0;
	[tilespmem:v55+s19+$0x0] =	vst.idx.msk $0xffff, v1;
	v1 =	vor.u32 s25, v34  }
0x24e: {  	v18 =	vadd.f32 v62, v18;
	v15 =	vadd.f32 v41, v15;
	v39 =	vor.u32 s25, v36;
	[tilespmem:v58+s19+$0x0] =	vst.idx.msk $0xffff, v10  }
0x24f: {  	v57 =	vmul.f32 v43, v4;
	v43 =	vor.u32 $0x170, v0;
	[tilespmem:v25+s19+$0x0] =	vst.idx.msk $0xffff, v2;
	v2 =	vor.u32 s25, v40  }
0x250: {  	v17 =	vadd.f32 v44, v20;
	v44 =	vor.u32 s25, v43;
	v45 =	vor.u32 $0x180, v0;
	[tilespmem:v63+s19+$0x0] =	vst.idx.msk $0xffff, v22  }
0x251: {  	v53 =	vor.u32 $0x1B0, v0;
	v47 =	vor.u32 s25, v45;
	v48 =	vor.u32 $0x190, v0;
	[tilespmem:v33+s19+$0x0] =	vst.idx.msk $0xffff, v13  }
0x252: {  	v19 =	vadd.f32 v57, v19;
	v49 =	vor.u32 $0x1A0, v0;
	[tilespmem:v1+s19+$0x0] =	vst.idx.msk $0xffff, v17;
	v1 =	vor.u32 s25, v48  }
0x253: {  	v12 =	vadd.f32 v46, v12;
	v50 =	vmul.f32 v21, v4;
	v52 =	vor.u32 s25, v49;
	[tilespmem:v39+s19+$0x0] =	vst.idx.msk $0xffff, v60  }
0x254: {  	v16 =	vadd.f32 v35, v16;
	v55 =	vor.u32 $0x1C0, v0;
	[tilespmem:v2+s19+$0x0] =	vst.idx.msk $0xffff, v19;
	v2 =	vor.u32 s25, v53  }
0x255: {  	v57 =	vor.u32 $0x1D0, v0;
	v11 =	vadd.f32 v50, v11;
	v13 =	vor.u32 s25, v55;
	[tilespmem:v44+s19+$0x0] =	vst.idx.msk $0xffff, v18  }
0x256: {  	v56 =	vmul.f32 v51, v4;
	v59 =	vor.u32 $0x1E0, v0;
	v58 =	vor.u32 s25, v57;
	[tilespmem:v47+s19+$0x0] =	vst.idx.msk $0xffff, v16  }
0x257: {  	s22 =	sadd.s32 $0x1, s22;
	v61 =	vor.u32 $0x1F0, v0;
	v60 =	vmul.f32 v23, v4;
	[tilespmem:v1+s19+$0x0] =	vst.idx.msk $0xffff, v15;
	v1 =	vor.u32 s25, v59  }
0x258: {  	p0 =	sne.s32 s22, $0x10;
	v62 =	vmul.f32 v54, v4;
	v9 =	vadd.f32 v56, v9;
	v63 =	vor.u32 s25, v61;
	[tilespmem:v52+s19+$0x0] =	vst.idx.msk $0xffff, v12  }
.Ltmp18:
0x259: {  	v4 =	vmul.f32 v38, v4;
	v6 =	vadd.f32 v60, v6;
	[tilespmem:v2+s19+$0x0] =	vst.idx.msk $0xffff, v11;
	(pc) =	sbr.rel @p0 .LBB2_33-.Ltmp18, $4  }
0x25a: {  	v2 =	vadd.f32 v62, v8;
	[tilespmem:v13+s19+$0x0] =	vst.idx.msk $0xffff, v9  }
0x25b: {  	v4 =	vadd.f32 v4, v5;
	[tilespmem:v58+s19+$0x0] =	vst.idx.msk $0xffff, v6  }
0x25c: {  	[tilespmem:v1+s19+$0x0] =	vst.idx.msk $0xffff, v2  }
0x25d: {  	[tilespmem:v63+s19+$0x0] =	vst.idx.msk $0xffff, v4  }
0x25e: {  	s21 =	sshll.u32 s20, $0xA;
	s20 =	sadd.s32 $0x1, s20  }
0x25f: {  	p0 =	slt.u32 s20, s9  }
.Ltmp19:
0x260: {  	s21 =	sadd.s32 s8, s21;
	(pc) =	sbr.rel @p0 .LBB2_2-.Ltmp19, $4  }
0x261: {  	[hbm4b:s21+s2] =	stream.linear.scatter [tilespmem:s19], [sflag:$0x2], $0x2000, $0x38;
	[tilespmem:$0x1C9D0] =	vst v63  }
0x262: {  	_ =	swait.ge [sflag:s11], $0x2000  }
0x263: {  	[sflag:s11] =	ssyncset.done $0x0  }
0x264: {  	v1 =	vimm.f32 $-Inf;
	[sflag:s11] =	ssyncadd.s32 $0xFFFFE000  }
0x265: {  	s21 =	rddreg [dreg:$0x5]  }
0x266: {  	s20 =	rddreg [dreg:$0x4];
	s21 =	sadd.s32 $0x1, s21  }
0x267: {  	p0 =	sne.s32 s21, s20  }
.Ltmp20:
0x268: {  	_ = 	snop;
	(pc) =	sbr.rel @p0 .LBB2_1-.Ltmp20, $1  }
0x269: {  	_ =	sdelay $0x3  }
0x26a: {  	_ =	sfence.sel $0x180000  }
0x26b: {  	[bflag:$0x0] =	sbarrier.arrive $0xFFFF  }
0x26c: {  	_ =	strace $0x9000004D  }
0x26d: {  	s0 =	stileid.u32;
	[bflag:$0x2] =	sbarrier.arrive $0xFFFF  }
0x26e: {  	p0 =	sne.s32 s0, $0x0;
	s0 =	rddreg [dreg:$0x2]  }
0x26f: {  	s0 =	sadd.s32 @!p0 $0x100000, s0  }
0x270: {  	[sflag:s0] =	ssyncadd.tile.s32 @!p0 $0x1;
	_ =	shalt  }
.Lfunc_end2:
_tile_overlayer_lowered:
.L_overlay_start_2:
0x271: {  	(tag) =	ssettag $0x2  }
0x272: {  	s0 =	rddreg [dreg:$0x0];
	s2 =	stileid.u32  }
0x273: {  	s1 =	rddreg [dreg:$0x1];
	p0 =	sne.s32 s2, $0x0  }
0x274: {  	s3 =	rddreg [dreg:$0x2];
	[bflag:$0x3] =	sbarrier.arrive $0xFFFF;
	s2 =	simm.s32 @!p0 $0x1C02  }
0x275: {  	[timem:s3], [sflag:s2] =	dma.local @!p0 [hbm:s0], s1  }
0x276: {  	s0 =	simm.s32 @!p0 $0x2  }
0x277: {  	_ =	swait.ge @!p0 [sflag:s0], s1  }
0x278: {  	s1 =	ssub.s32 @!p0 $0x0, s1;
	[sflag:s0] =	ssyncset.done @!p0 $0x0  }
0x279: {  	[sflag:s0] =	ssyncadd.s32 @!p0 s1  }
0x27a: {  	[bflag:$0x3] =	sbarrier.arrive $0xFFFF  }
0x27b: {  	_ =	shalt  }

// kernel: sparse-core-data-format-call.1.cloned.1.call-start
scs
called_computation.1_lowered:
.L_overlay_start_0:
0x0: {  	s2 =	sld [smem:$0x3FD9]  }
0x1: {  	s3 =	sld [smem:$0x3FFE];
	_ =	sdelay $0x1  }
0x2: {  	s1 =	srdreg.scid  }
0x3: {  	s0 =	sand.u32 $0x1, s1  }
0x4: {  	s18 =	sshll.u32 s0, $0xA;
	s2 =	sadd.s32 s3, s2  }
0x5: {  	s2 =	sadd.s32 s2, s18  }
0x6: {  	[smem:$0x3FC4] =	sst s2  }
0x7: {  	_ = 	snop  }
0x8: {  	(tm) =	ssettm $0x1  }
0x9: {  	s19 =	sld [smem:$0x3FFB];
	_ =	sdelay $0x3  }
0xa: {  	_ =	strace s19  }
0xb: {  	s2 =	sld [smem:$0x3FFC];
	_ =	sdelay $0x3  }
0xc: {  	_ =	strace s2  }
0xd: {  	s2 =	sld [smem:$0x3FFD];
	_ =	sdelay $0x3  }
0xe: {  	_ =	strace s2  }
0xf: {  	_ =	strace $0x8FFFFFFF  }
0x10: {  	s20 =	sld [smem:$0x3FDB];
	_ =	sdelay $0x1  }
0x11: {  	s21 =	simm.s32 $_scs_section_size  }
0x12: {  	s4 =	simm.s32 $_size__tile_overlayer_lowered;
	s5 =	simm.s32 $_tile_overlayer_lowered  }
0x13: {  	s6 =	simm.s32 $0x1BFF;
	s22 =	sshll.u32 s5, $0x1;
	s3 =	sadd.s32 s21, s20  }
0x14: {  	s23 =	simm.s32 $0x0;
	s4 =	sshll.u32 s4, $0x1;
	s5 =	sadd.s32 s22, s3  }
0x15: {  	[timem:s23], [sflag:s6] =	dma.local [hbm:s5], s4  }
0x16: {  	_ =	swait.ge [sflag:s6], s4  }
0x17: {  	s4 =	ssub.s32 $0x0, s4;
	[sflag:s6] =	ssyncset.done $0x0  }
0x18: {  	[sflag:s6] =	ssyncadd.s32 s4;
	_ =	sdelay $0x1  }
0x19: {  	s24 =	simm.s32 $0x1B8B  }
0x1a: {  	_ =	swait.ge [sflag:s24], $0x1  }
0x1b: {  	[sflag:s24] =	ssyncset.done $0x0  }
0x1c: {  	[sflag:s24] =	ssyncadd.s32 $0xFFFFFFFF  }
0x1d: {  	s4 =	sld [smem:$0x0]  }
0x1e: {  	s5 =	sand.u32 $0xFFFFFFFE, s1  }
0x1f: {  	p0 =	sne.s32 s1, s5  }
0x20: {  	s5 =	sshll.u32 @p0 s5, $0xE  }
0x21: {  	s5 =	sadd.s32 @p0 $0x11B8D, s5;
	s6 =	sshll.u32 @p0 s4, $0x11  }
0x22: {  	s5 =	sor.u32 @p0 s6, s5  }
0x23: {  	[sflag:s5] =	ssyncadd.remote.s32 @p0 $0x1;
	_ =	sdelay $0x1  }
0x24: {  	s5 =	simm.s32 @p0 $0x1B8D  }
0x25: {  	_ =	swait.eq @p0 [sflag:s5], $0x1  }
0x26: {  	[sflag:s5] =	ssyncadd.s32 @p0 $0xFFFFFFFF  }
0x27: {  	s6 =	sshll.u32 @!p0 s1, $0xE  }
0x28: {  	s6 =	sor.u32 @!p0 $0x4000, s6;
	s5 =	simm.s32 @!p0 $0x1B8D  }
0x29: {  	s4 =	sshll.u32 @!p0 s4, $0x11;
	s6 =	sadd.s32 @!p0 $0x11B8D, s6;
	_ =	swait.eq @!p0 [sflag:s5], $0x1  }
0x2a: {  	s4 =	sor.u32 @!p0 s4, s6;
	[sflag:s5] =	ssyncadd.s32 @!p0 $0xFFFFFFFF  }
0x2b: {  	s26 =	simm.s32 $0x1B8E;
	s25 =	sld [smem:$0x3FFE];
	[sflag:s4] =	ssyncadd.remote.s32 @!p0 $0x1  }
0x2c: {  	s27 =	simm.s32 $execute0_lowered;
	[smem:$0x3FD2] =	sst s26  }
0x2d: {  	s5 =	sshll.u32 s27, $0x1;
	_ =	strace $0x80000049;
	[dreg:$0x1] =	wrdreg $0xFFFFFFFF  }
0x2e: {  	s28 =	simm.s32 $_size_execute0_lowered;
	s3 =	sadd.s32 s3, s5;
	[dreg:$0x0] =	wrdreg $0x0  }
0x2f: {  	s5 =	sshll.u32 s28, $0x1;
	[dreg:$0x2] =	wrdreg s3  }
0x30: {  	[dreg:$0x3] =	wrdreg s5  }
0x31: {  	[dreg:$0x4] =	wrdreg $0xC0  }
0x32: {  	_ =	task [dreg:s23], $0x5FFFF  }
0x33: {  	[dreg:$0x1] =	wrdreg $0xFFFFFFFF  }
0x34: {  	[dreg:$0x0] =	wrdreg $0x60  }
0x35: {  	[dreg:$0x2] =	wrdreg s25  }
0x36: {  	[dreg:$0x3] =	wrdreg $0xA  }
0x37: {  	_ =	task.clear_ibuf [dreg:s23], $0x4FFFF;
	_ =	strace $0x90000049  }
0x38: {  	s29 =	simm.s32 $0xA;
	_ =	strace $0x8000004B  }
0x39: {  	_ =	swait.ge [sflag:s29], $0x1  }
0x3a: {  	[sflag:s29] =	ssyncadd.s32 $0xFFFFFFFF  }
0x3b: {  	_ =	strace $0x9000004B  }
0x3c: {  	_ =	sfence  }
0x3d: {  	s30 =	sld [smem:$0x0];
	_ =	sdelay $0x2  }
0x3e: {  	s31 =	sshll.u32 s1, $0xD;
	s1 =	sshrl.u32 s1, $0x2  }
0x3f: {  	s4 =	sand.u32 $0x4000, s31;
	s1 =	sadd.s32 s1, s30  }
0x40: {  	s0 =	sor.u32 s4, s0;
	s1 =	sshll.u32 s1, $0x11  }
0x41: {  	s0 =	sor.u32 s1, s0  }
0x42: {  	s0 =	sadd.s32 $0x8F2B, s0  }
0x43: {  	[sflag:s0] =	ssyncadd.remote.s32 $0x1  }
0x44: {  	_ =	sfence.sel $0xFFFF  }
0x45: {  	[dreg:$0x0] =	wrdreg $0xFFFFFFFF;
	(pc) =	sbr.abs _section_cstart, $3  }
0x46: {  	[dreg:$0x1] =	wrdreg $0xFFFFFFFF  }
0x47: {  	_ =	task.clear_ibuf [dreg:s23], $0x2FFFF;
	_ =	strace $0x9FFFFFFF  }
0x48: {  	(tm) =	ssettm $0x7FFFFFFF  }
0x49: {  	_ =	shalt  }
tec
execute0_lowered:
.L_overlay_start_1:
0x0: {  	(tag) =	ssettag $0x1  }
0x1: {  	s1 =	rddreg [dreg:$0x0]  }
0x2: {  	s0 =	rddreg [dreg:$0x1]  }
0x3: {  	_ =	strace $0x8000004A;
	s4 =	srdreg.scid;
	s6 =	simm.s32 $0x2  }
0x4: {  	s11 =	simm.s32 $0x0;
	p0 =	por $0x0, $0x0;
	s7 =	simm.s32 $0x18800  }
.Ltmp0:
0x5: {  	s12 =	simm.s32 $0x0;
	s9 =	simm.s32 $0x0;
	(pc) =	sbr.rel .LBB1_1-.Ltmp0, $4  }
0x6: {  	s2 =	sadd.s32 $0x61B800, s1;
	s3 =	sadd.s32 $0x12BD800, s1;
	s5 =	sshll.u32 s4, $0x4  }
0x7: {  	s1 =	stileid.u32;
	s4 =	simm.s32 $0x1;
	s5 =	sand.u32 $0x10, s5  }
0x8: {  	s8 =	simm.s32 $0x0;
	[sflag:s4] =	ssyncpa.u1 $0x0;
	s5 =	sor.u32 s1, s5  }
0x9: {  	[sflag:s6] =	ssyncpa.u1 $0x0;
	s6 =	simm.s32 $0x800;
	s10 =	smov.u32 s5  }
.LBB1_7:
0xa: {  	s13 =	sadd.s32 $0x10, s9  }
0xb: {  	s11 =	sadd.s32 $0x20, s10;
	s15 =	smov.u32 s10;
	p2 =	sgt.s32 s13, $0x30F  }
0xc: {  	p1 =	slt.u32 s8, $0x2;
	s15 =	smov.u32 @p2 s11  }
0xd: {  	s8 =	sadd.s32 $0x1, s8;
	s13 =	simm.s32 @p2 $0x0;
	p2 =	sgt.s32 s15, $0x7F  }
0xe: {  	s15 =	smov.u32 @p2 s5;
	p2 =	sne.s32 s8, $0xC6  }
.Ltmp1:
0xf: {  	_ = 	snop;
	(pc) =	sbr.rel @!p2 .LBB1_8-.Ltmp1, $4  }
0x10: {  	s14 =	simm.s32 @!p1 $0x2  }
0x11: {  	s12 =	smov.u32 s10;
	_ =	swait.ge @!p1 [sflag:s14], $0x4000  }
0x12: {  	p0 =	por !p0, !p0;
	s11 =	smov.u32 s9;
	[sflag:s14] =	ssyncset.done @!p1 $0x0  }
0x13: {  	s9 =	smov.u32 s13;
	[sflag:s14] =	ssyncadd.s32 @!p1 $0xFFFFC000;
	s10 =	smov.u32 s15  }
.LBB1_1:
0x14: {  	p1 =	sgt.u32 s8, $0xC3  }
0x15: {  	s13 =	smul.u32 @!p1 $0x18800, s10  }
0x16: {  	s14 =	sxor.u32 @!p1 $0xFFFFFFFF, s8  }
0x17: {  	s15 =	sshll.u32 @!p1 s9, $0x7;
	s14 =	sshll.u32 @!p1 s14, $0xE;
	s13 =	sadd.s32 @!p1 s2, s13  }
0x18: {  	s14 =	sand.u32 @!p1 $0x4000, s14;
	s13 =	sadd.s32 @!p1 s15, s13;
	s15 =	simm.s32 @!p1 $0x0  }
0x19: {  	[tilespmem:s14], [sflag:$0x1] =	stream.linear.gather @!p1 [hbm4b:s13+s15], $0x4000, $0x38;
	[tilespmem:$0x10000] =	vst v63  }
0x1a: {  	p1 =	seq.s32 s8, $0x0  }
0x1b: {  	p2 =	seq.s32 @!p1 s8, $0xC5  }
0x1c: {  	p1 =	por p1, p2  }
.Ltmp2:
0x1d: {  	_ = 	snop;
	(pc) =	sbr.rel @p1 .LBB1_7-.Ltmp2, $1  }
0x1e: {  	_ =	sdelay $0x3  }
0x1f: {  	s13 =	simm.s32 $0x1;
	_ =	swait.ge [sflag:s4], $0x4000;
	s16 =	sshll.u32 s8, $0xE  }
0x20: {  	s13 =	simm.s32 @!p0 $0x0;
	[sflag:s4] =	ssyncset.done $0x0;
	s31 =	sand.u32 $0x4000, s16  }
0x21: {  	s16 =	simm.s32 $0x0;
	s13 =	sshll.u32 s13, $0xE;
	[sflag:s4] =	ssyncadd.s32 $0xFFFFC000  }
0x22: {  	s14 =	sor.u32 $0x8040, s13;
	s15 =	sor.u32 $0x40, s13;
	s13 =	sor.u32 $0x8000, s31  }
.LBB1_3:
0x23: {  	v0 =	vmov s15;
	_ =	sdelay $0x3  }
0x24: {  	s18 =	simm.s32 $0x0  }
0x25: {  	v6 =	vld.idx.msk [tilespmem:v0+s18+$0x30 ss:$0x1], $0xffff  }
0x26: {  	v7 =	vld.idx.msk [tilespmem:v0+s18+$0xFFFFFFC0 ss:$0x1], $0xffff  }
0x27: {  	v5 =	vld.idx.msk [tilespmem:v0+s18+$0xFFFFFFD0 ss:$0x1], $0xffff  }
0x28: {  	v4 =	vld.idx.msk [tilespmem:v0+s18+$0xFFFFFFE0 ss:$0x1], $0xffff  }
0x29: {  	v3 =	vld.idx.msk [tilespmem:v0+s18+$0xFFFFFFF0 ss:$0x1], $0xffff  }
0x2a: {  	v1 =	vld.idx.msk [tilespmem:v0+s18+$0x0 ss:$0x1], $0xffff  }
0x2b: {  	v2 =	vld.idx.msk [tilespmem:v0+s18+$0x10 ss:$0x1], $0xffff;
	[tilespmem:s14+$0x30] =	vst v6  }
0x2c: {  	s17 =	simm.s32 $0x80;
	s19 =	simm.s32 $0x400;
	[tilespmem:s14+$0xFFFFFFC0] =	vst v7;
	v6 =	vld.idx.msk [tilespmem:v0+s18+$0x20 ss:$0x1], $0xffff;
	s18 =	smov.u32 s14  }
.LBB1_4:
0x2d: {  	p1 =	sne.s32 s19, $0xE00;
	v7 =	vld.idx.msk [tilespmem:v0+s17+$0x30 ss:$0x1], $0xffff;
	[tilespmem:s18+$0xFFFFFFD0] =	vst v5  }
0x2e: {  	v8 =	vld.idx.msk [tilespmem:v0+s17+$0xFFFFFFC0 ss:$0x1], $0xffff;
	[tilespmem:s18+$0xFFFFFFE0] =	vst v4  }
0x2f: {  	v5 =	vld.idx.msk [tilespmem:v0+s17+$0xFFFFFFD0 ss:$0x1], $0xffff;
	[tilespmem:s18+$0xFFFFFFF0] =	vst v3  }
.Ltmp3:
0x30: {  	v4 =	vld.idx.msk [tilespmem:v0+s17+$0xFFFFFFE0 ss:$0x1], $0xffff;
	[tilespmem:s18+$0x0] =	vst v1;
	(pc) =	sbr.rel @p1 .LBB1_4-.Ltmp3, $4  }
0x31: {  	v3 =	vld.idx.msk [tilespmem:v0+s17+$0xFFFFFFF0 ss:$0x1], $0xffff;
	[tilespmem:s18+$0x10] =	vst v2  }
0x32: {  	v1 =	vld.idx.msk [tilespmem:v0+s17+$0x0 ss:$0x1], $0xffff;
	[tilespmem:s18+$0x20] =	vst v6;
	s18 =	sadd.s32 $0x800, s18  }
0x33: {  	v2 =	vld.idx.msk [tilespmem:v0+s17+$0x10 ss:$0x1], $0xffff;
	[tilespmem:s18+$0x30] =	vst v7  }
0x34: {  	[tilespmem:s18+$0xFFFFFFC0] =	vst v8;
	v6 =	vld.idx.msk [tilespmem:v0+s17+$0x20 ss:$0x1], $0xffff;
	s17 =	sshra.s32 s19, $0x2;
	s19 =	sadd.s32 $0x200, s19  }
0x35: {  	_ =	sdelay $0x2  }
0x36: {  	[tilespmem:s18+$0xFFFFFFD0] =	vst v5  }
0x37: {  	v56 =	vld.idx.msk [tilespmem:v0+s17+$0x30 ss:$0x1], $0xffff;
	[tilespmem:s18+$0xFFFFFFE0] =	vst v4  }
0x38: {  	v57 =	vld.idx.msk [tilespmem:v0+s17+$0xFFFFFFC0 ss:$0x1], $0xffff;
	[tilespmem:s18+$0xFFFFFFF0] =	vst v3  }
0x39: {  	v58 =	vld.idx.msk [tilespmem:v0+s17+$0xFFFFFFD0 ss:$0x1], $0xffff;
	[tilespmem:s18+$0x0] =	vst v1  }
0x3a: {  	v59 =	vld.idx.msk [tilespmem:v0+s17+$0xFFFFFFE0 ss:$0x1], $0xffff;
	[tilespmem:s18+$0x10] =	vst v2  }
0x3b: {  	v60 =	vld.idx.msk [tilespmem:v0+s17+$0xFFFFFFF0 ss:$0x1], $0xffff;
	s31 =	sadd.s32 $0x800, s18;
	[tilespmem:s18+$0x20] =	vst v6  }
0x3c: {  	v61 =	vld.idx.msk [tilespmem:v0+s17+$0x0 ss:$0x1], $0xffff;
	[tilespmem:s31+$0x30] =	vst v56  }
0x3d: {  	v62 =	vld.idx.msk [tilespmem:v0+s17+$0x10 ss:$0x1], $0xffff;
	s16 =	sadd.s32 $0x1, s16;
	[tilespmem:s31+$0xFFFFFFC0] =	vst v57  }
0x3e: {  	v63 =	vld.idx.msk [tilespmem:v0+s17+$0x20 ss:$0x1], $0xffff;
	p1 =	sne.s32 s16, $0x10;
	[tilespmem:s31+$0xFFFFFFD0] =	vst v58  }
.Ltmp4:
0x3f: {  	[tilespmem:s31+$0xFFFFFFE0] =	vst v59;
	(pc) =	sbr.rel @p1 .LBB1_3-.Ltmp4, $4  }
0x40: {  	[tilespmem:s31+$0xFFFFFFF0] =	vst v60  }
0x41: {  	[tilespmem:s31+$0x0] =	vst v61  }
0x42: {  	[tilespmem:s31+$0x10] =	vst v62  }
0x43: {  	s14 =	sadd.s32 $0x80, s14;
	s15 =	sadd.s32 $0x400, s15;
	[tilespmem:s31+$0x20] =	vst v63  }
0x44: {  	s11 =	sand.u32 $0x1FFFFFF, s11  }
0x45: {  	s14 =	smulhi.u32 $0x14E5E0B, s11;
	_ =	sdelay $0x1  }
0x46: {  	s12 =	smul.u32 $0x18800, s12;
	s14 =	sshrl.u32 s14, $0x2  }
0x47: {  	s14 =	smul.u32 $0x310, s14  }
.Ltmp5:
0x48: {  	_ = 	snop;
	(pc) =	sbr.rel .LBB1_7-.Ltmp5, $4  }
0x49: {  	s11 =	ssub.s32 s11, s14  }
0x4a: {  	s12 =	sadd.s32 s3, s12;
	s11 =	sshll.u32 s11, $0x4  }
0x4b: {  	s11 =	sadd.s32 s11, s12  }
0x4c: {  	[hbm4b:s11+s6] =	stream.strided.scatter [tilespmem:s13], [sflag:$0x2], $0x4000, s7, s6, $0x38;
	[tilespmem:$0x10000] =	vst v63  }
.LBB1_8:
0x4d: {  	_ =	sfence.sel $0x180000  }
0x4e: {  	s2 =	simm.s32 $0x1;
	[bflag:$0x0] =	sbarrier.arrive $0xFFFF  }
0x4f: {  	s31 =	simm.s32 $0x2;
	[sflag:s2] =	ssyncpa.u1 $0x1  }
0x50: {  	[sflag:s31] =	ssyncpa.u1 $0x1  }
0x51: {  	p0 =	sne.s32 s1, $0x0;
	_ =	strace $0x9000004A  }
0x52: {  	s0 =	sadd.s32 @!p0 $0x100000, s0;
	[bflag:$0x2] =	sbarrier.arrive $0xFFFF  }
0x53: {  	[sflag:s0] =	ssyncadd.tile.s32 @!p0 $0x1;
	_ =	shalt  }
.Lfunc_end1:
_tile_overlayer_lowered:
.L_overlay_start_2:
0x54: {  	(tag) =	ssettag $0x2  }
0x55: {  	s0 =	rddreg [dreg:$0x0];
	s2 =	stileid.u32  }
0x56: {  	s1 =	rddreg [dreg:$0x1];
	p0 =	sne.s32 s2, $0x0  }
0x57: {  	s3 =	rddreg [dreg:$0x2];
	[bflag:$0x3] =	sbarrier.arrive $0xFFFF;
	s2 =	simm.s32 @!p0 $0x1C01  }
0x58: {  	[timem:s3], [sflag:s2] =	dma.local @!p0 [hbm:s0], s1  }
0x59: {  	s0 =	simm.s32 @!p0 $0x1  }
0x5a: {  	_ =	swait.ge @!p0 [sflag:s0], s1  }
0x5b: {  	s1 =	ssub.s32 @!p0 $0x0, s1;
	[sflag:s0] =	ssyncset.done @!p0 $0x0  }
0x5c: {  	[sflag:s0] =	ssyncadd.s32 @!p0 s1  }
0x5d: {  	[bflag:$0x3] =	sbarrier.arrive $0xFFFF  }
0x5e: {  	_ =	shalt  }

// kernel: sparse-core-data-format-call.cloned.1.call-start
scs
called_computation_lowered:
.L_overlay_start_0:
0x0: {  	s2 =	sld [smem:$0x3FD9]  }
0x1: {  	s3 =	sld [smem:$0x3FFE];
	_ =	sdelay $0x1  }
0x2: {  	s1 =	srdreg.scid  }
0x3: {  	s0 =	sand.u32 $0x1, s1  }
0x4: {  	s18 =	sshll.u32 s0, $0xA;
	s2 =	sadd.s32 s3, s2  }
0x5: {  	s2 =	sadd.s32 s2, s18  }
0x6: {  	[smem:$0x3FC4] =	sst s2  }
0x7: {  	_ = 	snop  }
0x8: {  	s2 =	sld [smem:$0x3FC8];
	(tm) =	ssettm $0x1  }
0x9: {  	s19 =	sld [smem:$0x3FFB];
	_ =	sdelay $0x3  }
0xa: {  	_ =	strace s19  }
0xb: {  	s3 =	sld [smem:$0x3FFC];
	_ =	sdelay $0x3  }
0xc: {  	_ =	strace s3  }
0xd: {  	s3 =	sld [smem:$0x3FFD];
	_ =	sdelay $0x3  }
0xe: {  	_ =	strace s3  }
0xf: {  	_ =	strace $0x8FFFFFFF  }
0x10: {  	s20 =	sld [smem:$0x3FDB];
	_ =	sdelay $0x1  }
0x11: {  	s4 =	simm.s32 $_scs_section_size  }
0x12: {  	s5 =	simm.s32 $_size__tile_overlayer_lowered;
	s6 =	simm.s32 $_tile_overlayer_lowered  }
0x13: {  	s23 =	simm.s32 $0x1BFF;
	s22 =	sshll.u32 s6, $0x1;
	s3 =	sadd.s32 s4, s20  }
0x14: {  	s7 =	simm.s32 $0x0;
	s21 =	sshll.u32 s5, $0x1;
	s5 =	sadd.s32 s22, s3  }
0x15: {  	[timem:s7], [sflag:s23] =	dma.local [hbm:s5], s21  }
0x16: {  	_ =	swait.ge [sflag:s23], s21  }
0x17: {  	s4 =	ssub.s32 $0x0, s21;
	[sflag:s23] =	ssyncset.done $0x0  }
0x18: {  	[sflag:s23] =	ssyncadd.s32 s4;
	_ =	sdelay $0x1  }
0x19: {  	s24 =	simm.s32 $0x1B8B  }
0x1a: {  	_ =	swait.ge [sflag:s24], $0x1  }
0x1b: {  	[sflag:s24] =	ssyncset.done $0x0  }
0x1c: {  	s26 =	simm.s32 $0x1B8E;
	s25 =	sld [smem:$0x3FFE];
	[sflag:s24] =	ssyncadd.s32 $0xFFFFFFFF  }
0x1d: {  	s27 =	simm.s32 $execute0_lowered;
	[smem:$0x3FD2] =	sst s26  }
0x1e: {  	s5 =	sshll.u32 s27, $0x1;
	_ =	strace $0x80000046;
	[dreg:$0x1] =	wrdreg $0xFFFFFFFF  }
0x1f: {  	s28 =	simm.s32 $_size_execute0_lowered;
	s3 =	sadd.s32 s3, s5;
	[dreg:$0x0] =	wrdreg $0x0  }
0x20: {  	s5 =	sshll.u32 s28, $0x1;
	[dreg:$0x2] =	wrdreg s3  }
0x21: {  	[dreg:$0x3] =	wrdreg s5  }
0x22: {  	[dreg:$0x4] =	wrdreg $0xC0  }
0x23: {  	_ =	task [dreg:s7], $0x5FFFF  }
0x24: {  	[dreg:$0x1] =	wrdreg $0xFFFFFFFF  }
0x25: {  	[dreg:$0x0] =	wrdreg $0x60  }
0x26: {  	[dreg:$0x2] =	wrdreg s2  }
0x27: {  	[dreg:$0x3] =	wrdreg s25  }
0x28: {  	[dreg:$0x4] =	wrdreg $0x9  }
0x29: {  	_ =	task.clear_ibuf [dreg:s7], $0x5FFFF;
	_ =	strace $0x90000046  }
0x2a: {  	s29 =	simm.s32 $0x9;
	_ =	strace $0x80000048  }
0x2b: {  	_ =	swait.ge [sflag:s29], $0x1  }
0x2c: {  	[sflag:s29] =	ssyncadd.s32 $0xFFFFFFFF  }
0x2d: {  	_ =	strace $0x90000048  }
0x2e: {  	_ =	sfence  }
0x2f: {  	s30 =	sld [smem:$0x0];
	_ =	sdelay $0x2  }
0x30: {  	s31 =	sshll.u32 s1, $0xD;
	s1 =	sshrl.u32 s1, $0x2  }
0x31: {  	s3 =	sand.u32 $0x4000, s31;
	s1 =	sadd.s32 s1, s30  }
0x32: {  	s0 =	sor.u32 s3, s0;
	s1 =	sshll.u32 s1, $0x11  }
0x33: {  	s0 =	sor.u32 s1, s0  }
0x34: {  	s0 =	sadd.s32 $0x8F2B, s0  }
0x35: {  	[sflag:s0] =	ssyncadd.remote.s32 $0x1  }
0x36: {  	_ =	sfence.sel $0xFFFF  }
0x37: {  	[dreg:$0x0] =	wrdreg $0xFFFFFFFF;
	(pc) =	sbr.abs _section_cstart, $3  }
0x38: {  	[dreg:$0x1] =	wrdreg $0xFFFFFFFF  }
0x39: {  	_ =	task.clear_ibuf [dreg:s7], $0x2FFFF;
	_ =	strace $0x9FFFFFFF  }
0x3a: {  	(tm) =	ssettm $0x7FFFFFFF  }
0x3b: {  	_ =	shalt  }
tec
execute0_lowered:
.L_overlay_start_1:
0x0: {  	(tag) =	ssettag $0x1  }
0x1: {  	s0 =	srdreg.scid  }
0x2: {  	s1 =	sshll.u32 s0, $0x4  }
0x3: {  	s2 =	rddreg [dreg:$0x0];
	s0 =	stileid.u32;
	s1 =	sand.u32 $0x10, s1  }
0x4: {  	s4 =	rddreg [dreg:$0x1];
	s7 =	simm.s32 $0x1;
	s1 =	sor.u32 s0, s1  }
0x5: {  	s8 =	simm.s32 $0x2;
	s9 =	simm.s32 $0x0;
	s3 =	sshll.u32 s1, $0x2  }
0x6: {  	s12 =	simm.s32 $0x0;
	s11 =	simm.s32 $0x0;
	s6 =	ssub.s32 $0x30D4, s3  }
.Ltmp0:
0x7: {  	s4 =	sadd.s32 $0x1000, s4;
	s5 =	sand.u32 $0x7C, s6;
	(pc) =	sbr.rel .LBB1_1-.Ltmp0, $4  }
0x8: {  	s1 =	rddreg [dreg:$0x2];
	_ =	strace $0x80000047;
	p0 =	sne.s32 s5, $0x0  }
0x9: {  	s6 =	sshrl.u32 s6, $0x7;
	s5 =	simm.s32 $0x1;
	s7 =	simm.s32 @!p0 $0x0  }
0xa: {  	s10 =	smov.u32 s3;
	[sflag:s5] =	ssyncpa.u1 $0x0;
	s6 =	sadd.s32 s7, s6  }
0xb: {  	[sflag:s8] =	ssyncpa.u1 $0x0;
	s8 =	simm.s32 $0x0;
	s7 =	sadd.s32 $0x1, s6  }
.LBB1_9:
0xc: {  	s14 =	sadd.s32 $0x80, s10  }
0xd: {  	p1 =	sgt.s32 s14, $0x30D3  }
0xe: {  	s14 =	smov.u32 @p1 s3;
	p1 =	sne.s32 s11, s7  }
.Ltmp1:
0xf: {  	p0 =	slt.u32 s11, $0x2;
	(pc) =	sbr.rel @!p1 .LBB1_10-.Ltmp1, $4  }
0x10: {  	s13 =	simm.s32 @!p0 $0x2  }
0x11: {  	s15 =	sadd.s32 $0x1, s11;
	_ =	swait.ge @!p0 [sflag:s13], $0x4000  }
0x12: {  	s12 =	smov.u32 s10;
	s9 =	sadd.s32 $0x4000, s9;
	[sflag:s13] =	ssyncset.done @!p0 $0x0  }
0x13: {  	s11 =	smov.u32 s15;
	s10 =	smov.u32 s14;
	[sflag:s13] =	ssyncadd.s32 @!p0 $0xFFFFC000  }
.LBB1_1:
0x14: {  	p0 =	sge.u32 s11, s6  }
0x15: {  	s13 =	sxor.u32 @!p0 $0xFFFFFFFF, s11  }
0x16: {  	s31 =	sadd.s32 $0xFFFFFFFF, s11;
	s14 =	sshll.u32 @!p0 s10, $0x9;
	s13 =	sshll.u32 @!p0 s13, $0xE  }
0x17: {  	s15 =	simm.s32 @!p0 $0x0;
	s14 =	sadd.s32 @!p0 s2, s14;
	s13 =	sand.u32 @!p0 $0x4000, s13  }
0x18: {  	[tilespmem:s13], [sflag:$0x1] =	stream.linear.gather @!p0 [hbm4b:s14+s15], $0x4000, $0x38;
	[tilespmem:$0x10000] =	vst v63  }
0x19: {  	p0 =	sge.u32 s31, s6  }
.Ltmp2:
0x1a: {  	_ = 	snop;
	(pc) =	sbr.rel @p0 .LBB1_9-.Ltmp2, $1  }
0x1b: {  	_ =	sdelay $0x3  }
0x1c: {  	s14 =	sand.u32 $0x4000, s9  }
0x1d: {  	_ =	swait.ge [sflag:s5], $0x4000;
	s15 =	sshll.u32 s11, $0xE;
	s16 =	simm.s32 $0x0  }
0x1e: {  	s13 =	sor.u32 $0x40, s14;
	[sflag:s5] =	ssyncset.done $0x0;
	s15 =	sand.u32 $0x4000, s15  }
0x1f: {  	s14 =	sor.u32 $0x8040, s14;
	[sflag:s5] =	ssyncadd.s32 $0xFFFFC000;
	s15 =	sor.u32 $0x8000, s15  }
.LBB1_3:
0x20: {  	s17 =	smov.u32 s14;
	s18 =	smov.u32 s13;
	s19 =	simm.s32 $0x0  }
.LBB1_4:
0x21: {  	v0 =	vmov s17;
	v2 =	vld [tilespmem:s18+$0x30]  }
0x22: {  	v4 =	vld [tilespmem:s18+$0xFFFFFFD0]  }
0x23: {  	v6 =	vld [tilespmem:s18+$0xFFFFFFE0]  }
0x24: {  	v7 =	vld [tilespmem:s18+$0xFFFFFFF0]  }
0x25: {  	s20 =	simm.s32 $0x0;
	v1 =	vld [tilespmem:s18+$0x0]  }
0x26: {  	v3 =	vld [tilespmem:s18+$0x10];
	[tilespmem:v0+s20+$0x30 ss:$0x1] =	vst.idx.msk $0xffff, v2  }
0x27: {  	v5 =	vld [tilespmem:s18+$0x20];
	[tilespmem:v0+s20+$0xFFFFFFD0 ss:$0x1] =	vst.idx.msk $0xffff, v4  }
0x28: {  	s21 =	sadd.s32 $0x80, s18;
	v2 =	vld [tilespmem:s18+$0xFFFFFFC0];
	[tilespmem:v0+s20+$0xFFFFFFE0 ss:$0x1] =	vst.idx.msk $0xffff, v6  }
0x29: {  	s22 =	simm.s32 $0x800;
	s23 =	simm.s32 $0x1000;
	v4 =	vld [tilespmem:s21+$0x30];
	[tilespmem:v0+s20+$0xFFFFFFF0 ss:$0x1] =	vst.idx.msk $0xffff, v7  }
.LBB1_5:
0x2a: {  	p0 =	sne.s32 s23, $0x3800;
	v6 =	vld [tilespmem:s21+$0xFFFFFFD0];
	[tilespmem:v0+s20+$0x0 ss:$0x1] =	vst.idx.msk $0xffff, v1  }
0x2b: {  	v7 =	vld [tilespmem:s21+$0xFFFFFFE0];
	[tilespmem:v0+s20+$0x10 ss:$0x1] =	vst.idx.msk $0xffff, v3  }
0x2c: {  	v8 =	vld [tilespmem:s21+$0xFFFFFFF0];
	[tilespmem:v0+s20+$0x20 ss:$0x1] =	vst.idx.msk $0xffff, v5  }
.Ltmp3:
0x2d: {  	v1 =	vld [tilespmem:s21+$0x0];
	[tilespmem:v0+s20+$0xFFFFFFC0 ss:$0x1] =	vst.idx.msk $0xffff, v2;
	s20 =	sshra.s32 s22, $0x2;
	s22 =	smov.u32 s23;
	(pc) =	sbr.rel @p0 .LBB1_5-.Ltmp3, $4  }
0x2e: {  	v3 =	vld [tilespmem:s21+$0x10];
	[tilespmem:v0+s20+$0x30 ss:$0x1] =	vst.idx.msk $0xffff, v4  }
0x2f: {  	[tilespmem:v0+s20+$0xFFFFFFD0 ss:$0x1] =	vst.idx.msk $0xffff, v6;
	v5 =	vld [tilespmem:s21+$0x20]  }
0x30: {  	v2 =	vld [tilespmem:s21+$0xFFFFFFC0];
	[tilespmem:v0+s20+$0xFFFFFFE0 ss:$0x1] =	vst.idx.msk $0xffff, v7;
	s21 =	sadd.s32 $0x80, s21  }
0x31: {  	s23 =	sadd.s32 $0x800, s23;
	v4 =	vld [tilespmem:s21+$0x30];
	[tilespmem:v0+s20+$0xFFFFFFF0 ss:$0x1] =	vst.idx.msk $0xffff, v8  }
0x32: {  	_ =	sdelay $0x3  }
0x33: {  	v6 =	vld [tilespmem:s21+$0xFFFFFFD0];
	[tilespmem:v0+s20+$0x0 ss:$0x1] =	vst.idx.msk $0xffff, v1  }
0x34: {  	v58 =	vld [tilespmem:s21+$0xFFFFFFE0];
	[tilespmem:v0+s20+$0x10 ss:$0x1] =	vst.idx.msk $0xffff, v3  }
0x35: {  	v59 =	vld [tilespmem:s21+$0xFFFFFFF0];
	[tilespmem:v0+s20+$0x20 ss:$0x1] =	vst.idx.msk $0xffff, v5  }
0x36: {  	s22 =	sshra.s32 s22, $0x2;
	v60 =	vld [tilespmem:s21+$0x0];
	[tilespmem:v0+s20+$0xFFFFFFC0 ss:$0x1] =	vst.idx.msk $0xffff, v2  }
0x37: {  	v61 =	vld [tilespmem:s21+$0x10];
	[tilespmem:v0+s22+$0x30 ss:$0x1] =	vst.idx.msk $0xffff, v4  }
0x38: {  	v62 =	vld [tilespmem:s21+$0x20];
	s19 =	sadd.s32 $0x1, s19;
	[tilespmem:v0+s22+$0xFFFFFFD0 ss:$0x1] =	vst.idx.msk $0xffff, v6  }
0x39: {  	v63 =	vld [tilespmem:s21+$0xFFFFFFC0];
	p0 =	sne.s32 s19, $0x4;
	[tilespmem:v0+s22+$0xFFFFFFE0 ss:$0x1] =	vst.idx.msk $0xffff, v58  }
.Ltmp4:
0x3a: {  	[tilespmem:v0+s22+$0xFFFFFFF0 ss:$0x1] =	vst.idx.msk $0xffff, v59;
	(pc) =	sbr.rel @p0 .LBB1_4-.Ltmp4, $4  }
0x3b: {  	[tilespmem:v0+s22+$0x0 ss:$0x1] =	vst.idx.msk $0xffff, v60  }
0x3c: {  	[tilespmem:v0+s22+$0x10 ss:$0x1] =	vst.idx.msk $0xffff, v61  }
0x3d: {  	[tilespmem:v0+s22+$0x20 ss:$0x1] =	vst.idx.msk $0xffff, v62  }
0x3e: {  	s18 =	sadd.s32 $0x400, s18;
	s17 =	sadd.s32 $0x80, s17;
	[tilespmem:v0+s22+$0xFFFFFFC0 ss:$0x1] =	vst.idx.msk $0xffff, v63  }
0x3f: {  	s16 =	sadd.s32 $0x1, s16  }
0x40: {  	p0 =	sne.s32 s16, $0x4  }
.Ltmp5:
0x41: {  	_ = 	snop;
	(pc) =	sbr.rel @p0 .LBB1_3-.Ltmp5, $2  }
0x42: {  	_ =	sdelay $0x2  }
0x43: {  	s13 =	sadd.s32 $0x1000, s13;
	s14 =	sadd.s32 $0x1000, s14  }
.Ltmp6:
0x44: {  	(pc) =	sbr.rel .LBB1_9-.Ltmp6, $4  }
0x45: {  	_ = 	snop  }
0x46: {  	s12 =	sshll.u32 s12, $0x9  }
0x47: {  	s12 =	sadd.s32 s4, s12  }
0x48: {  	[hbm4b:s12+s8] =	stream.linear.scatter [tilespmem:s15], [sflag:$0x2], $0x4000, $0x38;
	[tilespmem:$0x10000] =	vst v63  }
.LBB1_10:
0x49: {  	_ =	sfence.sel $0x180000  }
0x4a: {  	s2 =	simm.s32 $0x1;
	[bflag:$0x0] =	sbarrier.arrive $0xFFFF  }
0x4b: {  	s31 =	simm.s32 $0x2;
	[sflag:s2] =	ssyncpa.u1 $0x1  }
0x4c: {  	[sflag:s31] =	ssyncpa.u1 $0x1  }
0x4d: {  	p0 =	sne.s32 s0, $0x0;
	_ =	strace $0x90000047  }
0x4e: {  	s0 =	sadd.s32 @!p0 $0x100000, s1;
	[bflag:$0x2] =	sbarrier.arrive $0xFFFF  }
0x4f: {  	[sflag:s0] =	ssyncadd.tile.s32 @!p0 $0x1;
	_ =	shalt  }
.Lfunc_end1:
_tile_overlayer_lowered:
.L_overlay_start_2:
0x50: {  	(tag) =	ssettag $0x2  }
0x51: {  	s0 =	rddreg [dreg:$0x0];
	s2 =	stileid.u32  }
0x52: {  	s1 =	rddreg [dreg:$0x1];
	p0 =	sne.s32 s2, $0x0  }
0x53: {  	s3 =	rddreg [dreg:$0x2];
	[bflag:$0x3] =	sbarrier.arrive $0xFFFF;
	s2 =	simm.s32 @!p0 $0x1C01  }
0x54: {  	[timem:s3], [sflag:s2] =	dma.local @!p0 [hbm:s0], s1  }
0x55: {  	s0 =	simm.s32 @!p0 $0x1  }
0x56: {  	_ =	swait.ge @!p0 [sflag:s0], s1  }
0x57: {  	s1 =	ssub.s32 @!p0 $0x0, s1;
	[sflag:s0] =	ssyncset.done @!p0 $0x0  }
0x58: {  	[sflag:s0] =	ssyncadd.s32 @!p0 s1  }
0x59: {  	[bflag:$0x3] =	sbarrier.arrive $0xFFFF  }
0x5a: {  	_ =	shalt  }

</sc_bundles>
